<compile_context>
chip_gen: v7x
topology: tpu7x:2x2x1
jax: 0.10.2.dev20260603
libtpu: 0.0.44.dev20260713+nightly
codegen_flags: <defaults>
</compile_context>

<pallas_src>
import functools

import jax
import jax.numpy as jnp
from jax import lax
from jax.experimental import pallas as pl
from jax.experimental.pallas import tpu as pltpu
from jax.experimental.pallas import tpu_sc as plsc

N = 10000
E = 320000
D_IN = 128
D_HID = 256
D_OUT = 128
BLK = 100

NC = 2
NS = 16
NW = NC * NS
CHUNK = 128
G = 8
E_PAD = NW * CHUNK * 80
DEG_CHUNKS = E_PAD // (NW * CHUNK)
AGG_CHUNKS = E_PAD // (NS * CHUNK)
RPT = 632
NP = NS * RPT

_MESH = plsc.VectorSubcoreMesh(core_axis_name="c", subcore_axis_name="s")


def _agg_loop(g_hbm, src_hbm, dst_hbm, srow0, drow0, acc_sh,
              sidx_blk, didx_blk, rows_v, sem_i, sg, ct):
    ngroups = ct // G
    dummy = g_hbm.at[pl.ds(0, CHUNK)]
    dummy_idx = src_hbm.at[pl.ds(0, G)]
    pltpu.sync_copy(src_hbm.at[pl.ds(srow0, G)], sidx_blk.at[0])
    pltpu.sync_copy(dst_hbm.at[pl.ds(drow0, G)], didx_blk.at[0])
    pltpu.async_copy(g_hbm.at[sidx_blk.at[0, 0]], rows_v.at[0], sg[0])
    pltpu.async_copy(g_hbm.at[sidx_blk.at[0, 1]], rows_v.at[1], sg[1])

    def group(k, carry):
        s = k % 2
        not_last = k + 1 < ngroups

        @pl.when(not_last)
        def _prefetch_idx():
            pltpu.async_copy(src_hbm.at[pl.ds(srow0 + (k + 1) * G, G)],
                             sidx_blk.at[1 - s], sem_i)
            pltpu.async_copy(dst_hbm.at[pl.ds(drow0 + (k + 1) * G, G)],
                             didx_blk.at[1 - s], sem_i)

        for b in range(G):
            p = b % 2
            pltpu.make_async_copy(dummy, rows_v.at[p], sg[p]).wait()
            pltpu.sync_copy(rows_v.at[p], acc_sh.at[didx_blk.at[s, b]],
                            add=True)
            if b == G - 2:
                @pl.when(not_last)
                def _wait_idx():
                    pltpu.make_async_copy(dummy_idx, sidx_blk.at[0], sem_i).wait()
                    pltpu.make_async_copy(dummy_idx, didx_blk.at[0], sem_i).wait()
            if b < G - 2:
                pltpu.async_copy(g_hbm.at[sidx_blk.at[s, b + 2]],
                                 rows_v.at[p], sg[p])
            else:
                @pl.when(not_last)
                def _fire_next():
                    pltpu.async_copy(g_hbm.at[sidx_blk.at[1 - s, b - (G - 2)]],
                                     rows_v.at[p], sg[p])
        return carry

    lax.fori_loop(0, ngroups, group, 0)


ND = NP
RPT_D = ND // NS


@functools.partial(
    pl.kernel,
    out_type=jax.ShapeDtypeStruct((2 * ND, 128), jnp.float32),
    mesh=_MESH,
    scratch_types=[
        pltpu.VMEM((DEG_CHUNKS, CHUNK), jnp.int32),
        pltpu.VMEM((CHUNK, 128), jnp.float32),
        pltpu.VMEM_SHARED((ND, 128), jnp.float32),
        pltpu.SemaphoreType.DMA,
    ],
)
def _deg_call(dst_hbm, zeros_hbm, ones_hbm, out_hbm, didx_all, ones_v, acc_sh,
              sem):
    cid = lax.axis_index("c")
    sid = lax.axis_index("s")
    wid = sid * NC + cid
    pltpu.sync_copy(dst_hbm.at[pl.ds(wid * DEG_CHUNKS, DEG_CHUNKS)], didx_all)
    pltpu.sync_copy(zeros_hbm, acc_sh.at[pl.ds(sid * RPT_D, RPT_D)])
    pltpu.sync_copy(ones_hbm, ones_v)
    plsc.subcore_barrier()

    def group(k, carry):
        for b in range(8):
            pltpu.async_copy(ones_v, acc_sh.at[didx_all.at[k * 8 + b]], sem,
                             add=True)
        for b in range(8):
            pltpu.make_async_copy(ones_hbm, ones_v, sem).wait()
        return carry

    lax.fori_loop(0, DEG_CHUNKS // 8, group, 0)
    plsc.subcore_barrier()
    pltpu.sync_copy(acc_sh.at[pl.ds(sid * RPT_D, RPT_D)],
                    out_hbm.at[pl.ds(cid * ND + sid * RPT_D, RPT_D)])


C1 = 96
G1 = 24
A1_CHUNKS = 216
E_PAD1 = NS * C1 * A1_CHUNKS


def _agg_loop3(g_hbm, src_hbm, dst_hbm, srow0, drow0, acc_sh,
               sidx_blk, didx_blk, rows_v, sem_i, sg, ss, ct):
    ngroups = ct // G1
    dummy = g_hbm.at[pl.ds(0, C1)]
    dummy_idx = src_hbm.at[pl.ds(0, G1)]
    pltpu.sync_copy(src_hbm.at[pl.ds(srow0, G1)], sidx_blk.at[0])
    pltpu.sync_copy(dst_hbm.at[pl.ds(drow0, G1)], didx_blk.at[0])
    pltpu.async_copy(g_hbm.at[sidx_blk.at[0, 0]], rows_v.at[0], sg[0])
    pltpu.async_copy(g_hbm.at[sidx_blk.at[0, 1]], rows_v.at[1], sg[1])

    def group(k, carry):
        s = k % 2
        not_last = k + 1 < ngroups
        for b in range(G1):
            p = b % 3
            pn = (b + 2) % 3
            pltpu.make_async_copy(dummy, rows_v.at[p], sg[p]).wait()
            pltpu.async_copy(rows_v.at[p], acc_sh.at[didx_blk.at[s, b]],
                             ss[p], add=True)
            if b == 0:
                @pl.when(k > 0)
                def _wait_prev():
                    pltpu.make_async_copy(dummy, rows_v.at[pn], ss[pn]).wait()

                @pl.when(not_last)
                def _prefetch_idx():
                    pltpu.async_copy(src_hbm.at[pl.ds(srow0 + (k + 1) * G1, G1)],
                                     sidx_blk.at[1 - s], sem_i)
                    pltpu.async_copy(dst_hbm.at[pl.ds(drow0 + (k + 1) * G1, G1)],
                                     didx_blk.at[1 - s], sem_i)
            else:
                pltpu.make_async_copy(dummy, rows_v.at[pn], ss[pn]).wait()
            if b < G1 - 2:
                pltpu.async_copy(g_hbm.at[sidx_blk.at[s, b + 2]],
                                 rows_v.at[pn], sg[pn])
            elif b == G1 - 2:
                @pl.when(not_last)
                def _fire_b4():
                    pltpu.make_async_copy(dummy_idx, sidx_blk.at[0], sem_i).wait()
                    pltpu.make_async_copy(dummy_idx, didx_blk.at[0], sem_i).wait()
                    pltpu.async_copy(g_hbm.at[sidx_blk.at[1 - s, 0]],
                                     rows_v.at[pn], sg[pn])
            else:
                @pl.when(not_last)
                def _fire_b5():
                    pltpu.async_copy(g_hbm.at[sidx_blk.at[1 - s, 1]],
                                     rows_v.at[pn], sg[pn])
        return carry

    lax.fori_loop(0, ngroups, group, 0)
    pltpu.make_async_copy(dummy, rows_v.at[(ct - 1) % 3], ss[(ct - 1) % 3]).wait()


@functools.partial(
    pl.kernel,
    out_type=jax.ShapeDtypeStruct((2 * NP, 128), jnp.float32),
    mesh=_MESH,
    scratch_types=[
        pltpu.VMEM((2, G1, C1), jnp.int32),
        pltpu.VMEM((2, G1, C1), jnp.int32),
        pltpu.VMEM((3, C1, 128), jnp.float32),
        pltpu.VMEM_SHARED((NP, 128), jnp.float32),
        pltpu.SemaphoreType.DMA,
        pltpu.SemaphoreType.DMA,
        pltpu.SemaphoreType.DMA,
        pltpu.SemaphoreType.DMA,
        pltpu.SemaphoreType.DMA,
        pltpu.SemaphoreType.DMA,
        pltpu.SemaphoreType.DMA,
    ],
)
def _agg128(g_hbm, src2_hbm, dst_hbm, out_hbm, sidx_blk, didx_blk, rows_v,
            acc_sh, si, s0, s1, s2, t0, t1, t2):
    cid = lax.axis_index("c")
    sid = lax.axis_index("s")
    pltpu.sync_copy(g_hbm.at[pl.ds(cid * NP + sid * RPT, RPT)],
                    acc_sh.at[pl.ds(sid * RPT, RPT)])
    plsc.subcore_barrier()
    _agg_loop3(g_hbm, src2_hbm, dst_hbm,
               cid * (E_PAD1 // C1) + sid * A1_CHUNKS, sid * A1_CHUNKS,
               acc_sh, sidx_blk, didx_blk, rows_v, si, (s0, s1, s2),
               (t0, t1, t2), A1_CHUNKS)
    plsc.subcore_barrier()
    pltpu.sync_copy(acc_sh.at[pl.ds(sid * RPT, RPT)],
                    out_hbm.at[pl.ds(cid * NP + sid * RPT, RPT)])


EDGE_HALF = E_PAD // NC
EDGE_CHUNKS = E_PAD // (NW * CHUNK)


@functools.partial(
    pl.kernel,
    out_type=jax.ShapeDtypeStruct((2 * NP, 128), jnp.float32),
    mesh=_MESH,
    scratch_types=[
        pltpu.VMEM((2, G, CHUNK), jnp.int32),
        pltpu.VMEM((2, G, CHUNK), jnp.int32),
        pltpu.VMEM((2, CHUNK, 128), jnp.float32),
        pltpu.VMEM_SHARED((NP, 128), jnp.float32),
        pltpu.SemaphoreType.DMA,
        pltpu.SemaphoreType.DMA,
        pltpu.SemaphoreType.DMA,
    ],
)
def _agg_edge(g_hbm, gh_hbm, src_hbm, dst_hbm, out_hbm,
              sidx_blk, didx_blk, rows_v, acc_sh, si, s0, s1):
    cid = lax.axis_index("c")
    sid = lax.axis_index("s")
    row0 = cid * (EDGE_HALF // CHUNK) + sid * EDGE_CHUNKS
    pltpu.sync_copy(gh_hbm.at[pl.ds(sid * RPT, RPT)],
                    acc_sh.at[pl.ds(sid * RPT, RPT)])
    plsc.subcore_barrier()
    _agg_loop(g_hbm, src_hbm, dst_hbm, row0, row0,
              acc_sh, sidx_blk, didx_blk, rows_v, si, (s0, s1), EDGE_CHUNKS)
    plsc.subcore_barrier()
    pltpu.sync_copy(acc_sh.at[pl.ds(sid * RPT, RPT)],
                    out_hbm.at[pl.ds(cid * NP + sid * RPT, RPT)])


def _b_body(x_ref, w1_ref, b1_ref, p0_ref, p1_ref, g1_ref, dinv_ref):
    deg = (1.0 + p0_ref[0, :, :1].astype(jnp.float32)
           + p1_ref[0, :, :1].astype(jnp.float32))
    dinv = lax.rsqrt(deg)
    h = jnp.dot(x_ref[...], w1_ref[...], preferred_element_type=jnp.float32)
    g = dinv * (h + b1_ref[...])
    g1_ref[0] = g[:, :128]
    g1_ref[1] = g[:, 128:]
    dinv_ref[...] = dinv


_RB = 2000


def _b_call(x, w1, b1, degp):
    return pl.pallas_call(
        _b_body,
        grid=(N // _RB,),
        in_specs=[
            pl.BlockSpec((_RB, D_IN), lambda i: (i, 0)),
            pl.BlockSpec((D_IN, D_HID), lambda i: (0, 0)),
            pl.BlockSpec((1, D_HID), lambda i: (0, 0)),
            pl.BlockSpec((1, _RB, 128), lambda i: (0, i, 0)),
            pl.BlockSpec((1, _RB, 128), lambda i: (1, i, 0)),
        ],
        out_specs=[
            pl.BlockSpec((2, _RB, 128), lambda i: (0, i, 0)),
            pl.BlockSpec((_RB, 1), lambda i: (i, 0)),
        ],
        out_shape=[
            jax.ShapeDtypeStruct((2, NP, 128), jnp.float32),
            jax.ShapeDtypeStruct((NP, 1), jnp.float32),
        ],
    )(x, w1, b1, degp, degp)


def _d_body(agg_ref, dinv_ref, w2a_ref, w2b_ref, b2_ref, g2_ref, gh_ref):
    dinv = dinv_ref[...]
    h1a = jnp.tanh(dinv * agg_ref[0])
    h1b = jnp.tanh(dinv * agg_ref[1])
    h = jnp.dot(h1a, w2a_ref[...], preferred_element_type=jnp.float32)
    h = h + jnp.dot(h1b, w2b_ref[...], preferred_element_type=jnp.float32)
    g2 = dinv * (h + b2_ref[...])
    g2_ref[...] = g2
    gh_ref[...] = 0.5 * g2


def _d_call(agg1, dinv, w2a, w2b, b2):
    return pl.pallas_call(
        _d_body,
        grid=(N // _RB,),
        in_specs=[
            pl.BlockSpec((2, _RB, 128), lambda i: (0, i, 0)),
            pl.BlockSpec((_RB, 1), lambda i: (i, 0)),
            pl.BlockSpec((128, D_OUT), lambda i: (0, 0)),
            pl.BlockSpec((128, D_OUT), lambda i: (0, 0)),
            pl.BlockSpec((1, D_OUT), lambda i: (0, 0)),
        ],
        out_specs=[
            pl.BlockSpec((_RB, D_OUT), lambda i: (i, 0)),
            pl.BlockSpec((_RB, D_OUT), lambda i: (i, 0)),
        ],
        out_shape=[
            jax.ShapeDtypeStruct((NP, D_OUT), jnp.float32),
            jax.ShapeDtypeStruct((NP, D_OUT), jnp.float32),
        ],
    )(agg1, dinv, w2a, w2b, b2)


_NB = 10


def _f_body(agg_ref, dinv_ref, out_ref):
    dn = (((1,), (1,)), ((), ()))
    row = lax.broadcasted_iota(jnp.int32, (BLK, BLK), 0)
    col = lax.broadcasted_iota(jnp.int32, (BLK, BLK), 1)
    for t in range(_NB):
        h2 = jnp.tanh(dinv_ref[t] * (agg_ref[0, t] + agg_ref[1, t]))
        p = lax.dot_general(h2, h2, dn, preferred_element_type=jnp.float32)
        out_ref[t] = jnp.where(row == col, 0.0, p)


def _f_call(agg2, dinv):
    return pl.pallas_call(
        _f_body,
        grid=(N // BLK // _NB,),
        in_specs=[
            pl.BlockSpec((2, _NB, BLK, 128), lambda i: (0, i, 0, 0)),
            pl.BlockSpec((_NB, BLK, 1), lambda i: (i, 0, 0)),
        ],
        out_specs=pl.BlockSpec((_NB, BLK, BLK), lambda i: (i, 0, 0)),
        out_shape=jax.ShapeDtypeStruct((N // BLK, BLK, BLK), jnp.float32),
    )(agg2, dinv)


def kernel(x, edge_index, eyes, W1, b1, W2, b2):
    src = edge_index[0].astype(jnp.int32)
    dst = edge_index[1].astype(jnp.int32)
    pad = E_PAD - E
    srcp = jnp.concatenate([src, jnp.arange(pad, dtype=jnp.int32) % N])
    junk = N + (jnp.arange(pad, dtype=jnp.int32) % (NP - N))
    dstp = jnp.concatenate([dst, junk])
    src2 = jnp.concatenate([srcp, srcp + NP]).reshape(-1, CHUNK)
    srcp = srcp.reshape(-1, CHUNK)
    dstp = dstp.reshape(-1, CHUNK)

    pad1 = E_PAD1 - E
    srcp1 = jnp.concatenate([src, jnp.arange(pad1, dtype=jnp.int32) % N])
    junk1 = N + (jnp.arange(pad1, dtype=jnp.int32) % (NP - N))
    dstp1 = jnp.concatenate([dst, junk1]).reshape(-1, C1)
    src2_1 = jnp.concatenate([srcp1, srcp1 + NP]).reshape(-1, C1)

    zeros_init = jnp.zeros((RPT_D, 128), jnp.float32)
    ones_c = jnp.ones((CHUNK, 128), jnp.float32)

    degp = _deg_call(dstp, zeros_init, ones_c).reshape(2, ND, 128)
    g1, dinv = _b_call(x, W1, b1.reshape(1, -1), degp)
    agg1 = _agg128(g1.reshape(2 * NP, 128), src2_1, dstp1)
    g2, g2h = _d_call(agg1.reshape(2, NP, 128), dinv, W2[:128], W2[128:],
                      b2.reshape(1, -1))
    agg2 = _agg_edge(g2, g2h, srcp, dstp)
    out = _f_call(agg2.reshape(2, NP, 128)[:, :N].reshape(2, N // BLK, BLK, 128),
                  dinv[:N].reshape(N // BLK, BLK, 1))
    return out.reshape(N, BLK)

# --- scband reference (transcript-rebuilt; emitter-appended) ---
"""Pipeline reference for scband-decoder1-58866821759635 (READ-ONLY COPY).

The authoritative reference and input builder live on the scoring server;
editing this copy changes nothing except your own understanding.
"""

import jax, jax.numpy as jnp
import numpy as np

N = 10000
E = 320000
D_IN = 128
D_HID = 256
D_OUT = 128
BLK = 100


def setup_inputs(seed: int = 0) -> dict:
    key = jax.random.key(seed)
    k1, k2, k3, k4, k5, k6 = jax.random.split(key, 6)
    x = jax.random.normal(k1, (N, D_IN), dtype=jnp.float32)
    edge_index = jax.random.randint(k2, (2, E), 0, N, dtype=jnp.int64)
    # eyes is a tiled identity so that x * eyes extracts the per-block diagonal
    eyes = jnp.tile(jnp.eye(BLK, dtype=jnp.float32), (N // BLK, 1))
    W1 = jax.random.normal(k3, (D_IN, D_HID), dtype=jnp.float32) * (1.0 / np.sqrt(D_IN))
    b1 = jnp.zeros((D_HID,), dtype=jnp.float32)
    W2 = jax.random.normal(k4, (D_HID, D_OUT), dtype=jnp.float32) * (1.0 / np.sqrt(D_HID))
    b2 = jnp.zeros((D_OUT,), dtype=jnp.float32)
    return {"x": x, "edge_index": edge_index, "eyes": eyes, "W1": W1, "b1": b1, "W2": W2, "b2": b2}


def _gcn_layer(x, src, dst, W, b, n_nodes):
    # add self-loops
    loop = jnp.arange(n_nodes, dtype=src.dtype)
    src_full = jnp.concatenate([src, loop])
    dst_full = jnp.concatenate([dst, loop])
    # symmetric normalization D^-1/2 A D^-1/2
    deg = jnp.zeros((n_nodes,), dtype=x.dtype).at[dst_full].add(1.0)
    dinv = jnp.where(deg > 0, 1.0 / jnp.sqrt(deg), 0.0)
    norm = dinv[src_full] * dinv[dst_full]
    h = x @ W + b
    msgs = h[src_full] * norm[:, None]
    agg = jnp.zeros((n_nodes, h.shape[1]), dtype=h.dtype).at[dst_full].add(msgs)
    return jnp.tanh(agg)


def reference(x, edge_index, eyes, W1, b1, W2, b2):
    src = edge_index[0]
    dst = edge_index[1]
    h = _gcn_layer(x, src, dst, W1, b1, N)
    h = _gcn_layer(h, src, dst, W2, b2, N)
    x_ = h.reshape(N // BLK, BLK, -1)
    x_t = jnp.transpose(x_, (0, 2, 1))
    x2 = jnp.matmul(x_, x_t)
    out = x2.reshape(-1, BLK)
    diag_e = out * eyes
    out = out - diag_e
    return out

if __name__ == "__main__":
    import jax
    _d = setup_inputs()
    print(jax.jit(kernel)(*tuple(_d.values())))

</pallas_src>

<mosaic_0001>
#map = affine_map<(d0, d1) -> (0, 0)>
module attributes {stable_mosaic.version = 14 : i64} {
  func.func @_deg_call(%arg0: i32, %arg1: i32, %arg2: memref<2560x128xi32, #tpu.memory_space<hbm>>, %arg3: memref<632x128xf32, #tpu.memory_space<hbm>>, %arg4: memref<128x128xf32, #tpu.memory_space<hbm>>, %arg5: memref<20224x128xf32, #tpu.memory_space<hbm>>, %arg6: memref<80x128xi32, #tpu.memory_space<vmem>>, %arg7: memref<128x128xf32, #tpu.memory_space<vmem>>, %arg8: memref<10112x128xf32, #tpu.memory_space<vmem_shared>>, %arg9: memref<!tpu.dma_semaphore, #tpu.memory_space<semaphore_mem>>) attributes {dimension_semantics = [#tpu.dimension_semantics<core_parallel>, #tpu.dimension_semantics<subcore_parallel>], iteration_bounds = array<i64: 2, 16>, scalar_prefetch = 0 : i64, scratch_operands = 4 : i64, tpu.core_type = #tpu.core_type<sc_vector_subcore>, window_params = [{transform_indices = #map}, {transform_indices = #map}, {transform_indices = #map}, {transform_indices = #map}]} {
    %mul3A = arith.constant 2 : i32
    %mul3A_0 = arith.muli %arg1, %mul3A : i32
    %add3A = arith.addi %mul3A_0, %arg0 : i32
    %mul3A_1 = arith.constant 80 : i32
    %mul3A_2 = arith.muli %add3A, %mul3A_1 : i32
    "tpu.region"() ({
      %run_scoped3A = tpu.sem_alloc : memref<!tpu.dma_semaphore, #tpu.memory_space<semaphore_mem>>
      %dma_start3A = arith.constant 0 : i32
      %dma_start3A_18 = tpu.memref_slice %arg2[%mul3A_2, %dma_start3A] : memref<2560x128xi32, #tpu.memory_space<hbm>> -> memref<80x128xi32, #tpu.memory_space<hbm>>
      %dma_start3A_19 = arith.constant 0 : i32
      %dma_start3A_20 = tpu.memref_slice %arg2[%mul3A_2, %dma_start3A_19] : memref<2560x128xi32, #tpu.memory_space<hbm>> -> memref<80x128xi32, #tpu.memory_space<hbm>>
      tpu.enqueue_dma source(%dma_start3A_20 : memref<80x128xi32, #tpu.memory_space<hbm>>) target(%arg6 : memref<80x128xi32, #tpu.memory_space<vmem>>) target_semaphore(%run_scoped3A : memref<!tpu.dma_semaphore, #tpu.memory_space<semaphore_mem>>)
      %dma_wait3A = arith.constant 0 : i32
      %dma_wait3A_21 = tpu.memref_slice %arg2[%mul3A_2, %dma_wait3A] : memref<2560x128xi32, #tpu.memory_space<hbm>> -> memref<80x128xi32, #tpu.memory_space<hbm>>
      %dma_wait3A_22 = arith.constant 0 : i32
      %dma_wait3A_23 = tpu.memref_slice %arg2[%mul3A_2, %dma_wait3A_22] : memref<2560x128xi32, #tpu.memory_space<hbm>> -> memref<80x128xi32, #tpu.memory_space<hbm>>
      tpu.wait_dma2 semaphore(%run_scoped3A : memref<!tpu.dma_semaphore, #tpu.memory_space<semaphore_mem>>) src(%dma_wait3A_23 : memref<80x128xi32, #tpu.memory_space<hbm>>) dst(%arg6 : memref<80x128xi32, #tpu.memory_space<vmem>>)
      tpu.yield
    }) : () -> ()
    %mul3A_3 = arith.constant 632 : i32
    %mul3A_4 = arith.muli %arg1, %mul3A_3 : i32
    "tpu.region"() ({
      %run_scoped3A = tpu.sem_alloc : memref<!tpu.dma_semaphore, #tpu.memory_space<semaphore_mem>>
      %dma_start3A = arith.constant 0 : i32
      %dma_start3A_18 = tpu.memref_slice %arg8[%mul3A_4, %dma_start3A] : memref<10112x128xf32, #tpu.memory_space<vmem_shared>> -> memref<632x128xf32, #tpu.memory_space<vmem_shared>>
      tpu.enqueue_dma source(%arg3 : memref<632x128xf32, #tpu.memory_space<hbm>>) target(%dma_start3A_18 : memref<632x128xf32, #tpu.memory_space<vmem_shared>>) target_semaphore(%run_scoped3A : memref<!tpu.dma_semaphore, #tpu.memory_space<semaphore_mem>>)
      %dma_wait3A = arith.constant 0 : i32
      %dma_wait3A_19 = tpu.memref_slice %arg8[%mul3A_4, %dma_wait3A] : memref<10112x128xf32, #tpu.memory_space<vmem_shared>> -> memref<632x128xf32, #tpu.memory_space<vmem_shared>>
      tpu.wait_dma2 semaphore(%run_scoped3A : memref<!tpu.dma_semaphore, #tpu.memory_space<semaphore_mem>>) src(%arg3 : memref<632x128xf32, #tpu.memory_space<hbm>>) dst(%dma_wait3A_19 : memref<632x128xf32, #tpu.memory_space<vmem_shared>>)
      tpu.yield
    }) : () -> ()
    "tpu.region"() ({
      %run_scoped3A = tpu.sem_alloc : memref<!tpu.dma_semaphore, #tpu.memory_space<semaphore_mem>>
      tpu.enqueue_dma source(%arg4 : memref<128x128xf32, #tpu.memory_space<hbm>>) target(%arg7 : memref<128x128xf32, #tpu.memory_space<vmem>>) target_semaphore(%run_scoped3A : memref<!tpu.dma_semaphore, #tpu.memory_space<semaphore_mem>>)
      tpu.wait_dma2 semaphore(%run_scoped3A : memref<!tpu.dma_semaphore, #tpu.memory_space<semaphore_mem>>) src(%arg4 : memref<128x128xf32, #tpu.memory_space<hbm>>) dst(%arg7 : memref<128x128xf32, #tpu.memory_space<vmem>>)
      tpu.yield
    }) : () -> ()
    %barrier3A = arith.constant 0 : index
    tpu.barrier barrier_id(%barrier3A)
    %scan3A = arith.constant 0 : i32
    %scan3A_5 = arith.constant 0 : i32
    %scan3A_6 = arith.constant 10 : i32
    %scan3A_7 = arith.addi %scan3A_5, %scan3A_6 : i32
    %scan3A_8 = arith.constant 1 : i32
    scf.for %scan3A_18 = %scan3A_5 to %scan3A_7 step %scan3A_8  : i32 {
      %mul3A_19 = arith.constant 8 : i32
      %mul3A_20 = arith.muli %scan3A_18, %mul3A_19 : i32
      %add3A_21 = arith.constant 0 : i32
      %add3A_22 = arith.addi %mul3A_20, %add3A_21 : i32
      %dma_start3A = arith.constant 0 : i32
      %dma_start3A_23 = tpu.memref_slice %arg6[%add3A_22, %dma_start3A] : memref<80x128xi32, #tpu.memory_space<vmem>> -> memref<1x128xi32, #tpu.memory_space<vmem>>
      %dma_start3A_24 = tpu.memref_squeeze %dma_start3A_23 : memref<1x128xi32, #tpu.memory_space<vmem>> -> memref<128xi32, #tpu.memory_space<vmem>>
      %dma_start3A_25 = arith.constant 0 : i32
      %dma_start3A_26 = arith.constant 0 : i32
      %dma_start3A_27 = tpu.memref_slice %arg8[%dma_start3A_25, %dma_start3A_26] : memref<10112x128xf32, #tpu.memory_space<vmem_shared>> -> memref<10112x128xf32, #tpu.memory_space<vmem_shared>>
      tpu.enqueue_indirect_dma source(%arg7 : memref<128x128xf32, #tpu.memory_space<vmem>>) target(%dma_start3A_27 : memref<10112x128xf32, #tpu.memory_space<vmem_shared>>) offsets(%dma_start3A_24 : memref<128xi32, #tpu.memory_space<vmem>>) semaphore(%arg9 : memref<!tpu.dma_semaphore, #tpu.memory_space<semaphore_mem>>) {add = true}
      %mul3A_28 = arith.constant 8 : i32
      %mul3A_29 = arith.muli %scan3A_18, %mul3A_28 : i32
      %add3A_30 = arith.constant 1 : i32
      %add3A_31 = arith.addi %mul3A_29, %add3A_30 : i32
      %dma_start3A_32 = arith.constant 0 : i32
      %dma_start3A_33 = tpu.memref_slice %arg6[%add3A_31, %dma_start3A_32] : memref<80x128xi32, #tpu.memory_space<vmem>> -> memref<1x128xi32, #tpu.memory_space<vmem>>
      %dma_start3A_34 = tpu.memref_squeeze %dma_start3A_33 : memref<1x128xi32, #tpu.memory_space<vmem>> -> memref<128xi32, #tpu.memory_space<vmem>>
      %dma_start3A_35 = arith.constant 0 : i32
      %dma_start3A_36 = arith.constant 0 : i32
      %dma_start3A_37 = tpu.memref_slice %arg8[%dma_start3A_35, %dma_start3A_36] : memref<10112x128xf32, #tpu.memory_space<vmem_shared>> -> memref<10112x128xf32, #tpu.memory_space<vmem_shared>>
      tpu.enqueue_indirect_dma source(%arg7 : memref<128x128xf32, #tpu.memory_space<vmem>>) target(%dma_start3A_37 : memref<10112x128xf32, #tpu.memory_space<vmem_shared>>) offsets(%dma_start3A_34 : memref<128xi32, #tpu.memory_space<vmem>>) semaphore(%arg9 : memref<!tpu.dma_semaphore, #tpu.memory_space<semaphore_mem>>) {add = true}
      %mul3A_38 = arith.constant 8 : i32
      %mul3A_39 = arith.muli %scan3A_18, %mul3A_38 : i32
      %add3A_40 = arith.constant 2 : i32
      %add3A_41 = arith.addi %mul3A_39, %add3A_40 : i32
      %dma_start3A_42 = arith.constant 0 : i32
      %dma_start3A_43 = tpu.memref_slice %arg6[%add3A_41, %dma_start3A_42] : memref<80x128xi32, #tpu.memory_space<vmem>> -> memref<1x128xi32, #tpu.memory_space<vmem>>
      %dma_start3A_44 = tpu.memref_squeeze %dma_start3A_43 : memref<1x128xi32, #tpu.memory_space<vmem>> -> memref<128xi32, #tpu.memory_space<vmem>>
      %dma_start3A_45 = arith.constant 0 : i32
      %dma_start3A_46 = arith.constant 0 : i32
      %dma_start3A_47 = tpu.memref_slice %arg8[%dma_start3A_45, %dma_start3A_46] : memref<10112x128xf32, #tpu.memory_space<vmem_shared>> -> memref<10112x128xf32, #tpu.memory_space<vmem_shared>>
      tpu.enqueue_indirect_dma source(%arg7 : memref<128x128xf32, #tpu.memory_space<vmem>>) target(%dma_start3A_47 : memref<10112x128xf32, #tpu.memory_space<vmem_shared>>) offsets(%dma_start3A_44 : memref<128xi32, #tpu.memory_space<vmem>>) semaphore(%arg9 : memref<!tpu.dma_semaphore, #tpu.memory_space<semaphore_mem>>) {add = true}
      %mul3A_48 = arith.constant 8 : i32
      %mul3A_49 = arith.muli %scan3A_18, %mul3A_48 : i32
      %add3A_50 = arith.constant 3 : i32
      %add3A_51 = arith.addi %mul3A_49, %add3A_50 : i32
      %dma_start3A_52 = arith.constant 0 : i32
      %dma_start3A_53 = tpu.memref_slice %arg6[%add3A_51, %dma_start3A_52] : memref<80x128xi32, #tpu.memory_space<vmem>> -> memref<1x128xi32, #tpu.memory_space<vmem>>
      %dma_start3A_54 = tpu.memref_squeeze %dma_start3A_53 : memref<1x128xi32, #tpu.memory_space<vmem>> -> memref<128xi32, #tpu.memory_space<vmem>>
      %dma_start3A_55 = arith.constant 0 : i32
      %dma_start3A_56 = arith.constant 0 : i32
      %dma_start3A_57 = tpu.memref_slice %arg8[%dma_start3A_55, %dma_start3A_56] : memref<10112x128xf32, #tpu.memory_space<vmem_shared>> -> memref<10112x128xf32, #tpu.memory_space<vmem_shared>>
      tpu.enqueue_indirect_dma source(%arg7 : memref<128x128xf32, #tpu.memory_space<vmem>>) target(%dma_start3A_57 : memref<10112x128xf32, #tpu.memory_space<vmem_shared>>) offsets(%dma_start3A_54 : memref<128xi32, #tpu.memory_space<vmem>>) semaphore(%arg9 : memref<!tpu.dma_semaphore, #tpu.memory_space<semaphore_mem>>) {add = true}
      %mul3A_58 = arith.constant 8 : i32
      %mul3A_59 = arith.muli %scan3A_18, %mul3A_58 : i32
      %add3A_60 = arith.constant 4 : i32
      %add3A_61 = arith.addi %mul3A_59, %add3A_60 : i32
      %dma_start3A_62 = arith.constant 0 : i32
      %dma_start3A_63 = tpu.memref_slice %arg6[%add3A_61, %dma_start3A_62] : memref<80x128xi32, #tpu.memory_space<vmem>> -> memref<1x128xi32, #tpu.memory_space<vmem>>
      %dma_start3A_64 = tpu.memref_squeeze %dma_start3A_63 : memref<1x128xi32, #tpu.memory_space<vmem>> -> memref<128xi32, #tpu.memory_space<vmem>>
      %dma_start3A_65 = arith.constant 0 : i32
      %dma_start3A_66 = arith.constant 0 : i32
      %dma_start3A_67 = tpu.memref_slice %arg8[%dma_start3A_65, %dma_start3A_66] : memref<10112x128xf32, #tpu.memory_space<vmem_shared>> -> memref<10112x128xf32, #tpu.memory_space<vmem_shared>>
      tpu.enqueue_indirect_dma source(%arg7 : memref<128x128xf32, #tpu.memory_space<vmem>>) target(%dma_start3A_67 : memref<10112x128xf32, #tpu.memory_space<vmem_shared>>) offsets(%dma_start3A_64 : memref<128xi32, #tpu.memory_space<vmem>>) semaphore(%arg9 : memref<!tpu.dma_semaphore, #tpu.memory_space<semaphore_mem>>) {add = true}
      %mul3A_68 = arith.constant 8 : i32
      %mul3A_69 = arith.muli %scan3A_18, %mul3A_68 : i32
      %add3A_70 = arith.constant 5 : i32
      %add3A_71 = arith.addi %mul3A_69, %add3A_70 : i32
      %dma_start3A_72 = arith.constant 0 : i32
      %dma_start3A_73 = tpu.memref_slice %arg6[%add3A_71, %dma_start3A_72] : memref<80x128xi32, #tpu.memory_space<vmem>> -> memref<1x128xi32, #tpu.memory_space<vmem>>
      %dma_start3A_74 = tpu.memref_squeeze %dma_start3A_73 : memref<1x128xi32, #tpu.memory_space<vmem>> -> memref<128xi32, #tpu.memory_space<vmem>>
      %dma_start3A_75 = arith.constant 0 : i32
      %dma_start3A_76 = arith.constant 0 : i32
      %dma_start3A_77 = tpu.memref_slice %arg8[%dma_start3A_75, %dma_start3A_76] : memref<10112x128xf32, #tpu.memory_space<vmem_shared>> -> memref<10112x128xf32, #tpu.memory_space<vmem_shared>>
      tpu.enqueue_indirect_dma source(%arg7 : memref<128x128xf32, #tpu.memory_space<vmem>>) target(%dma_start3A_77 : memref<10112x128xf32, #tpu.memory_space<vmem_shared>>) offsets(%dma_start3A_74 : memref<128xi32, #tpu.memory_space<vmem>>) semaphore(%arg9 : memref<!tpu.dma_semaphore, #tpu.memory_space<semaphore_mem>>) {add = true}
      %mul3A_78 = arith.constant 8 : i32
      %mul3A_79 = arith.muli %scan3A_18, %mul3A_78 : i32
      %add3A_80 = arith.constant 6 : i32
      %add3A_81 = arith.addi %mul3A_79, %add3A_80 : i32
      %dma_start3A_82 = arith.constant 0 : i32
      %dma_start3A_83 = tpu.memref_slice %arg6[%add3A_81, %dma_start3A_82] : memref<80x128xi32, #tpu.memory_space<vmem>> -> memref<1x128xi32, #tpu.memory_space<vmem>>
      %dma_start3A_84 = tpu.memref_squeeze %dma_start3A_83 : memref<1x128xi32, #tpu.memory_space<vmem>> -> memref<128xi32, #tpu.memory_space<vmem>>
      %dma_start3A_85 = arith.constant 0 : i32
      %dma_start3A_86 = arith.constant 0 : i32
      %dma_start3A_87 = tpu.memref_slice %arg8[%dma_start3A_85, %dma_start3A_86] : memref<10112x128xf32, #tpu.memory_space<vmem_shared>> -> memref<10112x128xf32, #tpu.memory_space<vmem_shared>>
      tpu.enqueue_indirect_dma source(%arg7 : memref<128x128xf32, #tpu.memory_space<vmem>>) target(%dma_start3A_87 : memref<10112x128xf32, #tpu.memory_space<vmem_shared>>) offsets(%dma_start3A_84 : memref<128xi32, #tpu.memory_space<vmem>>) semaphore(%arg9 : memref<!tpu.dma_semaphore, #tpu.memory_space<semaphore_mem>>) {add = true}
      %mul3A_88 = arith.constant 8 : i32
      %mul3A_89 = arith.muli %scan3A_18, %mul3A_88 : i32
      %add3A_90 = arith.constant 7 : i32
      %add3A_91 = arith.addi %mul3A_89, %add3A_90 : i32
      %dma_start3A_92 = arith.constant 0 : i32
      %dma_start3A_93 = tpu.memref_slice %arg6[%add3A_91, %dma_start3A_92] : memref<80x128xi32, #tpu.memory_space<vmem>> -> memref<1x128xi32, #tpu.memory_space<vmem>>
      %dma_start3A_94 = tpu.memref_squeeze %dma_start3A_93 : memref<1x128xi32, #tpu.memory_space<vmem>> -> memref<128xi32, #tpu.memory_space<vmem>>
      %dma_start3A_95 = arith.constant 0 : i32
      %dma_start3A_96 = arith.constant 0 : i32
      %dma_start3A_97 = tpu.memref_slice %arg8[%dma_start3A_95, %dma_start3A_96] : memref<10112x128xf32, #tpu.memory_space<vmem_shared>> -> memref<10112x128xf32, #tpu.memory_space<vmem_shared>>
      tpu.enqueue_indirect_dma source(%arg7 : memref<128x128xf32, #tpu.memory_space<vmem>>) target(%dma_start3A_97 : memref<10112x128xf32, #tpu.memory_space<vmem_shared>>) offsets(%dma_start3A_94 : memref<128xi32, #tpu.memory_space<vmem>>) semaphore(%arg9 : memref<!tpu.dma_semaphore, #tpu.memory_space<semaphore_mem>>) {add = true}
      tpu.wait_dma2 semaphore(%arg9 : memref<!tpu.dma_semaphore, #tpu.memory_space<semaphore_mem>>) src(%arg4 : memref<128x128xf32, #tpu.memory_space<hbm>>) dst(%arg7 : memref<128x128xf32, #tpu.memory_space<vmem>>)
      tpu.wait_dma2 semaphore(%arg9 : memref<!tpu.dma_semaphore, #tpu.memory_space<semaphore_mem>>) src(%arg4 : memref<128x128xf32, #tpu.memory_space<hbm>>) dst(%arg7 : memref<128x128xf32, #tpu.memory_space<vmem>>)
      tpu.wait_dma2 semaphore(%arg9 : memref<!tpu.dma_semaphore, #tpu.memory_space<semaphore_mem>>) src(%arg4 : memref<128x128xf32, #tpu.memory_space<hbm>>) dst(%arg7 : memref<128x128xf32, #tpu.memory_space<vmem>>)
      tpu.wait_dma2 semaphore(%arg9 : memref<!tpu.dma_semaphore, #tpu.memory_space<semaphore_mem>>) src(%arg4 : memref<128x128xf32, #tpu.memory_space<hbm>>) dst(%arg7 : memref<128x128xf32, #tpu.memory_space<vmem>>)
      tpu.wait_dma2 semaphore(%arg9 : memref<!tpu.dma_semaphore, #tpu.memory_space<semaphore_mem>>) src(%arg4 : memref<128x128xf32, #tpu.memory_space<hbm>>) dst(%arg7 : memref<128x128xf32, #tpu.memory_space<vmem>>)
      tpu.wait_dma2 semaphore(%arg9 : memref<!tpu.dma_semaphore, #tpu.memory_space<semaphore_mem>>) src(%arg4 : memref<128x128xf32, #tpu.memory_space<hbm>>) dst(%arg7 : memref<128x128xf32, #tpu.memory_space<vmem>>)
      tpu.wait_dma2 semaphore(%arg9 : memref<!tpu.dma_semaphore, #tpu.memory_space<semaphore_mem>>) src(%arg4 : memref<128x128xf32, #tpu.memory_space<hbm>>) dst(%arg7 : memref<128x128xf32, #tpu.memory_space<vmem>>)
      tpu.wait_dma2 semaphore(%arg9 : memref<!tpu.dma_semaphore, #tpu.memory_space<semaphore_mem>>) src(%arg4 : memref<128x128xf32, #tpu.memory_space<hbm>>) dst(%arg7 : memref<128x128xf32, #tpu.memory_space<vmem>>)
    }
    %scan3A_9 = arith.constant 10 : i32
    %barrier3A_10 = arith.constant 0 : index
    tpu.barrier barrier_id(%barrier3A_10)
    %mul3A_11 = arith.constant 632 : i32
    %mul3A_12 = arith.muli %arg1, %mul3A_11 : i32
    %mul3A_13 = arith.constant 10112 : i32
    %mul3A_14 = arith.muli %arg0, %mul3A_13 : i32
    %mul3A_15 = arith.constant 632 : i32
    %mul3A_16 = arith.muli %arg1, %mul3A_15 : i32
    %add3A_17 = arith.addi %mul3A_14, %mul3A_16 : i32
    "tpu.region"() ({
      %run_scoped3A = tpu.sem_alloc : memref<!tpu.dma_semaphore, #tpu.memory_space<semaphore_mem>>
      %dma_start3A = arith.constant 0 : i32
      %dma_start3A_18 = tpu.memref_slice %arg5[%add3A_17, %dma_start3A] : memref<20224x128xf32, #tpu.memory_space<hbm>> -> memref<632x128xf32, #tpu.memory_space<hbm>>
      %dma_start3A_19 = arith.constant 0 : i32
      %dma_start3A_20 = tpu.memref_slice %arg8[%mul3A_12, %dma_start3A_19] : memref<10112x128xf32, #tpu.memory_space<vmem_shared>> -> memref<632x128xf32, #tpu.memory_space<vmem_shared>>
      tpu.enqueue_dma source(%dma_start3A_20 : memref<632x128xf32, #tpu.memory_space<vmem_shared>>) target(%dma_start3A_18 : memref<632x128xf32, #tpu.memory_space<hbm>>) target_semaphore(%run_scoped3A : memref<!tpu.dma_semaphore, #tpu.memory_space<semaphore_mem>>)
      %dma_wait3A = arith.constant 0 : i32
      %dma_wait3A_21 = tpu.memref_slice %arg5[%add3A_17, %dma_wait3A] : memref<20224x128xf32, #tpu.memory_space<hbm>> -> memref<632x128xf32, #tpu.memory_space<hbm>>
      %dma_wait3A_22 = arith.constant 0 : i32
      %dma_wait3A_23 = tpu.memref_slice %arg8[%mul3A_12, %dma_wait3A_22] : memref<10112x128xf32, #tpu.memory_space<vmem_shared>> -> memref<632x128xf32, #tpu.memory_space<vmem_shared>>
      tpu.wait_dma2 semaphore(%run_scoped3A : memref<!tpu.dma_semaphore, #tpu.memory_space<semaphore_mem>>) src(%dma_wait3A_23 : memref<632x128xf32, #tpu.memory_space<vmem_shared>>) dst(%dma_wait3A_21 : memref<632x128xf32, #tpu.memory_space<hbm>>)
      tpu.yield
    }) : () -> ()
    return
  }
}

#map = affine_map<(d0, d1) -> (0, 0)>
module attributes {stable_mosaic.version = 14 : i64} {
  func.func @_agg128(%arg0: i32, %arg1: i32, %arg2: memref<20224x128xf32, #tpu.memory_space<hbm>>, %arg3: memref<6912x96xi32, #tpu.memory_space<hbm>>, %arg4: memref<3456x96xi32, #tpu.memory_space<hbm>>, %arg5: memref<20224x128xf32, #tpu.memory_space<hbm>>, %arg6: memref<2x24x96xi32, #tpu.memory_space<vmem>>, %arg7: memref<2x24x96xi32, #tpu.memory_space<vmem>>, %arg8: memref<3x96x128xf32, #tpu.memory_space<vmem>>, %arg9: memref<10112x128xf32, #tpu.memory_space<vmem_shared>>, %arg10: memref<!tpu.dma_semaphore, #tpu.memory_space<semaphore_mem>>, %arg11: memref<!tpu.dma_semaphore, #tpu.memory_space<semaphore_mem>>, %arg12: memref<!tpu.dma_semaphore, #tpu.memory_space<semaphore_mem>>, %arg13: memref<!tpu.dma_semaphore, #tpu.memory_space<semaphore_mem>>, %arg14: memref<!tpu.dma_semaphore, #tpu.memory_space<semaphore_mem>>, %arg15: memref<!tpu.dma_semaphore, #tpu.memory_space<semaphore_mem>>, %arg16: memref<!tpu.dma_semaphore, #tpu.memory_space<semaphore_mem>>) attributes {dimension_semantics = [#tpu.dimension_semantics<core_parallel>, #tpu.dimension_semantics<subcore_parallel>], iteration_bounds = array<i64: 2, 16>, scalar_prefetch = 0 : i64, scratch_operands = 11 : i64, tpu.core_type = #tpu.core_type<sc_vector_subcore>, window_params = [{transform_indices = #map}, {transform_indices = #map}, {transform_indices = #map}, {transform_indices = #map}]} {
    %mul3A = arith.constant 10112 : i32
    %mul3A_0 = arith.muli %arg0, %mul3A : i32
    %mul3A_1 = arith.constant 632 : i32
    %mul3A_2 = arith.muli %arg1, %mul3A_1 : i32
    %add3A = arith.addi %mul3A_0, %mul3A_2 : i32
    %mul3A_3 = arith.constant 632 : i32
    %mul3A_4 = arith.muli %arg1, %mul3A_3 : i32
    "tpu.region"() ({
      %run_scoped3A_65 = tpu.sem_alloc : memref<!tpu.dma_semaphore, #tpu.memory_space<semaphore_mem>>
      %dma_start3A_66 = arith.constant 0 : i32
      %dma_start3A_67 = tpu.memref_slice %arg9[%mul3A_4, %dma_start3A_66] : memref<10112x128xf32, #tpu.memory_space<vmem_shared>> -> memref<632x128xf32, #tpu.memory_space<vmem_shared>>
      %dma_start3A_68 = arith.constant 0 : i32
      %dma_start3A_69 = tpu.memref_slice %arg2[%add3A, %dma_start3A_68] : memref<20224x128xf32, #tpu.memory_space<hbm>> -> memref<632x128xf32, #tpu.memory_space<hbm>>
      tpu.enqueue_dma source(%dma_start3A_69 : memref<632x128xf32, #tpu.memory_space<hbm>>) target(%dma_start3A_67 : memref<632x128xf32, #tpu.memory_space<vmem_shared>>) target_semaphore(%run_scoped3A_65 : memref<!tpu.dma_semaphore, #tpu.memory_space<semaphore_mem>>)
      %dma_wait3A_70 = arith.constant 0 : i32
      %dma_wait3A_71 = tpu.memref_slice %arg9[%mul3A_4, %dma_wait3A_70] : memref<10112x128xf32, #tpu.memory_space<vmem_shared>> -> memref<632x128xf32, #tpu.memory_space<vmem_shared>>
      %dma_wait3A_72 = arith.constant 0 : i32
      %dma_wait3A_73 = tpu.memref_slice %arg2[%add3A, %dma_wait3A_72] : memref<20224x128xf32, #tpu.memory_space<hbm>> -> memref<632x128xf32, #tpu.memory_space<hbm>>
      tpu.wait_dma2 semaphore(%run_scoped3A_65 : memref<!tpu.dma_semaphore, #tpu.memory_space<semaphore_mem>>) src(%dma_wait3A_73 : memref<632x128xf32, #tpu.memory_space<hbm>>) dst(%dma_wait3A_71 : memref<632x128xf32, #tpu.memory_space<vmem_shared>>)
      tpu.yield
    }) : () -> ()
    %barrier3A = arith.constant 0 : index
    tpu.barrier barrier_id(%barrier3A)
    %mul3A_5 = arith.constant 3456 : i32
    %mul3A_6 = arith.muli %arg0, %mul3A_5 : i32
    %mul3A_7 = arith.constant 216 : i32
    %mul3A_8 = arith.muli %arg1, %mul3A_7 : i32
    %add3A_9 = arith.addi %mul3A_6, %mul3A_8 : i32
    %mul3A_10 = arith.constant 216 : i32
    %mul3A_11 = arith.muli %arg1, %mul3A_10 : i32
    %run_scoped3A = arith.constant 0 : i32
    "tpu.region"() ({
      %run_scoped3A_65 = tpu.sem_alloc : memref<!tpu.dma_semaphore, #tpu.memory_space<semaphore_mem>>
      %dma_start3A_66 = arith.constant 0 : i32
      %dma_start3A_67 = arith.constant 0 : i32
      %dma_start3A_68 = tpu.memref_slice %arg6[%run_scoped3A, %dma_start3A_66, %dma_start3A_67] : memref<2x24x96xi32, #tpu.memory_space<vmem>> -> memref<1x24x96xi32, #tpu.memory_space<vmem>>
      %dma_start3A_69 = tpu.memref_squeeze %dma_start3A_68 : memref<1x24x96xi32, #tpu.memory_space<vmem>> -> memref<24x96xi32, #tpu.memory_space<vmem>>
      %dma_start3A_70 = arith.constant 0 : i32
      %dma_start3A_71 = tpu.memref_slice %arg3[%add3A_9, %dma_start3A_70] : memref<6912x96xi32, #tpu.memory_space<hbm>> -> memref<24x96xi32, #tpu.memory_space<hbm>>
      %dma_start3A_72 = arith.constant 0 : i32
      %dma_start3A_73 = arith.constant 0 : i32
      %dma_start3A_74 = tpu.memref_slice %arg6[%run_scoped3A, %dma_start3A_72, %dma_start3A_73] : memref<2x24x96xi32, #tpu.memory_space<vmem>> -> memref<1x24x96xi32, #tpu.memory_space<vmem>>
      %dma_start3A_75 = tpu.memref_squeeze %dma_start3A_74 : memref<1x24x96xi32, #tpu.memory_space<vmem>> -> memref<24x96xi32, #tpu.memory_space<vmem>>
      %dma_start3A_76 = arith.constant 0 : i32
      %dma_start3A_77 = tpu.memref_slice %arg3[%add3A_9, %dma_start3A_76] : memref<6912x96xi32, #tpu.memory_space<hbm>> -> memref<24x96xi32, #tpu.memory_space<hbm>>
      tpu.enqueue_dma source(%dma_start3A_77 : memref<24x96xi32, #tpu.memory_space<hbm>>) target(%dma_start3A_75 : memref<24x96xi32, #tpu.memory_space<vmem>>) target_semaphore(%run_scoped3A_65 : memref<!tpu.dma_semaphore, #tpu.memory_space<semaphore_mem>>)
      %dma_wait3A_78 = arith.constant 0 : i32
      %dma_wait3A_79 = arith.constant 0 : i32
      %dma_wait3A_80 = tpu.memref_slice %arg6[%run_scoped3A, %dma_wait3A_78, %dma_wait3A_79] : memref<2x24x96xi32, #tpu.memory_space<vmem>> -> memref<1x24x96xi32, #tpu.memory_space<vmem>>
      %dma_wait3A_81 = tpu.memref_squeeze %dma_wait3A_80 : memref<1x24x96xi32, #tpu.memory_space<vmem>> -> memref<24x96xi32, #tpu.memory_space<vmem>>
      %dma_wait3A_82 = arith.constant 0 : i32
      %dma_wait3A_83 = tpu.memref_slice %arg3[%add3A_9, %dma_wait3A_82] : memref<6912x96xi32, #tpu.memory_space<hbm>> -> memref<24x96xi32, #tpu.memory_space<hbm>>
      %dma_wait3A_84 = arith.constant 0 : i32
      %dma_wait3A_85 = arith.constant 0 : i32
      %dma_wait3A_86 = tpu.memref_slice %arg6[%run_scoped3A, %dma_wait3A_84, %dma_wait3A_85] : memref<2x24x96xi32, #tpu.memory_space<vmem>> -> memref<1x24x96xi32, #tpu.memory_space<vmem>>
      %dma_wait3A_87 = tpu.memref_squeeze %dma_wait3A_86 : memref<1x24x96xi32, #tpu.memory_space<vmem>> -> memref<24x96xi32, #tpu.memory_space<vmem>>
      %dma_wait3A_88 = arith.constant 0 : i32
      %dma_wait3A_89 = tpu.memref_slice %arg3[%add3A_9, %dma_wait3A_88] : memref<6912x96xi32, #tpu.memory_space<hbm>> -> memref<24x96xi32, #tpu.memory_space<hbm>>
      tpu.wait_dma2 semaphore(%run_scoped3A_65 : memref<!tpu.dma_semaphore, #tpu.memory_space<semaphore_mem>>) src(%dma_wait3A_89 : memref<24x96xi32, #tpu.memory_space<hbm>>) dst(%dma_wait3A_87 : memref<24x96xi32, #tpu.memory_space<vmem>>)
      tpu.yield
    }) : () -> ()
    %run_scoped3A_12 = arith.constant 0 : i32
    "tpu.region"() ({
      %run_scoped3A_65 = tpu.sem_alloc : memref<!tpu.dma_semaphore, #tpu.memory_space<semaphore_mem>>
      %dma_start3A_66 = arith.constant 0 : i32
      %dma_start3A_67 = arith.constant 0 : i32
      %dma_start3A_68 = tpu.memref_slice %arg7[%run_scoped3A_12, %dma_start3A_66, %dma_start3A_67] : memref<2x24x96xi32, #tpu.memory_space<vmem>> -> memref<1x24x96xi32, #tpu.memory_space<vmem>>
      %dma_start3A_69 = tpu.memref_squeeze %dma_start3A_68 : memref<1x24x96xi32, #tpu.memory_space<vmem>> -> memref<24x96xi32, #tpu.memory_space<vmem>>
      %dma_start3A_70 = arith.constant 0 : i32
      %dma_start3A_71 = tpu.memref_slice %arg4[%mul3A_11, %dma_start3A_70] : memref<3456x96xi32, #tpu.memory_space<hbm>> -> memref<24x96xi32, #tpu.memory_space<hbm>>
      %dma_start3A_72 = arith.constant 0 : i32
      %dma_start3A_73 = arith.constant 0 : i32
      %dma_start3A_74 = tpu.memref_slice %arg7[%run_scoped3A_12, %dma_start3A_72, %dma_start3A_73] : memref<2x24x96xi32, #tpu.memory_space<vmem>> -> memref<1x24x96xi32, #tpu.memory_space<vmem>>
      %dma_start3A_75 = tpu.memref_squeeze %dma_start3A_74 : memref<1x24x96xi32, #tpu.memory_space<vmem>> -> memref<24x96xi32, #tpu.memory_space<vmem>>
      %dma_start3A_76 = arith.constant 0 : i32
      %dma_start3A_77 = tpu.memref_slice %arg4[%mul3A_11, %dma_start3A_76] : memref<3456x96xi32, #tpu.memory_space<hbm>> -> memref<24x96xi32, #tpu.memory_space<hbm>>
      tpu.enqueue_dma source(%dma_start3A_77 : memref<24x96xi32, #tpu.memory_space<hbm>>) target(%dma_start3A_75 : memref<24x96xi32, #tpu.memory_space<vmem>>) target_semaphore(%run_scoped3A_65 : memref<!tpu.dma_semaphore, #tpu.memory_space<semaphore_mem>>)
      %dma_wait3A_78 = arith.constant 0 : i32
      %dma_wait3A_79 = arith.constant 0 : i32
      %dma_wait3A_80 = tpu.memref_slice %arg7[%run_scoped3A_12, %dma_wait3A_78, %dma_wait3A_79] : memref<2x24x96xi32, #tpu.memory_space<vmem>> -> memref<1x24x96xi32, #tpu.memory_space<vmem>>
      %dma_wait3A_81 = tpu.memref_squeeze %dma_wait3A_80 : memref<1x24x96xi32, #tpu.memory_space<vmem>> -> memref<24x96xi32, #tpu.memory_space<vmem>>
      %dma_wait3A_82 = arith.constant 0 : i32
      %dma_wait3A_83 = tpu.memref_slice %arg4[%mul3A_11, %dma_wait3A_82] : memref<3456x96xi32, #tpu.memory_space<hbm>> -> memref<24x96xi32, #tpu.memory_space<hbm>>
      %dma_wait3A_84 = arith.constant 0 : i32
      %dma_wait3A_85 = arith.constant 0 : i32
      %dma_wait3A_86 = tpu.memref_slice %arg7[%run_scoped3A_12, %dma_wait3A_84, %dma_wait3A_85] : memref<2x24x96xi32, #tpu.memory_space<vmem>> -> memref<1x24x96xi32, #tpu.memory_space<vmem>>
      %dma_wait3A_87 = tpu.memref_squeeze %dma_wait3A_86 : memref<1x24x96xi32, #tpu.memory_space<vmem>> -> memref<24x96xi32, #tpu.memory_space<vmem>>
      %dma_wait3A_88 = arith.constant 0 : i32
      %dma_wait3A_89 = tpu.memref_slice %arg4[%mul3A_11, %dma_wait3A_88] : memref<3456x96xi32, #tpu.memory_space<hbm>> -> memref<24x96xi32, #tpu.memory_space<hbm>>
      tpu.wait_dma2 semaphore(%run_scoped3A_65 : memref<!tpu.dma_semaphore, #tpu.memory_space<semaphore_mem>>) src(%dma_wait3A_89 : memref<24x96xi32, #tpu.memory_space<hbm>>) dst(%dma_wait3A_87 : memref<24x96xi32, #tpu.memory_space<vmem>>)
      tpu.yield
    }) : () -> ()
    %dma_start3A = arith.constant 0 : i32
    %dma_start3A_13 = arith.constant 0 : i32
    %dma_start3A_14 = arith.constant 0 : i32
    %dma_start3A_15 = arith.constant 0 : i32
    %dma_start3A_16 = arith.constant 0 : i32
    %dma_start3A_17 = tpu.memref_slice %arg8[%dma_start3A_14, %dma_start3A_15, %dma_start3A_16] : memref<3x96x128xf32, #tpu.memory_space<vmem>> -> memref<1x96x128xf32, #tpu.memory_space<vmem>>
    %dma_start3A_18 = tpu.memref_squeeze %dma_start3A_17 : memref<1x96x128xf32, #tpu.memory_space<vmem>> -> memref<96x128xf32, #tpu.memory_space<vmem>>
    %dma_start3A_19 = arith.constant 0 : i32
    %dma_start3A_20 = tpu.memref_slice %arg6[%dma_start3A, %dma_start3A_13, %dma_start3A_19] : memref<2x24x96xi32, #tpu.memory_space<vmem>> -> memref<1x1x96xi32, #tpu.memory_space<vmem>>
    %dma_start3A_21 = tpu.memref_squeeze %dma_start3A_20 : memref<1x1x96xi32, #tpu.memory_space<vmem>> -> memref<96xi32, #tpu.memory_space<vmem>>
    %dma_start3A_22 = arith.constant 0 : i32
    %dma_start3A_23 = arith.constant 0 : i32
    %dma_start3A_24 = tpu.memref_slice %arg2[%dma_start3A_22, %dma_start3A_23] : memref<20224x128xf32, #tpu.memory_space<hbm>> -> memref<20224x128xf32, #tpu.memory_space<hbm>>
    tpu.enqueue_indirect_dma source(%dma_start3A_24 : memref<20224x128xf32, #tpu.memory_space<hbm>>) target(%dma_start3A_18 : memref<96x128xf32, #tpu.memory_space<vmem>>) offsets(%dma_start3A_21 : memref<96xi32, #tpu.memory_space<vmem>>) semaphore(%arg11 : memref<!tpu.dma_semaphore, #tpu.memory_space<semaphore_mem>>)
    %dma_start3A_25 = arith.constant 0 : i32
    %dma_start3A_26 = arith.constant 1 : i32
    %dma_start3A_27 = arith.constant 1 : i32
    %dma_start3A_28 = arith.constant 0 : i32
    %dma_start3A_29 = arith.constant 0 : i32
    %dma_start3A_30 = tpu.memref_slice %arg8[%dma_start3A_27, %dma_start3A_28, %dma_start3A_29] : memref<3x96x128xf32, #tpu.memory_space<vmem>> -> memref<1x96x128xf32, #tpu.memory_space<vmem>>
    %dma_start3A_31 = tpu.memref_squeeze %dma_start3A_30 : memref<1x96x128xf32, #tpu.memory_space<vmem>> -> memref<96x128xf32, #tpu.memory_space<vmem>>
    %dma_start3A_32 = arith.constant 0 : i32
    %dma_start3A_33 = tpu.memref_slice %arg6[%dma_start3A_25, %dma_start3A_26, %dma_start3A_32] : memref<2x24x96xi32, #tpu.memory_space<vmem>> -> memref<1x1x96xi32, #tpu.memory_space<vmem>>
    %dma_start3A_34 = tpu.memref_squeeze %dma_start3A_33 : memref<1x1x96xi32, #tpu.memory_space<vmem>> -> memref<96xi32, #tpu.memory_space<vmem>>
    %dma_start3A_35 = arith.constant 0 : i32
    %dma_start3A_36 = arith.constant 0 : i32
    %dma_start3A_37 = tpu.memref_slice %arg2[%dma_start3A_35, %dma_start3A_36] : memref<20224x128xf32, #tpu.memory_space<hbm>> -> memref<20224x128xf32, #tpu.memory_space<hbm>>
    tpu.enqueue_indirect_dma source(%dma_start3A_37 : memref<20224x128xf32, #tpu.memory_space<hbm>>) target(%dma_start3A_31 : memref<96x128xf32, #tpu.memory_space<vmem>>) offsets(%dma_start3A_34 : memref<96xi32, #tpu.memory_space<vmem>>) semaphore(%arg12 : memref<!tpu.dma_semaphore, #tpu.memory_space<semaphore_mem>>)
    %scan3A = arith.constant 0 : i32
    %scan3A_38 = arith.constant 0 : i32
    %scan3A_39 = arith.constant 9 : i32
    %scan3A_40 = arith.addi %scan3A_38, %scan3A_39 : i32
    %scan3A_41 = arith.constant 1 : i32
    scf.for %scan3A_65 = %scan3A_38 to %scan3A_40 step %scan3A_41  : i32 {
      %jit3A = arith.constant 2 : i32
      %eq3A = arith.constant 0 : i32
      %eq3A_66 = arith.cmpi eq, %jit3A, %eq3A : i32
      %jit3A_67 = arith.constant 1 : i32
      %select_n3A = arith.select %eq3A_66, %jit3A_67, %jit3A : i32
      %rem3A = arith.remsi %scan3A_65, %select_n3A : i32
      %ne3A = arith.constant 0 : i32
      %ne3A_68 = arith.cmpi ne, %rem3A, %ne3A : i32
      %lt3A = arith.constant 0 : i32
      %lt3A_69 = arith.cmpi slt, %rem3A, %lt3A : i32
      %lt3A_70 = arith.constant 0 : i32
      %lt3A_71 = arith.cmpi slt, %select_n3A, %lt3A_70 : i32
      %ne3A_72 = arith.xori %lt3A_69, %lt3A_71 : i1
      %and3A = arith.andi %ne3A_72, %ne3A_68 : i1
      %add3A_73 = arith.addi %rem3A, %select_n3A : i32
      %select_n3A_74 = arith.select %and3A, %add3A_73, %rem3A : i32
      %add3A_75 = arith.constant 1 : i32
      %add3A_76 = arith.addi %scan3A_65, %add3A_75 : i32
      %lt3A_77 = arith.constant 9 : i32
      %lt3A_78 = arith.cmpi slt, %add3A_76, %lt3A_77 : i32
      %dma_wait3A_79 = arith.constant 0 : i32
      %dma_wait3A_80 = arith.constant 0 : i32
      %dma_wait3A_81 = arith.constant 0 : i32
      %dma_wait3A_82 = tpu.memref_slice %arg8[%dma_wait3A_79, %dma_wait3A_80, %dma_wait3A_81] : memref<3x96x128xf32, #tpu.memory_space<vmem>> -> memref<1x96x128xf32, #tpu.memory_space<vmem>>
      %dma_wait3A_83 = tpu.memref_squeeze %dma_wait3A_82 : memref<1x96x128xf32, #tpu.memory_space<vmem>> -> memref<96x128xf32, #tpu.memory_space<vmem>>
      %dma_wait3A_84 = arith.constant 0 : i32
      %dma_wait3A_85 = arith.constant 0 : i32
      %dma_wait3A_86 = tpu.memref_slice %arg2[%dma_wait3A_84, %dma_wait3A_85] : memref<20224x128xf32, #tpu.memory_space<hbm>> -> memref<96x128xf32, #tpu.memory_space<hbm>>
      %dma_wait3A_87 = arith.constant 0 : i32
      %dma_wait3A_88 = arith.constant 0 : i32
      %dma_wait3A_89 = tpu.memref_slice %arg8[%dma_wait3A_79, %dma_wait3A_87, %dma_wait3A_88] : memref<3x96x128xf32, #tpu.memory_space<vmem>> -> memref<1x96x128xf32, #tpu.memory_space<vmem>>
      %dma_wait3A_90 = tpu.memref_squeeze %dma_wait3A_89 : memref<1x96x128xf32, #tpu.memory_space<vmem>> -> memref<96x128xf32, #tpu.memory_space<vmem>>
      %dma_wait3A_91 = arith.constant 0 : i32
      %dma_wait3A_92 = arith.constant 0 : i32
      %dma_wait3A_93 = tpu.memref_slice %arg2[%dma_wait3A_91, %dma_wait3A_92] : memref<20224x128xf32, #tpu.memory_space<hbm>> -> memref<96x128xf32, #tpu.memory_space<hbm>>
      tpu.wait_dma2 semaphore(%arg11 : memref<!tpu.dma_semaphore, #tpu.memory_space<semaphore_mem>>) src(%dma_wait3A_93 : memref<96x128xf32, #tpu.memory_space<hbm>>) dst(%dma_wait3A_90 : memref<96x128xf32, #tpu.memory_space<vmem>>)
      %dma_start3A_94 = arith.constant 0 : i32
      %dma_start3A_95 = arith.constant 0 : i32
      %dma_start3A_96 = arith.constant 0 : i32
      %dma_start3A_97 = arith.constant 0 : i32
      %dma_start3A_98 = tpu.memref_slice %arg8[%dma_start3A_94, %dma_start3A_96, %dma_start3A_97] : memref<3x96x128xf32, #tpu.memory_space<vmem>> -> memref<1x96x128xf32, #tpu.memory_space<vmem>>
      %dma_start3A_99 = tpu.memref_squeeze %dma_start3A_98 : memref<1x96x128xf32, #tpu.memory_space<vmem>> -> memref<96x128xf32, #tpu.memory_space<vmem>>
      %dma_start3A_100 = arith.constant 0 : i32
      %dma_start3A_101 = tpu.memref_slice %arg7[%select_n3A_74, %dma_start3A_95, %dma_start3A_100] : memref<2x24x96xi32, #tpu.memory_space<vmem>> -> memref<1x1x96xi32, #tpu.memory_space<vmem>>
      %dma_start3A_102 = tpu.memref_squeeze %dma_start3A_101 : memref<1x1x96xi32, #tpu.memory_space<vmem>> -> memref<96xi32, #tpu.memory_space<vmem>>
      %dma_start3A_103 = arith.constant 0 : i32
      %dma_start3A_104 = arith.constant 0 : i32
      %dma_start3A_105 = tpu.memref_slice %arg9[%dma_start3A_103, %dma_start3A_104] : memref<10112x128xf32, #tpu.memory_space<vmem_shared>> -> memref<10112x128xf32, #tpu.memory_space<vmem_shared>>
      tpu.enqueue_indirect_dma source(%dma_start3A_99 : memref<96x128xf32, #tpu.memory_space<vmem>>) target(%dma_start3A_105 : memref<10112x128xf32, #tpu.memory_space<vmem_shared>>) offsets(%dma_start3A_102 : memref<96xi32, #tpu.memory_space<vmem>>) semaphore(%arg14 : memref<!tpu.dma_semaphore, #tpu.memory_space<semaphore_mem>>) {add = true}
      %gt3A = arith.constant 0 : i32
      %gt3A_106 = arith.cmpi sgt, %scan3A_65, %gt3A : i32
      %convert_element_type3A = arith.extui %gt3A_106 : i1 to i32
      %cond3A = arith.constant 0 : i32
      %cond3A_107 = arith.cmpi ne, %convert_element_type3A, %cond3A : i32
      scf.if %cond3A_107 {
        %dma_wait3A_1347 = arith.constant 2 : i32
        %dma_wait3A_1348 = arith.constant 0 : i32
        %dma_wait3A_1349 = arith.constant 0 : i32
        %dma_wait3A_1350 = tpu.memref_slice %arg8[%dma_wait3A_1347, %dma_wait3A_1348, %dma_wait3A_1349] : memref<3x96x128xf32, #tpu.memory_space<vmem>> -> memref<1x96x128xf32, #tpu.memory_space<vmem>>
        %dma_wait3A_1351 = tpu.memref_squeeze %dma_wait3A_1350 : memref<1x96x128xf32, #tpu.memory_space<vmem>> -> memref<96x128xf32, #tpu.memory_space<vmem>>
        %dma_wait3A_1352 = arith.constant 0 : i32
        %dma_wait3A_1353 = arith.constant 0 : i32
        %dma_wait3A_1354 = tpu.memref_slice %arg2[%dma_wait3A_1352, %dma_wait3A_1353] : memref<20224x128xf32, #tpu.memory_space<hbm>> -> memref<96x128xf32, #tpu.memory_space<hbm>>
        %dma_wait3A_1355 = arith.constant 0 : i32
        %dma_wait3A_1356 = arith.constant 0 : i32
        %dma_wait3A_1357 = tpu.memref_slice %arg8[%dma_wait3A_1347, %dma_wait3A_1355, %dma_wait3A_1356] : memref<3x96x128xf32, #tpu.memory_space<vmem>> -> memref<1x96x128xf32, #tpu.memory_space<vmem>>
        %dma_wait3A_1358 = tpu.memref_squeeze %dma_wait3A_1357 : memref<1x96x128xf32, #tpu.memory_space<vmem>> -> memref<96x128xf32, #tpu.memory_space<vmem>>
        %dma_wait3A_1359 = arith.constant 0 : i32
        %dma_wait3A_1360 = arith.constant 0 : i32
        %dma_wait3A_1361 = tpu.memref_slice %arg2[%dma_wait3A_1359, %dma_wait3A_1360] : memref<20224x128xf32, #tpu.memory_space<hbm>> -> memref<96x128xf32, #tpu.memory_space<hbm>>
        tpu.wait_dma2 semaphore(%arg16 : memref<!tpu.dma_semaphore, #tpu.memory_space<semaphore_mem>>) src(%dma_wait3A_1361 : memref<96x128xf32, #tpu.memory_space<hbm>>) dst(%dma_wait3A_1358 : memref<96x128xf32, #tpu.memory_space<vmem>>)
      } else {
      }
      %convert_element_type3A_108 = arith.extui %lt3A_78 : i1 to i32
      %cond3A_109 = arith.constant 0 : i32
      %cond3A_110 = arith.cmpi ne, %convert_element_type3A_108, %cond3A_109 : i32
      scf.if %cond3A_110 {
        %add3A_1347 = arith.constant 1 : i32
        %add3A_1348 = arith.addi %scan3A_65, %add3A_1347 : i32
        %mul3A_1349 = arith.constant 24 : i32
        %mul3A_1350 = arith.muli %add3A_1348, %mul3A_1349 : i32
        %add3A_1351 = arith.addi %add3A_9, %mul3A_1350 : i32
        %sub3A = arith.constant 1 : i32
        %sub3A_1352 = arith.subi %sub3A, %select_n3A_74 : i32
        %dma_start3A_1353 = arith.constant 0 : i32
        %dma_start3A_1354 = arith.constant 0 : i32
        %dma_start3A_1355 = tpu.memref_slice %arg6[%sub3A_1352, %dma_start3A_1353, %dma_start3A_1354] : memref<2x24x96xi32, #tpu.memory_space<vmem>> -> memref<1x24x96xi32, #tpu.memory_space<vmem>>
        %dma_start3A_1356 = tpu.memref_squeeze %dma_start3A_1355 : memref<1x24x96xi32, #tpu.memory_space<vmem>> -> memref<24x96xi32, #tpu.memory_space<vmem>>
        %dma_start3A_1357 = arith.constant 0 : i32
        %dma_start3A_1358 = tpu.memref_slice %arg3[%add3A_1351, %dma_start3A_1357] : memref<6912x96xi32, #tpu.memory_space<hbm>> -> memref<24x96xi32, #tpu.memory_space<hbm>>
        %dma_start3A_1359 = arith.constant 0 : i32
        %dma_start3A_1360 = arith.constant 0 : i32
        %dma_start3A_1361 = tpu.memref_slice %arg6[%sub3A_1352, %dma_start3A_1359, %dma_start3A_1360] : memref<2x24x96xi32, #tpu.memory_space<vmem>> -> memref<1x24x96xi32, #tpu.memory_space<vmem>>
        %dma_start3A_1362 = tpu.memref_squeeze %dma_start3A_1361 : memref<1x24x96xi32, #tpu.memory_space<vmem>> -> memref<24x96xi32, #tpu.memory_space<vmem>>
        %dma_start3A_1363 = arith.constant 0 : i32
        %dma_start3A_1364 = tpu.memref_slice %arg3[%add3A_1351, %dma_start3A_1363] : memref<6912x96xi32, #tpu.memory_space<hbm>> -> memref<24x96xi32, #tpu.memory_space<hbm>>
        tpu.enqueue_dma source(%dma_start3A_1364 : memref<24x96xi32, #tpu.memory_space<hbm>>) target(%dma_start3A_1362 : memref<24x96xi32, #tpu.memory_space<vmem>>) target_semaphore(%arg10 : memref<!tpu.dma_semaphore, #tpu.memory_space<semaphore_mem>>)
        %add3A_1365 = arith.constant 1 : i32
        %add3A_1366 = arith.addi %scan3A_65, %add3A_1365 : i32
        %mul3A_1367 = arith.constant 24 : i32
        %mul3A_1368 = arith.muli %add3A_1366, %mul3A_1367 : i32
        %add3A_1369 = arith.addi %mul3A_11, %mul3A_1368 : i32
        %sub3A_1370 = arith.constant 1 : i32
        %sub3A_1371 = arith.subi %sub3A_1370, %select_n3A_74 : i32
        %dma_start3A_1372 = arith.constant 0 : i32
        %dma_start3A_1373 = arith.constant 0 : i32
        %dma_start3A_1374 = tpu.memref_slice %arg7[%sub3A_1371, %dma_start3A_1372, %dma_start3A_1373] : memref<2x24x96xi32, #tpu.memory_space<vmem>> -> memref<1x24x96xi32, #tpu.memory_space<vmem>>
        %dma_start3A_1375 = tpu.memref_squeeze %dma_start3A_1374 : memref<1x24x96xi32, #tpu.memory_space<vmem>> -> memref<24x96xi32, #tpu.memory_space<vmem>>
        %dma_start3A_1376 = arith.constant 0 : i32
        %dma_start3A_1377 = tpu.memref_slice %arg4[%add3A_1369, %dma_start3A_1376] : memref<3456x96xi32, #tpu.memory_space<hbm>> -> memref<24x96xi32, #tpu.memory_space<hbm>>
        %dma_start3A_1378 = arith.constant 0 : i32
        %dma_start3A_1379 = arith.constant 0 : i32
        %dma_start3A_1380 = tpu.memref_slice %arg7[%sub3A_1371, %dma_start3A_1378, %dma_start3A_1379] : memref<2x24x96xi32, #tpu.memory_space<vmem>> -> memref<1x24x96xi32, #tpu.memory_space<vmem>>
        %dma_start3A_1381 = tpu.memref_squeeze %dma_start3A_1380 : memref<1x24x96xi32, #tpu.memory_space<vmem>> -> memref<24x96xi32, #tpu.memory_space<vmem>>
        %dma_start3A_1382 = arith.constant 0 : i32
        %dma_start3A_1383 = tpu.memref_slice %arg4[%add3A_1369, %dma_start3A_1382] : memref<3456x96xi32, #tpu.memory_space<hbm>> -> memref<24x96xi32, #tpu.memory_space<hbm>>
        tpu.enqueue_dma source(%dma_start3A_1383 : memref<24x96xi32, #tpu.memory_space<hbm>>) target(%dma_start3A_1381 : memref<24x96xi32, #tpu.memory_space<vmem>>) target_semaphore(%arg10 : memref<!tpu.dma_semaphore, #tpu.memory_space<semaphore_mem>>)
      } else {
      }
      %dma_start3A_111 = arith.constant 2 : i32
      %dma_start3A_112 = arith.constant 2 : i32
      %dma_start3A_113 = arith.constant 0 : i32
      %dma_start3A_114 = arith.constant 0 : i32
      %dma_start3A_115 = tpu.memref_slice %arg8[%dma_start3A_112, %dma_start3A_113, %dma_start3A_114] : memref<3x96x128xf32, #tpu.memory_space<vmem>> -> memref<1x96x128xf32, #tpu.memory_space<vmem>>
      %dma_start3A_116 = tpu.memref_squeeze %dma_start3A_115 : memref<1x96x128xf32, #tpu.memory_space<vmem>> -> memref<96x128xf32, #tpu.memory_space<vmem>>
      %dma_start3A_117 = arith.constant 0 : i32
      %dma_start3A_118 = tpu.memref_slice %arg6[%select_n3A_74, %dma_start3A_111, %dma_start3A_117] : memref<2x24x96xi32, #tpu.memory_space<vmem>> -> memref<1x1x96xi32, #tpu.memory_space<vmem>>
      %dma_start3A_119 = tpu.memref_squeeze %dma_start3A_118 : memref<1x1x96xi32, #tpu.memory_space<vmem>> -> memref<96xi32, #tpu.memory_space<vmem>>
      %dma_start3A_120 = arith.constant 0 : i32
      %dma_start3A_121 = arith.constant 0 : i32
      %dma_start3A_122 = tpu.memref_slice %arg2[%dma_start3A_120, %dma_start3A_121] : memref<20224x128xf32, #tpu.memory_space<hbm>> -> memref<20224x128xf32, #tpu.memory_space<hbm>>
      tpu.enqueue_indirect_dma source(%dma_start3A_122 : memref<20224x128xf32, #tpu.memory_space<hbm>>) target(%dma_start3A_116 : memref<96x128xf32, #tpu.memory_space<vmem>>) offsets(%dma_start3A_119 : memref<96xi32, #tpu.memory_space<vmem>>) semaphore(%arg13 : memref<!tpu.dma_semaphore, #tpu.memory_space<semaphore_mem>>)
      %dma_wait3A_123 = arith.constant 1 : i32
      %dma_wait3A_124 = arith.constant 0 : i32
      %dma_wait3A_125 = arith.constant 0 : i32
      %dma_wait3A_126 = tpu.memref_slice %arg8[%dma_wait3A_123, %dma_wait3A_124, %dma_wait3A_125] : memref<3x96x128xf32, #tpu.memory_space<vmem>> -> memref<1x96x128xf32, #tpu.memory_space<vmem>>
      %dma_wait3A_127 = tpu.memref_squeeze %dma_wait3A_126 : memref<1x96x128xf32, #tpu.memory_space<vmem>> -> memref<96x128xf32, #tpu.memory_space<vmem>>
      %dma_wait3A_128 = arith.constant 0 : i32
      %dma_wait3A_129 = arith.constant 0 : i32
      %dma_wait3A_130 = tpu.memref_slice %arg2[%dma_wait3A_128, %dma_wait3A_129] : memref<20224x128xf32, #tpu.memory_space<hbm>> -> memref<96x128xf32, #tpu.memory_space<hbm>>
      %dma_wait3A_131 = arith.constant 0 : i32
      %dma_wait3A_132 = arith.constant 0 : i32
      %dma_wait3A_133 = tpu.memref_slice %arg8[%dma_wait3A_123, %dma_wait3A_131, %dma_wait3A_132] : memref<3x96x128xf32, #tpu.memory_space<vmem>> -> memref<1x96x128xf32, #tpu.memory_space<vmem>>
      %dma_wait3A_134 = tpu.memref_squeeze %dma_wait3A_133 : memref<1x96x128xf32, #tpu.memory_space<vmem>> -> memref<96x128xf32, #tpu.memory_space<vmem>>
      %dma_wait3A_135 = arith.constant 0 : i32
      %dma_wait3A_136 = arith.constant 0 : i32
      %dma_wait3A_137 = tpu.memref_slice %arg2[%dma_wait3A_135, %dma_wait3A_136] : memref<20224x128xf32, #tpu.memory_space<hbm>> -> memref<96x128xf32, #tpu.memory_space<hbm>>
      tpu.wait_dma2 semaphore(%arg12 : memref<!tpu.dma_semaphore, #tpu.memory_space<semaphore_mem>>) src(%dma_wait3A_137 : memref<96x128xf32, #tpu.memory_space<hbm>>) dst(%dma_wait3A_134 : memref<96x128xf32, #tpu.memory_space<vmem>>)
      %dma_start3A_138 = arith.constant 1 : i32
      %dma_start3A_139 = arith.constant 1 : i32
      %dma_start3A_140 = arith.constant 0 : i32
      %dma_start3A_141 = arith.constant 0 : i32
      %dma_start3A_142 = tpu.memref_slice %arg8[%dma_start3A_138, %dma_start3A_140, %dma_start3A_141] : memref<3x96x128xf32, #tpu.memory_space<vmem>> -> memref<1x96x128xf32, #tpu.memory_space<vmem>>
      %dma_start3A_143 = tpu.memref_squeeze %dma_start3A_142 : memref<1x96x128xf32, #tpu.memory_space<vmem>> -> memref<96x128xf32, #tpu.memory_space<vmem>>
      %dma_start3A_144 = arith.constant 0 : i32
      %dma_start3A_145 = tpu.memref_slice %arg7[%select_n3A_74, %dma_start3A_139, %dma_start3A_144] : memref<2x24x96xi32, #tpu.memory_space<vmem>> -> memref<1x1x96xi32, #tpu.memory_space<vmem>>
      %dma_start3A_146 = tpu.memref_squeeze %dma_start3A_145 : memref<1x1x96xi32, #tpu.memory_space<vmem>> -> memref<96xi32, #tpu.memory_space<vmem>>
      %dma_start3A_147 = arith.constant 0 : i32
      %dma_start3A_148 = arith.constant 0 : i32
      %dma_start3A_149 = tpu.memref_slice %arg9[%dma_start3A_147, %dma_start3A_148] : memref<10112x128xf32, #tpu.memory_space<vmem_shared>> -> memref<10112x128xf32, #tpu.memory_space<vmem_shared>>
      tpu.enqueue_indirect_dma source(%dma_start3A_143 : memref<96x128xf32, #tpu.memory_space<vmem>>) target(%dma_start3A_149 : memref<10112x128xf32, #tpu.memory_space<vmem_shared>>) offsets(%dma_start3A_146 : memref<96xi32, #tpu.memory_space<vmem>>) semaphore(%arg15 : memref<!tpu.dma_semaphore, #tpu.memory_space<semaphore_mem>>) {add = true}
      %dma_wait3A_150 = arith.constant 0 : i32
      %dma_wait3A_151 = arith.constant 0 : i32
      %dma_wait3A_152 = arith.constant 0 : i32
      %dma_wait3A_153 = tpu.memref_slice %arg8[%dma_wait3A_150, %dma_wait3A_151, %dma_wait3A_152] : memref<3x96x128xf32, #tpu.memory_space<vmem>> -> memref<1x96x128xf32, #tpu.memory_space<vmem>>
      %dma_wait3A_154 = tpu.memref_squeeze %dma_wait3A_153 : memref<1x96x128xf32, #tpu.memory_space<vmem>> -> memref<96x128xf32, #tpu.memory_space<vmem>>
      %dma_wait3A_155 = arith.constant 0 : i32
      %dma_wait3A_156 = arith.constant 0 : i32
      %dma_wait3A_157 = tpu.memref_slice %arg2[%dma_wait3A_155, %dma_wait3A_156] : memref<20224x128xf32, #tpu.memory_space<hbm>> -> memref<96x128xf32, #tpu.memory_space<hbm>>
      %dma_wait3A_158 = arith.constant 0 : i32
      %dma_wait3A_159 = arith.constant 0 : i32
      %dma_wait3A_160 = tpu.memref_slice %arg8[%dma_wait3A_150, %dma_wait3A_158, %dma_wait3A_159] : memref<3x96x128xf32, #tpu.memory_space<vmem>> -> memref<1x96x128xf32, #tpu.memory_space<vmem>>
      %dma_wait3A_161 = tpu.memref_squeeze %dma_wait3A_160 : memref<1x96x128xf32, #tpu.memory_space<vmem>> -> memref<96x128xf32, #tpu.memory_space<vmem>>
      %dma_wait3A_162 = arith.constant 0 : i32
      %dma_wait3A_163 = arith.constant 0 : i32
      %dma_wait3A_164 = tpu.memref_slice %arg2[%dma_wait3A_162, %dma_wait3A_163] : memref<20224x128xf32, #tpu.memory_space<hbm>> -> memref<96x128xf32, #tpu.memory_space<hbm>>
      tpu.wait_dma2 semaphore(%arg14 : memref<!tpu.dma_semaphore, #tpu.memory_space<semaphore_mem>>) src(%dma_wait3A_164 : memref<96x128xf32, #tpu.memory_space<hbm>>) dst(%dma_wait3A_161 : memref<96x128xf32, #tpu.memory_space<vmem>>)
      %dma_start3A_165 = arith.constant 3 : i32
      %dma_start3A_166 = arith.constant 0 : i32
      %dma_start3A_167 = arith.constant 0 : i32
      %dma_start3A_168 = arith.constant 0 : i32
      %dma_start3A_169 = tpu.memref_slice %arg8[%dma_start3A_166, %dma_start3A_167, %dma_start3A_168] : memref<3x96x128xf32, #tpu.memory_space<vmem>> -> memref<1x96x128xf32, #tpu.memory_space<vmem>>
      %dma_start3A_170 = tpu.memref_squeeze %dma_start3A_169 : memref<1x96x128xf32, #tpu.memory_space<vmem>> -> memref<96x128xf32, #tpu.memory_space<vmem>>
      %dma_start3A_171 = arith.constant 0 : i32
      %dma_start3A_172 = tpu.memref_slice %arg6[%select_n3A_74, %dma_start3A_165, %dma_start3A_171] : memref<2x24x96xi32, #tpu.memory_space<vmem>> -> memref<1x1x96xi32, #tpu.memory_space<vmem>>
      %dma_start3A_173 = tpu.memref_squeeze %dma_start3A_172 : memref<1x1x96xi32, #tpu.memory_space<vmem>> -> memref<96xi32, #tpu.memory_space<vmem>>
      %dma_start3A_174 = arith.constant 0 : i32
      %dma_start3A_175 = arith.constant 0 : i32
      %dma_start3A_176 = tpu.memref_slice %arg2[%dma_start3A_174, %dma_start3A_175] : memref<20224x128xf32, #tpu.memory_space<hbm>> -> memref<20224x128xf32, #tpu.memory_space<hbm>>
      tpu.enqueue_indirect_dma source(%dma_start3A_176 : memref<20224x128xf32, #tpu.memory_space<hbm>>) target(%dma_start3A_170 : memref<96x128xf32, #tpu.memory_space<vmem>>) offsets(%dma_start3A_173 : memref<96xi32, #tpu.memory_space<vmem>>) semaphore(%arg11 : memref<!tpu.dma_semaphore, #tpu.memory_space<semaphore_mem>>)
      %dma_wait3A_177 = arith.constant 2 : i32
      %dma_wait3A_178 = arith.constant 0 : i32
      %dma_wait3A_179 = arith.constant 0 : i32
      %dma_wait3A_180 = tpu.memref_slice %arg8[%dma_wait3A_177, %dma_wait3A_178, %dma_wait3A_179] : memref<3x96x128xf32, #tpu.memory_space<vmem>> -> memref<1x96x128xf32, #tpu.memory_space<vmem>>
      %dma_wait3A_181 = tpu.memref_squeeze %dma_wait3A_180 : memref<1x96x128xf32, #tpu.memory_space<vmem>> -> memref<96x128xf32, #tpu.memory_space<vmem>>
      %dma_wait3A_182 = arith.constant 0 : i32
      %dma_wait3A_183 = arith.constant 0 : i32
      %dma_wait3A_184 = tpu.memref_slice %arg2[%dma_wait3A_182, %dma_wait3A_183] : memref<20224x128xf32, #tpu.memory_space<hbm>> -> memref<96x128xf32, #tpu.memory_space<hbm>>
      %dma_wait3A_185 = arith.constant 0 : i32
      %dma_wait3A_186 = arith.constant 0 : i32
      %dma_wait3A_187 = tpu.memref_slice %arg8[%dma_wait3A_177, %dma_wait3A_185, %dma_wait3A_186] : memref<3x96x128xf32, #tpu.memory_space<vmem>> -> memref<1x96x128xf32, #tpu.memory_space<vmem>>
      %dma_wait3A_188 = tpu.memref_squeeze %dma_wait3A_187 : memref<1x96x128xf32, #tpu.memory_space<vmem>> -> memref<96x128xf32, #tpu.memory_space<vmem>>
      %dma_wait3A_189 = arith.constant 0 : i32
      %dma_wait3A_190 = arith.constant 0 : i32
      %dma_wait3A_191 = tpu.memref_slice %arg2[%dma_wait3A_189, %dma_wait3A_190] : memref<20224x128xf32, #tpu.memory_space<hbm>> -> memref<96x128xf32, #tpu.memory_space<hbm>>
      tpu.wait_dma2 semaphore(%arg13 : memref<!tpu.dma_semaphore, #tpu.memory_space<semaphore_mem>>) src(%dma_wait3A_191 : memref<96x128xf32, #tpu.memory_space<hbm>>) dst(%dma_wait3A_188 : memref<96x128xf32, #tpu.memory_space<vmem>>)
      %dma_start3A_192 = arith.constant 2 : i32
      %dma_start3A_193 = arith.constant 2 : i32
      %dma_start3A_194 = arith.constant 0 : i32
      %dma_start3A_195 = arith.constant 0 : i32
      %dma_start3A_196 = tpu.memref_slice %arg8[%dma_start3A_192, %dma_start3A_194, %dma_start3A_195] : memref<3x96x128xf32, #tpu.memory_space<vmem>> -> memref<1x96x128xf32, #tpu.memory_space<vmem>>
      %dma_start3A_197 = tpu.memref_squeeze %dma_start3A_196 : memref<1x96x128xf32, #tpu.memory_space<vmem>> -> memref<96x128xf32, #tpu.memory_space<vmem>>
      %dma_start3A_198 = arith.constant 0 : i32
      %dma_start3A_199 = tpu.memref_slice %arg7[%select_n3A_74, %dma_start3A_193, %dma_start3A_198] : memref<2x24x96xi32, #tpu.memory_space<vmem>> -> memref<1x1x96xi32, #tpu.memory_space<vmem>>
      %dma_start3A_200 = tpu.memref_squeeze %dma_start3A_199 : memref<1x1x96xi32, #tpu.memory_space<vmem>> -> memref<96xi32, #tpu.memory_space<vmem>>
      %dma_start3A_201 = arith.constant 0 : i32
      %dma_start3A_202 = arith.constant 0 : i32
      %dma_start3A_203 = tpu.memref_slice %arg9[%dma_start3A_201, %dma_start3A_202] : memref<10112x128xf32, #tpu.memory_space<vmem_shared>> -> memref<10112x128xf32, #tpu.memory_space<vmem_shared>>
      tpu.enqueue_indirect_dma source(%dma_start3A_197 : memref<96x128xf32, #tpu.memory_space<vmem>>) target(%dma_start3A_203 : memref<10112x128xf32, #tpu.memory_space<vmem_shared>>) offsets(%dma_start3A_200 : memref<96xi32, #tpu.memory_space<vmem>>) semaphore(%arg16 : memref<!tpu.dma_semaphore, #tpu.memory_space<semaphore_mem>>) {add = true}
      %dma_wait3A_204 = arith.constant 1 : i32
      %dma_wait3A_205 = arith.constant 0 : i32
      %dma_wait3A_206 = arith.constant 0 : i32
      %dma_wait3A_207 = tpu.memref_slice %arg8[%dma_wait3A_204, %dma_wait3A_205, %dma_wait3A_206] : memref<3x96x128xf32, #tpu.memory_space<vmem>> -> memref<1x96x128xf32, #tpu.memory_space<vmem>>
      %dma_wait3A_208 = tpu.memref_squeeze %dma_wait3A_207 : memref<1x96x128xf32, #tpu.memory_space<vmem>> -> memref<96x128xf32, #tpu.memory_space<vmem>>
      %dma_wait3A_209 = arith.constant 0 : i32
      %dma_wait3A_210 = arith.constant 0 : i32
      %dma_wait3A_211 = tpu.memref_slice %arg2[%dma_wait3A_209, %dma_wait3A_210] : memref<20224x128xf32, #tpu.memory_space<hbm>> -> memref<96x128xf32, #tpu.memory_space<hbm>>
      %dma_wait3A_212 = arith.constant 0 : i32
      %dma_wait3A_213 = arith.constant 0 : i32
      %dma_wait3A_214 = tpu.memref_slice %arg8[%dma_wait3A_204, %dma_wait3A_212, %dma_wait3A_213] : memref<3x96x128xf32, #tpu.memory_space<vmem>> -> memref<1x96x128xf32, #tpu.memory_space<vmem>>
      %dma_wait3A_215 = tpu.memref_squeeze %dma_wait3A_214 : memref<1x96x128xf32, #tpu.memory_space<vmem>> -> memref<96x128xf32, #tpu.memory_space<vmem>>
      %dma_wait3A_216 = arith.constant 0 : i32
      %dma_wait3A_217 = arith.constant 0 : i32
      %dma_wait3A_218 = tpu.memref_slice %arg2[%dma_wait3A_216, %dma_wait3A_217] : memref<20224x128xf32, #tpu.memory_space<hbm>> -> memref<96x128xf32, #tpu.memory_space<hbm>>
      tpu.wait_dma2 semaphore(%arg15 : memref<!tpu.dma_semaphore, #tpu.memory_space<semaphore_mem>>) src(%dma_wait3A_218 : memref<96x128xf32, #tpu.memory_space<hbm>>) dst(%dma_wait3A_215 : memref<96x128xf32, #tpu.memory_space<vmem>>)
      %dma_start3A_219 = arith.constant 4 : i32
      %dma_start3A_220 = arith.constant 1 : i32
      %dma_start3A_221 = arith.constant 0 : i32
      %dma_start3A_222 = arith.constant 0 : i32
      %dma_start3A_223 = tpu.memref_slice %arg8[%dma_start3A_220, %dma_start3A_221, %dma_start3A_222] : memref<3x96x128xf32, #tpu.memory_space<vmem>> -> memref<1x96x128xf32, #tpu.memory_space<vmem>>
      %dma_start3A_224 = tpu.memref_squeeze %dma_start3A_223 : memref<1x96x128xf32, #tpu.memory_space<vmem>> -> memref<96x128xf32, #tpu.memory_space<vmem>>
      %dma_start3A_225 = arith.constant 0 : i32
      %dma_start3A_226 = tpu.memref_slice %arg6[%select_n3A_74, %dma_start3A_219, %dma_start3A_225] : memref<2x24x96xi32, #tpu.memory_space<vmem>> -> memref<1x1x96xi32, #tpu.memory_space<vmem>>
      %dma_start3A_227 = tpu.memref_squeeze %dma_start3A_226 : memref<1x1x96xi32, #tpu.memory_space<vmem>> -> memref<96xi32, #tpu.memory_space<vmem>>
      %dma_start3A_228 = arith.constant 0 : i32
      %dma_start3A_229 = arith.constant 0 : i32
      %dma_start3A_230 = tpu.memref_slice %arg2[%dma_start3A_228, %dma_start3A_229] : memref<20224x128xf32, #tpu.memory_space<hbm>> -> memref<20224x128xf32, #tpu.memory_space<hbm>>
      tpu.enqueue_indirect_dma source(%dma_start3A_230 : memref<20224x128xf32, #tpu.memory_space<hbm>>) target(%dma_start3A_224 : memref<96x128xf32, #tpu.memory_space<vmem>>) offsets(%dma_start3A_227 : memref<96xi32, #tpu.memory_space<vmem>>) semaphore(%arg12 : memref<!tpu.dma_semaphore, #tpu.memory_space<semaphore_mem>>)
      %dma_wait3A_231 = arith.constant 0 : i32
      %dma_wait3A_232 = arith.constant 0 : i32
      %dma_wait3A_233 = arith.constant 0 : i32
      %dma_wait3A_234 = tpu.memref_slice %arg8[%dma_wait3A_231, %dma_wait3A_232, %dma_wait3A_233] : memref<3x96x128xf32, #tpu.memory_space<vmem>> -> memref<1x96x128xf32, #tpu.memory_space<vmem>>
      %dma_wait3A_235 = tpu.memref_squeeze %dma_wait3A_234 : memref<1x96x128xf32, #tpu.memory_space<vmem>> -> memref<96x128xf32, #tpu.memory_space<vmem>>
      %dma_wait3A_236 = arith.constant 0 : i32
      %dma_wait3A_237 = arith.constant 0 : i32
      %dma_wait3A_238 = tpu.memref_slice %arg2[%dma_wait3A_236, %dma_wait3A_237] : memref<20224x128xf32, #tpu.memory_space<hbm>> -> memref<96x128xf32, #tpu.memory_space<hbm>>
      %dma_wait3A_239 = arith.constant 0 : i32
      %dma_wait3A_240 = arith.constant 0 : i32
      %dma_wait3A_241 = tpu.memref_slice %arg8[%dma_wait3A_231, %dma_wait3A_239, %dma_wait3A_240] : memref<3x96x128xf32, #tpu.memory_space<vmem>> -> memref<1x96x128xf32, #tpu.memory_space<vmem>>
      %dma_wait3A_242 = tpu.memref_squeeze %dma_wait3A_241 : memref<1x96x128xf32, #tpu.memory_space<vmem>> -> memref<96x128xf32, #tpu.memory_space<vmem>>
      %dma_wait3A_243 = arith.constant 0 : i32
      %dma_wait3A_244 = arith.constant 0 : i32
      %dma_wait3A_245 = tpu.memref_slice %arg2[%dma_wait3A_243, %dma_wait3A_244] : memref<20224x128xf32, #tpu.memory_space<hbm>> -> memref<96x128xf32, #tpu.memory_space<hbm>>
      tpu.wait_dma2 semaphore(%arg11 : memref<!tpu.dma_semaphore, #tpu.memory_space<semaphore_mem>>) src(%dma_wait3A_245 : memref<96x128xf32, #tpu.memory_space<hbm>>) dst(%dma_wait3A_242 : memref<96x128xf32, #tpu.memory_space<vmem>>)
      %dma_start3A_246 = arith.constant 0 : i32
      %dma_start3A_247 = arith.constant 3 : i32
      %dma_start3A_248 = arith.constant 0 : i32
      %dma_start3A_249 = arith.constant 0 : i32
      %dma_start3A_250 = tpu.memref_slice %arg8[%dma_start3A_246, %dma_start3A_248, %dma_start3A_249] : memref<3x96x128xf32, #tpu.memory_space<vmem>> -> memref<1x96x128xf32, #tpu.memory_space<vmem>>
      %dma_start3A_251 = tpu.memref_squeeze %dma_start3A_250 : memref<1x96x128xf32, #tpu.memory_space<vmem>> -> memref<96x128xf32, #tpu.memory_space<vmem>>
      %dma_start3A_252 = arith.constant 0 : i32
      %dma_start3A_253 = tpu.memref_slice %arg7[%select_n3A_74, %dma_start3A_247, %dma_start3A_252] : memref<2x24x96xi32, #tpu.memory_space<vmem>> -> memref<1x1x96xi32, #tpu.memory_space<vmem>>
      %dma_start3A_254 = tpu.memref_squeeze %dma_start3A_253 : memref<1x1x96xi32, #tpu.memory_space<vmem>> -> memref<96xi32, #tpu.memory_space<vmem>>
      %dma_start3A_255 = arith.constant 0 : i32
      %dma_start3A_256 = arith.constant 0 : i32
      %dma_start3A_257 = tpu.memref_slice %arg9[%dma_start3A_255, %dma_start3A_256] : memref<10112x128xf32, #tpu.memory_space<vmem_shared>> -> memref<10112x128xf32, #tpu.memory_space<vmem_shared>>
      tpu.enqueue_indirect_dma source(%dma_start3A_251 : memref<96x128xf32, #tpu.memory_space<vmem>>) target(%dma_start3A_257 : memref<10112x128xf32, #tpu.memory_space<vmem_shared>>) offsets(%dma_start3A_254 : memref<96xi32, #tpu.memory_space<vmem>>) semaphore(%arg14 : memref<!tpu.dma_semaphore, #tpu.memory_space<semaphore_mem>>) {add = true}
      %dma_wait3A_258 = arith.constant 2 : i32
      %dma_wait3A_259 = arith.constant 0 : i32
      %dma_wait3A_260 = arith.constant 0 : i32
      %dma_wait3A_261 = tpu.memref_slice %arg8[%dma_wait3A_258, %dma_wait3A_259, %dma_wait3A_260] : memref<3x96x128xf32, #tpu.memory_space<vmem>> -> memref<1x96x128xf32, #tpu.memory_space<vmem>>
      %dma_wait3A_262 = tpu.memref_squeeze %dma_wait3A_261 : memref<1x96x128xf32, #tpu.memory_space<vmem>> -> memref<96x128xf32, #tpu.memory_space<vmem>>
      %dma_wait3A_263 = arith.constant 0 : i32
      %dma_wait3A_264 = arith.constant 0 : i32
      %dma_wait3A_265 = tpu.memref_slice %arg2[%dma_wait3A_263, %dma_wait3A_264] : memref<20224x128xf32, #tpu.memory_space<hbm>> -> memref<96x128xf32, #tpu.memory_space<hbm>>
      %dma_wait3A_266 = arith.constant 0 : i32
      %dma_wait3A_267 = arith.constant 0 : i32
      %dma_wait3A_268 = tpu.memref_slice %arg8[%dma_wait3A_258, %dma_wait3A_266, %dma_wait3A_267] : memref<3x96x128xf32, #tpu.memory_space<vmem>> -> memref<1x96x128xf32, #tpu.memory_space<vmem>>
      %dma_wait3A_269 = tpu.memref_squeeze %dma_wait3A_268 : memref<1x96x128xf32, #tpu.memory_space<vmem>> -> memref<96x128xf32, #tpu.memory_space<vmem>>
      %dma_wait3A_270 = arith.constant 0 : i32
      %dma_wait3A_271 = arith.constant 0 : i32
      %dma_wait3A_272 = tpu.memref_slice %arg2[%dma_wait3A_270, %dma_wait3A_271] : memref<20224x128xf32, #tpu.memory_space<hbm>> -> memref<96x128xf32, #tpu.memory_space<hbm>>
      tpu.wait_dma2 semaphore(%arg16 : memref<!tpu.dma_semaphore, #tpu.memory_space<semaphore_mem>>) src(%dma_wait3A_272 : memref<96x128xf32, #tpu.memory_space<hbm>>) dst(%dma_wait3A_269 : memref<96x128xf32, #tpu.memory_space<vmem>>)
      %dma_start3A_273 = arith.constant 5 : i32
      %dma_start3A_274 = arith.constant 2 : i32
      %dma_start3A_275 = arith.constant 0 : i32
      %dma_start3A_276 = arith.constant 0 : i32
      %dma_start3A_277 = tpu.memref_slice %arg8[%dma_start3A_274, %dma_start3A_275, %dma_start3A_276] : memref<3x96x128xf32, #tpu.memory_space<vmem>> -> memref<1x96x128xf32, #tpu.memory_space<vmem>>
      %dma_start3A_278 = tpu.memref_squeeze %dma_start3A_277 : memref<1x96x128xf32, #tpu.memory_space<vmem>> -> memref<96x128xf32, #tpu.memory_space<vmem>>
      %dma_start3A_279 = arith.constant 0 : i32
      %dma_start3A_280 = tpu.memref_slice %arg6[%select_n3A_74, %dma_start3A_273, %dma_start3A_279] : memref<2x24x96xi32, #tpu.memory_space<vmem>> -> memref<1x1x96xi32, #tpu.memory_space<vmem>>
      %dma_start3A_281 = tpu.memref_squeeze %dma_start3A_280 : memref<1x1x96xi32, #tpu.memory_space<vmem>> -> memref<96xi32, #tpu.memory_space<vmem>>
      %dma_start3A_282 = arith.constant 0 : i32
      %dma_start3A_283 = arith.constant 0 : i32
      %dma_start3A_284 = tpu.memref_slice %arg2[%dma_start3A_282, %dma_start3A_283] : memref<20224x128xf32, #tpu.memory_space<hbm>> -> memref<20224x128xf32, #tpu.memory_space<hbm>>
      tpu.enqueue_indirect_dma source(%dma_start3A_284 : memref<20224x128xf32, #tpu.memory_space<hbm>>) target(%dma_start3A_278 : memref<96x128xf32, #tpu.memory_space<vmem>>) offsets(%dma_start3A_281 : memref<96xi32, #tpu.memory_space<vmem>>) semaphore(%arg13 : memref<!tpu.dma_semaphore, #tpu.memory_space<semaphore_mem>>)
      %dma_wait3A_285 = arith.constant 1 : i32
      %dma_wait3A_286 = arith.constant 0 : i32
      %dma_wait3A_287 = arith.constant 0 : i32
      %dma_wait3A_288 = tpu.memref_slice %arg8[%dma_wait3A_285, %dma_wait3A_286, %dma_wait3A_287] : memref<3x96x128xf32, #tpu.memory_space<vmem>> -> memref<1x96x128xf32, #tpu.memory_space<vmem>>
      %dma_wait3A_289 = tpu.memref_squeeze %dma_wait3A_288 : memref<1x96x128xf32, #tpu.memory_space<vmem>> -> memref<96x128xf32, #tpu.memory_space<vmem>>
      %dma_wait3A_290 = arith.constant 0 : i32
      %dma_wait3A_291 = arith.constant 0 : i32
      %dma_wait3A_292 = tpu.memref_slice %arg2[%dma_wait3A_290, %dma_wait3A_291] : memref<20224x128xf32, #tpu.memory_space<hbm>> -> memref<96x128xf32, #tpu.memory_space<hbm>>
      %dma_wait3A_293 = arith.constant 0 : i32
      %dma_wait3A_294 = arith.constant 0 : i32
      %dma_wait3A_295 = tpu.memref_slice %arg8[%dma_wait3A_285, %dma_wait3A_293, %dma_wait3A_294] : memref<3x96x128xf32, #tpu.memory_space<vmem>> -> memref<1x96x128xf32, #tpu.memory_space<vmem>>
      %dma_wait3A_296 = tpu.memref_squeeze %dma_wait3A_295 : memref<1x96x128xf32, #tpu.memory_space<vmem>> -> memref<96x128xf32, #tpu.memory_space<vmem>>
      %dma_wait3A_297 = arith.constant 0 : i32
      %dma_wait3A_298 = arith.constant 0 : i32
      %dma_wait3A_299 = tpu.memref_slice %arg2[%dma_wait3A_297, %dma_wait3A_298] : memref<20224x128xf32, #tpu.memory_space<hbm>> -> memref<96x128xf32, #tpu.memory_space<hbm>>
      tpu.wait_dma2 semaphore(%arg12 : memref<!tpu.dma_semaphore, #tpu.memory_space<semaphore_mem>>) src(%dma_wait3A_299 : memref<96x128xf32, #tpu.memory_space<hbm>>) dst(%dma_wait3A_296 : memref<96x128xf32, #tpu.memory_space<vmem>>)
      %dma_start3A_300 = arith.constant 1 : i32
      %dma_start3A_301 = arith.constant 4 : i32
      %dma_start3A_302 = arith.constant 0 : i32
      %dma_start3A_303 = arith.constant 0 : i32
      %dma_start3A_304 = tpu.memref_slice %arg8[%dma_start3A_300, %dma_start3A_302, %dma_start3A_303] : memref<3x96x128xf32, #tpu.memory_space<vmem>> -> memref<1x96x128xf32, #tpu.memory_space<vmem>>
      %dma_start3A_305 = tpu.memref_squeeze %dma_start3A_304 : memref<1x96x128xf32, #tpu.memory_space<vmem>> -> memref<96x128xf32, #tpu.memory_space<vmem>>
      %dma_start3A_306 = arith.constant 0 : i32
      %dma_start3A_307 = tpu.memref_slice %arg7[%select_n3A_74, %dma_start3A_301, %dma_start3A_306] : memref<2x24x96xi32, #tpu.memory_space<vmem>> -> memref<1x1x96xi32, #tpu.memory_space<vmem>>
      %dma_start3A_308 = tpu.memref_squeeze %dma_start3A_307 : memref<1x1x96xi32, #tpu.memory_space<vmem>> -> memref<96xi32, #tpu.memory_space<vmem>>
      %dma_start3A_309 = arith.constant 0 : i32
      %dma_start3A_310 = arith.constant 0 : i32
      %dma_start3A_311 = tpu.memref_slice %arg9[%dma_start3A_309, %dma_start3A_310] : memref<10112x128xf32, #tpu.memory_space<vmem_shared>> -> memref<10112x128xf32, #tpu.memory_space<vmem_shared>>
      tpu.enqueue_indirect_dma source(%dma_start3A_305 : memref<96x128xf32, #tpu.memory_space<vmem>>) target(%dma_start3A_311 : memref<10112x128xf32, #tpu.memory_space<vmem_shared>>) offsets(%dma_start3A_308 : memref<96xi32, #tpu.memory_space<vmem>>) semaphore(%arg15 : memref<!tpu.dma_semaphore, #tpu.memory_space<semaphore_mem>>) {add = true}
      %dma_wait3A_312 = arith.constant 0 : i32
      %dma_wait3A_313 = arith.constant 0 : i32
      %dma_wait3A_314 = arith.constant 0 : i32
      %dma_wait3A_315 = tpu.memref_slice %arg8[%dma_wait3A_312, %dma_wait3A_313, %dma_wait3A_314] : memref<3x96x128xf32, #tpu.memory_space<vmem>> -> memref<1x96x128xf32, #tpu.memory_space<vmem>>
      %dma_wait3A_316 = tpu.memref_squeeze %dma_wait3A_315 : memref<1x96x128xf32, #tpu.memory_space<vmem>> -> memref<96x128xf32, #tpu.memory_space<vmem>>
      %dma_wait3A_317 = arith.constant 0 : i32
      %dma_wait3A_318 = arith.constant 0 : i32
      %dma_wait3A_319 = tpu.memref_slice %arg2[%dma_wait3A_317, %dma_wait3A_318] : memref<20224x128xf32, #tpu.memory_space<hbm>> -> memref<96x128xf32, #tpu.memory_space<hbm>>
      %dma_wait3A_320 = arith.constant 0 : i32
      %dma_wait3A_321 = arith.constant 0 : i32
      %dma_wait3A_322 = tpu.memref_slice %arg8[%dma_wait3A_312, %dma_wait3A_320, %dma_wait3A_321] : memref<3x96x128xf32, #tpu.memory_space<vmem>> -> memref<1x96x128xf32, #tpu.memory_space<vmem>>
      %dma_wait3A_323 = tpu.memref_squeeze %dma_wait3A_322 : memref<1x96x128xf32, #tpu.memory_space<vmem>> -> memref<96x128xf32, #tpu.memory_space<vmem>>
      %dma_wait3A_324 = arith.constant 0 : i32
      %dma_wait3A_325 = arith.constant 0 : i32
      %dma_wait3A_326 = tpu.memref_slice %arg2[%dma_wait3A_324, %dma_wait3A_325] : memref<20224x128xf32, #tpu.memory_space<hbm>> -> memref<96x128xf32, #tpu.memory_space<hbm>>
      tpu.wait_dma2 semaphore(%arg14 : memref<!tpu.dma_semaphore, #tpu.memory_space<semaphore_mem>>) src(%dma_wait3A_326 : memref<96x128xf32, #tpu.memory_space<hbm>>) dst(%dma_wait3A_323 : memref<96x128xf32, #tpu.memory_space<vmem>>)
      %dma_start3A_327 = arith.constant 6 : i32
      %dma_start3A_328 = arith.constant 0 : i32
      %dma_start3A_329 = arith.constant 0 : i32
      %dma_start3A_330 = arith.constant 0 : i32
      %dma_start3A_331 = tpu.memref_slice %arg8[%dma_start3A_328, %dma_start3A_329, %dma_start3A_330] : memref<3x96x128xf32, #tpu.memory_space<vmem>> -> memref<1x96x128xf32, #tpu.memory_space<vmem>>
      %dma_start3A_332 = tpu.memref_squeeze %dma_start3A_331 : memref<1x96x128xf32, #tpu.memory_space<vmem>> -> memref<96x128xf32, #tpu.memory_space<vmem>>
      %dma_start3A_333 = arith.constant 0 : i32
      %dma_start3A_334 = tpu.memref_slice %arg6[%select_n3A_74, %dma_start3A_327, %dma_start3A_333] : memref<2x24x96xi32, #tpu.memory_space<vmem>> -> memref<1x1x96xi32, #tpu.memory_space<vmem>>
      %dma_start3A_335 = tpu.memref_squeeze %dma_start3A_334 : memref<1x1x96xi32, #tpu.memory_space<vmem>> -> memref<96xi32, #tpu.memory_space<vmem>>
      %dma_start3A_336 = arith.constant 0 : i32
      %dma_start3A_337 = arith.constant 0 : i32
      %dma_start3A_338 = tpu.memref_slice %arg2[%dma_start3A_336, %dma_start3A_337] : memref<20224x128xf32, #tpu.memory_space<hbm>> -> memref<20224x128xf32, #tpu.memory_space<hbm>>
      tpu.enqueue_indirect_dma source(%dma_start3A_338 : memref<20224x128xf32, #tpu.memory_space<hbm>>) target(%dma_start3A_332 : memref<96x128xf32, #tpu.memory_space<vmem>>) offsets(%dma_start3A_335 : memref<96xi32, #tpu.memory_space<vmem>>) semaphore(%arg11 : memref<!tpu.dma_semaphore, #tpu.memory_space<semaphore_mem>>)
      %dma_wait3A_339 = arith.constant 2 : i32
      %dma_wait3A_340 = arith.constant 0 : i32
      %dma_wait3A_341 = arith.constant 0 : i32
      %dma_wait3A_342 = tpu.memref_slice %arg8[%dma_wait3A_339, %dma_wait3A_340, %dma_wait3A_341] : memref<3x96x128xf32, #tpu.memory_space<vmem>> -> memref<1x96x128xf32, #tpu.memory_space<vmem>>
      %dma_wait3A_343 = tpu.memref_squeeze %dma_wait3A_342 : memref<1x96x128xf32, #tpu.memory_space<vmem>> -> memref<96x128xf32, #tpu.memory_space<vmem>>
      %dma_wait3A_344 = arith.constant 0 : i32
      %dma_wait3A_345 = arith.constant 0 : i32
      %dma_wait3A_346 = tpu.memref_slice %arg2[%dma_wait3A_344, %dma_wait3A_345] : memref<20224x128xf32, #tpu.memory_space<hbm>> -> memref<96x128xf32, #tpu.memory_space<hbm>>
      %dma_wait3A_347 = arith.constant 0 : i32
      %dma_wait3A_348 = arith.constant 0 : i32
      %dma_wait3A_349 = tpu.memref_slice %arg8[%dma_wait3A_339, %dma_wait3A_347, %dma_wait3A_348] : memref<3x96x128xf32, #tpu.memory_space<vmem>> -> memref<1x96x128xf32, #tpu.memory_space<vmem>>
      %dma_wait3A_350 = tpu.memref_squeeze %dma_wait3A_349 : memref<1x96x128xf32, #tpu.memory_space<vmem>> -> memref<96x128xf32, #tpu.memory_space<vmem>>
      %dma_wait3A_351 = arith.constant 0 : i32
      %dma_wait3A_352 = arith.constant 0 : i32
      %dma_wait3A_353 = tpu.memref_slice %arg2[%dma_wait3A_351, %dma_wait3A_352] : memref<20224x128xf32, #tpu.memory_space<hbm>> -> memref<96x128xf32, #tpu.memory_space<hbm>>
      tpu.wait_dma2 semaphore(%arg13 : memref<!tpu.dma_semaphore, #tpu.memory_space<semaphore_mem>>) src(%dma_wait3A_353 : memref<96x128xf32, #tpu.memory_space<hbm>>) dst(%dma_wait3A_350 : memref<96x128xf32, #tpu.memory_space<vmem>>)
      %dma_start3A_354 = arith.constant 2 : i32
      %dma_start3A_355 = arith.constant 5 : i32
      %dma_start3A_356 = arith.constant 0 : i32
      %dma_start3A_357 = arith.constant 0 : i32
      %dma_start3A_358 = tpu.memref_slice %arg8[%dma_start3A_354, %dma_start3A_356, %dma_start3A_357] : memref<3x96x128xf32, #tpu.memory_space<vmem>> -> memref<1x96x128xf32, #tpu.memory_space<vmem>>
      %dma_start3A_359 = tpu.memref_squeeze %dma_start3A_358 : memref<1x96x128xf32, #tpu.memory_space<vmem>> -> memref<96x128xf32, #tpu.memory_space<vmem>>
      %dma_start3A_360 = arith.constant 0 : i32
      %dma_start3A_361 = tpu.memref_slice %arg7[%select_n3A_74, %dma_start3A_355, %dma_start3A_360] : memref<2x24x96xi32, #tpu.memory_space<vmem>> -> memref<1x1x96xi32, #tpu.memory_space<vmem>>
      %dma_start3A_362 = tpu.memref_squeeze %dma_start3A_361 : memref<1x1x96xi32, #tpu.memory_space<vmem>> -> memref<96xi32, #tpu.memory_space<vmem>>
      %dma_start3A_363 = arith.constant 0 : i32
      %dma_start3A_364 = arith.constant 0 : i32
      %dma_start3A_365 = tpu.memref_slice %arg9[%dma_start3A_363, %dma_start3A_364] : memref<10112x128xf32, #tpu.memory_space<vmem_shared>> -> memref<10112x128xf32, #tpu.memory_space<vmem_shared>>
      tpu.enqueue_indirect_dma source(%dma_start3A_359 : memref<96x128xf32, #tpu.memory_space<vmem>>) target(%dma_start3A_365 : memref<10112x128xf32, #tpu.memory_space<vmem_shared>>) offsets(%dma_start3A_362 : memref<96xi32, #tpu.memory_space<vmem>>) semaphore(%arg16 : memref<!tpu.dma_semaphore, #tpu.memory_space<semaphore_mem>>) {add = true}
      %dma_wait3A_366 = arith.constant 1 : i32
      %dma_wait3A_367 = arith.constant 0 : i32
      %dma_wait3A_368 = arith.constant 0 : i32
      %dma_wait3A_369 = tpu.memref_slice %arg8[%dma_wait3A_366, %dma_wait3A_367, %dma_wait3A_368] : memref<3x96x128xf32, #tpu.memory_space<vmem>> -> memref<1x96x128xf32, #tpu.memory_space<vmem>>
      %dma_wait3A_370 = tpu.memref_squeeze %dma_wait3A_369 : memref<1x96x128xf32, #tpu.memory_space<vmem>> -> memref<96x128xf32, #tpu.memory_space<vmem>>
      %dma_wait3A_371 = arith.constant 0 : i32
      %dma_wait3A_372 = arith.constant 0 : i32
      %dma_wait3A_373 = tpu.memref_slice %arg2[%dma_wait3A_371, %dma_wait3A_372] : memref<20224x128xf32, #tpu.memory_space<hbm>> -> memref<96x128xf32, #tpu.memory_space<hbm>>
      %dma_wait3A_374 = arith.constant 0 : i32
      %dma_wait3A_375 = arith.constant 0 : i32
      %dma_wait3A_376 = tpu.memref_slice %arg8[%dma_wait3A_366, %dma_wait3A_374, %dma_wait3A_375] : memref<3x96x128xf32, #tpu.memory_space<vmem>> -> memref<1x96x128xf32, #tpu.memory_space<vmem>>
      %dma_wait3A_377 = tpu.memref_squeeze %dma_wait3A_376 : memref<1x96x128xf32, #tpu.memory_space<vmem>> -> memref<96x128xf32, #tpu.memory_space<vmem>>
      %dma_wait3A_378 = arith.constant 0 : i32
      %dma_wait3A_379 = arith.constant 0 : i32
      %dma_wait3A_380 = tpu.memref_slice %arg2[%dma_wait3A_378, %dma_wait3A_379] : memref<20224x128xf32, #tpu.memory_space<hbm>> -> memref<96x128xf32, #tpu.memory_space<hbm>>
      tpu.wait_dma2 semaphore(%arg15 : memref<!tpu.dma_semaphore, #tpu.memory_space<semaphore_mem>>) src(%dma_wait3A_380 : memref<96x128xf32, #tpu.memory_space<hbm>>) dst(%dma_wait3A_377 : memref<96x128xf32, #tpu.memory_space<vmem>>)
      %dma_start3A_381 = arith.constant 7 : i32
      %dma_start3A_382 = arith.constant 1 : i32
      %dma_start3A_383 = arith.constant 0 : i32
      %dma_start3A_384 = arith.constant 0 : i32
      %dma_start3A_385 = tpu.memref_slice %arg8[%dma_start3A_382, %dma_start3A_383, %dma_start3A_384] : memref<3x96x128xf32, #tpu.memory_space<vmem>> -> memref<1x96x128xf32, #tpu.memory_space<vmem>>
      %dma_start3A_386 = tpu.memref_squeeze %dma_start3A_385 : memref<1x96x128xf32, #tpu.memory_space<vmem>> -> memref<96x128xf32, #tpu.memory_space<vmem>>
      %dma_start3A_387 = arith.constant 0 : i32
      %dma_start3A_388 = tpu.memref_slice %arg6[%select_n3A_74, %dma_start3A_381, %dma_start3A_387] : memref<2x24x96xi32, #tpu.memory_space<vmem>> -> memref<1x1x96xi32, #tpu.memory_space<vmem>>
      %dma_start3A_389 = tpu.memref_squeeze %dma_start3A_388 : memref<1x1x96xi32, #tpu.memory_space<vmem>> -> memref<96xi32, #tpu.memory_space<vmem>>
      %dma_start3A_390 = arith.constant 0 : i32
      %dma_start3A_391 = arith.constant 0 : i32
      %dma_start3A_392 = tpu.memref_slice %arg2[%dma_start3A_390, %dma_start3A_391] : memref<20224x128xf32, #tpu.memory_space<hbm>> -> memref<20224x128xf32, #tpu.memory_space<hbm>>
      tpu.enqueue_indirect_dma source(%dma_start3A_392 : memref<20224x128xf32, #tpu.memory_space<hbm>>) target(%dma_start3A_386 : memref<96x128xf32, #tpu.memory_space<vmem>>) offsets(%dma_start3A_389 : memref<96xi32, #tpu.memory_space<vmem>>) semaphore(%arg12 : memref<!tpu.dma_semaphore, #tpu.memory_space<semaphore_mem>>)
      %dma_wait3A_393 = arith.constant 0 : i32
      %dma_wait3A_394 = arith.constant 0 : i32
      %dma_wait3A_395 = arith.constant 0 : i32
      %dma_wait3A_396 = tpu.memref_slice %arg8[%dma_wait3A_393, %dma_wait3A_394, %dma_wait3A_395] : memref<3x96x128xf32, #tpu.memory_space<vmem>> -> memref<1x96x128xf32, #tpu.memory_space<vmem>>
      %dma_wait3A_397 = tpu.memref_squeeze %dma_wait3A_396 : memref<1x96x128xf32, #tpu.memory_space<vmem>> -> memref<96x128xf32, #tpu.memory_space<vmem>>
      %dma_wait3A_398 = arith.constant 0 : i32
      %dma_wait3A_399 = arith.constant 0 : i32
      %dma_wait3A_400 = tpu.memref_slice %arg2[%dma_wait3A_398, %dma_wait3A_399] : memref<20224x128xf32, #tpu.memory_space<hbm>> -> memref<96x128xf32, #tpu.memory_space<hbm>>
      %dma_wait3A_401 = arith.constant 0 : i32
      %dma_wait3A_402 = arith.constant 0 : i32
      %dma_wait3A_403 = tpu.memref_slice %arg8[%dma_wait3A_393, %dma_wait3A_401, %dma_wait3A_402] : memref<3x96x128xf32, #tpu.memory_space<vmem>> -> memref<1x96x128xf32, #tpu.memory_space<vmem>>
      %dma_wait3A_404 = tpu.memref_squeeze %dma_wait3A_403 : memref<1x96x128xf32, #tpu.memory_space<vmem>> -> memref<96x128xf32, #tpu.memory_space<vmem>>
      %dma_wait3A_405 = arith.constant 0 : i32
      %dma_wait3A_406 = arith.constant 0 : i32
      %dma_wait3A_407 = tpu.memref_slice %arg2[%dma_wait3A_405, %dma_wait3A_406] : memref<20224x128xf32, #tpu.memory_space<hbm>> -> memref<96x128xf32, #tpu.memory_space<hbm>>
      tpu.wait_dma2 semaphore(%arg11 : memref<!tpu.dma_semaphore, #tpu.memory_space<semaphore_mem>>) src(%dma_wait3A_407 : memref<96x128xf32, #tpu.memory_space<hbm>>) dst(%dma_wait3A_404 : memref<96x128xf32, #tpu.memory_space<vmem>>)
      %dma_start3A_408 = arith.constant 0 : i32
      %dma_start3A_409 = arith.constant 6 : i32
      %dma_start3A_410 = arith.constant 0 : i32
      %dma_start3A_411 = arith.constant 0 : i32
      %dma_start3A_412 = tpu.memref_slice %arg8[%dma_start3A_408, %dma_start3A_410, %dma_start3A_411] : memref<3x96x128xf32, #tpu.memory_space<vmem>> -> memref<1x96x128xf32, #tpu.memory_space<vmem>>
      %dma_start3A_413 = tpu.memref_squeeze %dma_start3A_412 : memref<1x96x128xf32, #tpu.memory_space<vmem>> -> memref<96x128xf32, #tpu.memory_space<vmem>>
      %dma_start3A_414 = arith.constant 0 : i32
      %dma_start3A_415 = tpu.memref_slice %arg7[%select_n3A_74, %dma_start3A_409, %dma_start3A_414] : memref<2x24x96xi32, #tpu.memory_space<vmem>> -> memref<1x1x96xi32, #tpu.memory_space<vmem>>
      %dma_start3A_416 = tpu.memref_squeeze %dma_start3A_415 : memref<1x1x96xi32, #tpu.memory_space<vmem>> -> memref<96xi32, #tpu.memory_space<vmem>>
      %dma_start3A_417 = arith.constant 0 : i32
      %dma_start3A_418 = arith.constant 0 : i32
      %dma_start3A_419 = tpu.memref_slice %arg9[%dma_start3A_417, %dma_start3A_418] : memref<10112x128xf32, #tpu.memory_space<vmem_shared>> -> memref<10112x128xf32, #tpu.memory_space<vmem_shared>>
      tpu.enqueue_indirect_dma source(%dma_start3A_413 : memref<96x128xf32, #tpu.memory_space<vmem>>) target(%dma_start3A_419 : memref<10112x128xf32, #tpu.memory_space<vmem_shared>>) offsets(%dma_start3A_416 : memref<96xi32, #tpu.memory_space<vmem>>) semaphore(%arg14 : memref<!tpu.dma_semaphore, #tpu.memory_space<semaphore_mem>>) {add = true}
      %dma_wait3A_420 = arith.constant 2 : i32
      %dma_wait3A_421 = arith.constant 0 : i32
      %dma_wait3A_422 = arith.constant 0 : i32
      %dma_wait3A_423 = tpu.memref_slice %arg8[%dma_wait3A_420, %dma_wait3A_421, %dma_wait3A_422] : memref<3x96x128xf32, #tpu.memory_space<vmem>> -> memref<1x96x128xf32, #tpu.memory_space<vmem>>
      %dma_wait3A_424 = tpu.memref_squeeze %dma_wait3A_423 : memref<1x96x128xf32, #tpu.memory_space<vmem>> -> memref<96x128xf32, #tpu.memory_space<vmem>>
      %dma_wait3A_425 = arith.constant 0 : i32
      %dma_wait3A_426 = arith.constant 0 : i32
      %dma_wait3A_427 = tpu.memref_slice %arg2[%dma_wait3A_425, %dma_wait3A_426] : memref<20224x128xf32, #tpu.memory_space<hbm>> -> memref<96x128xf32, #tpu.memory_space<hbm>>
      %dma_wait3A_428 = arith.constant 0 : i32
      %dma_wait3A_429 = arith.constant 0 : i32
      %dma_wait3A_430 = tpu.memref_slice %arg8[%dma_wait3A_420, %dma_wait3A_428, %dma_wait3A_429] : memref<3x96x128xf32, #tpu.memory_space<vmem>> -> memref<1x96x128xf32, #tpu.memory_space<vmem>>
      %dma_wait3A_431 = tpu.memref_squeeze %dma_wait3A_430 : memref<1x96x128xf32, #tpu.memory_space<vmem>> -> memref<96x128xf32, #tpu.memory_space<vmem>>
      %dma_wait3A_432 = arith.constant 0 : i32
      %dma_wait3A_433 = arith.constant 0 : i32
      %dma_wait3A_434 = tpu.memref_slice %arg2[%dma_wait3A_432, %dma_wait3A_433] : memref<20224x128xf32, #tpu.memory_space<hbm>> -> memref<96x128xf32, #tpu.memory_space<hbm>>
      tpu.wait_dma2 semaphore(%arg16 : memref<!tpu.dma_semaphore, #tpu.memory_space<semaphore_mem>>) src(%dma_wait3A_434 : memref<96x128xf32, #tpu.memory_space<hbm>>) dst(%dma_wait3A_431 : memref<96x128xf32, #tpu.memory_space<vmem>>)
      %dma_start3A_435 = arith.constant 8 : i32
      %dma_start3A_436 = arith.constant 2 : i32
      %dma_start3A_437 = arith.constant 0 : i32
      %dma_start3A_438 = arith.constant 0 : i32
      %dma_start3A_439 = tpu.memref_slice %arg8[%dma_start3A_436, %dma_start3A_437, %dma_start3A_438] : memref<3x96x128xf32, #tpu.memory_space<vmem>> -> memref<1x96x128xf32, #tpu.memory_space<vmem>>
      %dma_start3A_440 = tpu.memref_squeeze %dma_start3A_439 : memref<1x96x128xf32, #tpu.memory_space<vmem>> -> memref<96x128xf32, #tpu.memory_space<vmem>>
      %dma_start3A_441 = arith.constant 0 : i32
      %dma_start3A_442 = tpu.memref_slice %arg6[%select_n3A_74, %dma_start3A_435, %dma_start3A_441] : memref<2x24x96xi32, #tpu.memory_space<vmem>> -> memref<1x1x96xi32, #tpu.memory_space<vmem>>
      %dma_start3A_443 = tpu.memref_squeeze %dma_start3A_442 : memref<1x1x96xi32, #tpu.memory_space<vmem>> -> memref<96xi32, #tpu.memory_space<vmem>>
      %dma_start3A_444 = arith.constant 0 : i32
      %dma_start3A_445 = arith.constant 0 : i32
      %dma_start3A_446 = tpu.memref_slice %arg2[%dma_start3A_444, %dma_start3A_445] : memref<20224x128xf32, #tpu.memory_space<hbm>> -> memref<20224x128xf32, #tpu.memory_space<hbm>>
      tpu.enqueue_indirect_dma source(%dma_start3A_446 : memref<20224x128xf32, #tpu.memory_space<hbm>>) target(%dma_start3A_440 : memref<96x128xf32, #tpu.memory_space<vmem>>) offsets(%dma_start3A_443 : memref<96xi32, #tpu.memory_space<vmem>>) semaphore(%arg13 : memref<!tpu.dma_semaphore, #tpu.memory_space<semaphore_mem>>)
      %dma_wait3A_447 = arith.constant 1 : i32
      %dma_wait3A_448 = arith.constant 0 : i32
      %dma_wait3A_449 = arith.constant 0 : i32
      %dma_wait3A_450 = tpu.memref_slice %arg8[%dma_wait3A_447, %dma_wait3A_448, %dma_wait3A_449] : memref<3x96x128xf32, #tpu.memory_space<vmem>> -> memref<1x96x128xf32, #tpu.memory_space<vmem>>
      %dma_wait3A_451 = tpu.memref_squeeze %dma_wait3A_450 : memref<1x96x128xf32, #tpu.memory_space<vmem>> -> memref<96x128xf32, #tpu.memory_space<vmem>>
      %dma_wait3A_452 = arith.constant 0 : i32
      %dma_wait3A_453 = arith.constant 0 : i32
      %dma_wait3A_454 = tpu.memref_slice %arg2[%dma_wait3A_452, %dma_wait3A_453] : memref<20224x128xf32, #tpu.memory_space<hbm>> -> memref<96x128xf32, #tpu.memory_space<hbm>>
      %dma_wait3A_455 = arith.constant 0 : i32
      %dma_wait3A_456 = arith.constant 0 : i32
      %dma_wait3A_457 = tpu.memref_slice %arg8[%dma_wait3A_447, %dma_wait3A_455, %dma_wait3A_456] : memref<3x96x128xf32, #tpu.memory_space<vmem>> -> memref<1x96x128xf32, #tpu.memory_space<vmem>>
      %dma_wait3A_458 = tpu.memref_squeeze %dma_wait3A_457 : memref<1x96x128xf32, #tpu.memory_space<vmem>> -> memref<96x128xf32, #tpu.memory_space<vmem>>
      %dma_wait3A_459 = arith.constant 0 : i32
      %dma_wait3A_460 = arith.constant 0 : i32
      %dma_wait3A_461 = tpu.memref_slice %arg2[%dma_wait3A_459, %dma_wait3A_460] : memref<20224x128xf32, #tpu.memory_space<hbm>> -> memref<96x128xf32, #tpu.memory_space<hbm>>
      tpu.wait_dma2 semaphore(%arg12 : memref<!tpu.dma_semaphore, #tpu.memory_space<semaphore_mem>>) src(%dma_wait3A_461 : memref<96x128xf32, #tpu.memory_space<hbm>>) dst(%dma_wait3A_458 : memref<96x128xf32, #tpu.memory_space<vmem>>)
      %dma_start3A_462 = arith.constant 1 : i32
      %dma_start3A_463 = arith.constant 7 : i32
      %dma_start3A_464 = arith.constant 0 : i32
      %dma_start3A_465 = arith.constant 0 : i32
      %dma_start3A_466 = tpu.memref_slice %arg8[%dma_start3A_462, %dma_start3A_464, %dma_start3A_465] : memref<3x96x128xf32, #tpu.memory_space<vmem>> -> memref<1x96x128xf32, #tpu.memory_space<vmem>>
      %dma_start3A_467 = tpu.memref_squeeze %dma_start3A_466 : memref<1x96x128xf32, #tpu.memory_space<vmem>> -> memref<96x128xf32, #tpu.memory_space<vmem>>
      %dma_start3A_468 = arith.constant 0 : i32
      %dma_start3A_469 = tpu.memref_slice %arg7[%select_n3A_74, %dma_start3A_463, %dma_start3A_468] : memref<2x24x96xi32, #tpu.memory_space<vmem>> -> memref<1x1x96xi32, #tpu.memory_space<vmem>>
      %dma_start3A_470 = tpu.memref_squeeze %dma_start3A_469 : memref<1x1x96xi32, #tpu.memory_space<vmem>> -> memref<96xi32, #tpu.memory_space<vmem>>
      %dma_start3A_471 = arith.constant 0 : i32
      %dma_start3A_472 = arith.constant 0 : i32
      %dma_start3A_473 = tpu.memref_slice %arg9[%dma_start3A_471, %dma_start3A_472] : memref<10112x128xf32, #tpu.memory_space<vmem_shared>> -> memref<10112x128xf32, #tpu.memory_space<vmem_shared>>
      tpu.enqueue_indirect_dma source(%dma_start3A_467 : memref<96x128xf32, #tpu.memory_space<vmem>>) target(%dma_start3A_473 : memref<10112x128xf32, #tpu.memory_space<vmem_shared>>) offsets(%dma_start3A_470 : memref<96xi32, #tpu.memory_space<vmem>>) semaphore(%arg15 : memref<!tpu.dma_semaphore, #tpu.memory_space<semaphore_mem>>) {add = true}
      %dma_wait3A_474 = arith.constant 0 : i32
      %dma_wait3A_475 = arith.constant 0 : i32
      %dma_wait3A_476 = arith.constant 0 : i32
      %dma_wait3A_477 = tpu.memref_slice %arg8[%dma_wait3A_474, %dma_wait3A_475, %dma_wait3A_476] : memref<3x96x128xf32, #tpu.memory_space<vmem>> -> memref<1x96x128xf32, #tpu.memory_space<vmem>>
      %dma_wait3A_478 = tpu.memref_squeeze %dma_wait3A_477 : memref<1x96x128xf32, #tpu.memory_space<vmem>> -> memref<96x128xf32, #tpu.memory_space<vmem>>
      %dma_wait3A_479 = arith.constant 0 : i32
      %dma_wait3A_480 = arith.constant 0 : i32
      %dma_wait3A_481 = tpu.memref_slice %arg2[%dma_wait3A_479, %dma_wait3A_480] : memref<20224x128xf32, #tpu.memory_space<hbm>> -> memref<96x128xf32, #tpu.memory_space<hbm>>
      %dma_wait3A_482 = arith.constant 0 : i32
      %dma_wait3A_483 = arith.constant 0 : i32
      %dma_wait3A_484 = tpu.memref_slice %arg8[%dma_wait3A_474, %dma_wait3A_482, %dma_wait3A_483] : memref<3x96x128xf32, #tpu.memory_space<vmem>> -> memref<1x96x128xf32, #tpu.memory_space<vmem>>
      %dma_wait3A_485 = tpu.memref_squeeze %dma_wait3A_484 : memref<1x96x128xf32, #tpu.memory_space<vmem>> -> memref<96x128xf32, #tpu.memory_space<vmem>>
      %dma_wait3A_486 = arith.constant 0 : i32
      %dma_wait3A_487 = arith.constant 0 : i32
      %dma_wait3A_488 = tpu.memref_slice %arg2[%dma_wait3A_486, %dma_wait3A_487] : memref<20224x128xf32, #tpu.memory_space<hbm>> -> memref<96x128xf32, #tpu.memory_space<hbm>>
      tpu.wait_dma2 semaphore(%arg14 : memref<!tpu.dma_semaphore, #tpu.memory_space<semaphore_mem>>) src(%dma_wait3A_488 : memref<96x128xf32, #tpu.memory_space<hbm>>) dst(%dma_wait3A_485 : memref<96x128xf32, #tpu.memory_space<vmem>>)
      %dma_start3A_489 = arith.constant 9 : i32
      %dma_start3A_490 = arith.constant 0 : i32
      %dma_start3A_491 = arith.constant 0 : i32
      %dma_start3A_492 = arith.constant 0 : i32
      %dma_start3A_493 = tpu.memref_slice %arg8[%dma_start3A_490, %dma_start3A_491, %dma_start3A_492] : memref<3x96x128xf32, #tpu.memory_space<vmem>> -> memref<1x96x128xf32, #tpu.memory_space<vmem>>
      %dma_start3A_494 = tpu.memref_squeeze %dma_start3A_493 : memref<1x96x128xf32, #tpu.memory_space<vmem>> -> memref<96x128xf32, #tpu.memory_space<vmem>>
      %dma_start3A_495 = arith.constant 0 : i32
      %dma_start3A_496 = tpu.memref_slice %arg6[%select_n3A_74, %dma_start3A_489, %dma_start3A_495] : memref<2x24x96xi32, #tpu.memory_space<vmem>> -> memref<1x1x96xi32, #tpu.memory_space<vmem>>
      %dma_start3A_497 = tpu.memref_squeeze %dma_start3A_496 : memref<1x1x96xi32, #tpu.memory_space<vmem>> -> memref<96xi32, #tpu.memory_space<vmem>>
      %dma_start3A_498 = arith.constant 0 : i32
      %dma_start3A_499 = arith.constant 0 : i32
      %dma_start3A_500 = tpu.memref_slice %arg2[%dma_start3A_498, %dma_start3A_499] : memref<20224x128xf32, #tpu.memory_space<hbm>> -> memref<20224x128xf32, #tpu.memory_space<hbm>>
      tpu.enqueue_indirect_dma source(%dma_start3A_500 : memref<20224x128xf32, #tpu.memory_space<hbm>>) target(%dma_start3A_494 : memref<96x128xf32, #tpu.memory_space<vmem>>) offsets(%dma_start3A_497 : memref<96xi32, #tpu.memory_space<vmem>>) semaphore(%arg11 : memref<!tpu.dma_semaphore, #tpu.memory_space<semaphore_mem>>)
      %dma_wait3A_501 = arith.constant 2 : i32
      %dma_wait3A_502 = arith.constant 0 : i32
      %dma_wait3A_503 = arith.constant 0 : i32
      %dma_wait3A_504 = tpu.memref_slice %arg8[%dma_wait3A_501, %dma_wait3A_502, %dma_wait3A_503] : memref<3x96x128xf32, #tpu.memory_space<vmem>> -> memref<1x96x128xf32, #tpu.memory_space<vmem>>
      %dma_wait3A_505 = tpu.memref_squeeze %dma_wait3A_504 : memref<1x96x128xf32, #tpu.memory_space<vmem>> -> memref<96x128xf32, #tpu.memory_space<vmem>>
      %dma_wait3A_506 = arith.constant 0 : i32
      %dma_wait3A_507 = arith.constant 0 : i32
      %dma_wait3A_508 = tpu.memref_slice %arg2[%dma_wait3A_506, %dma_wait3A_507] : memref<20224x128xf32, #tpu.memory_space<hbm>> -> memref<96x128xf32, #tpu.memory_space<hbm>>
      %dma_wait3A_509 = arith.constant 0 : i32
      %dma_wait3A_510 = arith.constant 0 : i32
      %dma_wait3A_511 = tpu.memref_slice %arg8[%dma_wait3A_501, %dma_wait3A_509, %dma_wait3A_510] : memref<3x96x128xf32, #tpu.memory_space<vmem>> -> memref<1x96x128xf32, #tpu.memory_space<vmem>>
      %dma_wait3A_512 = tpu.memref_squeeze %dma_wait3A_511 : memref<1x96x128xf32, #tpu.memory_space<vmem>> -> memref<96x128xf32, #tpu.memory_space<vmem>>
      %dma_wait3A_513 = arith.constant 0 : i32
      %dma_wait3A_514 = arith.constant 0 : i32
      %dma_wait3A_515 = tpu.memref_slice %arg2[%dma_wait3A_513, %dma_wait3A_514] : memref<20224x128xf32, #tpu.memory_space<hbm>> -> memref<96x128xf32, #tpu.memory_space<hbm>>
      tpu.wait_dma2 semaphore(%arg13 : memref<!tpu.dma_semaphore, #tpu.memory_space<semaphore_mem>>) src(%dma_wait3A_515 : memref<96x128xf32, #tpu.memory_space<hbm>>) dst(%dma_wait3A_512 : memref<96x128xf32, #tpu.memory_space<vmem>>)
      %dma_start3A_516 = arith.constant 2 : i32
      %dma_start3A_517 = arith.constant 8 : i32
      %dma_start3A_518 = arith.constant 0 : i32
      %dma_start3A_519 = arith.constant 0 : i32
      %dma_start3A_520 = tpu.memref_slice %arg8[%dma_start3A_516, %dma_start3A_518, %dma_start3A_519] : memref<3x96x128xf32, #tpu.memory_space<vmem>> -> memref<1x96x128xf32, #tpu.memory_space<vmem>>
      %dma_start3A_521 = tpu.memref_squeeze %dma_start3A_520 : memref<1x96x128xf32, #tpu.memory_space<vmem>> -> memref<96x128xf32, #tpu.memory_space<vmem>>
      %dma_start3A_522 = arith.constant 0 : i32
      %dma_start3A_523 = tpu.memref_slice %arg7[%select_n3A_74, %dma_start3A_517, %dma_start3A_522] : memref<2x24x96xi32, #tpu.memory_space<vmem>> -> memref<1x1x96xi32, #tpu.memory_space<vmem>>
      %dma_start3A_524 = tpu.memref_squeeze %dma_start3A_523 : memref<1x1x96xi32, #tpu.memory_space<vmem>> -> memref<96xi32, #tpu.memory_space<vmem>>
      %dma_start3A_525 = arith.constant 0 : i32
      %dma_start3A_526 = arith.constant 0 : i32
      %dma_start3A_527 = tpu.memref_slice %arg9[%dma_start3A_525, %dma_start3A_526] : memref<10112x128xf32, #tpu.memory_space<vmem_shared>> -> memref<10112x128xf32, #tpu.memory_space<vmem_shared>>
      tpu.enqueue_indirect_dma source(%dma_start3A_521 : memref<96x128xf32, #tpu.memory_space<vmem>>) target(%dma_start3A_527 : memref<10112x128xf32, #tpu.memory_space<vmem_shared>>) offsets(%dma_start3A_524 : memref<96xi32, #tpu.memory_space<vmem>>) semaphore(%arg16 : memref<!tpu.dma_semaphore, #tpu.memory_space<semaphore_mem>>) {add = true}
      %dma_wait3A_528 = arith.constant 1 : i32
      %dma_wait3A_529 = arith.constant 0 : i32
      %dma_wait3A_530 = arith.constant 0 : i32
      %dma_wait3A_531 = tpu.memref_slice %arg8[%dma_wait3A_528, %dma_wait3A_529, %dma_wait3A_530] : memref<3x96x128xf32, #tpu.memory_space<vmem>> -> memref<1x96x128xf32, #tpu.memory_space<vmem>>
      %dma_wait3A_532 = tpu.memref_squeeze %dma_wait3A_531 : memref<1x96x128xf32, #tpu.memory_space<vmem>> -> memref<96x128xf32, #tpu.memory_space<vmem>>
      %dma_wait3A_533 = arith.constant 0 : i32
      %dma_wait3A_534 = arith.constant 0 : i32
      %dma_wait3A_535 = tpu.memref_slice %arg2[%dma_wait3A_533, %dma_wait3A_534] : memref<20224x128xf32, #tpu.memory_space<hbm>> -> memref<96x128xf32, #tpu.memory_space<hbm>>
      %dma_wait3A_536 = arith.constant 0 : i32
      %dma_wait3A_537 = arith.constant 0 : i32
      %dma_wait3A_538 = tpu.memref_slice %arg8[%dma_wait3A_528, %dma_wait3A_536, %dma_wait3A_537] : memref<3x96x128xf32, #tpu.memory_space<vmem>> -> memref<1x96x128xf32, #tpu.memory_space<vmem>>
      %dma_wait3A_539 = tpu.memref_squeeze %dma_wait3A_538 : memref<1x96x128xf32, #tpu.memory_space<vmem>> -> memref<96x128xf32, #tpu.memory_space<vmem>>
      %dma_wait3A_540 = arith.constant 0 : i32
      %dma_wait3A_541 = arith.constant 0 : i32
      %dma_wait3A_542 = tpu.memref_slice %arg2[%dma_wait3A_540, %dma_wait3A_541] : memref<20224x128xf32, #tpu.memory_space<hbm>> -> memref<96x128xf32, #tpu.memory_space<hbm>>
      tpu.wait_dma2 semaphore(%arg15 : memref<!tpu.dma_semaphore, #tpu.memory_space<semaphore_mem>>) src(%dma_wait3A_542 : memref<96x128xf32, #tpu.memory_space<hbm>>) dst(%dma_wait3A_539 : memref<96x128xf32, #tpu.memory_space<vmem>>)
      %dma_start3A_543 = arith.constant 10 : i32
      %dma_start3A_544 = arith.constant 1 : i32
      %dma_start3A_545 = arith.constant 0 : i32
      %dma_start3A_546 = arith.constant 0 : i32
      %dma_start3A_547 = tpu.memref_slice %arg8[%dma_start3A_544, %dma_start3A_545, %dma_start3A_546] : memref<3x96x128xf32, #tpu.memory_space<vmem>> -> memref<1x96x128xf32, #tpu.memory_space<vmem>>
      %dma_start3A_548 = tpu.memref_squeeze %dma_start3A_547 : memref<1x96x128xf32, #tpu.memory_space<vmem>> -> memref<96x128xf32, #tpu.memory_space<vmem>>
      %dma_start3A_549 = arith.constant 0 : i32
      %dma_start3A_550 = tpu.memref_slice %arg6[%select_n3A_74, %dma_start3A_543, %dma_start3A_549] : memref<2x24x96xi32, #tpu.memory_space<vmem>> -> memref<1x1x96xi32, #tpu.memory_space<vmem>>
      %dma_start3A_551 = tpu.memref_squeeze %dma_start3A_550 : memref<1x1x96xi32, #tpu.memory_space<vmem>> -> memref<96xi32, #tpu.memory_space<vmem>>
      %dma_start3A_552 = arith.constant 0 : i32
      %dma_start3A_553 = arith.constant 0 : i32
      %dma_start3A_554 = tpu.memref_slice %arg2[%dma_start3A_552, %dma_start3A_553] : memref<20224x128xf32, #tpu.memory_space<hbm>> -> memref<20224x128xf32, #tpu.memory_space<hbm>>
      tpu.enqueue_indirect_dma source(%dma_start3A_554 : memref<20224x128xf32, #tpu.memory_space<hbm>>) target(%dma_start3A_548 : memref<96x128xf32, #tpu.memory_space<vmem>>) offsets(%dma_start3A_551 : memref<96xi32, #tpu.memory_space<vmem>>) semaphore(%arg12 : memref<!tpu.dma_semaphore, #tpu.memory_space<semaphore_mem>>)
      %dma_wait3A_555 = arith.constant 0 : i32
      %dma_wait3A_556 = arith.constant 0 : i32
      %dma_wait3A_557 = arith.constant 0 : i32
      %dma_wait3A_558 = tpu.memref_slice %arg8[%dma_wait3A_555, %dma_wait3A_556, %dma_wait3A_557] : memref<3x96x128xf32, #tpu.memory_space<vmem>> -> memref<1x96x128xf32, #tpu.memory_space<vmem>>
      %dma_wait3A_559 = tpu.memref_squeeze %dma_wait3A_558 : memref<1x96x128xf32, #tpu.memory_space<vmem>> -> memref<96x128xf32, #tpu.memory_space<vmem>>
      %dma_wait3A_560 = arith.constant 0 : i32
      %dma_wait3A_561 = arith.constant 0 : i32
      %dma_wait3A_562 = tpu.memref_slice %arg2[%dma_wait3A_560, %dma_wait3A_561] : memref<20224x128xf32, #tpu.memory_space<hbm>> -> memref<96x128xf32, #tpu.memory_space<hbm>>
      %dma_wait3A_563 = arith.constant 0 : i32
      %dma_wait3A_564 = arith.constant 0 : i32
      %dma_wait3A_565 = tpu.memref_slice %arg8[%dma_wait3A_555, %dma_wait3A_563, %dma_wait3A_564] : memref<3x96x128xf32, #tpu.memory_space<vmem>> -> memref<1x96x128xf32, #tpu.memory_space<vmem>>
      %dma_wait3A_566 = tpu.memref_squeeze %dma_wait3A_565 : memref<1x96x128xf32, #tpu.memory_space<vmem>> -> memref<96x128xf32, #tpu.memory_space<vmem>>
      %dma_wait3A_567 = arith.constant 0 : i32
      %dma_wait3A_568 = arith.constant 0 : i32
      %dma_wait3A_569 = tpu.memref_slice %arg2[%dma_wait3A_567, %dma_wait3A_568] : memref<20224x128xf32, #tpu.memory_space<hbm>> -> memref<96x128xf32, #tpu.memory_space<hbm>>
      tpu.wait_dma2 semaphore(%arg11 : memref<!tpu.dma_semaphore, #tpu.memory_space<semaphore_mem>>) src(%dma_wait3A_569 : memref<96x128xf32, #tpu.memory_space<hbm>>) dst(%dma_wait3A_566 : memref<96x128xf32, #tpu.memory_space<vmem>>)
      %dma_start3A_570 = arith.constant 0 : i32
      %dma_start3A_571 = arith.constant 9 : i32
      %dma_start3A_572 = arith.constant 0 : i32
      %dma_start3A_573 = arith.constant 0 : i32
      %dma_start3A_574 = tpu.memref_slice %arg8[%dma_start3A_570, %dma_start3A_572, %dma_start3A_573] : memref<3x96x128xf32, #tpu.memory_space<vmem>> -> memref<1x96x128xf32, #tpu.memory_space<vmem>>
      %dma_start3A_575 = tpu.memref_squeeze %dma_start3A_574 : memref<1x96x128xf32, #tpu.memory_space<vmem>> -> memref<96x128xf32, #tpu.memory_space<vmem>>
      %dma_start3A_576 = arith.constant 0 : i32
      %dma_start3A_577 = tpu.memref_slice %arg7[%select_n3A_74, %dma_start3A_571, %dma_start3A_576] : memref<2x24x96xi32, #tpu.memory_space<vmem>> -> memref<1x1x96xi32, #tpu.memory_space<vmem>>
      %dma_start3A_578 = tpu.memref_squeeze %dma_start3A_577 : memref<1x1x96xi32, #tpu.memory_space<vmem>> -> memref<96xi32, #tpu.memory_space<vmem>>
      %dma_start3A_579 = arith.constant 0 : i32
      %dma_start3A_580 = arith.constant 0 : i32
      %dma_start3A_581 = tpu.memref_slice %arg9[%dma_start3A_579, %dma_start3A_580] : memref<10112x128xf32, #tpu.memory_space<vmem_shared>> -> memref<10112x128xf32, #tpu.memory_space<vmem_shared>>
      tpu.enqueue_indirect_dma source(%dma_start3A_575 : memref<96x128xf32, #tpu.memory_space<vmem>>) target(%dma_start3A_581 : memref<10112x128xf32, #tpu.memory_space<vmem_shared>>) offsets(%dma_start3A_578 : memref<96xi32, #tpu.memory_space<vmem>>) semaphore(%arg14 : memref<!tpu.dma_semaphore, #tpu.memory_space<semaphore_mem>>) {add = true}
      %dma_wait3A_582 = arith.constant 2 : i32
      %dma_wait3A_583 = arith.constant 0 : i32
      %dma_wait3A_584 = arith.constant 0 : i32
      %dma_wait3A_585 = tpu.memref_slice %arg8[%dma_wait3A_582, %dma_wait3A_583, %dma_wait3A_584] : memref<3x96x128xf32, #tpu.memory_space<vmem>> -> memref<1x96x128xf32, #tpu.memory_space<vmem>>
      %dma_wait3A_586 = tpu.memref_squeeze %dma_wait3A_585 : memref<1x96x128xf32, #tpu.memory_space<vmem>> -> memref<96x128xf32, #tpu.memory_space<vmem>>
      %dma_wait3A_587 = arith.constant 0 : i32
      %dma_wait3A_588 = arith.constant 0 : i32
      %dma_wait3A_589 = tpu.memref_slice %arg2[%dma_wait3A_587, %dma_wait3A_588] : memref<20224x128xf32, #tpu.memory_space<hbm>> -> memref<96x128xf32, #tpu.memory_space<hbm>>
      %dma_wait3A_590 = arith.constant 0 : i32
      %dma_wait3A_591 = arith.constant 0 : i32
      %dma_wait3A_592 = tpu.memref_slice %arg8[%dma_wait3A_582, %dma_wait3A_590, %dma_wait3A_591] : memref<3x96x128xf32, #tpu.memory_space<vmem>> -> memref<1x96x128xf32, #tpu.memory_space<vmem>>
      %dma_wait3A_593 = tpu.memref_squeeze %dma_wait3A_592 : memref<1x96x128xf32, #tpu.memory_space<vmem>> -> memref<96x128xf32, #tpu.memory_space<vmem>>
      %dma_wait3A_594 = arith.constant 0 : i32
      %dma_wait3A_595 = arith.constant 0 : i32
      %dma_wait3A_596 = tpu.memref_slice %arg2[%dma_wait3A_594, %dma_wait3A_595] : memref<20224x128xf32, #tpu.memory_space<hbm>> -> memref<96x128xf32, #tpu.memory_space<hbm>>
      tpu.wait_dma2 semaphore(%arg16 : memref<!tpu.dma_semaphore, #tpu.memory_space<semaphore_mem>>) src(%dma_wait3A_596 : memref<96x128xf32, #tpu.memory_space<hbm>>) dst(%dma_wait3A_593 : memref<96x128xf32, #tpu.memory_space<vmem>>)
      %dma_start3A_597 = arith.constant 11 : i32
      %dma_start3A_598 = arith.constant 2 : i32
      %dma_start3A_599 = arith.constant 0 : i32
      %dma_start3A_600 = arith.constant 0 : i32
      %dma_start3A_601 = tpu.memref_slice %arg8[%dma_start3A_598, %dma_start3A_599, %dma_start3A_600] : memref<3x96x128xf32, #tpu.memory_space<vmem>> -> memref<1x96x128xf32, #tpu.memory_space<vmem>>
      %dma_start3A_602 = tpu.memref_squeeze %dma_start3A_601 : memref<1x96x128xf32, #tpu.memory_space<vmem>> -> memref<96x128xf32, #tpu.memory_space<vmem>>
      %dma_start3A_603 = arith.constant 0 : i32
      %dma_start3A_604 = tpu.memref_slice %arg6[%select_n3A_74, %dma_start3A_597, %dma_start3A_603] : memref<2x24x96xi32, #tpu.memory_space<vmem>> -> memref<1x1x96xi32, #tpu.memory_space<vmem>>
      %dma_start3A_605 = tpu.memref_squeeze %dma_start3A_604 : memref<1x1x96xi32, #tpu.memory_space<vmem>> -> memref<96xi32, #tpu.memory_space<vmem>>
      %dma_start3A_606 = arith.constant 0 : i32
      %dma_start3A_607 = arith.constant 0 : i32
      %dma_start3A_608 = tpu.memref_slice %arg2[%dma_start3A_606, %dma_start3A_607] : memref<20224x128xf32, #tpu.memory_space<hbm>> -> memref<20224x128xf32, #tpu.memory_space<hbm>>
      tpu.enqueue_indirect_dma source(%dma_start3A_608 : memref<20224x128xf32, #tpu.memory_space<hbm>>) target(%dma_start3A_602 : memref<96x128xf32, #tpu.memory_space<vmem>>) offsets(%dma_start3A_605 : memref<96xi32, #tpu.memory_space<vmem>>) semaphore(%arg13 : memref<!tpu.dma_semaphore, #tpu.memory_space<semaphore_mem>>)
      %dma_wait3A_609 = arith.constant 1 : i32
      %dma_wait3A_610 = arith.constant 0 : i32
      %dma_wait3A_611 = arith.constant 0 : i32
      %dma_wait3A_612 = tpu.memref_slice %arg8[%dma_wait3A_609, %dma_wait3A_610, %dma_wait3A_611] : memref<3x96x128xf32, #tpu.memory_space<vmem>> -> memref<1x96x128xf32, #tpu.memory_space<vmem>>
      %dma_wait3A_613 = tpu.memref_squeeze %dma_wait3A_612 : memref<1x96x128xf32, #tpu.memory_space<vmem>> -> memref<96x128xf32, #tpu.memory_space<vmem>>
      %dma_wait3A_614 = arith.constant 0 : i32
      %dma_wait3A_615 = arith.constant 0 : i32
      %dma_wait3A_616 = tpu.memref_slice %arg2[%dma_wait3A_614, %dma_wait3A_615] : memref<20224x128xf32, #tpu.memory_space<hbm>> -> memref<96x128xf32, #tpu.memory_space<hbm>>
      %dma_wait3A_617 = arith.constant 0 : i32
      %dma_wait3A_618 = arith.constant 0 : i32
      %dma_wait3A_619 = tpu.memref_slice %arg8[%dma_wait3A_609, %dma_wait3A_617, %dma_wait3A_618] : memref<3x96x128xf32, #tpu.memory_space<vmem>> -> memref<1x96x128xf32, #tpu.memory_space<vmem>>
      %dma_wait3A_620 = tpu.memref_squeeze %dma_wait3A_619 : memref<1x96x128xf32, #tpu.memory_space<vmem>> -> memref<96x128xf32, #tpu.memory_space<vmem>>
      %dma_wait3A_621 = arith.constant 0 : i32
      %dma_wait3A_622 = arith.constant 0 : i32
      %dma_wait3A_623 = tpu.memref_slice %arg2[%dma_wait3A_621, %dma_wait3A_622] : memref<20224x128xf32, #tpu.memory_space<hbm>> -> memref<96x128xf32, #tpu.memory_space<hbm>>
      tpu.wait_dma2 semaphore(%arg12 : memref<!tpu.dma_semaphore, #tpu.memory_space<semaphore_mem>>) src(%dma_wait3A_623 : memref<96x128xf32, #tpu.memory_space<hbm>>) dst(%dma_wait3A_620 : memref<96x128xf32, #tpu.memory_space<vmem>>)
      %dma_start3A_624 = arith.constant 1 : i32
      %dma_start3A_625 = arith.constant 10 : i32
      %dma_start3A_626 = arith.constant 0 : i32
      %dma_start3A_627 = arith.constant 0 : i32
      %dma_start3A_628 = tpu.memref_slice %arg8[%dma_start3A_624, %dma_start3A_626, %dma_start3A_627] : memref<3x96x128xf32, #tpu.memory_space<vmem>> -> memref<1x96x128xf32, #tpu.memory_space<vmem>>
      %dma_start3A_629 = tpu.memref_squeeze %dma_start3A_628 : memref<1x96x128xf32, #tpu.memory_space<vmem>> -> memref<96x128xf32, #tpu.memory_space<vmem>>
      %dma_start3A_630 = arith.constant 0 : i32
      %dma_start3A_631 = tpu.memref_slice %arg7[%select_n3A_74, %dma_start3A_625, %dma_start3A_630] : memref<2x24x96xi32, #tpu.memory_space<vmem>> -> memref<1x1x96xi32, #tpu.memory_space<vmem>>
      %dma_start3A_632 = tpu.memref_squeeze %dma_start3A_631 : memref<1x1x96xi32, #tpu.memory_space<vmem>> -> memref<96xi32, #tpu.memory_space<vmem>>
      %dma_start3A_633 = arith.constant 0 : i32
      %dma_start3A_634 = arith.constant 0 : i32
      %dma_start3A_635 = tpu.memref_slice %arg9[%dma_start3A_633, %dma_start3A_634] : memref<10112x128xf32, #tpu.memory_space<vmem_shared>> -> memref<10112x128xf32, #tpu.memory_space<vmem_shared>>
      tpu.enqueue_indirect_dma source(%dma_start3A_629 : memref<96x128xf32, #tpu.memory_space<vmem>>) target(%dma_start3A_635 : memref<10112x128xf32, #tpu.memory_space<vmem_shared>>) offsets(%dma_start3A_632 : memref<96xi32, #tpu.memory_space<vmem>>) semaphore(%arg15 : memref<!tpu.dma_semaphore, #tpu.memory_space<semaphore_mem>>) {add = true}
      %dma_wait3A_636 = arith.constant 0 : i32
      %dma_wait3A_637 = arith.constant 0 : i32
      %dma_wait3A_638 = arith.constant 0 : i32
      %dma_wait3A_639 = tpu.memref_slice %arg8[%dma_wait3A_636, %dma_wait3A_637, %dma_wait3A_638] : memref<3x96x128xf32, #tpu.memory_space<vmem>> -> memref<1x96x128xf32, #tpu.memory_space<vmem>>
      %dma_wait3A_640 = tpu.memref_squeeze %dma_wait3A_639 : memref<1x96x128xf32, #tpu.memory_space<vmem>> -> memref<96x128xf32, #tpu.memory_space<vmem>>
      %dma_wait3A_641 = arith.constant 0 : i32
      %dma_wait3A_642 = arith.constant 0 : i32
      %dma_wait3A_643 = tpu.memref_slice %arg2[%dma_wait3A_641, %dma_wait3A_642] : memref<20224x128xf32, #tpu.memory_space<hbm>> -> memref<96x128xf32, #tpu.memory_space<hbm>>
      %dma_wait3A_644 = arith.constant 0 : i32
      %dma_wait3A_645 = arith.constant 0 : i32
      %dma_wait3A_646 = tpu.memref_slice %arg8[%dma_wait3A_636, %dma_wait3A_644, %dma_wait3A_645] : memref<3x96x128xf32, #tpu.memory_space<vmem>> -> memref<1x96x128xf32, #tpu.memory_space<vmem>>
      %dma_wait3A_647 = tpu.memref_squeeze %dma_wait3A_646 : memref<1x96x128xf32, #tpu.memory_space<vmem>> -> memref<96x128xf32, #tpu.memory_space<vmem>>
      %dma_wait3A_648 = arith.constant 0 : i32
      %dma_wait3A_649 = arith.constant 0 : i32
      %dma_wait3A_650 = tpu.memref_slice %arg2[%dma_wait3A_648, %dma_wait3A_649] : memref<20224x128xf32, #tpu.memory_space<hbm>> -> memref<96x128xf32, #tpu.memory_space<hbm>>
      tpu.wait_dma2 semaphore(%arg14 : memref<!tpu.dma_semaphore, #tpu.memory_space<semaphore_mem>>) src(%dma_wait3A_650 : memref<96x128xf32, #tpu.memory_space<hbm>>) dst(%dma_wait3A_647 : memref<96x128xf32, #tpu.memory_space<vmem>>)
      %dma_start3A_651 = arith.constant 12 : i32
      %dma_start3A_652 = arith.constant 0 : i32
      %dma_start3A_653 = arith.constant 0 : i32
      %dma_start3A_654 = arith.constant 0 : i32
      %dma_start3A_655 = tpu.memref_slice %arg8[%dma_start3A_652, %dma_start3A_653, %dma_start3A_654] : memref<3x96x128xf32, #tpu.memory_space<vmem>> -> memref<1x96x128xf32, #tpu.memory_space<vmem>>
      %dma_start3A_656 = tpu.memref_squeeze %dma_start3A_655 : memref<1x96x128xf32, #tpu.memory_space<vmem>> -> memref<96x128xf32, #tpu.memory_space<vmem>>
      %dma_start3A_657 = arith.constant 0 : i32
      %dma_start3A_658 = tpu.memref_slice %arg6[%select_n3A_74, %dma_start3A_651, %dma_start3A_657] : memref<2x24x96xi32, #tpu.memory_space<vmem>> -> memref<1x1x96xi32, #tpu.memory_space<vmem>>
      %dma_start3A_659 = tpu.memref_squeeze %dma_start3A_658 : memref<1x1x96xi32, #tpu.memory_space<vmem>> -> memref<96xi32, #tpu.memory_space<vmem>>
      %dma_start3A_660 = arith.constant 0 : i32
      %dma_start3A_661 = arith.constant 0 : i32
      %dma_start3A_662 = tpu.memref_slice %arg2[%dma_start3A_660, %dma_start3A_661] : memref<20224x128xf32, #tpu.memory_space<hbm>> -> memref<20224x128xf32, #tpu.memory_space<hbm>>
      tpu.enqueue_indirect_dma source(%dma_start3A_662 : memref<20224x128xf32, #tpu.memory_space<hbm>>) target(%dma_start3A_656 : memref<96x128xf32, #tpu.memory_space<vmem>>) offsets(%dma_start3A_659 : memref<96xi32, #tpu.memory_space<vmem>>) semaphore(%arg11 : memref<!tpu.dma_semaphore, #tpu.memory_space<semaphore_mem>>)
      %dma_wait3A_663 = arith.constant 2 : i32
      %dma_wait3A_664 = arith.constant 0 : i32
      %dma_wait3A_665 = arith.constant 0 : i32
      %dma_wait3A_666 = tpu.memref_slice %arg8[%dma_wait3A_663, %dma_wait3A_664, %dma_wait3A_665] : memref<3x96x128xf32, #tpu.memory_space<vmem>> -> memref<1x96x128xf32, #tpu.memory_space<vmem>>
      %dma_wait3A_667 = tpu.memref_squeeze %dma_wait3A_666 : memref<1x96x128xf32, #tpu.memory_space<vmem>> -> memref<96x128xf32, #tpu.memory_space<vmem>>
      %dma_wait3A_668 = arith.constant 0 : i32
      %dma_wait3A_669 = arith.constant 0 : i32
      %dma_wait3A_670 = tpu.memref_slice %arg2[%dma_wait3A_668, %dma_wait3A_669] : memref<20224x128xf32, #tpu.memory_space<hbm>> -> memref<96x128xf32, #tpu.memory_space<hbm>>
      %dma_wait3A_671 = arith.constant 0 : i32
      %dma_wait3A_672 = arith.constant 0 : i32
      %dma_wait3A_673 = tpu.memref_slice %arg8[%dma_wait3A_663, %dma_wait3A_671, %dma_wait3A_672] : memref<3x96x128xf32, #tpu.memory_space<vmem>> -> memref<1x96x128xf32, #tpu.memory_space<vmem>>
      %dma_wait3A_674 = tpu.memref_squeeze %dma_wait3A_673 : memref<1x96x128xf32, #tpu.memory_space<vmem>> -> memref<96x128xf32, #tpu.memory_space<vmem>>
      %dma_wait3A_675 = arith.constant 0 : i32
      %dma_wait3A_676 = arith.constant 0 : i32
      %dma_wait3A_677 = tpu.memref_slice %arg2[%dma_wait3A_675, %dma_wait3A_676] : memref<20224x128xf32, #tpu.memory_space<hbm>> -> memref<96x128xf32, #tpu.memory_space<hbm>>
      tpu.wait_dma2 semaphore(%arg13 : memref<!tpu.dma_semaphore, #tpu.memory_space<semaphore_mem>>) src(%dma_wait3A_677 : memref<96x128xf32, #tpu.memory_space<hbm>>) dst(%dma_wait3A_674 : memref<96x128xf32, #tpu.memory_space<vmem>>)
      %dma_start3A_678 = arith.constant 2 : i32
      %dma_start3A_679 = arith.constant 11 : i32
      %dma_start3A_680 = arith.constant 0 : i32
      %dma_start3A_681 = arith.constant 0 : i32
      %dma_start3A_682 = tpu.memref_slice %arg8[%dma_start3A_678, %dma_start3A_680, %dma_start3A_681] : memref<3x96x128xf32, #tpu.memory_space<vmem>> -> memref<1x96x128xf32, #tpu.memory_space<vmem>>
      %dma_start3A_683 = tpu.memref_squeeze %dma_start3A_682 : memref<1x96x128xf32, #tpu.memory_space<vmem>> -> memref<96x128xf32, #tpu.memory_space<vmem>>
      %dma_start3A_684 = arith.constant 0 : i32
      %dma_start3A_685 = tpu.memref_slice %arg7[%select_n3A_74, %dma_start3A_679, %dma_start3A_684] : memref<2x24x96xi32, #tpu.memory_space<vmem>> -> memref<1x1x96xi32, #tpu.memory_space<vmem>>
      %dma_start3A_686 = tpu.memref_squeeze %dma_start3A_685 : memref<1x1x96xi32, #tpu.memory_space<vmem>> -> memref<96xi32, #tpu.memory_space<vmem>>
      %dma_start3A_687 = arith.constant 0 : i32
      %dma_start3A_688 = arith.constant 0 : i32
      %dma_start3A_689 = tpu.memref_slice %arg9[%dma_start3A_687, %dma_start3A_688] : memref<10112x128xf32, #tpu.memory_space<vmem_shared>> -> memref<10112x128xf32, #tpu.memory_space<vmem_shared>>
      tpu.enqueue_indirect_dma source(%dma_start3A_683 : memref<96x128xf32, #tpu.memory_space<vmem>>) target(%dma_start3A_689 : memref<10112x128xf32, #tpu.memory_space<vmem_shared>>) offsets(%dma_start3A_686 : memref<96xi32, #tpu.memory_space<vmem>>) semaphore(%arg16 : memref<!tpu.dma_semaphore, #tpu.memory_space<semaphore_mem>>) {add = true}
      %dma_wait3A_690 = arith.constant 1 : i32
      %dma_wait3A_691 = arith.constant 0 : i32
      %dma_wait3A_692 = arith.constant 0 : i32
      %dma_wait3A_693 = tpu.memref_slice %arg8[%dma_wait3A_690, %dma_wait3A_691, %dma_wait3A_692] : memref<3x96x128xf32, #tpu.memory_space<vmem>> -> memref<1x96x128xf32, #tpu.memory_space<vmem>>
      %dma_wait3A_694 = tpu.memref_squeeze %dma_wait3A_693 : memref<1x96x128xf32, #tpu.memory_space<vmem>> -> memref<96x128xf32, #tpu.memory_space<vmem>>
      %dma_wait3A_695 = arith.constant 0 : i32
      %dma_wait3A_696 = arith.constant 0 : i32
      %dma_wait3A_697 = tpu.memref_slice %arg2[%dma_wait3A_695, %dma_wait3A_696] : memref<20224x128xf32, #tpu.memory_space<hbm>> -> memref<96x128xf32, #tpu.memory_space<hbm>>
      %dma_wait3A_698 = arith.constant 0 : i32
      %dma_wait3A_699 = arith.constant 0 : i32
      %dma_wait3A_700 = tpu.memref_slice %arg8[%dma_wait3A_690, %dma_wait3A_698, %dma_wait3A_699] : memref<3x96x128xf32, #tpu.memory_space<vmem>> -> memref<1x96x128xf32, #tpu.memory_space<vmem>>
      %dma_wait3A_701 = tpu.memref_squeeze %dma_wait3A_700 : memref<1x96x128xf32, #tpu.memory_space<vmem>> -> memref<96x128xf32, #tpu.memory_space<vmem>>
      %dma_wait3A_702 = arith.constant 0 : i32
      %dma_wait3A_703 = arith.constant 0 : i32
      %dma_wait3A_704 = tpu.memref_slice %arg2[%dma_wait3A_702, %dma_wait3A_703] : memref<20224x128xf32, #tpu.memory_space<hbm>> -> memref<96x128xf32, #tpu.memory_space<hbm>>
      tpu.wait_dma2 semaphore(%arg15 : memref<!tpu.dma_semaphore, #tpu.memory_space<semaphore_mem>>) src(%dma_wait3A_704 : memref<96x128xf32, #tpu.memory_space<hbm>>) dst(%dma_wait3A_701 : memref<96x128xf32, #tpu.memory_space<vmem>>)
      %dma_start3A_705 = arith.constant 13 : i32
      %dma_start3A_706 = arith.constant 1 : i32
      %dma_start3A_707 = arith.constant 0 : i32
      %dma_start3A_708 = arith.constant 0 : i32
      %dma_start3A_709 = tpu.memref_slice %arg8[%dma_start3A_706, %dma_start3A_707, %dma_start3A_708] : memref<3x96x128xf32, #tpu.memory_space<vmem>> -> memref<1x96x128xf32, #tpu.memory_space<vmem>>
      %dma_start3A_710 = tpu.memref_squeeze %dma_start3A_709 : memref<1x96x128xf32, #tpu.memory_space<vmem>> -> memref<96x128xf32, #tpu.memory_space<vmem>>
      %dma_start3A_711 = arith.constant 0 : i32
      %dma_start3A_712 = tpu.memref_slice %arg6[%select_n3A_74, %dma_start3A_705, %dma_start3A_711] : memref<2x24x96xi32, #tpu.memory_space<vmem>> -> memref<1x1x96xi32, #tpu.memory_space<vmem>>
      %dma_start3A_713 = tpu.memref_squeeze %dma_start3A_712 : memref<1x1x96xi32, #tpu.memory_space<vmem>> -> memref<96xi32, #tpu.memory_space<vmem>>
      %dma_start3A_714 = arith.constant 0 : i32
      %dma_start3A_715 = arith.constant 0 : i32
      %dma_start3A_716 = tpu.memref_slice %arg2[%dma_start3A_714, %dma_start3A_715] : memref<20224x128xf32, #tpu.memory_space<hbm>> -> memref<20224x128xf32, #tpu.memory_space<hbm>>
      tpu.enqueue_indirect_dma source(%dma_start3A_716 : memref<20224x128xf32, #tpu.memory_space<hbm>>) target(%dma_start3A_710 : memref<96x128xf32, #tpu.memory_space<vmem>>) offsets(%dma_start3A_713 : memref<96xi32, #tpu.memory_space<vmem>>) semaphore(%arg12 : memref<!tpu.dma_semaphore, #tpu.memory_space<semaphore_mem>>)
      %dma_wait3A_717 = arith.constant 0 : i32
      %dma_wait3A_718 = arith.constant 0 : i32
      %dma_wait3A_719 = arith.constant 0 : i32
      %dma_wait3A_720 = tpu.memref_slice %arg8[%dma_wait3A_717, %dma_wait3A_718, %dma_wait3A_719] : memref<3x96x128xf32, #tpu.memory_space<vmem>> -> memref<1x96x128xf32, #tpu.memory_space<vmem>>
      %dma_wait3A_721 = tpu.memref_squeeze %dma_wait3A_720 : memref<1x96x128xf32, #tpu.memory_space<vmem>> -> memref<96x128xf32, #tpu.memory_space<vmem>>
      %dma_wait3A_722 = arith.constant 0 : i32
      %dma_wait3A_723 = arith.constant 0 : i32
      %dma_wait3A_724 = tpu.memref_slice %arg2[%dma_wait3A_722, %dma_wait3A_723] : memref<20224x128xf32, #tpu.memory_space<hbm>> -> memref<96x128xf32, #tpu.memory_space<hbm>>
      %dma_wait3A_725 = arith.constant 0 : i32
      %dma_wait3A_726 = arith.constant 0 : i32
      %dma_wait3A_727 = tpu.memref_slice %arg8[%dma_wait3A_717, %dma_wait3A_725, %dma_wait3A_726] : memref<3x96x128xf32, #tpu.memory_space<vmem>> -> memref<1x96x128xf32, #tpu.memory_space<vmem>>
      %dma_wait3A_728 = tpu.memref_squeeze %dma_wait3A_727 : memref<1x96x128xf32, #tpu.memory_space<vmem>> -> memref<96x128xf32, #tpu.memory_space<vmem>>
      %dma_wait3A_729 = arith.constant 0 : i32
      %dma_wait3A_730 = arith.constant 0 : i32
      %dma_wait3A_731 = tpu.memref_slice %arg2[%dma_wait3A_729, %dma_wait3A_730] : memref<20224x128xf32, #tpu.memory_space<hbm>> -> memref<96x128xf32, #tpu.memory_space<hbm>>
      tpu.wait_dma2 semaphore(%arg11 : memref<!tpu.dma_semaphore, #tpu.memory_space<semaphore_mem>>) src(%dma_wait3A_731 : memref<96x128xf32, #tpu.memory_space<hbm>>) dst(%dma_wait3A_728 : memref<96x128xf32, #tpu.memory_space<vmem>>)
      %dma_start3A_732 = arith.constant 0 : i32
      %dma_start3A_733 = arith.constant 12 : i32
      %dma_start3A_734 = arith.constant 0 : i32
      %dma_start3A_735 = arith.constant 0 : i32
      %dma_start3A_736 = tpu.memref_slice %arg8[%dma_start3A_732, %dma_start3A_734, %dma_start3A_735] : memref<3x96x128xf32, #tpu.memory_space<vmem>> -> memref<1x96x128xf32, #tpu.memory_space<vmem>>
      %dma_start3A_737 = tpu.memref_squeeze %dma_start3A_736 : memref<1x96x128xf32, #tpu.memory_space<vmem>> -> memref<96x128xf32, #tpu.memory_space<vmem>>
      %dma_start3A_738 = arith.constant 0 : i32
      %dma_start3A_739 = tpu.memref_slice %arg7[%select_n3A_74, %dma_start3A_733, %dma_start3A_738] : memref<2x24x96xi32, #tpu.memory_space<vmem>> -> memref<1x1x96xi32, #tpu.memory_space<vmem>>
      %dma_start3A_740 = tpu.memref_squeeze %dma_start3A_739 : memref<1x1x96xi32, #tpu.memory_space<vmem>> -> memref<96xi32, #tpu.memory_space<vmem>>
      %dma_start3A_741 = arith.constant 0 : i32
      %dma_start3A_742 = arith.constant 0 : i32
      %dma_start3A_743 = tpu.memref_slice %arg9[%dma_start3A_741, %dma_start3A_742] : memref<10112x128xf32, #tpu.memory_space<vmem_shared>> -> memref<10112x128xf32, #tpu.memory_space<vmem_shared>>
      tpu.enqueue_indirect_dma source(%dma_start3A_737 : memref<96x128xf32, #tpu.memory_space<vmem>>) target(%dma_start3A_743 : memref<10112x128xf32, #tpu.memory_space<vmem_shared>>) offsets(%dma_start3A_740 : memref<96xi32, #tpu.memory_space<vmem>>) semaphore(%arg14 : memref<!tpu.dma_semaphore, #tpu.memory_space<semaphore_mem>>) {add = true}
      %dma_wait3A_744 = arith.constant 2 : i32
      %dma_wait3A_745 = arith.constant 0 : i32
      %dma_wait3A_746 = arith.constant 0 : i32
      %dma_wait3A_747 = tpu.memref_slice %arg8[%dma_wait3A_744, %dma_wait3A_745, %dma_wait3A_746] : memref<3x96x128xf32, #tpu.memory_space<vmem>> -> memref<1x96x128xf32, #tpu.memory_space<vmem>>
      %dma_wait3A_748 = tpu.memref_squeeze %dma_wait3A_747 : memref<1x96x128xf32, #tpu.memory_space<vmem>> -> memref<96x128xf32, #tpu.memory_space<vmem>>
      %dma_wait3A_749 = arith.constant 0 : i32
      %dma_wait3A_750 = arith.constant 0 : i32
      %dma_wait3A_751 = tpu.memref_slice %arg2[%dma_wait3A_749, %dma_wait3A_750] : memref<20224x128xf32, #tpu.memory_space<hbm>> -> memref<96x128xf32, #tpu.memory_space<hbm>>
      %dma_wait3A_752 = arith.constant 0 : i32
      %dma_wait3A_753 = arith.constant 0 : i32
      %dma_wait3A_754 = tpu.memref_slice %arg8[%dma_wait3A_744, %dma_wait3A_752, %dma_wait3A_753] : memref<3x96x128xf32, #tpu.memory_space<vmem>> -> memref<1x96x128xf32, #tpu.memory_space<vmem>>
      %dma_wait3A_755 = tpu.memref_squeeze %dma_wait3A_754 : memref<1x96x128xf32, #tpu.memory_space<vmem>> -> memref<96x128xf32, #tpu.memory_space<vmem>>
      %dma_wait3A_756 = arith.constant 0 : i32
      %dma_wait3A_757 = arith.constant 0 : i32
      %dma_wait3A_758 = tpu.memref_slice %arg2[%dma_wait3A_756, %dma_wait3A_757] : memref<20224x128xf32, #tpu.memory_space<hbm>> -> memref<96x128xf32, #tpu.memory_space<hbm>>
      tpu.wait_dma2 semaphore(%arg16 : memref<!tpu.dma_semaphore, #tpu.memory_space<semaphore_mem>>) src(%dma_wait3A_758 : memref<96x128xf32, #tpu.memory_space<hbm>>) dst(%dma_wait3A_755 : memref<96x128xf32, #tpu.memory_space<vmem>>)
      %dma_start3A_759 = arith.constant 14 : i32
      %dma_start3A_760 = arith.constant 2 : i32
      %dma_start3A_761 = arith.constant 0 : i32
      %dma_start3A_762 = arith.constant 0 : i32
      %dma_start3A_763 = tpu.memref_slice %arg8[%dma_start3A_760, %dma_start3A_761, %dma_start3A_762] : memref<3x96x128xf32, #tpu.memory_space<vmem>> -> memref<1x96x128xf32, #tpu.memory_space<vmem>>
      %dma_start3A_764 = tpu.memref_squeeze %dma_start3A_763 : memref<1x96x128xf32, #tpu.memory_space<vmem>> -> memref<96x128xf32, #tpu.memory_space<vmem>>
      %dma_start3A_765 = arith.constant 0 : i32
      %dma_start3A_766 = tpu.memref_slice %arg6[%select_n3A_74, %dma_start3A_759, %dma_start3A_765] : memref<2x24x96xi32, #tpu.memory_space<vmem>> -> memref<1x1x96xi32, #tpu.memory_space<vmem>>
      %dma_start3A_767 = tpu.memref_squeeze %dma_start3A_766 : memref<1x1x96xi32, #tpu.memory_space<vmem>> -> memref<96xi32, #tpu.memory_space<vmem>>
      %dma_start3A_768 = arith.constant 0 : i32
      %dma_start3A_769 = arith.constant 0 : i32
      %dma_start3A_770 = tpu.memref_slice %arg2[%dma_start3A_768, %dma_start3A_769] : memref<20224x128xf32, #tpu.memory_space<hbm>> -> memref<20224x128xf32, #tpu.memory_space<hbm>>
      tpu.enqueue_indirect_dma source(%dma_start3A_770 : memref<20224x128xf32, #tpu.memory_space<hbm>>) target(%dma_start3A_764 : memref<96x128xf32, #tpu.memory_space<vmem>>) offsets(%dma_start3A_767 : memref<96xi32, #tpu.memory_space<vmem>>) semaphore(%arg13 : memref<!tpu.dma_semaphore, #tpu.memory_space<semaphore_mem>>)
      %dma_wait3A_771 = arith.constant 1 : i32
      %dma_wait3A_772 = arith.constant 0 : i32
      %dma_wait3A_773 = arith.constant 0 : i32
      %dma_wait3A_774 = tpu.memref_slice %arg8[%dma_wait3A_771, %dma_wait3A_772, %dma_wait3A_773] : memref<3x96x128xf32, #tpu.memory_space<vmem>> -> memref<1x96x128xf32, #tpu.memory_space<vmem>>
      %dma_wait3A_775 = tpu.memref_squeeze %dma_wait3A_774 : memref<1x96x128xf32, #tpu.memory_space<vmem>> -> memref<96x128xf32, #tpu.memory_space<vmem>>
      %dma_wait3A_776 = arith.constant 0 : i32
      %dma_wait3A_777 = arith.constant 0 : i32
      %dma_wait3A_778 = tpu.memref_slice %arg2[%dma_wait3A_776, %dma_wait3A_777] : memref<20224x128xf32, #tpu.memory_space<hbm>> -> memref<96x128xf32, #tpu.memory_space<hbm>>
      %dma_wait3A_779 = arith.constant 0 : i32
      %dma_wait3A_780 = arith.constant 0 : i32
      %dma_wait3A_781 = tpu.memref_slice %arg8[%dma_wait3A_771, %dma_wait3A_779, %dma_wait3A_780] : memref<3x96x128xf32, #tpu.memory_space<vmem>> -> memref<1x96x128xf32, #tpu.memory_space<vmem>>
      %dma_wait3A_782 = tpu.memref_squeeze %dma_wait3A_781 : memref<1x96x128xf32, #tpu.memory_space<vmem>> -> memref<96x128xf32, #tpu.memory_space<vmem>>
      %dma_wait3A_783 = arith.constant 0 : i32
      %dma_wait3A_784 = arith.constant 0 : i32
      %dma_wait3A_785 = tpu.memref_slice %arg2[%dma_wait3A_783, %dma_wait3A_784] : memref<20224x128xf32, #tpu.memory_space<hbm>> -> memref<96x128xf32, #tpu.memory_space<hbm>>
      tpu.wait_dma2 semaphore(%arg12 : memref<!tpu.dma_semaphore, #tpu.memory_space<semaphore_mem>>) src(%dma_wait3A_785 : memref<96x128xf32, #tpu.memory_space<hbm>>) dst(%dma_wait3A_782 : memref<96x128xf32, #tpu.memory_space<vmem>>)
      %dma_start3A_786 = arith.constant 1 : i32
      %dma_start3A_787 = arith.constant 13 : i32
      %dma_start3A_788 = arith.constant 0 : i32
      %dma_start3A_789 = arith.constant 0 : i32
      %dma_start3A_790 = tpu.memref_slice %arg8[%dma_start3A_786, %dma_start3A_788, %dma_start3A_789] : memref<3x96x128xf32, #tpu.memory_space<vmem>> -> memref<1x96x128xf32, #tpu.memory_space<vmem>>
      %dma_start3A_791 = tpu.memref_squeeze %dma_start3A_790 : memref<1x96x128xf32, #tpu.memory_space<vmem>> -> memref<96x128xf32, #tpu.memory_space<vmem>>
      %dma_start3A_792 = arith.constant 0 : i32
      %dma_start3A_793 = tpu.memref_slice %arg7[%select_n3A_74, %dma_start3A_787, %dma_start3A_792] : memref<2x24x96xi32, #tpu.memory_space<vmem>> -> memref<1x1x96xi32, #tpu.memory_space<vmem>>
      %dma_start3A_794 = tpu.memref_squeeze %dma_start3A_793 : memref<1x1x96xi32, #tpu.memory_space<vmem>> -> memref<96xi32, #tpu.memory_space<vmem>>
      %dma_start3A_795 = arith.constant 0 : i32
      %dma_start3A_796 = arith.constant 0 : i32
      %dma_start3A_797 = tpu.memref_slice %arg9[%dma_start3A_795, %dma_start3A_796] : memref<10112x128xf32, #tpu.memory_space<vmem_shared>> -> memref<10112x128xf32, #tpu.memory_space<vmem_shared>>
      tpu.enqueue_indirect_dma source(%dma_start3A_791 : memref<96x128xf32, #tpu.memory_space<vmem>>) target(%dma_start3A_797 : memref<10112x128xf32, #tpu.memory_space<vmem_shared>>) offsets(%dma_start3A_794 : memref<96xi32, #tpu.memory_space<vmem>>) semaphore(%arg15 : memref<!tpu.dma_semaphore, #tpu.memory_space<semaphore_mem>>) {add = true}
      %dma_wait3A_798 = arith.constant 0 : i32
      %dma_wait3A_799 = arith.constant 0 : i32
      %dma_wait3A_800 = arith.constant 0 : i32
      %dma_wait3A_801 = tpu.memref_slice %arg8[%dma_wait3A_798, %dma_wait3A_799, %dma_wait3A_800] : memref<3x96x128xf32, #tpu.memory_space<vmem>> -> memref<1x96x128xf32, #tpu.memory_space<vmem>>
      %dma_wait3A_802 = tpu.memref_squeeze %dma_wait3A_801 : memref<1x96x128xf32, #tpu.memory_space<vmem>> -> memref<96x128xf32, #tpu.memory_space<vmem>>
      %dma_wait3A_803 = arith.constant 0 : i32
      %dma_wait3A_804 = arith.constant 0 : i32
      %dma_wait3A_805 = tpu.memref_slice %arg2[%dma_wait3A_803, %dma_wait3A_804] : memref<20224x128xf32, #tpu.memory_space<hbm>> -> memref<96x128xf32, #tpu.memory_space<hbm>>
      %dma_wait3A_806 = arith.constant 0 : i32
      %dma_wait3A_807 = arith.constant 0 : i32
      %dma_wait3A_808 = tpu.memref_slice %arg8[%dma_wait3A_798, %dma_wait3A_806, %dma_wait3A_807] : memref<3x96x128xf32, #tpu.memory_space<vmem>> -> memref<1x96x128xf32, #tpu.memory_space<vmem>>
      %dma_wait3A_809 = tpu.memref_squeeze %dma_wait3A_808 : memref<1x96x128xf32, #tpu.memory_space<vmem>> -> memref<96x128xf32, #tpu.memory_space<vmem>>
      %dma_wait3A_810 = arith.constant 0 : i32
      %dma_wait3A_811 = arith.constant 0 : i32
      %dma_wait3A_812 = tpu.memref_slice %arg2[%dma_wait3A_810, %dma_wait3A_811] : memref<20224x128xf32, #tpu.memory_space<hbm>> -> memref<96x128xf32, #tpu.memory_space<hbm>>
      tpu.wait_dma2 semaphore(%arg14 : memref<!tpu.dma_semaphore, #tpu.memory_space<semaphore_mem>>) src(%dma_wait3A_812 : memref<96x128xf32, #tpu.memory_space<hbm>>) dst(%dma_wait3A_809 : memref<96x128xf32, #tpu.memory_space<vmem>>)
      %dma_start3A_813 = arith.constant 15 : i32
      %dma_start3A_814 = arith.constant 0 : i32
      %dma_start3A_815 = arith.constant 0 : i32
      %dma_start3A_816 = arith.constant 0 : i32
      %dma_start3A_817 = tpu.memref_slice %arg8[%dma_start3A_814, %dma_start3A_815, %dma_start3A_816] : memref<3x96x128xf32, #tpu.memory_space<vmem>> -> memref<1x96x128xf32, #tpu.memory_space<vmem>>
      %dma_start3A_818 = tpu.memref_squeeze %dma_start3A_817 : memref<1x96x128xf32, #tpu.memory_space<vmem>> -> memref<96x128xf32, #tpu.memory_space<vmem>>
      %dma_start3A_819 = arith.constant 0 : i32
      %dma_start3A_820 = tpu.memref_slice %arg6[%select_n3A_74, %dma_start3A_813, %dma_start3A_819] : memref<2x24x96xi32, #tpu.memory_space<vmem>> -> memref<1x1x96xi32, #tpu.memory_space<vmem>>
      %dma_start3A_821 = tpu.memref_squeeze %dma_start3A_820 : memref<1x1x96xi32, #tpu.memory_space<vmem>> -> memref<96xi32, #tpu.memory_space<vmem>>
      %dma_start3A_822 = arith.constant 0 : i32
      %dma_start3A_823 = arith.constant 0 : i32
      %dma_start3A_824 = tpu.memref_slice %arg2[%dma_start3A_822, %dma_start3A_823] : memref<20224x128xf32, #tpu.memory_space<hbm>> -> memref<20224x128xf32, #tpu.memory_space<hbm>>
      tpu.enqueue_indirect_dma source(%dma_start3A_824 : memref<20224x128xf32, #tpu.memory_space<hbm>>) target(%dma_start3A_818 : memref<96x128xf32, #tpu.memory_space<vmem>>) offsets(%dma_start3A_821 : memref<96xi32, #tpu.memory_space<vmem>>) semaphore(%arg11 : memref<!tpu.dma_semaphore, #tpu.memory_space<semaphore_mem>>)
      %dma_wait3A_825 = arith.constant 2 : i32
      %dma_wait3A_826 = arith.constant 0 : i32
      %dma_wait3A_827 = arith.constant 0 : i32
      %dma_wait3A_828 = tpu.memref_slice %arg8[%dma_wait3A_825, %dma_wait3A_826, %dma_wait3A_827] : memref<3x96x128xf32, #tpu.memory_space<vmem>> -> memref<1x96x128xf32, #tpu.memory_space<vmem>>
      %dma_wait3A_829 = tpu.memref_squeeze %dma_wait3A_828 : memref<1x96x128xf32, #tpu.memory_space<vmem>> -> memref<96x128xf32, #tpu.memory_space<vmem>>
      %dma_wait3A_830 = arith.constant 0 : i32
      %dma_wait3A_831 = arith.constant 0 : i32
      %dma_wait3A_832 = tpu.memref_slice %arg2[%dma_wait3A_830, %dma_wait3A_831] : memref<20224x128xf32, #tpu.memory_space<hbm>> -> memref<96x128xf32, #tpu.memory_space<hbm>>
      %dma_wait3A_833 = arith.constant 0 : i32
      %dma_wait3A_834 = arith.constant 0 : i32
      %dma_wait3A_835 = tpu.memref_slice %arg8[%dma_wait3A_825, %dma_wait3A_833, %dma_wait3A_834] : memref<3x96x128xf32, #tpu.memory_space<vmem>> -> memref<1x96x128xf32, #tpu.memory_space<vmem>>
      %dma_wait3A_836 = tpu.memref_squeeze %dma_wait3A_835 : memref<1x96x128xf32, #tpu.memory_space<vmem>> -> memref<96x128xf32, #tpu.memory_space<vmem>>
      %dma_wait3A_837 = arith.constant 0 : i32
      %dma_wait3A_838 = arith.constant 0 : i32
      %dma_wait3A_839 = tpu.memref_slice %arg2[%dma_wait3A_837, %dma_wait3A_838] : memref<20224x128xf32, #tpu.memory_space<hbm>> -> memref<96x128xf32, #tpu.memory_space<hbm>>
      tpu.wait_dma2 semaphore(%arg13 : memref<!tpu.dma_semaphore, #tpu.memory_space<semaphore_mem>>) src(%dma_wait3A_839 : memref<96x128xf32, #tpu.memory_space<hbm>>) dst(%dma_wait3A_836 : memref<96x128xf32, #tpu.memory_space<vmem>>)
      %dma_start3A_840 = arith.constant 2 : i32
      %dma_start3A_841 = arith.constant 14 : i32
      %dma_start3A_842 = arith.constant 0 : i32
      %dma_start3A_843 = arith.constant 0 : i32
      %dma_start3A_844 = tpu.memref_slice %arg8[%dma_start3A_840, %dma_start3A_842, %dma_start3A_843] : memref<3x96x128xf32, #tpu.memory_space<vmem>> -> memref<1x96x128xf32, #tpu.memory_space<vmem>>
      %dma_start3A_845 = tpu.memref_squeeze %dma_start3A_844 : memref<1x96x128xf32, #tpu.memory_space<vmem>> -> memref<96x128xf32, #tpu.memory_space<vmem>>
      %dma_start3A_846 = arith.constant 0 : i32
      %dma_start3A_847 = tpu.memref_slice %arg7[%select_n3A_74, %dma_start3A_841, %dma_start3A_846] : memref<2x24x96xi32, #tpu.memory_space<vmem>> -> memref<1x1x96xi32, #tpu.memory_space<vmem>>
      %dma_start3A_848 = tpu.memref_squeeze %dma_start3A_847 : memref<1x1x96xi32, #tpu.memory_space<vmem>> -> memref<96xi32, #tpu.memory_space<vmem>>
      %dma_start3A_849 = arith.constant 0 : i32
      %dma_start3A_850 = arith.constant 0 : i32
      %dma_start3A_851 = tpu.memref_slice %arg9[%dma_start3A_849, %dma_start3A_850] : memref<10112x128xf32, #tpu.memory_space<vmem_shared>> -> memref<10112x128xf32, #tpu.memory_space<vmem_shared>>
      tpu.enqueue_indirect_dma source(%dma_start3A_845 : memref<96x128xf32, #tpu.memory_space<vmem>>) target(%dma_start3A_851 : memref<10112x128xf32, #tpu.memory_space<vmem_shared>>) offsets(%dma_start3A_848 : memref<96xi32, #tpu.memory_space<vmem>>) semaphore(%arg16 : memref<!tpu.dma_semaphore, #tpu.memory_space<semaphore_mem>>) {add = true}
      %dma_wait3A_852 = arith.constant 1 : i32
      %dma_wait3A_853 = arith.constant 0 : i32
      %dma_wait3A_854 = arith.constant 0 : i32
      %dma_wait3A_855 = tpu.memref_slice %arg8[%dma_wait3A_852, %dma_wait3A_853, %dma_wait3A_854] : memref<3x96x128xf32, #tpu.memory_space<vmem>> -> memref<1x96x128xf32, #tpu.memory_space<vmem>>
      %dma_wait3A_856 = tpu.memref_squeeze %dma_wait3A_855 : memref<1x96x128xf32, #tpu.memory_space<vmem>> -> memref<96x128xf32, #tpu.memory_space<vmem>>
      %dma_wait3A_857 = arith.constant 0 : i32
      %dma_wait3A_858 = arith.constant 0 : i32
      %dma_wait3A_859 = tpu.memref_slice %arg2[%dma_wait3A_857, %dma_wait3A_858] : memref<20224x128xf32, #tpu.memory_space<hbm>> -> memref<96x128xf32, #tpu.memory_space<hbm>>
      %dma_wait3A_860 = arith.constant 0 : i32
      %dma_wait3A_861 = arith.constant 0 : i32
      %dma_wait3A_862 = tpu.memref_slice %arg8[%dma_wait3A_852, %dma_wait3A_860, %dma_wait3A_861] : memref<3x96x128xf32, #tpu.memory_space<vmem>> -> memref<1x96x128xf32, #tpu.memory_space<vmem>>
      %dma_wait3A_863 = tpu.memref_squeeze %dma_wait3A_862 : memref<1x96x128xf32, #tpu.memory_space<vmem>> -> memref<96x128xf32, #tpu.memory_space<vmem>>
      %dma_wait3A_864 = arith.constant 0 : i32
      %dma_wait3A_865 = arith.constant 0 : i32
      %dma_wait3A_866 = tpu.memref_slice %arg2[%dma_wait3A_864, %dma_wait3A_865] : memref<20224x128xf32, #tpu.memory_space<hbm>> -> memref<96x128xf32, #tpu.memory_space<hbm>>
      tpu.wait_dma2 semaphore(%arg15 : memref<!tpu.dma_semaphore, #tpu.memory_space<semaphore_mem>>) src(%dma_wait3A_866 : memref<96x128xf32, #tpu.memory_space<hbm>>) dst(%dma_wait3A_863 : memref<96x128xf32, #tpu.memory_space<vmem>>)
      %dma_start3A_867 = arith.constant 16 : i32
      %dma_start3A_868 = arith.constant 1 : i32
      %dma_start3A_869 = arith.constant 0 : i32
      %dma_start3A_870 = arith.constant 0 : i32
      %dma_start3A_871 = tpu.memref_slice %arg8[%dma_start3A_868, %dma_start3A_869, %dma_start3A_870] : memref<3x96x128xf32, #tpu.memory_space<vmem>> -> memref<1x96x128xf32, #tpu.memory_space<vmem>>
      %dma_start3A_872 = tpu.memref_squeeze %dma_start3A_871 : memref<1x96x128xf32, #tpu.memory_space<vmem>> -> memref<96x128xf32, #tpu.memory_space<vmem>>
      %dma_start3A_873 = arith.constant 0 : i32
      %dma_start3A_874 = tpu.memref_slice %arg6[%select_n3A_74, %dma_start3A_867, %dma_start3A_873] : memref<2x24x96xi32, #tpu.memory_space<vmem>> -> memref<1x1x96xi32, #tpu.memory_space<vmem>>
      %dma_start3A_875 = tpu.memref_squeeze %dma_start3A_874 : memref<1x1x96xi32, #tpu.memory_space<vmem>> -> memref<96xi32, #tpu.memory_space<vmem>>
      %dma_start3A_876 = arith.constant 0 : i32
      %dma_start3A_877 = arith.constant 0 : i32
      %dma_start3A_878 = tpu.memref_slice %arg2[%dma_start3A_876, %dma_start3A_877] : memref<20224x128xf32, #tpu.memory_space<hbm>> -> memref<20224x128xf32, #tpu.memory_space<hbm>>
      tpu.enqueue_indirect_dma source(%dma_start3A_878 : memref<20224x128xf32, #tpu.memory_space<hbm>>) target(%dma_start3A_872 : memref<96x128xf32, #tpu.memory_space<vmem>>) offsets(%dma_start3A_875 : memref<96xi32, #tpu.memory_space<vmem>>) semaphore(%arg12 : memref<!tpu.dma_semaphore, #tpu.memory_space<semaphore_mem>>)
      %dma_wait3A_879 = arith.constant 0 : i32
      %dma_wait3A_880 = arith.constant 0 : i32
      %dma_wait3A_881 = arith.constant 0 : i32
      %dma_wait3A_882 = tpu.memref_slice %arg8[%dma_wait3A_879, %dma_wait3A_880, %dma_wait3A_881] : memref<3x96x128xf32, #tpu.memory_space<vmem>> -> memref<1x96x128xf32, #tpu.memory_space<vmem>>
      %dma_wait3A_883 = tpu.memref_squeeze %dma_wait3A_882 : memref<1x96x128xf32, #tpu.memory_space<vmem>> -> memref<96x128xf32, #tpu.memory_space<vmem>>
      %dma_wait3A_884 = arith.constant 0 : i32
      %dma_wait3A_885 = arith.constant 0 : i32
      %dma_wait3A_886 = tpu.memref_slice %arg2[%dma_wait3A_884, %dma_wait3A_885] : memref<20224x128xf32, #tpu.memory_space<hbm>> -> memref<96x128xf32, #tpu.memory_space<hbm>>
      %dma_wait3A_887 = arith.constant 0 : i32
      %dma_wait3A_888 = arith.constant 0 : i32
      %dma_wait3A_889 = tpu.memref_slice %arg8[%dma_wait3A_879, %dma_wait3A_887, %dma_wait3A_888] : memref<3x96x128xf32, #tpu.memory_space<vmem>> -> memref<1x96x128xf32, #tpu.memory_space<vmem>>
      %dma_wait3A_890 = tpu.memref_squeeze %dma_wait3A_889 : memref<1x96x128xf32, #tpu.memory_space<vmem>> -> memref<96x128xf32, #tpu.memory_space<vmem>>
      %dma_wait3A_891 = arith.constant 0 : i32
      %dma_wait3A_892 = arith.constant 0 : i32
      %dma_wait3A_893 = tpu.memref_slice %arg2[%dma_wait3A_891, %dma_wait3A_892] : memref<20224x128xf32, #tpu.memory_space<hbm>> -> memref<96x128xf32, #tpu.memory_space<hbm>>
      tpu.wait_dma2 semaphore(%arg11 : memref<!tpu.dma_semaphore, #tpu.memory_space<semaphore_mem>>) src(%dma_wait3A_893 : memref<96x128xf32, #tpu.memory_space<hbm>>) dst(%dma_wait3A_890 : memref<96x128xf32, #tpu.memory_space<vmem>>)
      %dma_start3A_894 = arith.constant 0 : i32
      %dma_start3A_895 = arith.constant 15 : i32
      %dma_start3A_896 = arith.constant 0 : i32
      %dma_start3A_897 = arith.constant 0 : i32
      %dma_start3A_898 = tpu.memref_slice %arg8[%dma_start3A_894, %dma_start3A_896, %dma_start3A_897] : memref<3x96x128xf32, #tpu.memory_space<vmem>> -> memref<1x96x128xf32, #tpu.memory_space<vmem>>
      %dma_start3A_899 = tpu.memref_squeeze %dma_start3A_898 : memref<1x96x128xf32, #tpu.memory_space<vmem>> -> memref<96x128xf32, #tpu.memory_space<vmem>>
      %dma_start3A_900 = arith.constant 0 : i32
      %dma_start3A_901 = tpu.memref_slice %arg7[%select_n3A_74, %dma_start3A_895, %dma_start3A_900] : memref<2x24x96xi32, #tpu.memory_space<vmem>> -> memref<1x1x96xi32, #tpu.memory_space<vmem>>
      %dma_start3A_902 = tpu.memref_squeeze %dma_start3A_901 : memref<1x1x96xi32, #tpu.memory_space<vmem>> -> memref<96xi32, #tpu.memory_space<vmem>>
      %dma_start3A_903 = arith.constant 0 : i32
      %dma_start3A_904 = arith.constant 0 : i32
      %dma_start3A_905 = tpu.memref_slice %arg9[%dma_start3A_903, %dma_start3A_904] : memref<10112x128xf32, #tpu.memory_space<vmem_shared>> -> memref<10112x128xf32, #tpu.memory_space<vmem_shared>>
      tpu.enqueue_indirect_dma source(%dma_start3A_899 : memref<96x128xf32, #tpu.memory_space<vmem>>) target(%dma_start3A_905 : memref<10112x128xf32, #tpu.memory_space<vmem_shared>>) offsets(%dma_start3A_902 : memref<96xi32, #tpu.memory_space<vmem>>) semaphore(%arg14 : memref<!tpu.dma_semaphore, #tpu.memory_space<semaphore_mem>>) {add = true}
      %dma_wait3A_906 = arith.constant 2 : i32
      %dma_wait3A_907 = arith.constant 0 : i32
      %dma_wait3A_908 = arith.constant 0 : i32
      %dma_wait3A_909 = tpu.memref_slice %arg8[%dma_wait3A_906, %dma_wait3A_907, %dma_wait3A_908] : memref<3x96x128xf32, #tpu.memory_space<vmem>> -> memref<1x96x128xf32, #tpu.memory_space<vmem>>
      %dma_wait3A_910 = tpu.memref_squeeze %dma_wait3A_909 : memref<1x96x128xf32, #tpu.memory_space<vmem>> -> memref<96x128xf32, #tpu.memory_space<vmem>>
      %dma_wait3A_911 = arith.constant 0 : i32
      %dma_wait3A_912 = arith.constant 0 : i32
      %dma_wait3A_913 = tpu.memref_slice %arg2[%dma_wait3A_911, %dma_wait3A_912] : memref<20224x128xf32, #tpu.memory_space<hbm>> -> memref<96x128xf32, #tpu.memory_space<hbm>>
      %dma_wait3A_914 = arith.constant 0 : i32
      %dma_wait3A_915 = arith.constant 0 : i32
      %dma_wait3A_916 = tpu.memref_slice %arg8[%dma_wait3A_906, %dma_wait3A_914, %dma_wait3A_915] : memref<3x96x128xf32, #tpu.memory_space<vmem>> -> memref<1x96x128xf32, #tpu.memory_space<vmem>>
      %dma_wait3A_917 = tpu.memref_squeeze %dma_wait3A_916 : memref<1x96x128xf32, #tpu.memory_space<vmem>> -> memref<96x128xf32, #tpu.memory_space<vmem>>
      %dma_wait3A_918 = arith.constant 0 : i32
      %dma_wait3A_919 = arith.constant 0 : i32
      %dma_wait3A_920 = tpu.memref_slice %arg2[%dma_wait3A_918, %dma_wait3A_919] : memref<20224x128xf32, #tpu.memory_space<hbm>> -> memref<96x128xf32, #tpu.memory_space<hbm>>
      tpu.wait_dma2 semaphore(%arg16 : memref<!tpu.dma_semaphore, #tpu.memory_space<semaphore_mem>>) src(%dma_wait3A_920 : memref<96x128xf32, #tpu.memory_space<hbm>>) dst(%dma_wait3A_917 : memref<96x128xf32, #tpu.memory_space<vmem>>)
      %dma_start3A_921 = arith.constant 17 : i32
      %dma_start3A_922 = arith.constant 2 : i32
      %dma_start3A_923 = arith.constant 0 : i32
      %dma_start3A_924 = arith.constant 0 : i32
      %dma_start3A_925 = tpu.memref_slice %arg8[%dma_start3A_922, %dma_start3A_923, %dma_start3A_924] : memref<3x96x128xf32, #tpu.memory_space<vmem>> -> memref<1x96x128xf32, #tpu.memory_space<vmem>>
      %dma_start3A_926 = tpu.memref_squeeze %dma_start3A_925 : memref<1x96x128xf32, #tpu.memory_space<vmem>> -> memref<96x128xf32, #tpu.memory_space<vmem>>
      %dma_start3A_927 = arith.constant 0 : i32
      %dma_start3A_928 = tpu.memref_slice %arg6[%select_n3A_74, %dma_start3A_921, %dma_start3A_927] : memref<2x24x96xi32, #tpu.memory_space<vmem>> -> memref<1x1x96xi32, #tpu.memory_space<vmem>>
      %dma_start3A_929 = tpu.memref_squeeze %dma_start3A_928 : memref<1x1x96xi32, #tpu.memory_space<vmem>> -> memref<96xi32, #tpu.memory_space<vmem>>
      %dma_start3A_930 = arith.constant 0 : i32
      %dma_start3A_931 = arith.constant 0 : i32
      %dma_start3A_932 = tpu.memref_slice %arg2[%dma_start3A_930, %dma_start3A_931] : memref<20224x128xf32, #tpu.memory_space<hbm>> -> memref<20224x128xf32, #tpu.memory_space<hbm>>
      tpu.enqueue_indirect_dma source(%dma_start3A_932 : memref<20224x128xf32, #tpu.memory_space<hbm>>) target(%dma_start3A_926 : memref<96x128xf32, #tpu.memory_space<vmem>>) offsets(%dma_start3A_929 : memref<96xi32, #tpu.memory_space<vmem>>) semaphore(%arg13 : memref<!tpu.dma_semaphore, #tpu.memory_space<semaphore_mem>>)
      %dma_wait3A_933 = arith.constant 1 : i32
      %dma_wait3A_934 = arith.constant 0 : i32
      %dma_wait3A_935 = arith.constant 0 : i32
      %dma_wait3A_936 = tpu.memref_slice %arg8[%dma_wait3A_933, %dma_wait3A_934, %dma_wait3A_935] : memref<3x96x128xf32, #tpu.memory_space<vmem>> -> memref<1x96x128xf32, #tpu.memory_space<vmem>>
      %dma_wait3A_937 = tpu.memref_squeeze %dma_wait3A_936 : memref<1x96x128xf32, #tpu.memory_space<vmem>> -> memref<96x128xf32, #tpu.memory_space<vmem>>
      %dma_wait3A_938 = arith.constant 0 : i32
      %dma_wait3A_939 = arith.constant 0 : i32
      %dma_wait3A_940 = tpu.memref_slice %arg2[%dma_wait3A_938, %dma_wait3A_939] : memref<20224x128xf32, #tpu.memory_space<hbm>> -> memref<96x128xf32, #tpu.memory_space<hbm>>
      %dma_wait3A_941 = arith.constant 0 : i32
      %dma_wait3A_942 = arith.constant 0 : i32
      %dma_wait3A_943 = tpu.memref_slice %arg8[%dma_wait3A_933, %dma_wait3A_941, %dma_wait3A_942] : memref<3x96x128xf32, #tpu.memory_space<vmem>> -> memref<1x96x128xf32, #tpu.memory_space<vmem>>
      %dma_wait3A_944 = tpu.memref_squeeze %dma_wait3A_943 : memref<1x96x128xf32, #tpu.memory_space<vmem>> -> memref<96x128xf32, #tpu.memory_space<vmem>>
      %dma_wait3A_945 = arith.constant 0 : i32
      %dma_wait3A_946 = arith.constant 0 : i32
      %dma_wait3A_947 = tpu.memref_slice %arg2[%dma_wait3A_945, %dma_wait3A_946] : memref<20224x128xf32, #tpu.memory_space<hbm>> -> memref<96x128xf32, #tpu.memory_space<hbm>>
      tpu.wait_dma2 semaphore(%arg12 : memref<!tpu.dma_semaphore, #tpu.memory_space<semaphore_mem>>) src(%dma_wait3A_947 : memref<96x128xf32, #tpu.memory_space<hbm>>) dst(%dma_wait3A_944 : memref<96x128xf32, #tpu.memory_space<vmem>>)
      %dma_start3A_948 = arith.constant 1 : i32
      %dma_start3A_949 = arith.constant 16 : i32
      %dma_start3A_950 = arith.constant 0 : i32
      %dma_start3A_951 = arith.constant 0 : i32
      %dma_start3A_952 = tpu.memref_slice %arg8[%dma_start3A_948, %dma_start3A_950, %dma_start3A_951] : memref<3x96x128xf32, #tpu.memory_space<vmem>> -> memref<1x96x128xf32, #tpu.memory_space<vmem>>
      %dma_start3A_953 = tpu.memref_squeeze %dma_start3A_952 : memref<1x96x128xf32, #tpu.memory_space<vmem>> -> memref<96x128xf32, #tpu.memory_space<vmem>>
      %dma_start3A_954 = arith.constant 0 : i32
      %dma_start3A_955 = tpu.memref_slice %arg7[%select_n3A_74, %dma_start3A_949, %dma_start3A_954] : memref<2x24x96xi32, #tpu.memory_space<vmem>> -> memref<1x1x96xi32, #tpu.memory_space<vmem>>
      %dma_start3A_956 = tpu.memref_squeeze %dma_start3A_955 : memref<1x1x96xi32, #tpu.memory_space<vmem>> -> memref<96xi32, #tpu.memory_space<vmem>>
      %dma_start3A_957 = arith.constant 0 : i32
      %dma_start3A_958 = arith.constant 0 : i32
      %dma_start3A_959 = tpu.memref_slice %arg9[%dma_start3A_957, %dma_start3A_958] : memref<10112x128xf32, #tpu.memory_space<vmem_shared>> -> memref<10112x128xf32, #tpu.memory_space<vmem_shared>>
      tpu.enqueue_indirect_dma source(%dma_start3A_953 : memref<96x128xf32, #tpu.memory_space<vmem>>) target(%dma_start3A_959 : memref<10112x128xf32, #tpu.memory_space<vmem_shared>>) offsets(%dma_start3A_956 : memref<96xi32, #tpu.memory_space<vmem>>) semaphore(%arg15 : memref<!tpu.dma_semaphore, #tpu.memory_space<semaphore_mem>>) {add = true}
      %dma_wait3A_960 = arith.constant 0 : i32
      %dma_wait3A_961 = arith.constant 0 : i32
      %dma_wait3A_962 = arith.constant 0 : i32
      %dma_wait3A_963 = tpu.memref_slice %arg8[%dma_wait3A_960, %dma_wait3A_961, %dma_wait3A_962] : memref<3x96x128xf32, #tpu.memory_space<vmem>> -> memref<1x96x128xf32, #tpu.memory_space<vmem>>
      %dma_wait3A_964 = tpu.memref_squeeze %dma_wait3A_963 : memref<1x96x128xf32, #tpu.memory_space<vmem>> -> memref<96x128xf32, #tpu.memory_space<vmem>>
      %dma_wait3A_965 = arith.constant 0 : i32
      %dma_wait3A_966 = arith.constant 0 : i32
      %dma_wait3A_967 = tpu.memref_slice %arg2[%dma_wait3A_965, %dma_wait3A_966] : memref<20224x128xf32, #tpu.memory_space<hbm>> -> memref<96x128xf32, #tpu.memory_space<hbm>>
      %dma_wait3A_968 = arith.constant 0 : i32
      %dma_wait3A_969 = arith.constant 0 : i32
      %dma_wait3A_970 = tpu.memref_slice %arg8[%dma_wait3A_960, %dma_wait3A_968, %dma_wait3A_969] : memref<3x96x128xf32, #tpu.memory_space<vmem>> -> memref<1x96x128xf32, #tpu.memory_space<vmem>>
      %dma_wait3A_971 = tpu.memref_squeeze %dma_wait3A_970 : memref<1x96x128xf32, #tpu.memory_space<vmem>> -> memref<96x128xf32, #tpu.memory_space<vmem>>
      %dma_wait3A_972 = arith.constant 0 : i32
      %dma_wait3A_973 = arith.constant 0 : i32
      %dma_wait3A_974 = tpu.memref_slice %arg2[%dma_wait3A_972, %dma_wait3A_973] : memref<20224x128xf32, #tpu.memory_space<hbm>> -> memref<96x128xf32, #tpu.memory_space<hbm>>
      tpu.wait_dma2 semaphore(%arg14 : memref<!tpu.dma_semaphore, #tpu.memory_space<semaphore_mem>>) src(%dma_wait3A_974 : memref<96x128xf32, #tpu.memory_space<hbm>>) dst(%dma_wait3A_971 : memref<96x128xf32, #tpu.memory_space<vmem>>)
      %dma_start3A_975 = arith.constant 18 : i32
      %dma_start3A_976 = arith.constant 0 : i32
      %dma_start3A_977 = arith.constant 0 : i32
      %dma_start3A_978 = arith.constant 0 : i32
      %dma_start3A_979 = tpu.memref_slice %arg8[%dma_start3A_976, %dma_start3A_977, %dma_start3A_978] : memref<3x96x128xf32, #tpu.memory_space<vmem>> -> memref<1x96x128xf32, #tpu.memory_space<vmem>>
      %dma_start3A_980 = tpu.memref_squeeze %dma_start3A_979 : memref<1x96x128xf32, #tpu.memory_space<vmem>> -> memref<96x128xf32, #tpu.memory_space<vmem>>
      %dma_start3A_981 = arith.constant 0 : i32
      %dma_start3A_982 = tpu.memref_slice %arg6[%select_n3A_74, %dma_start3A_975, %dma_start3A_981] : memref<2x24x96xi32, #tpu.memory_space<vmem>> -> memref<1x1x96xi32, #tpu.memory_space<vmem>>
      %dma_start3A_983 = tpu.memref_squeeze %dma_start3A_982 : memref<1x1x96xi32, #tpu.memory_space<vmem>> -> memref<96xi32, #tpu.memory_space<vmem>>
      %dma_start3A_984 = arith.constant 0 : i32
      %dma_start3A_985 = arith.constant 0 : i32
      %dma_start3A_986 = tpu.memref_slice %arg2[%dma_start3A_984, %dma_start3A_985] : memref<20224x128xf32, #tpu.memory_space<hbm>> -> memref<20224x128xf32, #tpu.memory_space<hbm>>
      tpu.enqueue_indirect_dma source(%dma_start3A_986 : memref<20224x128xf32, #tpu.memory_space<hbm>>) target(%dma_start3A_980 : memref<96x128xf32, #tpu.memory_space<vmem>>) offsets(%dma_start3A_983 : memref<96xi32, #tpu.memory_space<vmem>>) semaphore(%arg11 : memref<!tpu.dma_semaphore, #tpu.memory_space<semaphore_mem>>)
      %dma_wait3A_987 = arith.constant 2 : i32
      %dma_wait3A_988 = arith.constant 0 : i32
      %dma_wait3A_989 = arith.constant 0 : i32
      %dma_wait3A_990 = tpu.memref_slice %arg8[%dma_wait3A_987, %dma_wait3A_988, %dma_wait3A_989] : memref<3x96x128xf32, #tpu.memory_space<vmem>> -> memref<1x96x128xf32, #tpu.memory_space<vmem>>
      %dma_wait3A_991 = tpu.memref_squeeze %dma_wait3A_990 : memref<1x96x128xf32, #tpu.memory_space<vmem>> -> memref<96x128xf32, #tpu.memory_space<vmem>>
      %dma_wait3A_992 = arith.constant 0 : i32
      %dma_wait3A_993 = arith.constant 0 : i32
      %dma_wait3A_994 = tpu.memref_slice %arg2[%dma_wait3A_992, %dma_wait3A_993] : memref<20224x128xf32, #tpu.memory_space<hbm>> -> memref<96x128xf32, #tpu.memory_space<hbm>>
      %dma_wait3A_995 = arith.constant 0 : i32
      %dma_wait3A_996 = arith.constant 0 : i32
      %dma_wait3A_997 = tpu.memref_slice %arg8[%dma_wait3A_987, %dma_wait3A_995, %dma_wait3A_996] : memref<3x96x128xf32, #tpu.memory_space<vmem>> -> memref<1x96x128xf32, #tpu.memory_space<vmem>>
      %dma_wait3A_998 = tpu.memref_squeeze %dma_wait3A_997 : memref<1x96x128xf32, #tpu.memory_space<vmem>> -> memref<96x128xf32, #tpu.memory_space<vmem>>
      %dma_wait3A_999 = arith.constant 0 : i32
      %dma_wait3A_1000 = arith.constant 0 : i32
      %dma_wait3A_1001 = tpu.memref_slice %arg2[%dma_wait3A_999, %dma_wait3A_1000] : memref<20224x128xf32, #tpu.memory_space<hbm>> -> memref<96x128xf32, #tpu.memory_space<hbm>>
      tpu.wait_dma2 semaphore(%arg13 : memref<!tpu.dma_semaphore, #tpu.memory_space<semaphore_mem>>) src(%dma_wait3A_1001 : memref<96x128xf32, #tpu.memory_space<hbm>>) dst(%dma_wait3A_998 : memref<96x128xf32, #tpu.memory_space<vmem>>)
      %dma_start3A_1002 = arith.constant 2 : i32
      %dma_start3A_1003 = arith.constant 17 : i32
      %dma_start3A_1004 = arith.constant 0 : i32
      %dma_start3A_1005 = arith.constant 0 : i32
      %dma_start3A_1006 = tpu.memref_slice %arg8[%dma_start3A_1002, %dma_start3A_1004, %dma_start3A_1005] : memref<3x96x128xf32, #tpu.memory_space<vmem>> -> memref<1x96x128xf32, #tpu.memory_space<vmem>>
      %dma_start3A_1007 = tpu.memref_squeeze %dma_start3A_1006 : memref<1x96x128xf32, #tpu.memory_space<vmem>> -> memref<96x128xf32, #tpu.memory_space<vmem>>
      %dma_start3A_1008 = arith.constant 0 : i32
      %dma_start3A_1009 = tpu.memref_slice %arg7[%select_n3A_74, %dma_start3A_1003, %dma_start3A_1008] : memref<2x24x96xi32, #tpu.memory_space<vmem>> -> memref<1x1x96xi32, #tpu.memory_space<vmem>>
      %dma_start3A_1010 = tpu.memref_squeeze %dma_start3A_1009 : memref<1x1x96xi32, #tpu.memory_space<vmem>> -> memref<96xi32, #tpu.memory_space<vmem>>
      %dma_start3A_1011 = arith.constant 0 : i32
      %dma_start3A_1012 = arith.constant 0 : i32
      %dma_start3A_1013 = tpu.memref_slice %arg9[%dma_start3A_1011, %dma_start3A_1012] : memref<10112x128xf32, #tpu.memory_space<vmem_shared>> -> memref<10112x128xf32, #tpu.memory_space<vmem_shared>>
      tpu.enqueue_indirect_dma source(%dma_start3A_1007 : memref<96x128xf32, #tpu.memory_space<vmem>>) target(%dma_start3A_1013 : memref<10112x128xf32, #tpu.memory_space<vmem_shared>>) offsets(%dma_start3A_1010 : memref<96xi32, #tpu.memory_space<vmem>>) semaphore(%arg16 : memref<!tpu.dma_semaphore, #tpu.memory_space<semaphore_mem>>) {add = true}
      %dma_wait3A_1014 = arith.constant 1 : i32
      %dma_wait3A_1015 = arith.constant 0 : i32
      %dma_wait3A_1016 = arith.constant 0 : i32
      %dma_wait3A_1017 = tpu.memref_slice %arg8[%dma_wait3A_1014, %dma_wait3A_1015, %dma_wait3A_1016] : memref<3x96x128xf32, #tpu.memory_space<vmem>> -> memref<1x96x128xf32, #tpu.memory_space<vmem>>
      %dma_wait3A_1018 = tpu.memref_squeeze %dma_wait3A_1017 : memref<1x96x128xf32, #tpu.memory_space<vmem>> -> memref<96x128xf32, #tpu.memory_space<vmem>>
      %dma_wait3A_1019 = arith.constant 0 : i32
      %dma_wait3A_1020 = arith.constant 0 : i32
      %dma_wait3A_1021 = tpu.memref_slice %arg2[%dma_wait3A_1019, %dma_wait3A_1020] : memref<20224x128xf32, #tpu.memory_space<hbm>> -> memref<96x128xf32, #tpu.memory_space<hbm>>
      %dma_wait3A_1022 = arith.constant 0 : i32
      %dma_wait3A_1023 = arith.constant 0 : i32
      %dma_wait3A_1024 = tpu.memref_slice %arg8[%dma_wait3A_1014, %dma_wait3A_1022, %dma_wait3A_1023] : memref<3x96x128xf32, #tpu.memory_space<vmem>> -> memref<1x96x128xf32, #tpu.memory_space<vmem>>
      %dma_wait3A_1025 = tpu.memref_squeeze %dma_wait3A_1024 : memref<1x96x128xf32, #tpu.memory_space<vmem>> -> memref<96x128xf32, #tpu.memory_space<vmem>>
      %dma_wait3A_1026 = arith.constant 0 : i32
      %dma_wait3A_1027 = arith.constant 0 : i32
      %dma_wait3A_1028 = tpu.memref_slice %arg2[%dma_wait3A_1026, %dma_wait3A_1027] : memref<20224x128xf32, #tpu.memory_space<hbm>> -> memref<96x128xf32, #tpu.memory_space<hbm>>
      tpu.wait_dma2 semaphore(%arg15 : memref<!tpu.dma_semaphore, #tpu.memory_space<semaphore_mem>>) src(%dma_wait3A_1028 : memref<96x128xf32, #tpu.memory_space<hbm>>) dst(%dma_wait3A_1025 : memref<96x128xf32, #tpu.memory_space<vmem>>)
      %dma_start3A_1029 = arith.constant 19 : i32
      %dma_start3A_1030 = arith.constant 1 : i32
      %dma_start3A_1031 = arith.constant 0 : i32
      %dma_start3A_1032 = arith.constant 0 : i32
      %dma_start3A_1033 = tpu.memref_slice %arg8[%dma_start3A_1030, %dma_start3A_1031, %dma_start3A_1032] : memref<3x96x128xf32, #tpu.memory_space<vmem>> -> memref<1x96x128xf32, #tpu.memory_space<vmem>>
      %dma_start3A_1034 = tpu.memref_squeeze %dma_start3A_1033 : memref<1x96x128xf32, #tpu.memory_space<vmem>> -> memref<96x128xf32, #tpu.memory_space<vmem>>
      %dma_start3A_1035 = arith.constant 0 : i32
      %dma_start3A_1036 = tpu.memref_slice %arg6[%select_n3A_74, %dma_start3A_1029, %dma_start3A_1035] : memref<2x24x96xi32, #tpu.memory_space<vmem>> -> memref<1x1x96xi32, #tpu.memory_space<vmem>>
      %dma_start3A_1037 = tpu.memref_squeeze %dma_start3A_1036 : memref<1x1x96xi32, #tpu.memory_space<vmem>> -> memref<96xi32, #tpu.memory_space<vmem>>
      %dma_start3A_1038 = arith.constant 0 : i32
      %dma_start3A_1039 = arith.constant 0 : i32
      %dma_start3A_1040 = tpu.memref_slice %arg2[%dma_start3A_1038, %dma_start3A_1039] : memref<20224x128xf32, #tpu.memory_space<hbm>> -> memref<20224x128xf32, #tpu.memory_space<hbm>>
      tpu.enqueue_indirect_dma source(%dma_start3A_1040 : memref<20224x128xf32, #tpu.memory_space<hbm>>) target(%dma_start3A_1034 : memref<96x128xf32, #tpu.memory_space<vmem>>) offsets(%dma_start3A_1037 : memref<96xi32, #tpu.memory_space<vmem>>) semaphore(%arg12 : memref<!tpu.dma_semaphore, #tpu.memory_space<semaphore_mem>>)
      %dma_wait3A_1041 = arith.constant 0 : i32
      %dma_wait3A_1042 = arith.constant 0 : i32
      %dma_wait3A_1043 = arith.constant 0 : i32
      %dma_wait3A_1044 = tpu.memref_slice %arg8[%dma_wait3A_1041, %dma_wait3A_1042, %dma_wait3A_1043] : memref<3x96x128xf32, #tpu.memory_space<vmem>> -> memref<1x96x128xf32, #tpu.memory_space<vmem>>
      %dma_wait3A_1045 = tpu.memref_squeeze %dma_wait3A_1044 : memref<1x96x128xf32, #tpu.memory_space<vmem>> -> memref<96x128xf32, #tpu.memory_space<vmem>>
      %dma_wait3A_1046 = arith.constant 0 : i32
      %dma_wait3A_1047 = arith.constant 0 : i32
      %dma_wait3A_1048 = tpu.memref_slice %arg2[%dma_wait3A_1046, %dma_wait3A_1047] : memref<20224x128xf32, #tpu.memory_space<hbm>> -> memref<96x128xf32, #tpu.memory_space<hbm>>
      %dma_wait3A_1049 = arith.constant 0 : i32
      %dma_wait3A_1050 = arith.constant 0 : i32
      %dma_wait3A_1051 = tpu.memref_slice %arg8[%dma_wait3A_1041, %dma_wait3A_1049, %dma_wait3A_1050] : memref<3x96x128xf32, #tpu.memory_space<vmem>> -> memref<1x96x128xf32, #tpu.memory_space<vmem>>
      %dma_wait3A_1052 = tpu.memref_squeeze %dma_wait3A_1051 : memref<1x96x128xf32, #tpu.memory_space<vmem>> -> memref<96x128xf32, #tpu.memory_space<vmem>>
      %dma_wait3A_1053 = arith.constant 0 : i32
      %dma_wait3A_1054 = arith.constant 0 : i32
      %dma_wait3A_1055 = tpu.memref_slice %arg2[%dma_wait3A_1053, %dma_wait3A_1054] : memref<20224x128xf32, #tpu.memory_space<hbm>> -> memref<96x128xf32, #tpu.memory_space<hbm>>
      tpu.wait_dma2 semaphore(%arg11 : memref<!tpu.dma_semaphore, #tpu.memory_space<semaphore_mem>>) src(%dma_wait3A_1055 : memref<96x128xf32, #tpu.memory_space<hbm>>) dst(%dma_wait3A_1052 : memref<96x128xf32, #tpu.memory_space<vmem>>)
      %dma_start3A_1056 = arith.constant 0 : i32
      %dma_start3A_1057 = arith.constant 18 : i32
      %dma_start3A_1058 = arith.constant 0 : i32
      %dma_start3A_1059 = arith.constant 0 : i32
      %dma_start3A_1060 = tpu.memref_slice %arg8[%dma_start3A_1056, %dma_start3A_1058, %dma_start3A_1059] : memref<3x96x128xf32, #tpu.memory_space<vmem>> -> memref<1x96x128xf32, #tpu.memory_space<vmem>>
      %dma_start3A_1061 = tpu.memref_squeeze %dma_start3A_1060 : memref<1x96x128xf32, #tpu.memory_space<vmem>> -> memref<96x128xf32, #tpu.memory_space<vmem>>
      %dma_start3A_1062 = arith.constant 0 : i32
      %dma_start3A_1063 = tpu.memref_slice %arg7[%select_n3A_74, %dma_start3A_1057, %dma_start3A_1062] : memref<2x24x96xi32, #tpu.memory_space<vmem>> -> memref<1x1x96xi32, #tpu.memory_space<vmem>>
      %dma_start3A_1064 = tpu.memref_squeeze %dma_start3A_1063 : memref<1x1x96xi32, #tpu.memory_space<vmem>> -> memref<96xi32, #tpu.memory_space<vmem>>
      %dma_start3A_1065 = arith.constant 0 : i32
      %dma_start3A_1066 = arith.constant 0 : i32
      %dma_start3A_1067 = tpu.memref_slice %arg9[%dma_start3A_1065, %dma_start3A_1066] : memref<10112x128xf32, #tpu.memory_space<vmem_shared>> -> memref<10112x128xf32, #tpu.memory_space<vmem_shared>>
      tpu.enqueue_indirect_dma source(%dma_start3A_1061 : memref<96x128xf32, #tpu.memory_space<vmem>>) target(%dma_start3A_1067 : memref<10112x128xf32, #tpu.memory_space<vmem_shared>>) offsets(%dma_start3A_1064 : memref<96xi32, #tpu.memory_space<vmem>>) semaphore(%arg14 : memref<!tpu.dma_semaphore, #tpu.memory_space<semaphore_mem>>) {add = true}
      %dma_wait3A_1068 = arith.constant 2 : i32
      %dma_wait3A_1069 = arith.constant 0 : i32
      %dma_wait3A_1070 = arith.constant 0 : i32
      %dma_wait3A_1071 = tpu.memref_slice %arg8[%dma_wait3A_1068, %dma_wait3A_1069, %dma_wait3A_1070] : memref<3x96x128xf32, #tpu.memory_space<vmem>> -> memref<1x96x128xf32, #tpu.memory_space<vmem>>
      %dma_wait3A_1072 = tpu.memref_squeeze %dma_wait3A_1071 : memref<1x96x128xf32, #tpu.memory_space<vmem>> -> memref<96x128xf32, #tpu.memory_space<vmem>>
      %dma_wait3A_1073 = arith.constant 0 : i32
      %dma_wait3A_1074 = arith.constant 0 : i32
      %dma_wait3A_1075 = tpu.memref_slice %arg2[%dma_wait3A_1073, %dma_wait3A_1074] : memref<20224x128xf32, #tpu.memory_space<hbm>> -> memref<96x128xf32, #tpu.memory_space<hbm>>
      %dma_wait3A_1076 = arith.constant 0 : i32
      %dma_wait3A_1077 = arith.constant 0 : i32
      %dma_wait3A_1078 = tpu.memref_slice %arg8[%dma_wait3A_1068, %dma_wait3A_1076, %dma_wait3A_1077] : memref<3x96x128xf32, #tpu.memory_space<vmem>> -> memref<1x96x128xf32, #tpu.memory_space<vmem>>
      %dma_wait3A_1079 = tpu.memref_squeeze %dma_wait3A_1078 : memref<1x96x128xf32, #tpu.memory_space<vmem>> -> memref<96x128xf32, #tpu.memory_space<vmem>>
      %dma_wait3A_1080 = arith.constant 0 : i32
      %dma_wait3A_1081 = arith.constant 0 : i32
      %dma_wait3A_1082 = tpu.memref_slice %arg2[%dma_wait3A_1080, %dma_wait3A_1081] : memref<20224x128xf32, #tpu.memory_space<hbm>> -> memref<96x128xf32, #tpu.memory_space<hbm>>
      tpu.wait_dma2 semaphore(%arg16 : memref<!tpu.dma_semaphore, #tpu.memory_space<semaphore_mem>>) src(%dma_wait3A_1082 : memref<96x128xf32, #tpu.memory_space<hbm>>) dst(%dma_wait3A_1079 : memref<96x128xf32, #tpu.memory_space<vmem>>)
      %dma_start3A_1083 = arith.constant 20 : i32
      %dma_start3A_1084 = arith.constant 2 : i32
      %dma_start3A_1085 = arith.constant 0 : i32
      %dma_start3A_1086 = arith.constant 0 : i32
      %dma_start3A_1087 = tpu.memref_slice %arg8[%dma_start3A_1084, %dma_start3A_1085, %dma_start3A_1086] : memref<3x96x128xf32, #tpu.memory_space<vmem>> -> memref<1x96x128xf32, #tpu.memory_space<vmem>>
      %dma_start3A_1088 = tpu.memref_squeeze %dma_start3A_1087 : memref<1x96x128xf32, #tpu.memory_space<vmem>> -> memref<96x128xf32, #tpu.memory_space<vmem>>
      %dma_start3A_1089 = arith.constant 0 : i32
      %dma_start3A_1090 = tpu.memref_slice %arg6[%select_n3A_74, %dma_start3A_1083, %dma_start3A_1089] : memref<2x24x96xi32, #tpu.memory_space<vmem>> -> memref<1x1x96xi32, #tpu.memory_space<vmem>>
      %dma_start3A_1091 = tpu.memref_squeeze %dma_start3A_1090 : memref<1x1x96xi32, #tpu.memory_space<vmem>> -> memref<96xi32, #tpu.memory_space<vmem>>
      %dma_start3A_1092 = arith.constant 0 : i32
      %dma_start3A_1093 = arith.constant 0 : i32
      %dma_start3A_1094 = tpu.memref_slice %arg2[%dma_start3A_1092, %dma_start3A_1093] : memref<20224x128xf32, #tpu.memory_space<hbm>> -> memref<20224x128xf32, #tpu.memory_space<hbm>>
      tpu.enqueue_indirect_dma source(%dma_start3A_1094 : memref<20224x128xf32, #tpu.memory_space<hbm>>) target(%dma_start3A_1088 : memref<96x128xf32, #tpu.memory_space<vmem>>) offsets(%dma_start3A_1091 : memref<96xi32, #tpu.memory_space<vmem>>) semaphore(%arg13 : memref<!tpu.dma_semaphore, #tpu.memory_space<semaphore_mem>>)
      %dma_wait3A_1095 = arith.constant 1 : i32
      %dma_wait3A_1096 = arith.constant 0 : i32
      %dma_wait3A_1097 = arith.constant 0 : i32
      %dma_wait3A_1098 = tpu.memref_slice %arg8[%dma_wait3A_1095, %dma_wait3A_1096, %dma_wait3A_1097] : memref<3x96x128xf32, #tpu.memory_space<vmem>> -> memref<1x96x128xf32, #tpu.memory_space<vmem>>
      %dma_wait3A_1099 = tpu.memref_squeeze %dma_wait3A_1098 : memref<1x96x128xf32, #tpu.memory_space<vmem>> -> memref<96x128xf32, #tpu.memory_space<vmem>>
      %dma_wait3A_1100 = arith.constant 0 : i32
      %dma_wait3A_1101 = arith.constant 0 : i32
      %dma_wait3A_1102 = tpu.memref_slice %arg2[%dma_wait3A_1100, %dma_wait3A_1101] : memref<20224x128xf32, #tpu.memory_space<hbm>> -> memref<96x128xf32, #tpu.memory_space<hbm>>
      %dma_wait3A_1103 = arith.constant 0 : i32
      %dma_wait3A_1104 = arith.constant 0 : i32
      %dma_wait3A_1105 = tpu.memref_slice %arg8[%dma_wait3A_1095, %dma_wait3A_1103, %dma_wait3A_1104] : memref<3x96x128xf32, #tpu.memory_space<vmem>> -> memref<1x96x128xf32, #tpu.memory_space<vmem>>
      %dma_wait3A_1106 = tpu.memref_squeeze %dma_wait3A_1105 : memref<1x96x128xf32, #tpu.memory_space<vmem>> -> memref<96x128xf32, #tpu.memory_space<vmem>>
      %dma_wait3A_1107 = arith.constant 0 : i32
      %dma_wait3A_1108 = arith.constant 0 : i32
      %dma_wait3A_1109 = tpu.memref_slice %arg2[%dma_wait3A_1107, %dma_wait3A_1108] : memref<20224x128xf32, #tpu.memory_space<hbm>> -> memref<96x128xf32, #tpu.memory_space<hbm>>
      tpu.wait_dma2 semaphore(%arg12 : memref<!tpu.dma_semaphore, #tpu.memory_space<semaphore_mem>>) src(%dma_wait3A_1109 : memref<96x128xf32, #tpu.memory_space<hbm>>) dst(%dma_wait3A_1106 : memref<96x128xf32, #tpu.memory_space<vmem>>)
      %dma_start3A_1110 = arith.constant 1 : i32
      %dma_start3A_1111 = arith.constant 19 : i32
      %dma_start3A_1112 = arith.constant 0 : i32
      %dma_start3A_1113 = arith.constant 0 : i32
      %dma_start3A_1114 = tpu.memref_slice %arg8[%dma_start3A_1110, %dma_start3A_1112, %dma_start3A_1113] : memref<3x96x128xf32, #tpu.memory_space<vmem>> -> memref<1x96x128xf32, #tpu.memory_space<vmem>>
      %dma_start3A_1115 = tpu.memref_squeeze %dma_start3A_1114 : memref<1x96x128xf32, #tpu.memory_space<vmem>> -> memref<96x128xf32, #tpu.memory_space<vmem>>
      %dma_start3A_1116 = arith.constant 0 : i32
      %dma_start3A_1117 = tpu.memref_slice %arg7[%select_n3A_74, %dma_start3A_1111, %dma_start3A_1116] : memref<2x24x96xi32, #tpu.memory_space<vmem>> -> memref<1x1x96xi32, #tpu.memory_space<vmem>>
      %dma_start3A_1118 = tpu.memref_squeeze %dma_start3A_1117 : memref<1x1x96xi32, #tpu.memory_space<vmem>> -> memref<96xi32, #tpu.memory_space<vmem>>
      %dma_start3A_1119 = arith.constant 0 : i32
      %dma_start3A_1120 = arith.constant 0 : i32
      %dma_start3A_1121 = tpu.memref_slice %arg9[%dma_start3A_1119, %dma_start3A_1120] : memref<10112x128xf32, #tpu.memory_space<vmem_shared>> -> memref<10112x128xf32, #tpu.memory_space<vmem_shared>>
      tpu.enqueue_indirect_dma source(%dma_start3A_1115 : memref<96x128xf32, #tpu.memory_space<vmem>>) target(%dma_start3A_1121 : memref<10112x128xf32, #tpu.memory_space<vmem_shared>>) offsets(%dma_start3A_1118 : memref<96xi32, #tpu.memory_space<vmem>>) semaphore(%arg15 : memref<!tpu.dma_semaphore, #tpu.memory_space<semaphore_mem>>) {add = true}
      %dma_wait3A_1122 = arith.constant 0 : i32
      %dma_wait3A_1123 = arith.constant 0 : i32
      %dma_wait3A_1124 = arith.constant 0 : i32
      %dma_wait3A_1125 = tpu.memref_slice %arg8[%dma_wait3A_1122, %dma_wait3A_1123, %dma_wait3A_1124] : memref<3x96x128xf32, #tpu.memory_space<vmem>> -> memref<1x96x128xf32, #tpu.memory_space<vmem>>
      %dma_wait3A_1126 = tpu.memref_squeeze %dma_wait3A_1125 : memref<1x96x128xf32, #tpu.memory_space<vmem>> -> memref<96x128xf32, #tpu.memory_space<vmem>>
      %dma_wait3A_1127 = arith.constant 0 : i32
      %dma_wait3A_1128 = arith.constant 0 : i32
      %dma_wait3A_1129 = tpu.memref_slice %arg2[%dma_wait3A_1127, %dma_wait3A_1128] : memref<20224x128xf32, #tpu.memory_space<hbm>> -> memref<96x128xf32, #tpu.memory_space<hbm>>
      %dma_wait3A_1130 = arith.constant 0 : i32
      %dma_wait3A_1131 = arith.constant 0 : i32
      %dma_wait3A_1132 = tpu.memref_slice %arg8[%dma_wait3A_1122, %dma_wait3A_1130, %dma_wait3A_1131] : memref<3x96x128xf32, #tpu.memory_space<vmem>> -> memref<1x96x128xf32, #tpu.memory_space<vmem>>
      %dma_wait3A_1133 = tpu.memref_squeeze %dma_wait3A_1132 : memref<1x96x128xf32, #tpu.memory_space<vmem>> -> memref<96x128xf32, #tpu.memory_space<vmem>>
      %dma_wait3A_1134 = arith.constant 0 : i32
      %dma_wait3A_1135 = arith.constant 0 : i32
      %dma_wait3A_1136 = tpu.memref_slice %arg2[%dma_wait3A_1134, %dma_wait3A_1135] : memref<20224x128xf32, #tpu.memory_space<hbm>> -> memref<96x128xf32, #tpu.memory_space<hbm>>
      tpu.wait_dma2 semaphore(%arg14 : memref<!tpu.dma_semaphore, #tpu.memory_space<semaphore_mem>>) src(%dma_wait3A_1136 : memref<96x128xf32, #tpu.memory_space<hbm>>) dst(%dma_wait3A_1133 : memref<96x128xf32, #tpu.memory_space<vmem>>)
      %dma_start3A_1137 = arith.constant 21 : i32
      %dma_start3A_1138 = arith.constant 0 : i32
      %dma_start3A_1139 = arith.constant 0 : i32
      %dma_start3A_1140 = arith.constant 0 : i32
      %dma_start3A_1141 = tpu.memref_slice %arg8[%dma_start3A_1138, %dma_start3A_1139, %dma_start3A_1140] : memref<3x96x128xf32, #tpu.memory_space<vmem>> -> memref<1x96x128xf32, #tpu.memory_space<vmem>>
      %dma_start3A_1142 = tpu.memref_squeeze %dma_start3A_1141 : memref<1x96x128xf32, #tpu.memory_space<vmem>> -> memref<96x128xf32, #tpu.memory_space<vmem>>
      %dma_start3A_1143 = arith.constant 0 : i32
      %dma_start3A_1144 = tpu.memref_slice %arg6[%select_n3A_74, %dma_start3A_1137, %dma_start3A_1143] : memref<2x24x96xi32, #tpu.memory_space<vmem>> -> memref<1x1x96xi32, #tpu.memory_space<vmem>>
      %dma_start3A_1145 = tpu.memref_squeeze %dma_start3A_1144 : memref<1x1x96xi32, #tpu.memory_space<vmem>> -> memref<96xi32, #tpu.memory_space<vmem>>
      %dma_start3A_1146 = arith.constant 0 : i32
      %dma_start3A_1147 = arith.constant 0 : i32
      %dma_start3A_1148 = tpu.memref_slice %arg2[%dma_start3A_1146, %dma_start3A_1147] : memref<20224x128xf32, #tpu.memory_space<hbm>> -> memref<20224x128xf32, #tpu.memory_space<hbm>>
      tpu.enqueue_indirect_dma source(%dma_start3A_1148 : memref<20224x128xf32, #tpu.memory_space<hbm>>) target(%dma_start3A_1142 : memref<96x128xf32, #tpu.memory_space<vmem>>) offsets(%dma_start3A_1145 : memref<96xi32, #tpu.memory_space<vmem>>) semaphore(%arg11 : memref<!tpu.dma_semaphore, #tpu.memory_space<semaphore_mem>>)
      %dma_wait3A_1149 = arith.constant 2 : i32
      %dma_wait3A_1150 = arith.constant 0 : i32
      %dma_wait3A_1151 = arith.constant 0 : i32
      %dma_wait3A_1152 = tpu.memref_slice %arg8[%dma_wait3A_1149, %dma_wait3A_1150, %dma_wait3A_1151] : memref<3x96x128xf32, #tpu.memory_space<vmem>> -> memref<1x96x128xf32, #tpu.memory_space<vmem>>
      %dma_wait3A_1153 = tpu.memref_squeeze %dma_wait3A_1152 : memref<1x96x128xf32, #tpu.memory_space<vmem>> -> memref<96x128xf32, #tpu.memory_space<vmem>>
      %dma_wait3A_1154 = arith.constant 0 : i32
      %dma_wait3A_1155 = arith.constant 0 : i32
      %dma_wait3A_1156 = tpu.memref_slice %arg2[%dma_wait3A_1154, %dma_wait3A_1155] : memref<20224x128xf32, #tpu.memory_space<hbm>> -> memref<96x128xf32, #tpu.memory_space<hbm>>
      %dma_wait3A_1157 = arith.constant 0 : i32
      %dma_wait3A_1158 = arith.constant 0 : i32
      %dma_wait3A_1159 = tpu.memref_slice %arg8[%dma_wait3A_1149, %dma_wait3A_1157, %dma_wait3A_1158] : memref<3x96x128xf32, #tpu.memory_space<vmem>> -> memref<1x96x128xf32, #tpu.memory_space<vmem>>
      %dma_wait3A_1160 = tpu.memref_squeeze %dma_wait3A_1159 : memref<1x96x128xf32, #tpu.memory_space<vmem>> -> memref<96x128xf32, #tpu.memory_space<vmem>>
      %dma_wait3A_1161 = arith.constant 0 : i32
      %dma_wait3A_1162 = arith.constant 0 : i32
      %dma_wait3A_1163 = tpu.memref_slice %arg2[%dma_wait3A_1161, %dma_wait3A_1162] : memref<20224x128xf32, #tpu.memory_space<hbm>> -> memref<96x128xf32, #tpu.memory_space<hbm>>
      tpu.wait_dma2 semaphore(%arg13 : memref<!tpu.dma_semaphore, #tpu.memory_space<semaphore_mem>>) src(%dma_wait3A_1163 : memref<96x128xf32, #tpu.memory_space<hbm>>) dst(%dma_wait3A_1160 : memref<96x128xf32, #tpu.memory_space<vmem>>)
      %dma_start3A_1164 = arith.constant 2 : i32
      %dma_start3A_1165 = arith.constant 20 : i32
      %dma_start3A_1166 = arith.constant 0 : i32
      %dma_start3A_1167 = arith.constant 0 : i32
      %dma_start3A_1168 = tpu.memref_slice %arg8[%dma_start3A_1164, %dma_start3A_1166, %dma_start3A_1167] : memref<3x96x128xf32, #tpu.memory_space<vmem>> -> memref<1x96x128xf32, #tpu.memory_space<vmem>>
      %dma_start3A_1169 = tpu.memref_squeeze %dma_start3A_1168 : memref<1x96x128xf32, #tpu.memory_space<vmem>> -> memref<96x128xf32, #tpu.memory_space<vmem>>
      %dma_start3A_1170 = arith.constant 0 : i32
      %dma_start3A_1171 = tpu.memref_slice %arg7[%select_n3A_74, %dma_start3A_1165, %dma_start3A_1170] : memref<2x24x96xi32, #tpu.memory_space<vmem>> -> memref<1x1x96xi32, #tpu.memory_space<vmem>>
      %dma_start3A_1172 = tpu.memref_squeeze %dma_start3A_1171 : memref<1x1x96xi32, #tpu.memory_space<vmem>> -> memref<96xi32, #tpu.memory_space<vmem>>
      %dma_start3A_1173 = arith.constant 0 : i32
      %dma_start3A_1174 = arith.constant 0 : i32
      %dma_start3A_1175 = tpu.memref_slice %arg9[%dma_start3A_1173, %dma_start3A_1174] : memref<10112x128xf32, #tpu.memory_space<vmem_shared>> -> memref<10112x128xf32, #tpu.memory_space<vmem_shared>>
      tpu.enqueue_indirect_dma source(%dma_start3A_1169 : memref<96x128xf32, #tpu.memory_space<vmem>>) target(%dma_start3A_1175 : memref<10112x128xf32, #tpu.memory_space<vmem_shared>>) offsets(%dma_start3A_1172 : memref<96xi32, #tpu.memory_space<vmem>>) semaphore(%arg16 : memref<!tpu.dma_semaphore, #tpu.memory_space<semaphore_mem>>) {add = true}
      %dma_wait3A_1176 = arith.constant 1 : i32
      %dma_wait3A_1177 = arith.constant 0 : i32
      %dma_wait3A_1178 = arith.constant 0 : i32
      %dma_wait3A_1179 = tpu.memref_slice %arg8[%dma_wait3A_1176, %dma_wait3A_1177, %dma_wait3A_1178] : memref<3x96x128xf32, #tpu.memory_space<vmem>> -> memref<1x96x128xf32, #tpu.memory_space<vmem>>
      %dma_wait3A_1180 = tpu.memref_squeeze %dma_wait3A_1179 : memref<1x96x128xf32, #tpu.memory_space<vmem>> -> memref<96x128xf32, #tpu.memory_space<vmem>>
      %dma_wait3A_1181 = arith.constant 0 : i32
      %dma_wait3A_1182 = arith.constant 0 : i32
      %dma_wait3A_1183 = tpu.memref_slice %arg2[%dma_wait3A_1181, %dma_wait3A_1182] : memref<20224x128xf32, #tpu.memory_space<hbm>> -> memref<96x128xf32, #tpu.memory_space<hbm>>
      %dma_wait3A_1184 = arith.constant 0 : i32
      %dma_wait3A_1185 = arith.constant 0 : i32
      %dma_wait3A_1186 = tpu.memref_slice %arg8[%dma_wait3A_1176, %dma_wait3A_1184, %dma_wait3A_1185] : memref<3x96x128xf32, #tpu.memory_space<vmem>> -> memref<1x96x128xf32, #tpu.memory_space<vmem>>
      %dma_wait3A_1187 = tpu.memref_squeeze %dma_wait3A_1186 : memref<1x96x128xf32, #tpu.memory_space<vmem>> -> memref<96x128xf32, #tpu.memory_space<vmem>>
      %dma_wait3A_1188 = arith.constant 0 : i32
      %dma_wait3A_1189 = arith.constant 0 : i32
      %dma_wait3A_1190 = tpu.memref_slice %arg2[%dma_wait3A_1188, %dma_wait3A_1189] : memref<20224x128xf32, #tpu.memory_space<hbm>> -> memref<96x128xf32, #tpu.memory_space<hbm>>
      tpu.wait_dma2 semaphore(%arg15 : memref<!tpu.dma_semaphore, #tpu.memory_space<semaphore_mem>>) src(%dma_wait3A_1190 : memref<96x128xf32, #tpu.memory_space<hbm>>) dst(%dma_wait3A_1187 : memref<96x128xf32, #tpu.memory_space<vmem>>)
      %dma_start3A_1191 = arith.constant 22 : i32
      %dma_start3A_1192 = arith.constant 1 : i32
      %dma_start3A_1193 = arith.constant 0 : i32
      %dma_start3A_1194 = arith.constant 0 : i32
      %dma_start3A_1195 = tpu.memref_slice %arg8[%dma_start3A_1192, %dma_start3A_1193, %dma_start3A_1194] : memref<3x96x128xf32, #tpu.memory_space<vmem>> -> memref<1x96x128xf32, #tpu.memory_space<vmem>>
      %dma_start3A_1196 = tpu.memref_squeeze %dma_start3A_1195 : memref<1x96x128xf32, #tpu.memory_space<vmem>> -> memref<96x128xf32, #tpu.memory_space<vmem>>
      %dma_start3A_1197 = arith.constant 0 : i32
      %dma_start3A_1198 = tpu.memref_slice %arg6[%select_n3A_74, %dma_start3A_1191, %dma_start3A_1197] : memref<2x24x96xi32, #tpu.memory_space<vmem>> -> memref<1x1x96xi32, #tpu.memory_space<vmem>>
      %dma_start3A_1199 = tpu.memref_squeeze %dma_start3A_1198 : memref<1x1x96xi32, #tpu.memory_space<vmem>> -> memref<96xi32, #tpu.memory_space<vmem>>
      %dma_start3A_1200 = arith.constant 0 : i32
      %dma_start3A_1201 = arith.constant 0 : i32
      %dma_start3A_1202 = tpu.memref_slice %arg2[%dma_start3A_1200, %dma_start3A_1201] : memref<20224x128xf32, #tpu.memory_space<hbm>> -> memref<20224x128xf32, #tpu.memory_space<hbm>>
      tpu.enqueue_indirect_dma source(%dma_start3A_1202 : memref<20224x128xf32, #tpu.memory_space<hbm>>) target(%dma_start3A_1196 : memref<96x128xf32, #tpu.memory_space<vmem>>) offsets(%dma_start3A_1199 : memref<96xi32, #tpu.memory_space<vmem>>) semaphore(%arg12 : memref<!tpu.dma_semaphore, #tpu.memory_space<semaphore_mem>>)
      %dma_wait3A_1203 = arith.constant 0 : i32
      %dma_wait3A_1204 = arith.constant 0 : i32
      %dma_wait3A_1205 = arith.constant 0 : i32
      %dma_wait3A_1206 = tpu.memref_slice %arg8[%dma_wait3A_1203, %dma_wait3A_1204, %dma_wait3A_1205] : memref<3x96x128xf32, #tpu.memory_space<vmem>> -> memref<1x96x128xf32, #tpu.memory_space<vmem>>
      %dma_wait3A_1207 = tpu.memref_squeeze %dma_wait3A_1206 : memref<1x96x128xf32, #tpu.memory_space<vmem>> -> memref<96x128xf32, #tpu.memory_space<vmem>>
      %dma_wait3A_1208 = arith.constant 0 : i32
      %dma_wait3A_1209 = arith.constant 0 : i32
      %dma_wait3A_1210 = tpu.memref_slice %arg2[%dma_wait3A_1208, %dma_wait3A_1209] : memref<20224x128xf32, #tpu.memory_space<hbm>> -> memref<96x128xf32, #tpu.memory_space<hbm>>
      %dma_wait3A_1211 = arith.constant 0 : i32
      %dma_wait3A_1212 = arith.constant 0 : i32
      %dma_wait3A_1213 = tpu.memref_slice %arg8[%dma_wait3A_1203, %dma_wait3A_1211, %dma_wait3A_1212] : memref<3x96x128xf32, #tpu.memory_space<vmem>> -> memref<1x96x128xf32, #tpu.memory_space<vmem>>
      %dma_wait3A_1214 = tpu.memref_squeeze %dma_wait3A_1213 : memref<1x96x128xf32, #tpu.memory_space<vmem>> -> memref<96x128xf32, #tpu.memory_space<vmem>>
      %dma_wait3A_1215 = arith.constant 0 : i32
      %dma_wait3A_1216 = arith.constant 0 : i32
      %dma_wait3A_1217 = tpu.memref_slice %arg2[%dma_wait3A_1215, %dma_wait3A_1216] : memref<20224x128xf32, #tpu.memory_space<hbm>> -> memref<96x128xf32, #tpu.memory_space<hbm>>
      tpu.wait_dma2 semaphore(%arg11 : memref<!tpu.dma_semaphore, #tpu.memory_space<semaphore_mem>>) src(%dma_wait3A_1217 : memref<96x128xf32, #tpu.memory_space<hbm>>) dst(%dma_wait3A_1214 : memref<96x128xf32, #tpu.memory_space<vmem>>)
      %dma_start3A_1218 = arith.constant 0 : i32
      %dma_start3A_1219 = arith.constant 21 : i32
      %dma_start3A_1220 = arith.constant 0 : i32
      %dma_start3A_1221 = arith.constant 0 : i32
      %dma_start3A_1222 = tpu.memref_slice %arg8[%dma_start3A_1218, %dma_start3A_1220, %dma_start3A_1221] : memref<3x96x128xf32, #tpu.memory_space<vmem>> -> memref<1x96x128xf32, #tpu.memory_space<vmem>>
      %dma_start3A_1223 = tpu.memref_squeeze %dma_start3A_1222 : memref<1x96x128xf32, #tpu.memory_space<vmem>> -> memref<96x128xf32, #tpu.memory_space<vmem>>
      %dma_start3A_1224 = arith.constant 0 : i32
      %dma_start3A_1225 = tpu.memref_slice %arg7[%select_n3A_74, %dma_start3A_1219, %dma_start3A_1224] : memref<2x24x96xi32, #tpu.memory_space<vmem>> -> memref<1x1x96xi32, #tpu.memory_space<vmem>>
      %dma_start3A_1226 = tpu.memref_squeeze %dma_start3A_1225 : memref<1x1x96xi32, #tpu.memory_space<vmem>> -> memref<96xi32, #tpu.memory_space<vmem>>
      %dma_start3A_1227 = arith.constant 0 : i32
      %dma_start3A_1228 = arith.constant 0 : i32
      %dma_start3A_1229 = tpu.memref_slice %arg9[%dma_start3A_1227, %dma_start3A_1228] : memref<10112x128xf32, #tpu.memory_space<vmem_shared>> -> memref<10112x128xf32, #tpu.memory_space<vmem_shared>>
      tpu.enqueue_indirect_dma source(%dma_start3A_1223 : memref<96x128xf32, #tpu.memory_space<vmem>>) target(%dma_start3A_1229 : memref<10112x128xf32, #tpu.memory_space<vmem_shared>>) offsets(%dma_start3A_1226 : memref<96xi32, #tpu.memory_space<vmem>>) semaphore(%arg14 : memref<!tpu.dma_semaphore, #tpu.memory_space<semaphore_mem>>) {add = true}
      %dma_wait3A_1230 = arith.constant 2 : i32
      %dma_wait3A_1231 = arith.constant 0 : i32
      %dma_wait3A_1232 = arith.constant 0 : i32
      %dma_wait3A_1233 = tpu.memref_slice %arg8[%dma_wait3A_1230, %dma_wait3A_1231, %dma_wait3A_1232] : memref<3x96x128xf32, #tpu.memory_space<vmem>> -> memref<1x96x128xf32, #tpu.memory_space<vmem>>
      %dma_wait3A_1234 = tpu.memref_squeeze %dma_wait3A_1233 : memref<1x96x128xf32, #tpu.memory_space<vmem>> -> memref<96x128xf32, #tpu.memory_space<vmem>>
      %dma_wait3A_1235 = arith.constant 0 : i32
      %dma_wait3A_1236 = arith.constant 0 : i32
      %dma_wait3A_1237 = tpu.memref_slice %arg2[%dma_wait3A_1235, %dma_wait3A_1236] : memref<20224x128xf32, #tpu.memory_space<hbm>> -> memref<96x128xf32, #tpu.memory_space<hbm>>
      %dma_wait3A_1238 = arith.constant 0 : i32
      %dma_wait3A_1239 = arith.constant 0 : i32
      %dma_wait3A_1240 = tpu.memref_slice %arg8[%dma_wait3A_1230, %dma_wait3A_1238, %dma_wait3A_1239] : memref<3x96x128xf32, #tpu.memory_space<vmem>> -> memref<1x96x128xf32, #tpu.memory_space<vmem>>
      %dma_wait3A_1241 = tpu.memref_squeeze %dma_wait3A_1240 : memref<1x96x128xf32, #tpu.memory_space<vmem>> -> memref<96x128xf32, #tpu.memory_space<vmem>>
      %dma_wait3A_1242 = arith.constant 0 : i32
      %dma_wait3A_1243 = arith.constant 0 : i32
      %dma_wait3A_1244 = tpu.memref_slice %arg2[%dma_wait3A_1242, %dma_wait3A_1243] : memref<20224x128xf32, #tpu.memory_space<hbm>> -> memref<96x128xf32, #tpu.memory_space<hbm>>
      tpu.wait_dma2 semaphore(%arg16 : memref<!tpu.dma_semaphore, #tpu.memory_space<semaphore_mem>>) src(%dma_wait3A_1244 : memref<96x128xf32, #tpu.memory_space<hbm>>) dst(%dma_wait3A_1241 : memref<96x128xf32, #tpu.memory_space<vmem>>)
      %dma_start3A_1245 = arith.constant 23 : i32
      %dma_start3A_1246 = arith.constant 2 : i32
      %dma_start3A_1247 = arith.constant 0 : i32
      %dma_start3A_1248 = arith.constant 0 : i32
      %dma_start3A_1249 = tpu.memref_slice %arg8[%dma_start3A_1246, %dma_start3A_1247, %dma_start3A_1248] : memref<3x96x128xf32, #tpu.memory_space<vmem>> -> memref<1x96x128xf32, #tpu.memory_space<vmem>>
      %dma_start3A_1250 = tpu.memref_squeeze %dma_start3A_1249 : memref<1x96x128xf32, #tpu.memory_space<vmem>> -> memref<96x128xf32, #tpu.memory_space<vmem>>
      %dma_start3A_1251 = arith.constant 0 : i32
      %dma_start3A_1252 = tpu.memref_slice %arg6[%select_n3A_74, %dma_start3A_1245, %dma_start3A_1251] : memref<2x24x96xi32, #tpu.memory_space<vmem>> -> memref<1x1x96xi32, #tpu.memory_space<vmem>>
      %dma_start3A_1253 = tpu.memref_squeeze %dma_start3A_1252 : memref<1x1x96xi32, #tpu.memory_space<vmem>> -> memref<96xi32, #tpu.memory_space<vmem>>
      %dma_start3A_1254 = arith.constant 0 : i32
      %dma_start3A_1255 = arith.constant 0 : i32
      %dma_start3A_1256 = tpu.memref_slice %arg2[%dma_start3A_1254, %dma_start3A_1255] : memref<20224x128xf32, #tpu.memory_space<hbm>> -> memref<20224x128xf32, #tpu.memory_space<hbm>>
      tpu.enqueue_indirect_dma source(%dma_start3A_1256 : memref<20224x128xf32, #tpu.memory_space<hbm>>) target(%dma_start3A_1250 : memref<96x128xf32, #tpu.memory_space<vmem>>) offsets(%dma_start3A_1253 : memref<96xi32, #tpu.memory_space<vmem>>) semaphore(%arg13 : memref<!tpu.dma_semaphore, #tpu.memory_space<semaphore_mem>>)
      %dma_wait3A_1257 = arith.constant 1 : i32
      %dma_wait3A_1258 = arith.constant 0 : i32
      %dma_wait3A_1259 = arith.constant 0 : i32
      %dma_wait3A_1260 = tpu.memref_slice %arg8[%dma_wait3A_1257, %dma_wait3A_1258, %dma_wait3A_1259] : memref<3x96x128xf32, #tpu.memory_space<vmem>> -> memref<1x96x128xf32, #tpu.memory_space<vmem>>
      %dma_wait3A_1261 = tpu.memref_squeeze %dma_wait3A_1260 : memref<1x96x128xf32, #tpu.memory_space<vmem>> -> memref<96x128xf32, #tpu.memory_space<vmem>>
      %dma_wait3A_1262 = arith.constant 0 : i32
      %dma_wait3A_1263 = arith.constant 0 : i32
      %dma_wait3A_1264 = tpu.memref_slice %arg2[%dma_wait3A_1262, %dma_wait3A_1263] : memref<20224x128xf32, #tpu.memory_space<hbm>> -> memref<96x128xf32, #tpu.memory_space<hbm>>
      %dma_wait3A_1265 = arith.constant 0 : i32
      %dma_wait3A_1266 = arith.constant 0 : i32
      %dma_wait3A_1267 = tpu.memref_slice %arg8[%dma_wait3A_1257, %dma_wait3A_1265, %dma_wait3A_1266] : memref<3x96x128xf32, #tpu.memory_space<vmem>> -> memref<1x96x128xf32, #tpu.memory_space<vmem>>
      %dma_wait3A_1268 = tpu.memref_squeeze %dma_wait3A_1267 : memref<1x96x128xf32, #tpu.memory_space<vmem>> -> memref<96x128xf32, #tpu.memory_space<vmem>>
      %dma_wait3A_1269 = arith.constant 0 : i32
      %dma_wait3A_1270 = arith.constant 0 : i32
      %dma_wait3A_1271 = tpu.memref_slice %arg2[%dma_wait3A_1269, %dma_wait3A_1270] : memref<20224x128xf32, #tpu.memory_space<hbm>> -> memref<96x128xf32, #tpu.memory_space<hbm>>
      tpu.wait_dma2 semaphore(%arg12 : memref<!tpu.dma_semaphore, #tpu.memory_space<semaphore_mem>>) src(%dma_wait3A_1271 : memref<96x128xf32, #tpu.memory_space<hbm>>) dst(%dma_wait3A_1268 : memref<96x128xf32, #tpu.memory_space<vmem>>)
      %dma_start3A_1272 = arith.constant 1 : i32
      %dma_start3A_1273 = arith.constant 22 : i32
      %dma_start3A_1274 = arith.constant 0 : i32
      %dma_start3A_1275 = arith.constant 0 : i32
      %dma_start3A_1276 = tpu.memref_slice %arg8[%dma_start3A_1272, %dma_start3A_1274, %dma_start3A_1275] : memref<3x96x128xf32, #tpu.memory_space<vmem>> -> memref<1x96x128xf32, #tpu.memory_space<vmem>>
      %dma_start3A_1277 = tpu.memref_squeeze %dma_start3A_1276 : memref<1x96x128xf32, #tpu.memory_space<vmem>> -> memref<96x128xf32, #tpu.memory_space<vmem>>
      %dma_start3A_1278 = arith.constant 0 : i32
      %dma_start3A_1279 = tpu.memref_slice %arg7[%select_n3A_74, %dma_start3A_1273, %dma_start3A_1278] : memref<2x24x96xi32, #tpu.memory_space<vmem>> -> memref<1x1x96xi32, #tpu.memory_space<vmem>>
      %dma_start3A_1280 = tpu.memref_squeeze %dma_start3A_1279 : memref<1x1x96xi32, #tpu.memory_space<vmem>> -> memref<96xi32, #tpu.memory_space<vmem>>
      %dma_start3A_1281 = arith.constant 0 : i32
      %dma_start3A_1282 = arith.constant 0 : i32
      %dma_start3A_1283 = tpu.memref_slice %arg9[%dma_start3A_1281, %dma_start3A_1282] : memref<10112x128xf32, #tpu.memory_space<vmem_shared>> -> memref<10112x128xf32, #tpu.memory_space<vmem_shared>>
      tpu.enqueue_indirect_dma source(%dma_start3A_1277 : memref<96x128xf32, #tpu.memory_space<vmem>>) target(%dma_start3A_1283 : memref<10112x128xf32, #tpu.memory_space<vmem_shared>>) offsets(%dma_start3A_1280 : memref<96xi32, #tpu.memory_space<vmem>>) semaphore(%arg15 : memref<!tpu.dma_semaphore, #tpu.memory_space<semaphore_mem>>) {add = true}
      %dma_wait3A_1284 = arith.constant 0 : i32
      %dma_wait3A_1285 = arith.constant 0 : i32
      %dma_wait3A_1286 = arith.constant 0 : i32
      %dma_wait3A_1287 = tpu.memref_slice %arg8[%dma_wait3A_1284, %dma_wait3A_1285, %dma_wait3A_1286] : memref<3x96x128xf32, #tpu.memory_space<vmem>> -> memref<1x96x128xf32, #tpu.memory_space<vmem>>
      %dma_wait3A_1288 = tpu.memref_squeeze %dma_wait3A_1287 : memref<1x96x128xf32, #tpu.memory_space<vmem>> -> memref<96x128xf32, #tpu.memory_space<vmem>>
      %dma_wait3A_1289 = arith.constant 0 : i32
      %dma_wait3A_1290 = arith.constant 0 : i32
      %dma_wait3A_1291 = tpu.memref_slice %arg2[%dma_wait3A_1289, %dma_wait3A_1290] : memref<20224x128xf32, #tpu.memory_space<hbm>> -> memref<96x128xf32, #tpu.memory_space<hbm>>
      %dma_wait3A_1292 = arith.constant 0 : i32
      %dma_wait3A_1293 = arith.constant 0 : i32
      %dma_wait3A_1294 = tpu.memref_slice %arg8[%dma_wait3A_1284, %dma_wait3A_1292, %dma_wait3A_1293] : memref<3x96x128xf32, #tpu.memory_space<vmem>> -> memref<1x96x128xf32, #tpu.memory_space<vmem>>
      %dma_wait3A_1295 = tpu.memref_squeeze %dma_wait3A_1294 : memref<1x96x128xf32, #tpu.memory_space<vmem>> -> memref<96x128xf32, #tpu.memory_space<vmem>>
      %dma_wait3A_1296 = arith.constant 0 : i32
      %dma_wait3A_1297 = arith.constant 0 : i32
      %dma_wait3A_1298 = tpu.memref_slice %arg2[%dma_wait3A_1296, %dma_wait3A_1297] : memref<20224x128xf32, #tpu.memory_space<hbm>> -> memref<96x128xf32, #tpu.memory_space<hbm>>
      tpu.wait_dma2 semaphore(%arg14 : memref<!tpu.dma_semaphore, #tpu.memory_space<semaphore_mem>>) src(%dma_wait3A_1298 : memref<96x128xf32, #tpu.memory_space<hbm>>) dst(%dma_wait3A_1295 : memref<96x128xf32, #tpu.memory_space<vmem>>)
      %convert_element_type3A_1299 = arith.extui %lt3A_78 : i1 to i32
      %cond3A_1300 = arith.constant 0 : i32
      %cond3A_1301 = arith.cmpi ne, %convert_element_type3A_1299, %cond3A_1300 : i32
      scf.if %cond3A_1301 {
        %dma_wait3A_1347 = arith.constant 0 : i32
        %dma_wait3A_1348 = arith.constant 0 : i32
        %dma_wait3A_1349 = arith.constant 0 : i32
        %dma_wait3A_1350 = tpu.memref_slice %arg6[%dma_wait3A_1347, %dma_wait3A_1348, %dma_wait3A_1349] : memref<2x24x96xi32, #tpu.memory_space<vmem>> -> memref<1x24x96xi32, #tpu.memory_space<vmem>>
        %dma_wait3A_1351 = tpu.memref_squeeze %dma_wait3A_1350 : memref<1x24x96xi32, #tpu.memory_space<vmem>> -> memref<24x96xi32, #tpu.memory_space<vmem>>
        %dma_wait3A_1352 = arith.constant 0 : i32
        %dma_wait3A_1353 = arith.constant 0 : i32
        %dma_wait3A_1354 = tpu.memref_slice %arg3[%dma_wait3A_1352, %dma_wait3A_1353] : memref<6912x96xi32, #tpu.memory_space<hbm>> -> memref<24x96xi32, #tpu.memory_space<hbm>>
        %dma_wait3A_1355 = arith.constant 0 : i32
        %dma_wait3A_1356 = arith.constant 0 : i32
        %dma_wait3A_1357 = tpu.memref_slice %arg6[%dma_wait3A_1347, %dma_wait3A_1355, %dma_wait3A_1356] : memref<2x24x96xi32, #tpu.memory_space<vmem>> -> memref<1x24x96xi32, #tpu.memory_space<vmem>>
        %dma_wait3A_1358 = tpu.memref_squeeze %dma_wait3A_1357 : memref<1x24x96xi32, #tpu.memory_space<vmem>> -> memref<24x96xi32, #tpu.memory_space<vmem>>
        %dma_wait3A_1359 = arith.constant 0 : i32
        %dma_wait3A_1360 = arith.constant 0 : i32
        %dma_wait3A_1361 = tpu.memref_slice %arg3[%dma_wait3A_1359, %dma_wait3A_1360] : memref<6912x96xi32, #tpu.memory_space<hbm>> -> memref<24x96xi32, #tpu.memory_space<hbm>>
        tpu.wait_dma2 semaphore(%arg10 : memref<!tpu.dma_semaphore, #tpu.memory_space<semaphore_mem>>) src(%dma_wait3A_1361 : memref<24x96xi32, #tpu.memory_space<hbm>>) dst(%dma_wait3A_1358 : memref<24x96xi32, #tpu.memory_space<vmem>>)
        %dma_wait3A_1362 = arith.constant 0 : i32
        %dma_wait3A_1363 = arith.constant 0 : i32
        %dma_wait3A_1364 = arith.constant 0 : i32
        %dma_wait3A_1365 = tpu.memref_slice %arg7[%dma_wait3A_1362, %dma_wait3A_1363, %dma_wait3A_1364] : memref<2x24x96xi32, #tpu.memory_space<vmem>> -> memref<1x24x96xi32, #tpu.memory_space<vmem>>
        %dma_wait3A_1366 = tpu.memref_squeeze %dma_wait3A_1365 : memref<1x24x96xi32, #tpu.memory_space<vmem>> -> memref<24x96xi32, #tpu.memory_space<vmem>>
        %dma_wait3A_1367 = arith.constant 0 : i32
        %dma_wait3A_1368 = arith.constant 0 : i32
        %dma_wait3A_1369 = tpu.memref_slice %arg3[%dma_wait3A_1367, %dma_wait3A_1368] : memref<6912x96xi32, #tpu.memory_space<hbm>> -> memref<24x96xi32, #tpu.memory_space<hbm>>
        %dma_wait3A_1370 = arith.constant 0 : i32
        %dma_wait3A_1371 = arith.constant 0 : i32
        %dma_wait3A_1372 = tpu.memref_slice %arg7[%dma_wait3A_1362, %dma_wait3A_1370, %dma_wait3A_1371] : memref<2x24x96xi32, #tpu.memory_space<vmem>> -> memref<1x24x96xi32, #tpu.memory_space<vmem>>
        %dma_wait3A_1373 = tpu.memref_squeeze %dma_wait3A_1372 : memref<1x24x96xi32, #tpu.memory_space<vmem>> -> memref<24x96xi32, #tpu.memory_space<vmem>>
        %dma_wait3A_1374 = arith.constant 0 : i32
        %dma_wait3A_1375 = arith.constant 0 : i32
        %dma_wait3A_1376 = tpu.memref_slice %arg3[%dma_wait3A_1374, %dma_wait3A_1375] : memref<6912x96xi32, #tpu.memory_space<hbm>> -> memref<24x96xi32, #tpu.memory_space<hbm>>
        tpu.wait_dma2 semaphore(%arg10 : memref<!tpu.dma_semaphore, #tpu.memory_space<semaphore_mem>>) src(%dma_wait3A_1376 : memref<24x96xi32, #tpu.memory_space<hbm>>) dst(%dma_wait3A_1373 : memref<24x96xi32, #tpu.memory_space<vmem>>)
        %sub3A = arith.constant 1 : i32
        %sub3A_1377 = arith.subi %sub3A, %select_n3A_74 : i32
        %dma_start3A_1378 = arith.constant 0 : i32
        %dma_start3A_1379 = arith.constant 0 : i32
        %dma_start3A_1380 = arith.constant 0 : i32
        %dma_start3A_1381 = arith.constant 0 : i32
        %dma_start3A_1382 = tpu.memref_slice %arg8[%dma_start3A_1379, %dma_start3A_1380, %dma_start3A_1381] : memref<3x96x128xf32, #tpu.memory_space<vmem>> -> memref<1x96x128xf32, #tpu.memory_space<vmem>>
        %dma_start3A_1383 = tpu.memref_squeeze %dma_start3A_1382 : memref<1x96x128xf32, #tpu.memory_space<vmem>> -> memref<96x128xf32, #tpu.memory_space<vmem>>
        %dma_start3A_1384 = arith.constant 0 : i32
        %dma_start3A_1385 = tpu.memref_slice %arg6[%sub3A_1377, %dma_start3A_1378, %dma_start3A_1384] : memref<2x24x96xi32, #tpu.memory_space<vmem>> -> memref<1x1x96xi32, #tpu.memory_space<vmem>>
        %dma_start3A_1386 = tpu.memref_squeeze %dma_start3A_1385 : memref<1x1x96xi32, #tpu.memory_space<vmem>> -> memref<96xi32, #tpu.memory_space<vmem>>
        %dma_start3A_1387 = arith.constant 0 : i32
        %dma_start3A_1388 = arith.constant 0 : i32
        %dma_start3A_1389 = tpu.memref_slice %arg2[%dma_start3A_1387, %dma_start3A_1388] : memref<20224x128xf32, #tpu.memory_space<hbm>> -> memref<20224x128xf32, #tpu.memory_space<hbm>>
        tpu.enqueue_indirect_dma source(%dma_start3A_1389 : memref<20224x128xf32, #tpu.memory_space<hbm>>) target(%dma_start3A_1383 : memref<96x128xf32, #tpu.memory_space<vmem>>) offsets(%dma_start3A_1386 : memref<96xi32, #tpu.memory_space<vmem>>) semaphore(%arg11 : memref<!tpu.dma_semaphore, #tpu.memory_space<semaphore_mem>>)
      } else {
      }
      %dma_wait3A_1302 = arith.constant 2 : i32
      %dma_wait3A_1303 = arith.constant 0 : i32
      %dma_wait3A_1304 = arith.constant 0 : i32
      %dma_wait3A_1305 = tpu.memref_slice %arg8[%dma_wait3A_1302, %dma_wait3A_1303, %dma_wait3A_1304] : memref<3x96x128xf32, #tpu.memory_space<vmem>> -> memref<1x96x128xf32, #tpu.memory_space<vmem>>
      %dma_wait3A_1306 = tpu.memref_squeeze %dma_wait3A_1305 : memref<1x96x128xf32, #tpu.memory_space<vmem>> -> memref<96x128xf32, #tpu.memory_space<vmem>>
      %dma_wait3A_1307 = arith.constant 0 : i32
      %dma_wait3A_1308 = arith.constant 0 : i32
      %dma_wait3A_1309 = tpu.memref_slice %arg2[%dma_wait3A_1307, %dma_wait3A_1308] : memref<20224x128xf32, #tpu.memory_space<hbm>> -> memref<96x128xf32, #tpu.memory_space<hbm>>
      %dma_wait3A_1310 = arith.constant 0 : i32
      %dma_wait3A_1311 = arith.constant 0 : i32
      %dma_wait3A_1312 = tpu.memref_slice %arg8[%dma_wait3A_1302, %dma_wait3A_1310, %dma_wait3A_1311] : memref<3x96x128xf32, #tpu.memory_space<vmem>> -> memref<1x96x128xf32, #tpu.memory_space<vmem>>
      %dma_wait3A_1313 = tpu.memref_squeeze %dma_wait3A_1312 : memref<1x96x128xf32, #tpu.memory_space<vmem>> -> memref<96x128xf32, #tpu.memory_space<vmem>>
      %dma_wait3A_1314 = arith.constant 0 : i32
      %dma_wait3A_1315 = arith.constant 0 : i32
      %dma_wait3A_1316 = tpu.memref_slice %arg2[%dma_wait3A_1314, %dma_wait3A_1315] : memref<20224x128xf32, #tpu.memory_space<hbm>> -> memref<96x128xf32, #tpu.memory_space<hbm>>
      tpu.wait_dma2 semaphore(%arg13 : memref<!tpu.dma_semaphore, #tpu.memory_space<semaphore_mem>>) src(%dma_wait3A_1316 : memref<96x128xf32, #tpu.memory_space<hbm>>) dst(%dma_wait3A_1313 : memref<96x128xf32, #tpu.memory_space<vmem>>)
      %dma_start3A_1317 = arith.constant 2 : i32
      %dma_start3A_1318 = arith.constant 23 : i32
      %dma_start3A_1319 = arith.constant 0 : i32
      %dma_start3A_1320 = arith.constant 0 : i32
      %dma_start3A_1321 = tpu.memref_slice %arg8[%dma_start3A_1317, %dma_start3A_1319, %dma_start3A_1320] : memref<3x96x128xf32, #tpu.memory_space<vmem>> -> memref<1x96x128xf32, #tpu.memory_space<vmem>>
      %dma_start3A_1322 = tpu.memref_squeeze %dma_start3A_1321 : memref<1x96x128xf32, #tpu.memory_space<vmem>> -> memref<96x128xf32, #tpu.memory_space<vmem>>
      %dma_start3A_1323 = arith.constant 0 : i32
      %dma_start3A_1324 = tpu.memref_slice %arg7[%select_n3A_74, %dma_start3A_1318, %dma_start3A_1323] : memref<2x24x96xi32, #tpu.memory_space<vmem>> -> memref<1x1x96xi32, #tpu.memory_space<vmem>>
      %dma_start3A_1325 = tpu.memref_squeeze %dma_start3A_1324 : memref<1x1x96xi32, #tpu.memory_space<vmem>> -> memref<96xi32, #tpu.memory_space<vmem>>
      %dma_start3A_1326 = arith.constant 0 : i32
      %dma_start3A_1327 = arith.constant 0 : i32
      %dma_start3A_1328 = tpu.memref_slice %arg9[%dma_start3A_1326, %dma_start3A_1327] : memref<10112x128xf32, #tpu.memory_space<vmem_shared>> -> memref<10112x128xf32, #tpu.memory_space<vmem_shared>>
      tpu.enqueue_indirect_dma source(%dma_start3A_1322 : memref<96x128xf32, #tpu.memory_space<vmem>>) target(%dma_start3A_1328 : memref<10112x128xf32, #tpu.memory_space<vmem_shared>>) offsets(%dma_start3A_1325 : memref<96xi32, #tpu.memory_space<vmem>>) semaphore(%arg16 : memref<!tpu.dma_semaphore, #tpu.memory_space<semaphore_mem>>) {add = true}
      %dma_wait3A_1329 = arith.constant 1 : i32
      %dma_wait3A_1330 = arith.constant 0 : i32
      %dma_wait3A_1331 = arith.constant 0 : i32
      %dma_wait3A_1332 = tpu.memref_slice %arg8[%dma_wait3A_1329, %dma_wait3A_1330, %dma_wait3A_1331] : memref<3x96x128xf32, #tpu.memory_space<vmem>> -> memref<1x96x128xf32, #tpu.memory_space<vmem>>
      %dma_wait3A_1333 = tpu.memref_squeeze %dma_wait3A_1332 : memref<1x96x128xf32, #tpu.memory_space<vmem>> -> memref<96x128xf32, #tpu.memory_space<vmem>>
      %dma_wait3A_1334 = arith.constant 0 : i32
      %dma_wait3A_1335 = arith.constant 0 : i32
      %dma_wait3A_1336 = tpu.memref_slice %arg2[%dma_wait3A_1334, %dma_wait3A_1335] : memref<20224x128xf32, #tpu.memory_space<hbm>> -> memref<96x128xf32, #tpu.memory_space<hbm>>
      %dma_wait3A_1337 = arith.constant 0 : i32
      %dma_wait3A_1338 = arith.constant 0 : i32
      %dma_wait3A_1339 = tpu.memref_slice %arg8[%dma_wait3A_1329, %dma_wait3A_1337, %dma_wait3A_1338] : memref<3x96x128xf32, #tpu.memory_space<vmem>> -> memref<1x96x128xf32, #tpu.memory_space<vmem>>
      %dma_wait3A_1340 = tpu.memref_squeeze %dma_wait3A_1339 : memref<1x96x128xf32, #tpu.memory_space<vmem>> -> memref<96x128xf32, #tpu.memory_space<vmem>>
      %dma_wait3A_1341 = arith.constant 0 : i32
      %dma_wait3A_1342 = arith.constant 0 : i32
      %dma_wait3A_1343 = tpu.memref_slice %arg2[%dma_wait3A_1341, %dma_wait3A_1342] : memref<20224x128xf32, #tpu.memory_space<hbm>> -> memref<96x128xf32, #tpu.memory_space<hbm>>
      tpu.wait_dma2 semaphore(%arg15 : memref<!tpu.dma_semaphore, #tpu.memory_space<semaphore_mem>>) src(%dma_wait3A_1343 : memref<96x128xf32, #tpu.memory_space<hbm>>) dst(%dma_wait3A_1340 : memref<96x128xf32, #tpu.memory_space<vmem>>)
      %convert_element_type3A_1344 = arith.extui %lt3A_78 : i1 to i32
      %cond3A_1345 = arith.constant 0 : i32
      %cond3A_1346 = arith.cmpi ne, %convert_element_type3A_1344, %cond3A_1345 : i32
      scf.if %cond3A_1346 {
        %sub3A = arith.constant 1 : i32
        %sub3A_1347 = arith.subi %sub3A, %select_n3A_74 : i32
        %dma_start3A_1348 = arith.constant 1 : i32
        %dma_start3A_1349 = arith.constant 1 : i32
        %dma_start3A_1350 = arith.constant 0 : i32
        %dma_start3A_1351 = arith.constant 0 : i32
        %dma_start3A_1352 = tpu.memref_slice %arg8[%dma_start3A_1349, %dma_start3A_1350, %dma_start3A_1351] : memref<3x96x128xf32, #tpu.memory_space<vmem>> -> memref<1x96x128xf32, #tpu.memory_space<vmem>>
        %dma_start3A_1353 = tpu.memref_squeeze %dma_start3A_1352 : memref<1x96x128xf32, #tpu.memory_space<vmem>> -> memref<96x128xf32, #tpu.memory_space<vmem>>
        %dma_start3A_1354 = arith.constant 0 : i32
        %dma_start3A_1355 = tpu.memref_slice %arg6[%sub3A_1347, %dma_start3A_1348, %dma_start3A_1354] : memref<2x24x96xi32, #tpu.memory_space<vmem>> -> memref<1x1x96xi32, #tpu.memory_space<vmem>>
        %dma_start3A_1356 = tpu.memref_squeeze %dma_start3A_1355 : memref<1x1x96xi32, #tpu.memory_space<vmem>> -> memref<96xi32, #tpu.memory_space<vmem>>
        %dma_start3A_1357 = arith.constant 0 : i32
        %dma_start3A_1358 = arith.constant 0 : i32
        %dma_start3A_1359 = tpu.memref_slice %arg2[%dma_start3A_1357, %dma_start3A_1358] : memref<20224x128xf32, #tpu.memory_space<hbm>> -> memref<20224x128xf32, #tpu.memory_space<hbm>>
        tpu.enqueue_indirect_dma source(%dma_start3A_1359 : memref<20224x128xf32, #tpu.memory_space<hbm>>) target(%dma_start3A_1353 : memref<96x128xf32, #tpu.memory_space<vmem>>) offsets(%dma_start3A_1356 : memref<96xi32, #tpu.memory_space<vmem>>) semaphore(%arg12 : memref<!tpu.dma_semaphore, #tpu.memory_space<semaphore_mem>>)
      } else {
      }
    }
    %scan3A_42 = arith.constant 9 : i32
    %dma_wait3A = arith.constant 2 : i32
    %dma_wait3A_43 = arith.constant 0 : i32
    %dma_wait3A_44 = arith.constant 0 : i32
    %dma_wait3A_45 = tpu.memref_slice %arg8[%dma_wait3A, %dma_wait3A_43, %dma_wait3A_44] : memref<3x96x128xf32, #tpu.memory_space<vmem>> -> memref<1x96x128xf32, #tpu.memory_space<vmem>>
    %dma_wait3A_46 = tpu.memref_squeeze %dma_wait3A_45 : memref<1x96x128xf32, #tpu.memory_space<vmem>> -> memref<96x128xf32, #tpu.memory_space<vmem>>
    %dma_wait3A_47 = arith.constant 0 : i32
    %dma_wait3A_48 = arith.constant 0 : i32
    %dma_wait3A_49 = tpu.memref_slice %arg2[%dma_wait3A_47, %dma_wait3A_48] : memref<20224x128xf32, #tpu.memory_space<hbm>> -> memref<96x128xf32, #tpu.memory_space<hbm>>
    %dma_wait3A_50 = arith.constant 0 : i32
    %dma_wait3A_51 = arith.constant 0 : i32
    %dma_wait3A_52 = tpu.memref_slice %arg8[%dma_wait3A, %dma_wait3A_50, %dma_wait3A_51] : memref<3x96x128xf32, #tpu.memory_space<vmem>> -> memref<1x96x128xf32, #tpu.memory_space<vmem>>
    %dma_wait3A_53 = tpu.memref_squeeze %dma_wait3A_52 : memref<1x96x128xf32, #tpu.memory_space<vmem>> -> memref<96x128xf32, #tpu.memory_space<vmem>>
    %dma_wait3A_54 = arith.constant 0 : i32
    %dma_wait3A_55 = arith.constant 0 : i32
    %dma_wait3A_56 = tpu.memref_slice %arg2[%dma_wait3A_54, %dma_wait3A_55] : memref<20224x128xf32, #tpu.memory_space<hbm>> -> memref<96x128xf32, #tpu.memory_space<hbm>>
    tpu.wait_dma2 semaphore(%arg16 : memref<!tpu.dma_semaphore, #tpu.memory_space<semaphore_mem>>) src(%dma_wait3A_56 : memref<96x128xf32, #tpu.memory_space<hbm>>) dst(%dma_wait3A_53 : memref<96x128xf32, #tpu.memory_space<vmem>>)
    %barrier3A_57 = arith.constant 0 : index
    tpu.barrier barrier_id(%barrier3A_57)
    %mul3A_58 = arith.constant 632 : i32
    %mul3A_59 = arith.muli %arg1, %mul3A_58 : i32
    %mul3A_60 = arith.constant 10112 : i32
    %mul3A_61 = arith.muli %arg0, %mul3A_60 : i32
    %mul3A_62 = arith.constant 632 : i32
    %mul3A_63 = arith.muli %arg1, %mul3A_62 : i32
    %add3A_64 = arith.addi %mul3A_61, %mul3A_63 : i32
    "tpu.region"() ({
      %run_scoped3A_65 = tpu.sem_alloc : memref<!tpu.dma_semaphore, #tpu.memory_space<semaphore_mem>>
      %dma_start3A_66 = arith.constant 0 : i32
      %dma_start3A_67 = tpu.memref_slice %arg5[%add3A_64, %dma_start3A_66] : memref<20224x128xf32, #tpu.memory_space<hbm>> -> memref<632x128xf32, #tpu.memory_space<hbm>>
      %dma_start3A_68 = arith.constant 0 : i32
      %dma_start3A_69 = tpu.memref_slice %arg9[%mul3A_59, %dma_start3A_68] : memref<10112x128xf32, #tpu.memory_space<vmem_shared>> -> memref<632x128xf32, #tpu.memory_space<vmem_shared>>
      tpu.enqueue_dma source(%dma_start3A_69 : memref<632x128xf32, #tpu.memory_space<vmem_shared>>) target(%dma_start3A_67 : memref<632x128xf32, #tpu.memory_space<hbm>>) target_semaphore(%run_scoped3A_65 : memref<!tpu.dma_semaphore, #tpu.memory_space<semaphore_mem>>)
      %dma_wait3A_70 = arith.constant 0 : i32
      %dma_wait3A_71 = tpu.memref_slice %arg5[%add3A_64, %dma_wait3A_70] : memref<20224x128xf32, #tpu.memory_space<hbm>> -> memref<632x128xf32, #tpu.memory_space<hbm>>
      %dma_wait3A_72 = arith.constant 0 : i32
      %dma_wait3A_73 = tpu.memref_slice %arg9[%mul3A_59, %dma_wait3A_72] : memref<10112x128xf32, #tpu.memory_space<vmem_shared>> -> memref<632x128xf32, #tpu.memory_space<vmem_shared>>
      tpu.wait_dma2 semaphore(%run_scoped3A_65 : memref<!tpu.dma_semaphore, #tpu.memory_space<semaphore_mem>>) src(%dma_wait3A_73 : memref<632x128xf32, #tpu.memory_space<vmem_shared>>) dst(%dma_wait3A_71 : memref<632x128xf32, #tpu.memory_space<hbm>>)
      tpu.yield
    }) : () -> ()
    return
  }
}

#map = affine_map<(d0, d1) -> (0, 0)>
module attributes {stable_mosaic.version = 14 : i64} {
  func.func @_agg_edge(%arg0: i32, %arg1: i32, %arg2: memref<10112x128xf32, #tpu.memory_space<hbm>>, %arg3: memref<10112x128xf32, #tpu.memory_space<hbm>>, %arg4: memref<2560x128xi32, #tpu.memory_space<hbm>>, %arg5: memref<2560x128xi32, #tpu.memory_space<hbm>>, %arg6: memref<20224x128xf32, #tpu.memory_space<hbm>>, %arg7: memref<2x8x128xi32, #tpu.memory_space<vmem>>, %arg8: memref<2x8x128xi32, #tpu.memory_space<vmem>>, %arg9: memref<2x128x128xf32, #tpu.memory_space<vmem>>, %arg10: memref<10112x128xf32, #tpu.memory_space<vmem_shared>>, %arg11: memref<!tpu.dma_semaphore, #tpu.memory_space<semaphore_mem>>, %arg12: memref<!tpu.dma_semaphore, #tpu.memory_space<semaphore_mem>>, %arg13: memref<!tpu.dma_semaphore, #tpu.memory_space<semaphore_mem>>) attributes {dimension_semantics = [#tpu.dimension_semantics<core_parallel>, #tpu.dimension_semantics<subcore_parallel>], iteration_bounds = array<i64: 2, 16>, scalar_prefetch = 0 : i64, scratch_operands = 7 : i64, tpu.core_type = #tpu.core_type<sc_vector_subcore>, window_params = [{transform_indices = #map}, {transform_indices = #map}, {transform_indices = #map}, {transform_indices = #map}, {transform_indices = #map}]} {
    %mul3A = arith.constant 1280 : i32
    %mul3A_0 = arith.muli %arg0, %mul3A : i32
    %mul3A_1 = arith.constant 80 : i32
    %mul3A_2 = arith.muli %arg1, %mul3A_1 : i32
    %add3A = arith.addi %mul3A_0, %mul3A_2 : i32
    %mul3A_3 = arith.constant 632 : i32
    %mul3A_4 = arith.muli %arg1, %mul3A_3 : i32
    %mul3A_5 = arith.constant 632 : i32
    %mul3A_6 = arith.muli %arg1, %mul3A_5 : i32
    "tpu.region"() ({
      %run_scoped3A_46 = tpu.sem_alloc : memref<!tpu.dma_semaphore, #tpu.memory_space<semaphore_mem>>
      %dma_start3A_47 = arith.constant 0 : i32
      %dma_start3A_48 = tpu.memref_slice %arg10[%mul3A_6, %dma_start3A_47] : memref<10112x128xf32, #tpu.memory_space<vmem_shared>> -> memref<632x128xf32, #tpu.memory_space<vmem_shared>>
      %dma_start3A_49 = arith.constant 0 : i32
      %dma_start3A_50 = tpu.memref_slice %arg3[%mul3A_4, %dma_start3A_49] : memref<10112x128xf32, #tpu.memory_space<hbm>> -> memref<632x128xf32, #tpu.memory_space<hbm>>
      tpu.enqueue_dma source(%dma_start3A_50 : memref<632x128xf32, #tpu.memory_space<hbm>>) target(%dma_start3A_48 : memref<632x128xf32, #tpu.memory_space<vmem_shared>>) target_semaphore(%run_scoped3A_46 : memref<!tpu.dma_semaphore, #tpu.memory_space<semaphore_mem>>)
      %dma_wait3A = arith.constant 0 : i32
      %dma_wait3A_51 = tpu.memref_slice %arg10[%mul3A_6, %dma_wait3A] : memref<10112x128xf32, #tpu.memory_space<vmem_shared>> -> memref<632x128xf32, #tpu.memory_space<vmem_shared>>
      %dma_wait3A_52 = arith.constant 0 : i32
      %dma_wait3A_53 = tpu.memref_slice %arg3[%mul3A_4, %dma_wait3A_52] : memref<10112x128xf32, #tpu.memory_space<hbm>> -> memref<632x128xf32, #tpu.memory_space<hbm>>
      tpu.wait_dma2 semaphore(%run_scoped3A_46 : memref<!tpu.dma_semaphore, #tpu.memory_space<semaphore_mem>>) src(%dma_wait3A_53 : memref<632x128xf32, #tpu.memory_space<hbm>>) dst(%dma_wait3A_51 : memref<632x128xf32, #tpu.memory_space<vmem_shared>>)
      tpu.yield
    }) : () -> ()
    %barrier3A = arith.constant 0 : index
    tpu.barrier barrier_id(%barrier3A)
    %run_scoped3A = arith.constant 0 : i32
    "tpu.region"() ({
      %run_scoped3A_46 = tpu.sem_alloc : memref<!tpu.dma_semaphore, #tpu.memory_space<semaphore_mem>>
      %dma_start3A_47 = arith.constant 0 : i32
      %dma_start3A_48 = arith.constant 0 : i32
      %dma_start3A_49 = tpu.memref_slice %arg7[%run_scoped3A, %dma_start3A_47, %dma_start3A_48] : memref<2x8x128xi32, #tpu.memory_space<vmem>> -> memref<1x8x128xi32, #tpu.memory_space<vmem>>
      %dma_start3A_50 = tpu.memref_squeeze %dma_start3A_49 : memref<1x8x128xi32, #tpu.memory_space<vmem>> -> memref<8x128xi32, #tpu.memory_space<vmem>>
      %dma_start3A_51 = arith.constant 0 : i32
      %dma_start3A_52 = tpu.memref_slice %arg4[%add3A, %dma_start3A_51] : memref<2560x128xi32, #tpu.memory_space<hbm>> -> memref<8x128xi32, #tpu.memory_space<hbm>>
      %dma_start3A_53 = arith.constant 0 : i32
      %dma_start3A_54 = arith.constant 0 : i32
      %dma_start3A_55 = tpu.memref_slice %arg7[%run_scoped3A, %dma_start3A_53, %dma_start3A_54] : memref<2x8x128xi32, #tpu.memory_space<vmem>> -> memref<1x8x128xi32, #tpu.memory_space<vmem>>
      %dma_start3A_56 = tpu.memref_squeeze %dma_start3A_55 : memref<1x8x128xi32, #tpu.memory_space<vmem>> -> memref<8x128xi32, #tpu.memory_space<vmem>>
      %dma_start3A_57 = arith.constant 0 : i32
      %dma_start3A_58 = tpu.memref_slice %arg4[%add3A, %dma_start3A_57] : memref<2560x128xi32, #tpu.memory_space<hbm>> -> memref<8x128xi32, #tpu.memory_space<hbm>>
      tpu.enqueue_dma source(%dma_start3A_58 : memref<8x128xi32, #tpu.memory_space<hbm>>) target(%dma_start3A_56 : memref<8x128xi32, #tpu.memory_space<vmem>>) target_semaphore(%run_scoped3A_46 : memref<!tpu.dma_semaphore, #tpu.memory_space<semaphore_mem>>)
      %dma_wait3A = arith.constant 0 : i32
      %dma_wait3A_59 = arith.constant 0 : i32
      %dma_wait3A_60 = tpu.memref_slice %arg7[%run_scoped3A, %dma_wait3A, %dma_wait3A_59] : memref<2x8x128xi32, #tpu.memory_space<vmem>> -> memref<1x8x128xi32, #tpu.memory_space<vmem>>
      %dma_wait3A_61 = tpu.memref_squeeze %dma_wait3A_60 : memref<1x8x128xi32, #tpu.memory_space<vmem>> -> memref<8x128xi32, #tpu.memory_space<vmem>>
      %dma_wait3A_62 = arith.constant 0 : i32
      %dma_wait3A_63 = tpu.memref_slice %arg4[%add3A, %dma_wait3A_62] : memref<2560x128xi32, #tpu.memory_space<hbm>> -> memref<8x128xi32, #tpu.memory_space<hbm>>
      %dma_wait3A_64 = arith.constant 0 : i32
      %dma_wait3A_65 = arith.constant 0 : i32
      %dma_wait3A_66 = tpu.memref_slice %arg7[%run_scoped3A, %dma_wait3A_64, %dma_wait3A_65] : memref<2x8x128xi32, #tpu.memory_space<vmem>> -> memref<1x8x128xi32, #tpu.memory_space<vmem>>
      %dma_wait3A_67 = tpu.memref_squeeze %dma_wait3A_66 : memref<1x8x128xi32, #tpu.memory_space<vmem>> -> memref<8x128xi32, #tpu.memory_space<vmem>>
      %dma_wait3A_68 = arith.constant 0 : i32
      %dma_wait3A_69 = tpu.memref_slice %arg4[%add3A, %dma_wait3A_68] : memref<2560x128xi32, #tpu.memory_space<hbm>> -> memref<8x128xi32, #tpu.memory_space<hbm>>
      tpu.wait_dma2 semaphore(%run_scoped3A_46 : memref<!tpu.dma_semaphore, #tpu.memory_space<semaphore_mem>>) src(%dma_wait3A_69 : memref<8x128xi32, #tpu.memory_space<hbm>>) dst(%dma_wait3A_67 : memref<8x128xi32, #tpu.memory_space<vmem>>)
      tpu.yield
    }) : () -> ()
    %run_scoped3A_7 = arith.constant 0 : i32
    "tpu.region"() ({
      %run_scoped3A_46 = tpu.sem_alloc : memref<!tpu.dma_semaphore, #tpu.memory_space<semaphore_mem>>
      %dma_start3A_47 = arith.constant 0 : i32
      %dma_start3A_48 = arith.constant 0 : i32
      %dma_start3A_49 = tpu.memref_slice %arg8[%run_scoped3A_7, %dma_start3A_47, %dma_start3A_48] : memref<2x8x128xi32, #tpu.memory_space<vmem>> -> memref<1x8x128xi32, #tpu.memory_space<vmem>>
      %dma_start3A_50 = tpu.memref_squeeze %dma_start3A_49 : memref<1x8x128xi32, #tpu.memory_space<vmem>> -> memref<8x128xi32, #tpu.memory_space<vmem>>
      %dma_start3A_51 = arith.constant 0 : i32
      %dma_start3A_52 = tpu.memref_slice %arg5[%add3A, %dma_start3A_51] : memref<2560x128xi32, #tpu.memory_space<hbm>> -> memref<8x128xi32, #tpu.memory_space<hbm>>
      %dma_start3A_53 = arith.constant 0 : i32
      %dma_start3A_54 = arith.constant 0 : i32
      %dma_start3A_55 = tpu.memref_slice %arg8[%run_scoped3A_7, %dma_start3A_53, %dma_start3A_54] : memref<2x8x128xi32, #tpu.memory_space<vmem>> -> memref<1x8x128xi32, #tpu.memory_space<vmem>>
      %dma_start3A_56 = tpu.memref_squeeze %dma_start3A_55 : memref<1x8x128xi32, #tpu.memory_space<vmem>> -> memref<8x128xi32, #tpu.memory_space<vmem>>
      %dma_start3A_57 = arith.constant 0 : i32
      %dma_start3A_58 = tpu.memref_slice %arg5[%add3A, %dma_start3A_57] : memref<2560x128xi32, #tpu.memory_space<hbm>> -> memref<8x128xi32, #tpu.memory_space<hbm>>
      tpu.enqueue_dma source(%dma_start3A_58 : memref<8x128xi32, #tpu.memory_space<hbm>>) target(%dma_start3A_56 : memref<8x128xi32, #tpu.memory_space<vmem>>) target_semaphore(%run_scoped3A_46 : memref<!tpu.dma_semaphore, #tpu.memory_space<semaphore_mem>>)
      %dma_wait3A = arith.constant 0 : i32
      %dma_wait3A_59 = arith.constant 0 : i32
      %dma_wait3A_60 = tpu.memref_slice %arg8[%run_scoped3A_7, %dma_wait3A, %dma_wait3A_59] : memref<2x8x128xi32, #tpu.memory_space<vmem>> -> memref<1x8x128xi32, #tpu.memory_space<vmem>>
      %dma_wait3A_61 = tpu.memref_squeeze %dma_wait3A_60 : memref<1x8x128xi32, #tpu.memory_space<vmem>> -> memref<8x128xi32, #tpu.memory_space<vmem>>
      %dma_wait3A_62 = arith.constant 0 : i32
      %dma_wait3A_63 = tpu.memref_slice %arg5[%add3A, %dma_wait3A_62] : memref<2560x128xi32, #tpu.memory_space<hbm>> -> memref<8x128xi32, #tpu.memory_space<hbm>>
      %dma_wait3A_64 = arith.constant 0 : i32
      %dma_wait3A_65 = arith.constant 0 : i32
      %dma_wait3A_66 = tpu.memref_slice %arg8[%run_scoped3A_7, %dma_wait3A_64, %dma_wait3A_65] : memref<2x8x128xi32, #tpu.memory_space<vmem>> -> memref<1x8x128xi32, #tpu.memory_space<vmem>>
      %dma_wait3A_67 = tpu.memref_squeeze %dma_wait3A_66 : memref<1x8x128xi32, #tpu.memory_space<vmem>> -> memref<8x128xi32, #tpu.memory_space<vmem>>
      %dma_wait3A_68 = arith.constant 0 : i32
      %dma_wait3A_69 = tpu.memref_slice %arg5[%add3A, %dma_wait3A_68] : memref<2560x128xi32, #tpu.memory_space<hbm>> -> memref<8x128xi32, #tpu.memory_space<hbm>>
      tpu.wait_dma2 semaphore(%run_scoped3A_46 : memref<!tpu.dma_semaphore, #tpu.memory_space<semaphore_mem>>) src(%dma_wait3A_69 : memref<8x128xi32, #tpu.memory_space<hbm>>) dst(%dma_wait3A_67 : memref<8x128xi32, #tpu.memory_space<vmem>>)
      tpu.yield
    }) : () -> ()
    %dma_start3A = arith.constant 0 : i32
    %dma_start3A_8 = arith.constant 0 : i32
    %dma_start3A_9 = arith.constant 0 : i32
    %dma_start3A_10 = arith.constant 0 : i32
    %dma_start3A_11 = arith.constant 0 : i32
    %dma_start3A_12 = tpu.memref_slice %arg9[%dma_start3A_9, %dma_start3A_10, %dma_start3A_11] : memref<2x128x128xf32, #tpu.memory_space<vmem>> -> memref<1x128x128xf32, #tpu.memory_space<vmem>>
    %dma_start3A_13 = tpu.memref_squeeze %dma_start3A_12 : memref<1x128x128xf32, #tpu.memory_space<vmem>> -> memref<128x128xf32, #tpu.memory_space<vmem>>
    %dma_start3A_14 = arith.constant 0 : i32
    %dma_start3A_15 = tpu.memref_slice %arg7[%dma_start3A, %dma_start3A_8, %dma_start3A_14] : memref<2x8x128xi32, #tpu.memory_space<vmem>> -> memref<1x1x128xi32, #tpu.memory_space<vmem>>
    %dma_start3A_16 = tpu.memref_squeeze %dma_start3A_15 : memref<1x1x128xi32, #tpu.memory_space<vmem>> -> memref<128xi32, #tpu.memory_space<vmem>>
    %dma_start3A_17 = arith.constant 0 : i32
    %dma_start3A_18 = arith.constant 0 : i32
    %dma_start3A_19 = tpu.memref_slice %arg2[%dma_start3A_17, %dma_start3A_18] : memref<10112x128xf32, #tpu.memory_space<hbm>> -> memref<10112x128xf32, #tpu.memory_space<hbm>>
    tpu.enqueue_indirect_dma source(%dma_start3A_19 : memref<10112x128xf32, #tpu.memory_space<hbm>>) target(%dma_start3A_13 : memref<128x128xf32, #tpu.memory_space<vmem>>) offsets(%dma_start3A_16 : memref<128xi32, #tpu.memory_space<vmem>>) semaphore(%arg12 : memref<!tpu.dma_semaphore, #tpu.memory_space<semaphore_mem>>)
    %dma_start3A_20 = arith.constant 0 : i32
    %dma_start3A_21 = arith.constant 1 : i32
    %dma_start3A_22 = arith.constant 1 : i32
    %dma_start3A_23 = arith.constant 0 : i32
    %dma_start3A_24 = arith.constant 0 : i32
    %dma_start3A_25 = tpu.memref_slice %arg9[%dma_start3A_22, %dma_start3A_23, %dma_start3A_24] : memref<2x128x128xf32, #tpu.memory_space<vmem>> -> memref<1x128x128xf32, #tpu.memory_space<vmem>>
    %dma_start3A_26 = tpu.memref_squeeze %dma_start3A_25 : memref<1x128x128xf32, #tpu.memory_space<vmem>> -> memref<128x128xf32, #tpu.memory_space<vmem>>
    %dma_start3A_27 = arith.constant 0 : i32
    %dma_start3A_28 = tpu.memref_slice %arg7[%dma_start3A_20, %dma_start3A_21, %dma_start3A_27] : memref<2x8x128xi32, #tpu.memory_space<vmem>> -> memref<1x1x128xi32, #tpu.memory_space<vmem>>
    %dma_start3A_29 = tpu.memref_squeeze %dma_start3A_28 : memref<1x1x128xi32, #tpu.memory_space<vmem>> -> memref<128xi32, #tpu.memory_space<vmem>>
    %dma_start3A_30 = arith.constant 0 : i32
    %dma_start3A_31 = arith.constant 0 : i32
    %dma_start3A_32 = tpu.memref_slice %arg2[%dma_start3A_30, %dma_start3A_31] : memref<10112x128xf32, #tpu.memory_space<hbm>> -> memref<10112x128xf32, #tpu.memory_space<hbm>>
    tpu.enqueue_indirect_dma source(%dma_start3A_32 : memref<10112x128xf32, #tpu.memory_space<hbm>>) target(%dma_start3A_26 : memref<128x128xf32, #tpu.memory_space<vmem>>) offsets(%dma_start3A_29 : memref<128xi32, #tpu.memory_space<vmem>>) semaphore(%arg13 : memref<!tpu.dma_semaphore, #tpu.memory_space<semaphore_mem>>)
    %scan3A = arith.constant 0 : i32
    %scan3A_33 = arith.constant 0 : i32
    %scan3A_34 = arith.constant 10 : i32
    %scan3A_35 = arith.addi %scan3A_33, %scan3A_34 : i32
    %scan3A_36 = arith.constant 1 : i32
    scf.for %scan3A_46 = %scan3A_33 to %scan3A_35 step %scan3A_36  : i32 {
      %jit3A = arith.constant 2 : i32
      %eq3A = arith.constant 0 : i32
      %eq3A_47 = arith.cmpi eq, %jit3A, %eq3A : i32
      %jit3A_48 = arith.constant 1 : i32
      %select_n3A = arith.select %eq3A_47, %jit3A_48, %jit3A : i32
      %rem3A = arith.remsi %scan3A_46, %select_n3A : i32
      %ne3A = arith.constant 0 : i32
      %ne3A_49 = arith.cmpi ne, %rem3A, %ne3A : i32
      %lt3A = arith.constant 0 : i32
      %lt3A_50 = arith.cmpi slt, %rem3A, %lt3A : i32
      %lt3A_51 = arith.constant 0 : i32
      %lt3A_52 = arith.cmpi slt, %select_n3A, %lt3A_51 : i32
      %ne3A_53 = arith.xori %lt3A_50, %lt3A_52 : i1
      %and3A = arith.andi %ne3A_53, %ne3A_49 : i1
      %add3A_54 = arith.addi %rem3A, %select_n3A : i32
      %select_n3A_55 = arith.select %and3A, %add3A_54, %rem3A : i32
      %add3A_56 = arith.constant 1 : i32
      %add3A_57 = arith.addi %scan3A_46, %add3A_56 : i32
      %lt3A_58 = arith.constant 10 : i32
      %lt3A_59 = arith.cmpi slt, %add3A_57, %lt3A_58 : i32
      %convert_element_type3A = arith.extui %lt3A_59 : i1 to i32
      %cond3A = arith.constant 0 : i32
      %cond3A_60 = arith.cmpi ne, %convert_element_type3A, %cond3A : i32
      scf.if %cond3A_60 {
        %add3A_277 = arith.constant 1 : i32
        %add3A_278 = arith.addi %scan3A_46, %add3A_277 : i32
        %mul3A_279 = arith.constant 8 : i32
        %mul3A_280 = arith.muli %add3A_278, %mul3A_279 : i32
        %add3A_281 = arith.addi %add3A, %mul3A_280 : i32
        %sub3A = arith.constant 1 : i32
        %sub3A_282 = arith.subi %sub3A, %select_n3A_55 : i32
        %dma_start3A_283 = arith.constant 0 : i32
        %dma_start3A_284 = arith.constant 0 : i32
        %dma_start3A_285 = tpu.memref_slice %arg7[%sub3A_282, %dma_start3A_283, %dma_start3A_284] : memref<2x8x128xi32, #tpu.memory_space<vmem>> -> memref<1x8x128xi32, #tpu.memory_space<vmem>>
        %dma_start3A_286 = tpu.memref_squeeze %dma_start3A_285 : memref<1x8x128xi32, #tpu.memory_space<vmem>> -> memref<8x128xi32, #tpu.memory_space<vmem>>
        %dma_start3A_287 = arith.constant 0 : i32
        %dma_start3A_288 = tpu.memref_slice %arg4[%add3A_281, %dma_start3A_287] : memref<2560x128xi32, #tpu.memory_space<hbm>> -> memref<8x128xi32, #tpu.memory_space<hbm>>
        %dma_start3A_289 = arith.constant 0 : i32
        %dma_start3A_290 = arith.constant 0 : i32
        %dma_start3A_291 = tpu.memref_slice %arg7[%sub3A_282, %dma_start3A_289, %dma_start3A_290] : memref<2x8x128xi32, #tpu.memory_space<vmem>> -> memref<1x8x128xi32, #tpu.memory_space<vmem>>
        %dma_start3A_292 = tpu.memref_squeeze %dma_start3A_291 : memref<1x8x128xi32, #tpu.memory_space<vmem>> -> memref<8x128xi32, #tpu.memory_space<vmem>>
        %dma_start3A_293 = arith.constant 0 : i32
        %dma_start3A_294 = tpu.memref_slice %arg4[%add3A_281, %dma_start3A_293] : memref<2560x128xi32, #tpu.memory_space<hbm>> -> memref<8x128xi32, #tpu.memory_space<hbm>>
        tpu.enqueue_dma source(%dma_start3A_294 : memref<8x128xi32, #tpu.memory_space<hbm>>) target(%dma_start3A_292 : memref<8x128xi32, #tpu.memory_space<vmem>>) target_semaphore(%arg11 : memref<!tpu.dma_semaphore, #tpu.memory_space<semaphore_mem>>)
        %add3A_295 = arith.constant 1 : i32
        %add3A_296 = arith.addi %scan3A_46, %add3A_295 : i32
        %mul3A_297 = arith.constant 8 : i32
        %mul3A_298 = arith.muli %add3A_296, %mul3A_297 : i32
        %add3A_299 = arith.addi %add3A, %mul3A_298 : i32
        %sub3A_300 = arith.constant 1 : i32
        %sub3A_301 = arith.subi %sub3A_300, %select_n3A_55 : i32
        %dma_start3A_302 = arith.constant 0 : i32
        %dma_start3A_303 = arith.constant 0 : i32
        %dma_start3A_304 = tpu.memref_slice %arg8[%sub3A_301, %dma_start3A_302, %dma_start3A_303] : memref<2x8x128xi32, #tpu.memory_space<vmem>> -> memref<1x8x128xi32, #tpu.memory_space<vmem>>
        %dma_start3A_305 = tpu.memref_squeeze %dma_start3A_304 : memref<1x8x128xi32, #tpu.memory_space<vmem>> -> memref<8x128xi32, #tpu.memory_space<vmem>>
        %dma_start3A_306 = arith.constant 0 : i32
        %dma_start3A_307 = tpu.memref_slice %arg5[%add3A_299, %dma_start3A_306] : memref<2560x128xi32, #tpu.memory_space<hbm>> -> memref<8x128xi32, #tpu.memory_space<hbm>>
        %dma_start3A_308 = arith.constant 0 : i32
        %dma_start3A_309 = arith.constant 0 : i32
        %dma_start3A_310 = tpu.memref_slice %arg8[%sub3A_301, %dma_start3A_308, %dma_start3A_309] : memref<2x8x128xi32, #tpu.memory_space<vmem>> -> memref<1x8x128xi32, #tpu.memory_space<vmem>>
        %dma_start3A_311 = tpu.memref_squeeze %dma_start3A_310 : memref<1x8x128xi32, #tpu.memory_space<vmem>> -> memref<8x128xi32, #tpu.memory_space<vmem>>
        %dma_start3A_312 = arith.constant 0 : i32
        %dma_start3A_313 = tpu.memref_slice %arg5[%add3A_299, %dma_start3A_312] : memref<2560x128xi32, #tpu.memory_space<hbm>> -> memref<8x128xi32, #tpu.memory_space<hbm>>
        tpu.enqueue_dma source(%dma_start3A_313 : memref<8x128xi32, #tpu.memory_space<hbm>>) target(%dma_start3A_311 : memref<8x128xi32, #tpu.memory_space<vmem>>) target_semaphore(%arg11 : memref<!tpu.dma_semaphore, #tpu.memory_space<semaphore_mem>>)
      } else {
      }
      %dma_wait3A = arith.constant 0 : i32
      %dma_wait3A_61 = arith.constant 0 : i32
      %dma_wait3A_62 = arith.constant 0 : i32
      %dma_wait3A_63 = tpu.memref_slice %arg9[%dma_wait3A, %dma_wait3A_61, %dma_wait3A_62] : memref<2x128x128xf32, #tpu.memory_space<vmem>> -> memref<1x128x128xf32, #tpu.memory_space<vmem>>
      %dma_wait3A_64 = tpu.memref_squeeze %dma_wait3A_63 : memref<1x128x128xf32, #tpu.memory_space<vmem>> -> memref<128x128xf32, #tpu.memory_space<vmem>>
      %dma_wait3A_65 = arith.constant 0 : i32
      %dma_wait3A_66 = arith.constant 0 : i32
      %dma_wait3A_67 = tpu.memref_slice %arg2[%dma_wait3A_65, %dma_wait3A_66] : memref<10112x128xf32, #tpu.memory_space<hbm>> -> memref<128x128xf32, #tpu.memory_space<hbm>>
      %dma_wait3A_68 = arith.constant 0 : i32
      %dma_wait3A_69 = arith.constant 0 : i32
      %dma_wait3A_70 = tpu.memref_slice %arg9[%dma_wait3A, %dma_wait3A_68, %dma_wait3A_69] : memref<2x128x128xf32, #tpu.memory_space<vmem>> -> memref<1x128x128xf32, #tpu.memory_space<vmem>>
      %dma_wait3A_71 = tpu.memref_squeeze %dma_wait3A_70 : memref<1x128x128xf32, #tpu.memory_space<vmem>> -> memref<128x128xf32, #tpu.memory_space<vmem>>
      %dma_wait3A_72 = arith.constant 0 : i32
      %dma_wait3A_73 = arith.constant 0 : i32
      %dma_wait3A_74 = tpu.memref_slice %arg2[%dma_wait3A_72, %dma_wait3A_73] : memref<10112x128xf32, #tpu.memory_space<hbm>> -> memref<128x128xf32, #tpu.memory_space<hbm>>
      tpu.wait_dma2 semaphore(%arg12 : memref<!tpu.dma_semaphore, #tpu.memory_space<semaphore_mem>>) src(%dma_wait3A_74 : memref<128x128xf32, #tpu.memory_space<hbm>>) dst(%dma_wait3A_71 : memref<128x128xf32, #tpu.memory_space<vmem>>)
      %run_scoped3A_75 = arith.constant 0 : i32
      %run_scoped3A_76 = arith.constant 0 : i32
      "tpu.region"() ({
        %run_scoped3A_277 = tpu.sem_alloc : memref<!tpu.dma_semaphore, #tpu.memory_space<semaphore_mem>>
        %dma_start3A_278 = arith.constant 0 : i32
        %dma_start3A_279 = arith.constant 0 : i32
        %dma_start3A_280 = tpu.memref_slice %arg9[%run_scoped3A_75, %dma_start3A_278, %dma_start3A_279] : memref<2x128x128xf32, #tpu.memory_space<vmem>> -> memref<1x128x128xf32, #tpu.memory_space<vmem>>
        %dma_start3A_281 = tpu.memref_squeeze %dma_start3A_280 : memref<1x128x128xf32, #tpu.memory_space<vmem>> -> memref<128x128xf32, #tpu.memory_space<vmem>>
        %dma_start3A_282 = arith.constant 0 : i32
        %dma_start3A_283 = tpu.memref_slice %arg8[%select_n3A_55, %run_scoped3A_76, %dma_start3A_282] : memref<2x8x128xi32, #tpu.memory_space<vmem>> -> memref<1x1x128xi32, #tpu.memory_space<vmem>>
        %dma_start3A_284 = tpu.memref_squeeze %dma_start3A_283 : memref<1x1x128xi32, #tpu.memory_space<vmem>> -> memref<128xi32, #tpu.memory_space<vmem>>
        %dma_start3A_285 = arith.constant 0 : i32
        %dma_start3A_286 = arith.constant 0 : i32
        %dma_start3A_287 = tpu.memref_slice %arg10[%dma_start3A_285, %dma_start3A_286] : memref<10112x128xf32, #tpu.memory_space<vmem_shared>> -> memref<10112x128xf32, #tpu.memory_space<vmem_shared>>
        tpu.enqueue_indirect_dma source(%dma_start3A_281 : memref<128x128xf32, #tpu.memory_space<vmem>>) target(%dma_start3A_287 : memref<10112x128xf32, #tpu.memory_space<vmem_shared>>) offsets(%dma_start3A_284 : memref<128xi32, #tpu.memory_space<vmem>>) semaphore(%run_scoped3A_277 : memref<!tpu.dma_semaphore, #tpu.memory_space<semaphore_mem>>) {add = true}
        %dma_wait3A_288 = arith.constant 0 : i32
        %dma_wait3A_289 = arith.constant 0 : i32
        %dma_wait3A_290 = tpu.memref_slice %arg9[%run_scoped3A_75, %dma_wait3A_288, %dma_wait3A_289] : memref<2x128x128xf32, #tpu.memory_space<vmem>> -> memref<1x128x128xf32, #tpu.memory_space<vmem>>
        %dma_wait3A_291 = tpu.memref_squeeze %dma_wait3A_290 : memref<1x128x128xf32, #tpu.memory_space<vmem>> -> memref<128x128xf32, #tpu.memory_space<vmem>>
        %dma_wait3A_292 = arith.constant 0 : i32
        %dma_wait3A_293 = tpu.memref_slice %arg8[%select_n3A_55, %run_scoped3A_76, %dma_wait3A_292] : memref<2x8x128xi32, #tpu.memory_space<vmem>> -> memref<1x1x128xi32, #tpu.memory_space<vmem>>
        %dma_wait3A_294 = tpu.memref_squeeze %dma_wait3A_293 : memref<1x1x128xi32, #tpu.memory_space<vmem>> -> memref<128xi32, #tpu.memory_space<vmem>>
        %dma_wait3A_295 = arith.constant 0 : i32
        %dma_wait3A_296 = arith.constant 0 : i32
        %dma_wait3A_297 = tpu.memref_slice %arg10[%dma_wait3A_295, %dma_wait3A_296] : memref<10112x128xf32, #tpu.memory_space<vmem_shared>> -> memref<10112x128xf32, #tpu.memory_space<vmem_shared>>
        tpu.wait_indirect_dma semaphore(%run_scoped3A_277 : memref<!tpu.dma_semaphore, #tpu.memory_space<semaphore_mem>>) src(%dma_wait3A_291 : memref<128x128xf32, #tpu.memory_space<vmem>>) dst(%dma_wait3A_297 : memref<10112x128xf32, #tpu.memory_space<vmem_shared>>)
        tpu.yield
      }) : () -> ()
      %dma_start3A_77 = arith.constant 2 : i32
      %dma_start3A_78 = arith.constant 0 : i32
      %dma_start3A_79 = arith.constant 0 : i32
      %dma_start3A_80 = arith.constant 0 : i32
      %dma_start3A_81 = tpu.memref_slice %arg9[%dma_start3A_78, %dma_start3A_79, %dma_start3A_80] : memref<2x128x128xf32, #tpu.memory_space<vmem>> -> memref<1x128x128xf32, #tpu.memory_space<vmem>>
      %dma_start3A_82 = tpu.memref_squeeze %dma_start3A_81 : memref<1x128x128xf32, #tpu.memory_space<vmem>> -> memref<128x128xf32, #tpu.memory_space<vmem>>
      %dma_start3A_83 = arith.constant 0 : i32
      %dma_start3A_84 = tpu.memref_slice %arg7[%select_n3A_55, %dma_start3A_77, %dma_start3A_83] : memref<2x8x128xi32, #tpu.memory_space<vmem>> -> memref<1x1x128xi32, #tpu.memory_space<vmem>>
      %dma_start3A_85 = tpu.memref_squeeze %dma_start3A_84 : memref<1x1x128xi32, #tpu.memory_space<vmem>> -> memref<128xi32, #tpu.memory_space<vmem>>
      %dma_start3A_86 = arith.constant 0 : i32
      %dma_start3A_87 = arith.constant 0 : i32
      %dma_start3A_88 = tpu.memref_slice %arg2[%dma_start3A_86, %dma_start3A_87] : memref<10112x128xf32, #tpu.memory_space<hbm>> -> memref<10112x128xf32, #tpu.memory_space<hbm>>
      tpu.enqueue_indirect_dma source(%dma_start3A_88 : memref<10112x128xf32, #tpu.memory_space<hbm>>) target(%dma_start3A_82 : memref<128x128xf32, #tpu.memory_space<vmem>>) offsets(%dma_start3A_85 : memref<128xi32, #tpu.memory_space<vmem>>) semaphore(%arg12 : memref<!tpu.dma_semaphore, #tpu.memory_space<semaphore_mem>>)
      %dma_wait3A_89 = arith.constant 1 : i32
      %dma_wait3A_90 = arith.constant 0 : i32
      %dma_wait3A_91 = arith.constant 0 : i32
      %dma_wait3A_92 = tpu.memref_slice %arg9[%dma_wait3A_89, %dma_wait3A_90, %dma_wait3A_91] : memref<2x128x128xf32, #tpu.memory_space<vmem>> -> memref<1x128x128xf32, #tpu.memory_space<vmem>>
      %dma_wait3A_93 = tpu.memref_squeeze %dma_wait3A_92 : memref<1x128x128xf32, #tpu.memory_space<vmem>> -> memref<128x128xf32, #tpu.memory_space<vmem>>
      %dma_wait3A_94 = arith.constant 0 : i32
      %dma_wait3A_95 = arith.constant 0 : i32
      %dma_wait3A_96 = tpu.memref_slice %arg2[%dma_wait3A_94, %dma_wait3A_95] : memref<10112x128xf32, #tpu.memory_space<hbm>> -> memref<128x128xf32, #tpu.memory_space<hbm>>
      %dma_wait3A_97 = arith.constant 0 : i32
      %dma_wait3A_98 = arith.constant 0 : i32
      %dma_wait3A_99 = tpu.memref_slice %arg9[%dma_wait3A_89, %dma_wait3A_97, %dma_wait3A_98] : memref<2x128x128xf32, #tpu.memory_space<vmem>> -> memref<1x128x128xf32, #tpu.memory_space<vmem>>
      %dma_wait3A_100 = tpu.memref_squeeze %dma_wait3A_99 : memref<1x128x128xf32, #tpu.memory_space<vmem>> -> memref<128x128xf32, #tpu.memory_space<vmem>>
      %dma_wait3A_101 = arith.constant 0 : i32
      %dma_wait3A_102 = arith.constant 0 : i32
      %dma_wait3A_103 = tpu.memref_slice %arg2[%dma_wait3A_101, %dma_wait3A_102] : memref<10112x128xf32, #tpu.memory_space<hbm>> -> memref<128x128xf32, #tpu.memory_space<hbm>>
      tpu.wait_dma2 semaphore(%arg13 : memref<!tpu.dma_semaphore, #tpu.memory_space<semaphore_mem>>) src(%dma_wait3A_103 : memref<128x128xf32, #tpu.memory_space<hbm>>) dst(%dma_wait3A_100 : memref<128x128xf32, #tpu.memory_space<vmem>>)
      %run_scoped3A_104 = arith.constant 1 : i32
      %run_scoped3A_105 = arith.constant 1 : i32
      "tpu.region"() ({
        %run_scoped3A_277 = tpu.sem_alloc : memref<!tpu.dma_semaphore, #tpu.memory_space<semaphore_mem>>
        %dma_start3A_278 = arith.constant 0 : i32
        %dma_start3A_279 = arith.constant 0 : i32
        %dma_start3A_280 = tpu.memref_slice %arg9[%run_scoped3A_104, %dma_start3A_278, %dma_start3A_279] : memref<2x128x128xf32, #tpu.memory_space<vmem>> -> memref<1x128x128xf32, #tpu.memory_space<vmem>>
        %dma_start3A_281 = tpu.memref_squeeze %dma_start3A_280 : memref<1x128x128xf32, #tpu.memory_space<vmem>> -> memref<128x128xf32, #tpu.memory_space<vmem>>
        %dma_start3A_282 = arith.constant 0 : i32
        %dma_start3A_283 = tpu.memref_slice %arg8[%select_n3A_55, %run_scoped3A_105, %dma_start3A_282] : memref<2x8x128xi32, #tpu.memory_space<vmem>> -> memref<1x1x128xi32, #tpu.memory_space<vmem>>
        %dma_start3A_284 = tpu.memref_squeeze %dma_start3A_283 : memref<1x1x128xi32, #tpu.memory_space<vmem>> -> memref<128xi32, #tpu.memory_space<vmem>>
        %dma_start3A_285 = arith.constant 0 : i32
        %dma_start3A_286 = arith.constant 0 : i32
        %dma_start3A_287 = tpu.memref_slice %arg10[%dma_start3A_285, %dma_start3A_286] : memref<10112x128xf32, #tpu.memory_space<vmem_shared>> -> memref<10112x128xf32, #tpu.memory_space<vmem_shared>>
        tpu.enqueue_indirect_dma source(%dma_start3A_281 : memref<128x128xf32, #tpu.memory_space<vmem>>) target(%dma_start3A_287 : memref<10112x128xf32, #tpu.memory_space<vmem_shared>>) offsets(%dma_start3A_284 : memref<128xi32, #tpu.memory_space<vmem>>) semaphore(%run_scoped3A_277 : memref<!tpu.dma_semaphore, #tpu.memory_space<semaphore_mem>>) {add = true}
        %dma_wait3A_288 = arith.constant 0 : i32
        %dma_wait3A_289 = arith.constant 0 : i32
        %dma_wait3A_290 = tpu.memref_slice %arg9[%run_scoped3A_104, %dma_wait3A_288, %dma_wait3A_289] : memref<2x128x128xf32, #tpu.memory_space<vmem>> -> memref<1x128x128xf32, #tpu.memory_space<vmem>>
        %dma_wait3A_291 = tpu.memref_squeeze %dma_wait3A_290 : memref<1x128x128xf32, #tpu.memory_space<vmem>> -> memref<128x128xf32, #tpu.memory_space<vmem>>
        %dma_wait3A_292 = arith.constant 0 : i32
        %dma_wait3A_293 = tpu.memref_slice %arg8[%select_n3A_55, %run_scoped3A_105, %dma_wait3A_292] : memref<2x8x128xi32, #tpu.memory_space<vmem>> -> memref<1x1x128xi32, #tpu.memory_space<vmem>>
        %dma_wait3A_294 = tpu.memref_squeeze %dma_wait3A_293 : memref<1x1x128xi32, #tpu.memory_space<vmem>> -> memref<128xi32, #tpu.memory_space<vmem>>
        %dma_wait3A_295 = arith.constant 0 : i32
        %dma_wait3A_296 = arith.constant 0 : i32
        %dma_wait3A_297 = tpu.memref_slice %arg10[%dma_wait3A_295, %dma_wait3A_296] : memref<10112x128xf32, #tpu.memory_space<vmem_shared>> -> memref<10112x128xf32, #tpu.memory_space<vmem_shared>>
        tpu.wait_indirect_dma semaphore(%run_scoped3A_277 : memref<!tpu.dma_semaphore, #tpu.memory_space<semaphore_mem>>) src(%dma_wait3A_291 : memref<128x128xf32, #tpu.memory_space<vmem>>) dst(%dma_wait3A_297 : memref<10112x128xf32, #tpu.memory_space<vmem_shared>>)
        tpu.yield
      }) : () -> ()
      %dma_start3A_106 = arith.constant 3 : i32
      %dma_start3A_107 = arith.constant 1 : i32
      %dma_start3A_108 = arith.constant 0 : i32
      %dma_start3A_109 = arith.constant 0 : i32
      %dma_start3A_110 = tpu.memref_slice %arg9[%dma_start3A_107, %dma_start3A_108, %dma_start3A_109] : memref<2x128x128xf32, #tpu.memory_space<vmem>> -> memref<1x128x128xf32, #tpu.memory_space<vmem>>
      %dma_start3A_111 = tpu.memref_squeeze %dma_start3A_110 : memref<1x128x128xf32, #tpu.memory_space<vmem>> -> memref<128x128xf32, #tpu.memory_space<vmem>>
      %dma_start3A_112 = arith.constant 0 : i32
      %dma_start3A_113 = tpu.memref_slice %arg7[%select_n3A_55, %dma_start3A_106, %dma_start3A_112] : memref<2x8x128xi32, #tpu.memory_space<vmem>> -> memref<1x1x128xi32, #tpu.memory_space<vmem>>
      %dma_start3A_114 = tpu.memref_squeeze %dma_start3A_113 : memref<1x1x128xi32, #tpu.memory_space<vmem>> -> memref<128xi32, #tpu.memory_space<vmem>>
      %dma_start3A_115 = arith.constant 0 : i32
      %dma_start3A_116 = arith.constant 0 : i32
      %dma_start3A_117 = tpu.memref_slice %arg2[%dma_start3A_115, %dma_start3A_116] : memref<10112x128xf32, #tpu.memory_space<hbm>> -> memref<10112x128xf32, #tpu.memory_space<hbm>>
      tpu.enqueue_indirect_dma source(%dma_start3A_117 : memref<10112x128xf32, #tpu.memory_space<hbm>>) target(%dma_start3A_111 : memref<128x128xf32, #tpu.memory_space<vmem>>) offsets(%dma_start3A_114 : memref<128xi32, #tpu.memory_space<vmem>>) semaphore(%arg13 : memref<!tpu.dma_semaphore, #tpu.memory_space<semaphore_mem>>)
      %dma_wait3A_118 = arith.constant 0 : i32
      %dma_wait3A_119 = arith.constant 0 : i32
      %dma_wait3A_120 = arith.constant 0 : i32
      %dma_wait3A_121 = tpu.memref_slice %arg9[%dma_wait3A_118, %dma_wait3A_119, %dma_wait3A_120] : memref<2x128x128xf32, #tpu.memory_space<vmem>> -> memref<1x128x128xf32, #tpu.memory_space<vmem>>
      %dma_wait3A_122 = tpu.memref_squeeze %dma_wait3A_121 : memref<1x128x128xf32, #tpu.memory_space<vmem>> -> memref<128x128xf32, #tpu.memory_space<vmem>>
      %dma_wait3A_123 = arith.constant 0 : i32
      %dma_wait3A_124 = arith.constant 0 : i32
      %dma_wait3A_125 = tpu.memref_slice %arg2[%dma_wait3A_123, %dma_wait3A_124] : memref<10112x128xf32, #tpu.memory_space<hbm>> -> memref<128x128xf32, #tpu.memory_space<hbm>>
      %dma_wait3A_126 = arith.constant 0 : i32
      %dma_wait3A_127 = arith.constant 0 : i32
      %dma_wait3A_128 = tpu.memref_slice %arg9[%dma_wait3A_118, %dma_wait3A_126, %dma_wait3A_127] : memref<2x128x128xf32, #tpu.memory_space<vmem>> -> memref<1x128x128xf32, #tpu.memory_space<vmem>>
      %dma_wait3A_129 = tpu.memref_squeeze %dma_wait3A_128 : memref<1x128x128xf32, #tpu.memory_space<vmem>> -> memref<128x128xf32, #tpu.memory_space<vmem>>
      %dma_wait3A_130 = arith.constant 0 : i32
      %dma_wait3A_131 = arith.constant 0 : i32
      %dma_wait3A_132 = tpu.memref_slice %arg2[%dma_wait3A_130, %dma_wait3A_131] : memref<10112x128xf32, #tpu.memory_space<hbm>> -> memref<128x128xf32, #tpu.memory_space<hbm>>
      tpu.wait_dma2 semaphore(%arg12 : memref<!tpu.dma_semaphore, #tpu.memory_space<semaphore_mem>>) src(%dma_wait3A_132 : memref<128x128xf32, #tpu.memory_space<hbm>>) dst(%dma_wait3A_129 : memref<128x128xf32, #tpu.memory_space<vmem>>)
      %run_scoped3A_133 = arith.constant 0 : i32
      %run_scoped3A_134 = arith.constant 2 : i32
      "tpu.region"() ({
        %run_scoped3A_277 = tpu.sem_alloc : memref<!tpu.dma_semaphore, #tpu.memory_space<semaphore_mem>>
        %dma_start3A_278 = arith.constant 0 : i32
        %dma_start3A_279 = arith.constant 0 : i32
        %dma_start3A_280 = tpu.memref_slice %arg9[%run_scoped3A_133, %dma_start3A_278, %dma_start3A_279] : memref<2x128x128xf32, #tpu.memory_space<vmem>> -> memref<1x128x128xf32, #tpu.memory_space<vmem>>
        %dma_start3A_281 = tpu.memref_squeeze %dma_start3A_280 : memref<1x128x128xf32, #tpu.memory_space<vmem>> -> memref<128x128xf32, #tpu.memory_space<vmem>>
        %dma_start3A_282 = arith.constant 0 : i32
        %dma_start3A_283 = tpu.memref_slice %arg8[%select_n3A_55, %run_scoped3A_134, %dma_start3A_282] : memref<2x8x128xi32, #tpu.memory_space<vmem>> -> memref<1x1x128xi32, #tpu.memory_space<vmem>>
        %dma_start3A_284 = tpu.memref_squeeze %dma_start3A_283 : memref<1x1x128xi32, #tpu.memory_space<vmem>> -> memref<128xi32, #tpu.memory_space<vmem>>
        %dma_start3A_285 = arith.constant 0 : i32
        %dma_start3A_286 = arith.constant 0 : i32
        %dma_start3A_287 = tpu.memref_slice %arg10[%dma_start3A_285, %dma_start3A_286] : memref<10112x128xf32, #tpu.memory_space<vmem_shared>> -> memref<10112x128xf32, #tpu.memory_space<vmem_shared>>
        tpu.enqueue_indirect_dma source(%dma_start3A_281 : memref<128x128xf32, #tpu.memory_space<vmem>>) target(%dma_start3A_287 : memref<10112x128xf32, #tpu.memory_space<vmem_shared>>) offsets(%dma_start3A_284 : memref<128xi32, #tpu.memory_space<vmem>>) semaphore(%run_scoped3A_277 : memref<!tpu.dma_semaphore, #tpu.memory_space<semaphore_mem>>) {add = true}
        %dma_wait3A_288 = arith.constant 0 : i32
        %dma_wait3A_289 = arith.constant 0 : i32
        %dma_wait3A_290 = tpu.memref_slice %arg9[%run_scoped3A_133, %dma_wait3A_288, %dma_wait3A_289] : memref<2x128x128xf32, #tpu.memory_space<vmem>> -> memref<1x128x128xf32, #tpu.memory_space<vmem>>
        %dma_wait3A_291 = tpu.memref_squeeze %dma_wait3A_290 : memref<1x128x128xf32, #tpu.memory_space<vmem>> -> memref<128x128xf32, #tpu.memory_space<vmem>>
        %dma_wait3A_292 = arith.constant 0 : i32
        %dma_wait3A_293 = tpu.memref_slice %arg8[%select_n3A_55, %run_scoped3A_134, %dma_wait3A_292] : memref<2x8x128xi32, #tpu.memory_space<vmem>> -> memref<1x1x128xi32, #tpu.memory_space<vmem>>
        %dma_wait3A_294 = tpu.memref_squeeze %dma_wait3A_293 : memref<1x1x128xi32, #tpu.memory_space<vmem>> -> memref<128xi32, #tpu.memory_space<vmem>>
        %dma_wait3A_295 = arith.constant 0 : i32
        %dma_wait3A_296 = arith.constant 0 : i32
        %dma_wait3A_297 = tpu.memref_slice %arg10[%dma_wait3A_295, %dma_wait3A_296] : memref<10112x128xf32, #tpu.memory_space<vmem_shared>> -> memref<10112x128xf32, #tpu.memory_space<vmem_shared>>
        tpu.wait_indirect_dma semaphore(%run_scoped3A_277 : memref<!tpu.dma_semaphore, #tpu.memory_space<semaphore_mem>>) src(%dma_wait3A_291 : memref<128x128xf32, #tpu.memory_space<vmem>>) dst(%dma_wait3A_297 : memref<10112x128xf32, #tpu.memory_space<vmem_shared>>)
        tpu.yield
      }) : () -> ()
      %dma_start3A_135 = arith.constant 4 : i32
      %dma_start3A_136 = arith.constant 0 : i32
      %dma_start3A_137 = arith.constant 0 : i32
      %dma_start3A_138 = arith.constant 0 : i32
      %dma_start3A_139 = tpu.memref_slice %arg9[%dma_start3A_136, %dma_start3A_137, %dma_start3A_138] : memref<2x128x128xf32, #tpu.memory_space<vmem>> -> memref<1x128x128xf32, #tpu.memory_space<vmem>>
      %dma_start3A_140 = tpu.memref_squeeze %dma_start3A_139 : memref<1x128x128xf32, #tpu.memory_space<vmem>> -> memref<128x128xf32, #tpu.memory_space<vmem>>
      %dma_start3A_141 = arith.constant 0 : i32
      %dma_start3A_142 = tpu.memref_slice %arg7[%select_n3A_55, %dma_start3A_135, %dma_start3A_141] : memref<2x8x128xi32, #tpu.memory_space<vmem>> -> memref<1x1x128xi32, #tpu.memory_space<vmem>>
      %dma_start3A_143 = tpu.memref_squeeze %dma_start3A_142 : memref<1x1x128xi32, #tpu.memory_space<vmem>> -> memref<128xi32, #tpu.memory_space<vmem>>
      %dma_start3A_144 = arith.constant 0 : i32
      %dma_start3A_145 = arith.constant 0 : i32
      %dma_start3A_146 = tpu.memref_slice %arg2[%dma_start3A_144, %dma_start3A_145] : memref<10112x128xf32, #tpu.memory_space<hbm>> -> memref<10112x128xf32, #tpu.memory_space<hbm>>
      tpu.enqueue_indirect_dma source(%dma_start3A_146 : memref<10112x128xf32, #tpu.memory_space<hbm>>) target(%dma_start3A_140 : memref<128x128xf32, #tpu.memory_space<vmem>>) offsets(%dma_start3A_143 : memref<128xi32, #tpu.memory_space<vmem>>) semaphore(%arg12 : memref<!tpu.dma_semaphore, #tpu.memory_space<semaphore_mem>>)
      %dma_wait3A_147 = arith.constant 1 : i32
      %dma_wait3A_148 = arith.constant 0 : i32
      %dma_wait3A_149 = arith.constant 0 : i32
      %dma_wait3A_150 = tpu.memref_slice %arg9[%dma_wait3A_147, %dma_wait3A_148, %dma_wait3A_149] : memref<2x128x128xf32, #tpu.memory_space<vmem>> -> memref<1x128x128xf32, #tpu.memory_space<vmem>>
      %dma_wait3A_151 = tpu.memref_squeeze %dma_wait3A_150 : memref<1x128x128xf32, #tpu.memory_space<vmem>> -> memref<128x128xf32, #tpu.memory_space<vmem>>
      %dma_wait3A_152 = arith.constant 0 : i32
      %dma_wait3A_153 = arith.constant 0 : i32
      %dma_wait3A_154 = tpu.memref_slice %arg2[%dma_wait3A_152, %dma_wait3A_153] : memref<10112x128xf32, #tpu.memory_space<hbm>> -> memref<128x128xf32, #tpu.memory_space<hbm>>
      %dma_wait3A_155 = arith.constant 0 : i32
      %dma_wait3A_156 = arith.constant 0 : i32
      %dma_wait3A_157 = tpu.memref_slice %arg9[%dma_wait3A_147, %dma_wait3A_155, %dma_wait3A_156] : memref<2x128x128xf32, #tpu.memory_space<vmem>> -> memref<1x128x128xf32, #tpu.memory_space<vmem>>
      %dma_wait3A_158 = tpu.memref_squeeze %dma_wait3A_157 : memref<1x128x128xf32, #tpu.memory_space<vmem>> -> memref<128x128xf32, #tpu.memory_space<vmem>>
      %dma_wait3A_159 = arith.constant 0 : i32
      %dma_wait3A_160 = arith.constant 0 : i32
      %dma_wait3A_161 = tpu.memref_slice %arg2[%dma_wait3A_159, %dma_wait3A_160] : memref<10112x128xf32, #tpu.memory_space<hbm>> -> memref<128x128xf32, #tpu.memory_space<hbm>>
      tpu.wait_dma2 semaphore(%arg13 : memref<!tpu.dma_semaphore, #tpu.memory_space<semaphore_mem>>) src(%dma_wait3A_161 : memref<128x128xf32, #tpu.memory_space<hbm>>) dst(%dma_wait3A_158 : memref<128x128xf32, #tpu.memory_space<vmem>>)
      %run_scoped3A_162 = arith.constant 1 : i32
      %run_scoped3A_163 = arith.constant 3 : i32
      "tpu.region"() ({
        %run_scoped3A_277 = tpu.sem_alloc : memref<!tpu.dma_semaphore, #tpu.memory_space<semaphore_mem>>
        %dma_start3A_278 = arith.constant 0 : i32
        %dma_start3A_279 = arith.constant 0 : i32
        %dma_start3A_280 = tpu.memref_slice %arg9[%run_scoped3A_162, %dma_start3A_278, %dma_start3A_279] : memref<2x128x128xf32, #tpu.memory_space<vmem>> -> memref<1x128x128xf32, #tpu.memory_space<vmem>>
        %dma_start3A_281 = tpu.memref_squeeze %dma_start3A_280 : memref<1x128x128xf32, #tpu.memory_space<vmem>> -> memref<128x128xf32, #tpu.memory_space<vmem>>
        %dma_start3A_282 = arith.constant 0 : i32
        %dma_start3A_283 = tpu.memref_slice %arg8[%select_n3A_55, %run_scoped3A_163, %dma_start3A_282] : memref<2x8x128xi32, #tpu.memory_space<vmem>> -> memref<1x1x128xi32, #tpu.memory_space<vmem>>
        %dma_start3A_284 = tpu.memref_squeeze %dma_start3A_283 : memref<1x1x128xi32, #tpu.memory_space<vmem>> -> memref<128xi32, #tpu.memory_space<vmem>>
        %dma_start3A_285 = arith.constant 0 : i32
        %dma_start3A_286 = arith.constant 0 : i32
        %dma_start3A_287 = tpu.memref_slice %arg10[%dma_start3A_285, %dma_start3A_286] : memref<10112x128xf32, #tpu.memory_space<vmem_shared>> -> memref<10112x128xf32, #tpu.memory_space<vmem_shared>>
        tpu.enqueue_indirect_dma source(%dma_start3A_281 : memref<128x128xf32, #tpu.memory_space<vmem>>) target(%dma_start3A_287 : memref<10112x128xf32, #tpu.memory_space<vmem_shared>>) offsets(%dma_start3A_284 : memref<128xi32, #tpu.memory_space<vmem>>) semaphore(%run_scoped3A_277 : memref<!tpu.dma_semaphore, #tpu.memory_space<semaphore_mem>>) {add = true}
        %dma_wait3A_288 = arith.constant 0 : i32
        %dma_wait3A_289 = arith.constant 0 : i32
        %dma_wait3A_290 = tpu.memref_slice %arg9[%run_scoped3A_162, %dma_wait3A_288, %dma_wait3A_289] : memref<2x128x128xf32, #tpu.memory_space<vmem>> -> memref<1x128x128xf32, #tpu.memory_space<vmem>>
        %dma_wait3A_291 = tpu.memref_squeeze %dma_wait3A_290 : memref<1x128x128xf32, #tpu.memory_space<vmem>> -> memref<128x128xf32, #tpu.memory_space<vmem>>
        %dma_wait3A_292 = arith.constant 0 : i32
        %dma_wait3A_293 = tpu.memref_slice %arg8[%select_n3A_55, %run_scoped3A_163, %dma_wait3A_292] : memref<2x8x128xi32, #tpu.memory_space<vmem>> -> memref<1x1x128xi32, #tpu.memory_space<vmem>>
        %dma_wait3A_294 = tpu.memref_squeeze %dma_wait3A_293 : memref<1x1x128xi32, #tpu.memory_space<vmem>> -> memref<128xi32, #tpu.memory_space<vmem>>
        %dma_wait3A_295 = arith.constant 0 : i32
        %dma_wait3A_296 = arith.constant 0 : i32
        %dma_wait3A_297 = tpu.memref_slice %arg10[%dma_wait3A_295, %dma_wait3A_296] : memref<10112x128xf32, #tpu.memory_space<vmem_shared>> -> memref<10112x128xf32, #tpu.memory_space<vmem_shared>>
        tpu.wait_indirect_dma semaphore(%run_scoped3A_277 : memref<!tpu.dma_semaphore, #tpu.memory_space<semaphore_mem>>) src(%dma_wait3A_291 : memref<128x128xf32, #tpu.memory_space<vmem>>) dst(%dma_wait3A_297 : memref<10112x128xf32, #tpu.memory_space<vmem_shared>>)
        tpu.yield
      }) : () -> ()
      %dma_start3A_164 = arith.constant 5 : i32
      %dma_start3A_165 = arith.constant 1 : i32
      %dma_start3A_166 = arith.constant 0 : i32
      %dma_start3A_167 = arith.constant 0 : i32
      %dma_start3A_168 = tpu.memref_slice %arg9[%dma_start3A_165, %dma_start3A_166, %dma_start3A_167] : memref<2x128x128xf32, #tpu.memory_space<vmem>> -> memref<1x128x128xf32, #tpu.memory_space<vmem>>
      %dma_start3A_169 = tpu.memref_squeeze %dma_start3A_168 : memref<1x128x128xf32, #tpu.memory_space<vmem>> -> memref<128x128xf32, #tpu.memory_space<vmem>>
      %dma_start3A_170 = arith.constant 0 : i32
      %dma_start3A_171 = tpu.memref_slice %arg7[%select_n3A_55, %dma_start3A_164, %dma_start3A_170] : memref<2x8x128xi32, #tpu.memory_space<vmem>> -> memref<1x1x128xi32, #tpu.memory_space<vmem>>
      %dma_start3A_172 = tpu.memref_squeeze %dma_start3A_171 : memref<1x1x128xi32, #tpu.memory_space<vmem>> -> memref<128xi32, #tpu.memory_space<vmem>>
      %dma_start3A_173 = arith.constant 0 : i32
      %dma_start3A_174 = arith.constant 0 : i32
      %dma_start3A_175 = tpu.memref_slice %arg2[%dma_start3A_173, %dma_start3A_174] : memref<10112x128xf32, #tpu.memory_space<hbm>> -> memref<10112x128xf32, #tpu.memory_space<hbm>>
      tpu.enqueue_indirect_dma source(%dma_start3A_175 : memref<10112x128xf32, #tpu.memory_space<hbm>>) target(%dma_start3A_169 : memref<128x128xf32, #tpu.memory_space<vmem>>) offsets(%dma_start3A_172 : memref<128xi32, #tpu.memory_space<vmem>>) semaphore(%arg13 : memref<!tpu.dma_semaphore, #tpu.memory_space<semaphore_mem>>)
      %dma_wait3A_176 = arith.constant 0 : i32
      %dma_wait3A_177 = arith.constant 0 : i32
      %dma_wait3A_178 = arith.constant 0 : i32
      %dma_wait3A_179 = tpu.memref_slice %arg9[%dma_wait3A_176, %dma_wait3A_177, %dma_wait3A_178] : memref<2x128x128xf32, #tpu.memory_space<vmem>> -> memref<1x128x128xf32, #tpu.memory_space<vmem>>
      %dma_wait3A_180 = tpu.memref_squeeze %dma_wait3A_179 : memref<1x128x128xf32, #tpu.memory_space<vmem>> -> memref<128x128xf32, #tpu.memory_space<vmem>>
      %dma_wait3A_181 = arith.constant 0 : i32
      %dma_wait3A_182 = arith.constant 0 : i32
      %dma_wait3A_183 = tpu.memref_slice %arg2[%dma_wait3A_181, %dma_wait3A_182] : memref<10112x128xf32, #tpu.memory_space<hbm>> -> memref<128x128xf32, #tpu.memory_space<hbm>>
      %dma_wait3A_184 = arith.constant 0 : i32
      %dma_wait3A_185 = arith.constant 0 : i32
      %dma_wait3A_186 = tpu.memref_slice %arg9[%dma_wait3A_176, %dma_wait3A_184, %dma_wait3A_185] : memref<2x128x128xf32, #tpu.memory_space<vmem>> -> memref<1x128x128xf32, #tpu.memory_space<vmem>>
      %dma_wait3A_187 = tpu.memref_squeeze %dma_wait3A_186 : memref<1x128x128xf32, #tpu.memory_space<vmem>> -> memref<128x128xf32, #tpu.memory_space<vmem>>
      %dma_wait3A_188 = arith.constant 0 : i32
      %dma_wait3A_189 = arith.constant 0 : i32
      %dma_wait3A_190 = tpu.memref_slice %arg2[%dma_wait3A_188, %dma_wait3A_189] : memref<10112x128xf32, #tpu.memory_space<hbm>> -> memref<128x128xf32, #tpu.memory_space<hbm>>
      tpu.wait_dma2 semaphore(%arg12 : memref<!tpu.dma_semaphore, #tpu.memory_space<semaphore_mem>>) src(%dma_wait3A_190 : memref<128x128xf32, #tpu.memory_space<hbm>>) dst(%dma_wait3A_187 : memref<128x128xf32, #tpu.memory_space<vmem>>)
      %run_scoped3A_191 = arith.constant 0 : i32
      %run_scoped3A_192 = arith.constant 4 : i32
      "tpu.region"() ({
        %run_scoped3A_277 = tpu.sem_alloc : memref<!tpu.dma_semaphore, #tpu.memory_space<semaphore_mem>>
        %dma_start3A_278 = arith.constant 0 : i32
        %dma_start3A_279 = arith.constant 0 : i32
        %dma_start3A_280 = tpu.memref_slice %arg9[%run_scoped3A_191, %dma_start3A_278, %dma_start3A_279] : memref<2x128x128xf32, #tpu.memory_space<vmem>> -> memref<1x128x128xf32, #tpu.memory_space<vmem>>
        %dma_start3A_281 = tpu.memref_squeeze %dma_start3A_280 : memref<1x128x128xf32, #tpu.memory_space<vmem>> -> memref<128x128xf32, #tpu.memory_space<vmem>>
        %dma_start3A_282 = arith.constant 0 : i32
        %dma_start3A_283 = tpu.memref_slice %arg8[%select_n3A_55, %run_scoped3A_192, %dma_start3A_282] : memref<2x8x128xi32, #tpu.memory_space<vmem>> -> memref<1x1x128xi32, #tpu.memory_space<vmem>>
        %dma_start3A_284 = tpu.memref_squeeze %dma_start3A_283 : memref<1x1x128xi32, #tpu.memory_space<vmem>> -> memref<128xi32, #tpu.memory_space<vmem>>
        %dma_start3A_285 = arith.constant 0 : i32
        %dma_start3A_286 = arith.constant 0 : i32
        %dma_start3A_287 = tpu.memref_slice %arg10[%dma_start3A_285, %dma_start3A_286] : memref<10112x128xf32, #tpu.memory_space<vmem_shared>> -> memref<10112x128xf32, #tpu.memory_space<vmem_shared>>
        tpu.enqueue_indirect_dma source(%dma_start3A_281 : memref<128x128xf32, #tpu.memory_space<vmem>>) target(%dma_start3A_287 : memref<10112x128xf32, #tpu.memory_space<vmem_shared>>) offsets(%dma_start3A_284 : memref<128xi32, #tpu.memory_space<vmem>>) semaphore(%run_scoped3A_277 : memref<!tpu.dma_semaphore, #tpu.memory_space<semaphore_mem>>) {add = true}
        %dma_wait3A_288 = arith.constant 0 : i32
        %dma_wait3A_289 = arith.constant 0 : i32
        %dma_wait3A_290 = tpu.memref_slice %arg9[%run_scoped3A_191, %dma_wait3A_288, %dma_wait3A_289] : memref<2x128x128xf32, #tpu.memory_space<vmem>> -> memref<1x128x128xf32, #tpu.memory_space<vmem>>
        %dma_wait3A_291 = tpu.memref_squeeze %dma_wait3A_290 : memref<1x128x128xf32, #tpu.memory_space<vmem>> -> memref<128x128xf32, #tpu.memory_space<vmem>>
        %dma_wait3A_292 = arith.constant 0 : i32
        %dma_wait3A_293 = tpu.memref_slice %arg8[%select_n3A_55, %run_scoped3A_192, %dma_wait3A_292] : memref<2x8x128xi32, #tpu.memory_space<vmem>> -> memref<1x1x128xi32, #tpu.memory_space<vmem>>
        %dma_wait3A_294 = tpu.memref_squeeze %dma_wait3A_293 : memref<1x1x128xi32, #tpu.memory_space<vmem>> -> memref<128xi32, #tpu.memory_space<vmem>>
        %dma_wait3A_295 = arith.constant 0 : i32
        %dma_wait3A_296 = arith.constant 0 : i32
        %dma_wait3A_297 = tpu.memref_slice %arg10[%dma_wait3A_295, %dma_wait3A_296] : memref<10112x128xf32, #tpu.memory_space<vmem_shared>> -> memref<10112x128xf32, #tpu.memory_space<vmem_shared>>
        tpu.wait_indirect_dma semaphore(%run_scoped3A_277 : memref<!tpu.dma_semaphore, #tpu.memory_space<semaphore_mem>>) src(%dma_wait3A_291 : memref<128x128xf32, #tpu.memory_space<vmem>>) dst(%dma_wait3A_297 : memref<10112x128xf32, #tpu.memory_space<vmem_shared>>)
        tpu.yield
      }) : () -> ()
      %dma_start3A_193 = arith.constant 6 : i32
      %dma_start3A_194 = arith.constant 0 : i32
      %dma_start3A_195 = arith.constant 0 : i32
      %dma_start3A_196 = arith.constant 0 : i32
      %dma_start3A_197 = tpu.memref_slice %arg9[%dma_start3A_194, %dma_start3A_195, %dma_start3A_196] : memref<2x128x128xf32, #tpu.memory_space<vmem>> -> memref<1x128x128xf32, #tpu.memory_space<vmem>>
      %dma_start3A_198 = tpu.memref_squeeze %dma_start3A_197 : memref<1x128x128xf32, #tpu.memory_space<vmem>> -> memref<128x128xf32, #tpu.memory_space<vmem>>
      %dma_start3A_199 = arith.constant 0 : i32
      %dma_start3A_200 = tpu.memref_slice %arg7[%select_n3A_55, %dma_start3A_193, %dma_start3A_199] : memref<2x8x128xi32, #tpu.memory_space<vmem>> -> memref<1x1x128xi32, #tpu.memory_space<vmem>>
      %dma_start3A_201 = tpu.memref_squeeze %dma_start3A_200 : memref<1x1x128xi32, #tpu.memory_space<vmem>> -> memref<128xi32, #tpu.memory_space<vmem>>
      %dma_start3A_202 = arith.constant 0 : i32
      %dma_start3A_203 = arith.constant 0 : i32
      %dma_start3A_204 = tpu.memref_slice %arg2[%dma_start3A_202, %dma_start3A_203] : memref<10112x128xf32, #tpu.memory_space<hbm>> -> memref<10112x128xf32, #tpu.memory_space<hbm>>
      tpu.enqueue_indirect_dma source(%dma_start3A_204 : memref<10112x128xf32, #tpu.memory_space<hbm>>) target(%dma_start3A_198 : memref<128x128xf32, #tpu.memory_space<vmem>>) offsets(%dma_start3A_201 : memref<128xi32, #tpu.memory_space<vmem>>) semaphore(%arg12 : memref<!tpu.dma_semaphore, #tpu.memory_space<semaphore_mem>>)
      %dma_wait3A_205 = arith.constant 1 : i32
      %dma_wait3A_206 = arith.constant 0 : i32
      %dma_wait3A_207 = arith.constant 0 : i32
      %dma_wait3A_208 = tpu.memref_slice %arg9[%dma_wait3A_205, %dma_wait3A_206, %dma_wait3A_207] : memref<2x128x128xf32, #tpu.memory_space<vmem>> -> memref<1x128x128xf32, #tpu.memory_space<vmem>>
      %dma_wait3A_209 = tpu.memref_squeeze %dma_wait3A_208 : memref<1x128x128xf32, #tpu.memory_space<vmem>> -> memref<128x128xf32, #tpu.memory_space<vmem>>
      %dma_wait3A_210 = arith.constant 0 : i32
      %dma_wait3A_211 = arith.constant 0 : i32
      %dma_wait3A_212 = tpu.memref_slice %arg2[%dma_wait3A_210, %dma_wait3A_211] : memref<10112x128xf32, #tpu.memory_space<hbm>> -> memref<128x128xf32, #tpu.memory_space<hbm>>
      %dma_wait3A_213 = arith.constant 0 : i32
      %dma_wait3A_214 = arith.constant 0 : i32
      %dma_wait3A_215 = tpu.memref_slice %arg9[%dma_wait3A_205, %dma_wait3A_213, %dma_wait3A_214] : memref<2x128x128xf32, #tpu.memory_space<vmem>> -> memref<1x128x128xf32, #tpu.memory_space<vmem>>
      %dma_wait3A_216 = tpu.memref_squeeze %dma_wait3A_215 : memref<1x128x128xf32, #tpu.memory_space<vmem>> -> memref<128x128xf32, #tpu.memory_space<vmem>>
      %dma_wait3A_217 = arith.constant 0 : i32
      %dma_wait3A_218 = arith.constant 0 : i32
      %dma_wait3A_219 = tpu.memref_slice %arg2[%dma_wait3A_217, %dma_wait3A_218] : memref<10112x128xf32, #tpu.memory_space<hbm>> -> memref<128x128xf32, #tpu.memory_space<hbm>>
      tpu.wait_dma2 semaphore(%arg13 : memref<!tpu.dma_semaphore, #tpu.memory_space<semaphore_mem>>) src(%dma_wait3A_219 : memref<128x128xf32, #tpu.memory_space<hbm>>) dst(%dma_wait3A_216 : memref<128x128xf32, #tpu.memory_space<vmem>>)
      %run_scoped3A_220 = arith.constant 1 : i32
      %run_scoped3A_221 = arith.constant 5 : i32
      "tpu.region"() ({
        %run_scoped3A_277 = tpu.sem_alloc : memref<!tpu.dma_semaphore, #tpu.memory_space<semaphore_mem>>
        %dma_start3A_278 = arith.constant 0 : i32
        %dma_start3A_279 = arith.constant 0 : i32
        %dma_start3A_280 = tpu.memref_slice %arg9[%run_scoped3A_220, %dma_start3A_278, %dma_start3A_279] : memref<2x128x128xf32, #tpu.memory_space<vmem>> -> memref<1x128x128xf32, #tpu.memory_space<vmem>>
        %dma_start3A_281 = tpu.memref_squeeze %dma_start3A_280 : memref<1x128x128xf32, #tpu.memory_space<vmem>> -> memref<128x128xf32, #tpu.memory_space<vmem>>
        %dma_start3A_282 = arith.constant 0 : i32
        %dma_start3A_283 = tpu.memref_slice %arg8[%select_n3A_55, %run_scoped3A_221, %dma_start3A_282] : memref<2x8x128xi32, #tpu.memory_space<vmem>> -> memref<1x1x128xi32, #tpu.memory_space<vmem>>
        %dma_start3A_284 = tpu.memref_squeeze %dma_start3A_283 : memref<1x1x128xi32, #tpu.memory_space<vmem>> -> memref<128xi32, #tpu.memory_space<vmem>>
        %dma_start3A_285 = arith.constant 0 : i32
        %dma_start3A_286 = arith.constant 0 : i32
        %dma_start3A_287 = tpu.memref_slice %arg10[%dma_start3A_285, %dma_start3A_286] : memref<10112x128xf32, #tpu.memory_space<vmem_shared>> -> memref<10112x128xf32, #tpu.memory_space<vmem_shared>>
        tpu.enqueue_indirect_dma source(%dma_start3A_281 : memref<128x128xf32, #tpu.memory_space<vmem>>) target(%dma_start3A_287 : memref<10112x128xf32, #tpu.memory_space<vmem_shared>>) offsets(%dma_start3A_284 : memref<128xi32, #tpu.memory_space<vmem>>) semaphore(%run_scoped3A_277 : memref<!tpu.dma_semaphore, #tpu.memory_space<semaphore_mem>>) {add = true}
        %dma_wait3A_288 = arith.constant 0 : i32
        %dma_wait3A_289 = arith.constant 0 : i32
        %dma_wait3A_290 = tpu.memref_slice %arg9[%run_scoped3A_220, %dma_wait3A_288, %dma_wait3A_289] : memref<2x128x128xf32, #tpu.memory_space<vmem>> -> memref<1x128x128xf32, #tpu.memory_space<vmem>>
        %dma_wait3A_291 = tpu.memref_squeeze %dma_wait3A_290 : memref<1x128x128xf32, #tpu.memory_space<vmem>> -> memref<128x128xf32, #tpu.memory_space<vmem>>
        %dma_wait3A_292 = arith.constant 0 : i32
        %dma_wait3A_293 = tpu.memref_slice %arg8[%select_n3A_55, %run_scoped3A_221, %dma_wait3A_292] : memref<2x8x128xi32, #tpu.memory_space<vmem>> -> memref<1x1x128xi32, #tpu.memory_space<vmem>>
        %dma_wait3A_294 = tpu.memref_squeeze %dma_wait3A_293 : memref<1x1x128xi32, #tpu.memory_space<vmem>> -> memref<128xi32, #tpu.memory_space<vmem>>
        %dma_wait3A_295 = arith.constant 0 : i32
        %dma_wait3A_296 = arith.constant 0 : i32
        %dma_wait3A_297 = tpu.memref_slice %arg10[%dma_wait3A_295, %dma_wait3A_296] : memref<10112x128xf32, #tpu.memory_space<vmem_shared>> -> memref<10112x128xf32, #tpu.memory_space<vmem_shared>>
        tpu.wait_indirect_dma semaphore(%run_scoped3A_277 : memref<!tpu.dma_semaphore, #tpu.memory_space<semaphore_mem>>) src(%dma_wait3A_291 : memref<128x128xf32, #tpu.memory_space<vmem>>) dst(%dma_wait3A_297 : memref<10112x128xf32, #tpu.memory_space<vmem_shared>>)
        tpu.yield
      }) : () -> ()
      %dma_start3A_222 = arith.constant 7 : i32
      %dma_start3A_223 = arith.constant 1 : i32
      %dma_start3A_224 = arith.constant 0 : i32
      %dma_start3A_225 = arith.constant 0 : i32
      %dma_start3A_226 = tpu.memref_slice %arg9[%dma_start3A_223, %dma_start3A_224, %dma_start3A_225] : memref<2x128x128xf32, #tpu.memory_space<vmem>> -> memref<1x128x128xf32, #tpu.memory_space<vmem>>
      %dma_start3A_227 = tpu.memref_squeeze %dma_start3A_226 : memref<1x128x128xf32, #tpu.memory_space<vmem>> -> memref<128x128xf32, #tpu.memory_space<vmem>>
      %dma_start3A_228 = arith.constant 0 : i32
      %dma_start3A_229 = tpu.memref_slice %arg7[%select_n3A_55, %dma_start3A_222, %dma_start3A_228] : memref<2x8x128xi32, #tpu.memory_space<vmem>> -> memref<1x1x128xi32, #tpu.memory_space<vmem>>
      %dma_start3A_230 = tpu.memref_squeeze %dma_start3A_229 : memref<1x1x128xi32, #tpu.memory_space<vmem>> -> memref<128xi32, #tpu.memory_space<vmem>>
      %dma_start3A_231 = arith.constant 0 : i32
      %dma_start3A_232 = arith.constant 0 : i32
      %dma_start3A_233 = tpu.memref_slice %arg2[%dma_start3A_231, %dma_start3A_232] : memref<10112x128xf32, #tpu.memory_space<hbm>> -> memref<10112x128xf32, #tpu.memory_space<hbm>>
      tpu.enqueue_indirect_dma source(%dma_start3A_233 : memref<10112x128xf32, #tpu.memory_space<hbm>>) target(%dma_start3A_227 : memref<128x128xf32, #tpu.memory_space<vmem>>) offsets(%dma_start3A_230 : memref<128xi32, #tpu.memory_space<vmem>>) semaphore(%arg13 : memref<!tpu.dma_semaphore, #tpu.memory_space<semaphore_mem>>)
      %dma_wait3A_234 = arith.constant 0 : i32
      %dma_wait3A_235 = arith.constant 0 : i32
      %dma_wait3A_236 = arith.constant 0 : i32
      %dma_wait3A_237 = tpu.memref_slice %arg9[%dma_wait3A_234, %dma_wait3A_235, %dma_wait3A_236] : memref<2x128x128xf32, #tpu.memory_space<vmem>> -> memref<1x128x128xf32, #tpu.memory_space<vmem>>
      %dma_wait3A_238 = tpu.memref_squeeze %dma_wait3A_237 : memref<1x128x128xf32, #tpu.memory_space<vmem>> -> memref<128x128xf32, #tpu.memory_space<vmem>>
      %dma_wait3A_239 = arith.constant 0 : i32
      %dma_wait3A_240 = arith.constant 0 : i32
      %dma_wait3A_241 = tpu.memref_slice %arg2[%dma_wait3A_239, %dma_wait3A_240] : memref<10112x128xf32, #tpu.memory_space<hbm>> -> memref<128x128xf32, #tpu.memory_space<hbm>>
      %dma_wait3A_242 = arith.constant 0 : i32
      %dma_wait3A_243 = arith.constant 0 : i32
      %dma_wait3A_244 = tpu.memref_slice %arg9[%dma_wait3A_234, %dma_wait3A_242, %dma_wait3A_243] : memref<2x128x128xf32, #tpu.memory_space<vmem>> -> memref<1x128x128xf32, #tpu.memory_space<vmem>>
      %dma_wait3A_245 = tpu.memref_squeeze %dma_wait3A_244 : memref<1x128x128xf32, #tpu.memory_space<vmem>> -> memref<128x128xf32, #tpu.memory_space<vmem>>
      %dma_wait3A_246 = arith.constant 0 : i32
      %dma_wait3A_247 = arith.constant 0 : i32
      %dma_wait3A_248 = tpu.memref_slice %arg2[%dma_wait3A_246, %dma_wait3A_247] : memref<10112x128xf32, #tpu.memory_space<hbm>> -> memref<128x128xf32, #tpu.memory_space<hbm>>
      tpu.wait_dma2 semaphore(%arg12 : memref<!tpu.dma_semaphore, #tpu.memory_space<semaphore_mem>>) src(%dma_wait3A_248 : memref<128x128xf32, #tpu.memory_space<hbm>>) dst(%dma_wait3A_245 : memref<128x128xf32, #tpu.memory_space<vmem>>)
      %run_scoped3A_249 = arith.constant 0 : i32
      %run_scoped3A_250 = arith.constant 6 : i32
      "tpu.region"() ({
        %run_scoped3A_277 = tpu.sem_alloc : memref<!tpu.dma_semaphore, #tpu.memory_space<semaphore_mem>>
        %dma_start3A_278 = arith.constant 0 : i32
        %dma_start3A_279 = arith.constant 0 : i32
        %dma_start3A_280 = tpu.memref_slice %arg9[%run_scoped3A_249, %dma_start3A_278, %dma_start3A_279] : memref<2x128x128xf32, #tpu.memory_space<vmem>> -> memref<1x128x128xf32, #tpu.memory_space<vmem>>
        %dma_start3A_281 = tpu.memref_squeeze %dma_start3A_280 : memref<1x128x128xf32, #tpu.memory_space<vmem>> -> memref<128x128xf32, #tpu.memory_space<vmem>>
        %dma_start3A_282 = arith.constant 0 : i32
        %dma_start3A_283 = tpu.memref_slice %arg8[%select_n3A_55, %run_scoped3A_250, %dma_start3A_282] : memref<2x8x128xi32, #tpu.memory_space<vmem>> -> memref<1x1x128xi32, #tpu.memory_space<vmem>>
        %dma_start3A_284 = tpu.memref_squeeze %dma_start3A_283 : memref<1x1x128xi32, #tpu.memory_space<vmem>> -> memref<128xi32, #tpu.memory_space<vmem>>
        %dma_start3A_285 = arith.constant 0 : i32
        %dma_start3A_286 = arith.constant 0 : i32
        %dma_start3A_287 = tpu.memref_slice %arg10[%dma_start3A_285, %dma_start3A_286] : memref<10112x128xf32, #tpu.memory_space<vmem_shared>> -> memref<10112x128xf32, #tpu.memory_space<vmem_shared>>
        tpu.enqueue_indirect_dma source(%dma_start3A_281 : memref<128x128xf32, #tpu.memory_space<vmem>>) target(%dma_start3A_287 : memref<10112x128xf32, #tpu.memory_space<vmem_shared>>) offsets(%dma_start3A_284 : memref<128xi32, #tpu.memory_space<vmem>>) semaphore(%run_scoped3A_277 : memref<!tpu.dma_semaphore, #tpu.memory_space<semaphore_mem>>) {add = true}
        %dma_wait3A_288 = arith.constant 0 : i32
        %dma_wait3A_289 = arith.constant 0 : i32
        %dma_wait3A_290 = tpu.memref_slice %arg9[%run_scoped3A_249, %dma_wait3A_288, %dma_wait3A_289] : memref<2x128x128xf32, #tpu.memory_space<vmem>> -> memref<1x128x128xf32, #tpu.memory_space<vmem>>
        %dma_wait3A_291 = tpu.memref_squeeze %dma_wait3A_290 : memref<1x128x128xf32, #tpu.memory_space<vmem>> -> memref<128x128xf32, #tpu.memory_space<vmem>>
        %dma_wait3A_292 = arith.constant 0 : i32
        %dma_wait3A_293 = tpu.memref_slice %arg8[%select_n3A_55, %run_scoped3A_250, %dma_wait3A_292] : memref<2x8x128xi32, #tpu.memory_space<vmem>> -> memref<1x1x128xi32, #tpu.memory_space<vmem>>
        %dma_wait3A_294 = tpu.memref_squeeze %dma_wait3A_293 : memref<1x1x128xi32, #tpu.memory_space<vmem>> -> memref<128xi32, #tpu.memory_space<vmem>>
        %dma_wait3A_295 = arith.constant 0 : i32
        %dma_wait3A_296 = arith.constant 0 : i32
        %dma_wait3A_297 = tpu.memref_slice %arg10[%dma_wait3A_295, %dma_wait3A_296] : memref<10112x128xf32, #tpu.memory_space<vmem_shared>> -> memref<10112x128xf32, #tpu.memory_space<vmem_shared>>
        tpu.wait_indirect_dma semaphore(%run_scoped3A_277 : memref<!tpu.dma_semaphore, #tpu.memory_space<semaphore_mem>>) src(%dma_wait3A_291 : memref<128x128xf32, #tpu.memory_space<vmem>>) dst(%dma_wait3A_297 : memref<10112x128xf32, #tpu.memory_space<vmem_shared>>)
        tpu.yield
      }) : () -> ()
      %convert_element_type3A_251 = arith.extui %lt3A_59 : i1 to i32
      %cond3A_252 = arith.constant 0 : i32
      %cond3A_253 = arith.cmpi ne, %convert_element_type3A_251, %cond3A_252 : i32
      scf.if %cond3A_253 {
        %dma_wait3A_277 = arith.constant 0 : i32
        %dma_wait3A_278 = arith.constant 0 : i32
        %dma_wait3A_279 = arith.constant 0 : i32
        %dma_wait3A_280 = tpu.memref_slice %arg7[%dma_wait3A_277, %dma_wait3A_278, %dma_wait3A_279] : memref<2x8x128xi32, #tpu.memory_space<vmem>> -> memref<1x8x128xi32, #tpu.memory_space<vmem>>
        %dma_wait3A_281 = tpu.memref_squeeze %dma_wait3A_280 : memref<1x8x128xi32, #tpu.memory_space<vmem>> -> memref<8x128xi32, #tpu.memory_space<vmem>>
        %dma_wait3A_282 = arith.constant 0 : i32
        %dma_wait3A_283 = arith.constant 0 : i32
        %dma_wait3A_284 = tpu.memref_slice %arg4[%dma_wait3A_282, %dma_wait3A_283] : memref<2560x128xi32, #tpu.memory_space<hbm>> -> memref<8x128xi32, #tpu.memory_space<hbm>>
        %dma_wait3A_285 = arith.constant 0 : i32
        %dma_wait3A_286 = arith.constant 0 : i32
        %dma_wait3A_287 = tpu.memref_slice %arg7[%dma_wait3A_277, %dma_wait3A_285, %dma_wait3A_286] : memref<2x8x128xi32, #tpu.memory_space<vmem>> -> memref<1x8x128xi32, #tpu.memory_space<vmem>>
        %dma_wait3A_288 = tpu.memref_squeeze %dma_wait3A_287 : memref<1x8x128xi32, #tpu.memory_space<vmem>> -> memref<8x128xi32, #tpu.memory_space<vmem>>
        %dma_wait3A_289 = arith.constant 0 : i32
        %dma_wait3A_290 = arith.constant 0 : i32
        %dma_wait3A_291 = tpu.memref_slice %arg4[%dma_wait3A_289, %dma_wait3A_290] : memref<2560x128xi32, #tpu.memory_space<hbm>> -> memref<8x128xi32, #tpu.memory_space<hbm>>
        tpu.wait_dma2 semaphore(%arg11 : memref<!tpu.dma_semaphore, #tpu.memory_space<semaphore_mem>>) src(%dma_wait3A_291 : memref<8x128xi32, #tpu.memory_space<hbm>>) dst(%dma_wait3A_288 : memref<8x128xi32, #tpu.memory_space<vmem>>)
        %dma_wait3A_292 = arith.constant 0 : i32
        %dma_wait3A_293 = arith.constant 0 : i32
        %dma_wait3A_294 = arith.constant 0 : i32
        %dma_wait3A_295 = tpu.memref_slice %arg8[%dma_wait3A_292, %dma_wait3A_293, %dma_wait3A_294] : memref<2x8x128xi32, #tpu.memory_space<vmem>> -> memref<1x8x128xi32, #tpu.memory_space<vmem>>
        %dma_wait3A_296 = tpu.memref_squeeze %dma_wait3A_295 : memref<1x8x128xi32, #tpu.memory_space<vmem>> -> memref<8x128xi32, #tpu.memory_space<vmem>>
        %dma_wait3A_297 = arith.constant 0 : i32
        %dma_wait3A_298 = arith.constant 0 : i32
        %dma_wait3A_299 = tpu.memref_slice %arg4[%dma_wait3A_297, %dma_wait3A_298] : memref<2560x128xi32, #tpu.memory_space<hbm>> -> memref<8x128xi32, #tpu.memory_space<hbm>>
        %dma_wait3A_300 = arith.constant 0 : i32
        %dma_wait3A_301 = arith.constant 0 : i32
        %dma_wait3A_302 = tpu.memref_slice %arg8[%dma_wait3A_292, %dma_wait3A_300, %dma_wait3A_301] : memref<2x8x128xi32, #tpu.memory_space<vmem>> -> memref<1x8x128xi32, #tpu.memory_space<vmem>>
        %dma_wait3A_303 = tpu.memref_squeeze %dma_wait3A_302 : memref<1x8x128xi32, #tpu.memory_space<vmem>> -> memref<8x128xi32, #tpu.memory_space<vmem>>
        %dma_wait3A_304 = arith.constant 0 : i32
        %dma_wait3A_305 = arith.constant 0 : i32
        %dma_wait3A_306 = tpu.memref_slice %arg4[%dma_wait3A_304, %dma_wait3A_305] : memref<2560x128xi32, #tpu.memory_space<hbm>> -> memref<8x128xi32, #tpu.memory_space<hbm>>
        tpu.wait_dma2 semaphore(%arg11 : memref<!tpu.dma_semaphore, #tpu.memory_space<semaphore_mem>>) src(%dma_wait3A_306 : memref<8x128xi32, #tpu.memory_space<hbm>>) dst(%dma_wait3A_303 : memref<8x128xi32, #tpu.memory_space<vmem>>)
      } else {
      }
      %convert_element_type3A_254 = arith.extui %lt3A_59 : i1 to i32
      %cond3A_255 = arith.constant 0 : i32
      %cond3A_256 = arith.cmpi ne, %convert_element_type3A_254, %cond3A_255 : i32
      scf.if %cond3A_256 {
        %sub3A = arith.constant 1 : i32
        %sub3A_277 = arith.subi %sub3A, %select_n3A_55 : i32
        %dma_start3A_278 = arith.constant 0 : i32
        %dma_start3A_279 = arith.constant 0 : i32
        %dma_start3A_280 = arith.constant 0 : i32
        %dma_start3A_281 = arith.constant 0 : i32
        %dma_start3A_282 = tpu.memref_slice %arg9[%dma_start3A_279, %dma_start3A_280, %dma_start3A_281] : memref<2x128x128xf32, #tpu.memory_space<vmem>> -> memref<1x128x128xf32, #tpu.memory_space<vmem>>
        %dma_start3A_283 = tpu.memref_squeeze %dma_start3A_282 : memref<1x128x128xf32, #tpu.memory_space<vmem>> -> memref<128x128xf32, #tpu.memory_space<vmem>>
        %dma_start3A_284 = arith.constant 0 : i32
        %dma_start3A_285 = tpu.memref_slice %arg7[%sub3A_277, %dma_start3A_278, %dma_start3A_284] : memref<2x8x128xi32, #tpu.memory_space<vmem>> -> memref<1x1x128xi32, #tpu.memory_space<vmem>>
        %dma_start3A_286 = tpu.memref_squeeze %dma_start3A_285 : memref<1x1x128xi32, #tpu.memory_space<vmem>> -> memref<128xi32, #tpu.memory_space<vmem>>
        %dma_start3A_287 = arith.constant 0 : i32
        %dma_start3A_288 = arith.constant 0 : i32
        %dma_start3A_289 = tpu.memref_slice %arg2[%dma_start3A_287, %dma_start3A_288] : memref<10112x128xf32, #tpu.memory_space<hbm>> -> memref<10112x128xf32, #tpu.memory_space<hbm>>
        tpu.enqueue_indirect_dma source(%dma_start3A_289 : memref<10112x128xf32, #tpu.memory_space<hbm>>) target(%dma_start3A_283 : memref<128x128xf32, #tpu.memory_space<vmem>>) offsets(%dma_start3A_286 : memref<128xi32, #tpu.memory_space<vmem>>) semaphore(%arg12 : memref<!tpu.dma_semaphore, #tpu.memory_space<semaphore_mem>>)
      } else {
      }
      %dma_wait3A_257 = arith.constant 1 : i32
      %dma_wait3A_258 = arith.constant 0 : i32
      %dma_wait3A_259 = arith.constant 0 : i32
      %dma_wait3A_260 = tpu.memref_slice %arg9[%dma_wait3A_257, %dma_wait3A_258, %dma_wait3A_259] : memref<2x128x128xf32, #tpu.memory_space<vmem>> -> memref<1x128x128xf32, #tpu.memory_space<vmem>>
      %dma_wait3A_261 = tpu.memref_squeeze %dma_wait3A_260 : memref<1x128x128xf32, #tpu.memory_space<vmem>> -> memref<128x128xf32, #tpu.memory_space<vmem>>
      %dma_wait3A_262 = arith.constant 0 : i32
      %dma_wait3A_263 = arith.constant 0 : i32
      %dma_wait3A_264 = tpu.memref_slice %arg2[%dma_wait3A_262, %dma_wait3A_263] : memref<10112x128xf32, #tpu.memory_space<hbm>> -> memref<128x128xf32, #tpu.memory_space<hbm>>
      %dma_wait3A_265 = arith.constant 0 : i32
      %dma_wait3A_266 = arith.constant 0 : i32
      %dma_wait3A_267 = tpu.memref_slice %arg9[%dma_wait3A_257, %dma_wait3A_265, %dma_wait3A_266] : memref<2x128x128xf32, #tpu.memory_space<vmem>> -> memref<1x128x128xf32, #tpu.memory_space<vmem>>
      %dma_wait3A_268 = tpu.memref_squeeze %dma_wait3A_267 : memref<1x128x128xf32, #tpu.memory_space<vmem>> -> memref<128x128xf32, #tpu.memory_space<vmem>>
      %dma_wait3A_269 = arith.constant 0 : i32
      %dma_wait3A_270 = arith.constant 0 : i32
      %dma_wait3A_271 = tpu.memref_slice %arg2[%dma_wait3A_269, %dma_wait3A_270] : memref<10112x128xf32, #tpu.memory_space<hbm>> -> memref<128x128xf32, #tpu.memory_space<hbm>>
      tpu.wait_dma2 semaphore(%arg13 : memref<!tpu.dma_semaphore, #tpu.memory_space<semaphore_mem>>) src(%dma_wait3A_271 : memref<128x128xf32, #tpu.memory_space<hbm>>) dst(%dma_wait3A_268 : memref<128x128xf32, #tpu.memory_space<vmem>>)
      %run_scoped3A_272 = arith.constant 1 : i32
      %run_scoped3A_273 = arith.constant 7 : i32
      "tpu.region"() ({
        %run_scoped3A_277 = tpu.sem_alloc : memref<!tpu.dma_semaphore, #tpu.memory_space<semaphore_mem>>
        %dma_start3A_278 = arith.constant 0 : i32
        %dma_start3A_279 = arith.constant 0 : i32
        %dma_start3A_280 = tpu.memref_slice %arg9[%run_scoped3A_272, %dma_start3A_278, %dma_start3A_279] : memref<2x128x128xf32, #tpu.memory_space<vmem>> -> memref<1x128x128xf32, #tpu.memory_space<vmem>>
        %dma_start3A_281 = tpu.memref_squeeze %dma_start3A_280 : memref<1x128x128xf32, #tpu.memory_space<vmem>> -> memref<128x128xf32, #tpu.memory_space<vmem>>
        %dma_start3A_282 = arith.constant 0 : i32
        %dma_start3A_283 = tpu.memref_slice %arg8[%select_n3A_55, %run_scoped3A_273, %dma_start3A_282] : memref<2x8x128xi32, #tpu.memory_space<vmem>> -> memref<1x1x128xi32, #tpu.memory_space<vmem>>
        %dma_start3A_284 = tpu.memref_squeeze %dma_start3A_283 : memref<1x1x128xi32, #tpu.memory_space<vmem>> -> memref<128xi32, #tpu.memory_space<vmem>>
        %dma_start3A_285 = arith.constant 0 : i32
        %dma_start3A_286 = arith.constant 0 : i32
        %dma_start3A_287 = tpu.memref_slice %arg10[%dma_start3A_285, %dma_start3A_286] : memref<10112x128xf32, #tpu.memory_space<vmem_shared>> -> memref<10112x128xf32, #tpu.memory_space<vmem_shared>>
        tpu.enqueue_indirect_dma source(%dma_start3A_281 : memref<128x128xf32, #tpu.memory_space<vmem>>) target(%dma_start3A_287 : memref<10112x128xf32, #tpu.memory_space<vmem_shared>>) offsets(%dma_start3A_284 : memref<128xi32, #tpu.memory_space<vmem>>) semaphore(%run_scoped3A_277 : memref<!tpu.dma_semaphore, #tpu.memory_space<semaphore_mem>>) {add = true}
        %dma_wait3A_288 = arith.constant 0 : i32
        %dma_wait3A_289 = arith.constant 0 : i32
        %dma_wait3A_290 = tpu.memref_slice %arg9[%run_scoped3A_272, %dma_wait3A_288, %dma_wait3A_289] : memref<2x128x128xf32, #tpu.memory_space<vmem>> -> memref<1x128x128xf32, #tpu.memory_space<vmem>>
        %dma_wait3A_291 = tpu.memref_squeeze %dma_wait3A_290 : memref<1x128x128xf32, #tpu.memory_space<vmem>> -> memref<128x128xf32, #tpu.memory_space<vmem>>
        %dma_wait3A_292 = arith.constant 0 : i32
        %dma_wait3A_293 = tpu.memref_slice %arg8[%select_n3A_55, %run_scoped3A_273, %dma_wait3A_292] : memref<2x8x128xi32, #tpu.memory_space<vmem>> -> memref<1x1x128xi32, #tpu.memory_space<vmem>>
        %dma_wait3A_294 = tpu.memref_squeeze %dma_wait3A_293 : memref<1x1x128xi32, #tpu.memory_space<vmem>> -> memref<128xi32, #tpu.memory_space<vmem>>
        %dma_wait3A_295 = arith.constant 0 : i32
        %dma_wait3A_296 = arith.constant 0 : i32
        %dma_wait3A_297 = tpu.memref_slice %arg10[%dma_wait3A_295, %dma_wait3A_296] : memref<10112x128xf32, #tpu.memory_space<vmem_shared>> -> memref<10112x128xf32, #tpu.memory_space<vmem_shared>>
        tpu.wait_indirect_dma semaphore(%run_scoped3A_277 : memref<!tpu.dma_semaphore, #tpu.memory_space<semaphore_mem>>) src(%dma_wait3A_291 : memref<128x128xf32, #tpu.memory_space<vmem>>) dst(%dma_wait3A_297 : memref<10112x128xf32, #tpu.memory_space<vmem_shared>>)
        tpu.yield
      }) : () -> ()
      %convert_element_type3A_274 = arith.extui %lt3A_59 : i1 to i32
      %cond3A_275 = arith.constant 0 : i32
      %cond3A_276 = arith.cmpi ne, %convert_element_type3A_274, %cond3A_275 : i32
      scf.if %cond3A_276 {
        %sub3A = arith.constant 1 : i32
        %sub3A_277 = arith.subi %sub3A, %select_n3A_55 : i32
        %dma_start3A_278 = arith.constant 1 : i32
        %dma_start3A_279 = arith.constant 1 : i32
        %dma_start3A_280 = arith.constant 0 : i32
        %dma_start3A_281 = arith.constant 0 : i32
        %dma_start3A_282 = tpu.memref_slice %arg9[%dma_start3A_279, %dma_start3A_280, %dma_start3A_281] : memref<2x128x128xf32, #tpu.memory_space<vmem>> -> memref<1x128x128xf32, #tpu.memory_space<vmem>>
        %dma_start3A_283 = tpu.memref_squeeze %dma_start3A_282 : memref<1x128x128xf32, #tpu.memory_space<vmem>> -> memref<128x128xf32, #tpu.memory_space<vmem>>
        %dma_start3A_284 = arith.constant 0 : i32
        %dma_start3A_285 = tpu.memref_slice %arg7[%sub3A_277, %dma_start3A_278, %dma_start3A_284] : memref<2x8x128xi32, #tpu.memory_space<vmem>> -> memref<1x1x128xi32, #tpu.memory_space<vmem>>
        %dma_start3A_286 = tpu.memref_squeeze %dma_start3A_285 : memref<1x1x128xi32, #tpu.memory_space<vmem>> -> memref<128xi32, #tpu.memory_space<vmem>>
        %dma_start3A_287 = arith.constant 0 : i32
        %dma_start3A_288 = arith.constant 0 : i32
        %dma_start3A_289 = tpu.memref_slice %arg2[%dma_start3A_287, %dma_start3A_288] : memref<10112x128xf32, #tpu.memory_space<hbm>> -> memref<10112x128xf32, #tpu.memory_space<hbm>>
        tpu.enqueue_indirect_dma source(%dma_start3A_289 : memref<10112x128xf32, #tpu.memory_space<hbm>>) target(%dma_start3A_283 : memref<128x128xf32, #tpu.memory_space<vmem>>) offsets(%dma_start3A_286 : memref<128xi32, #tpu.memory_space<vmem>>) semaphore(%arg13 : memref<!tpu.dma_semaphore, #tpu.memory_space<semaphore_mem>>)
      } else {
      }
    }
    %scan3A_37 = arith.constant 10 : i32
    %barrier3A_38 = arith.constant 0 : index
    tpu.barrier barrier_id(%barrier3A_38)
    %mul3A_39 = arith.constant 632 : i32
    %mul3A_40 = arith.muli %arg1, %mul3A_39 : i32
    %mul3A_41 = arith.constant 10112 : i32
    %mul3A_42 = arith.muli %arg0, %mul3A_41 : i32
    %mul3A_43 = arith.constant 632 : i32
    %mul3A_44 = arith.muli %arg1, %mul3A_43 : i32
    %add3A_45 = arith.addi %mul3A_42, %mul3A_44 : i32
    "tpu.region"() ({
      %run_scoped3A_46 = tpu.sem_alloc : memref<!tpu.dma_semaphore, #tpu.memory_space<semaphore_mem>>
      %dma_start3A_47 = arith.constant 0 : i32
      %dma_start3A_48 = tpu.memref_slice %arg6[%add3A_45, %dma_start3A_47] : memref<20224x128xf32, #tpu.memory_space<hbm>> -> memref<632x128xf32, #tpu.memory_space<hbm>>
      %dma_start3A_49 = arith.constant 0 : i32
      %dma_start3A_50 = tpu.memref_slice %arg10[%mul3A_40, %dma_start3A_49] : memref<10112x128xf32, #tpu.memory_space<vmem_shared>> -> memref<632x128xf32, #tpu.memory_space<vmem_shared>>
      tpu.enqueue_dma source(%dma_start3A_50 : memref<632x128xf32, #tpu.memory_space<vmem_shared>>) target(%dma_start3A_48 : memref<632x128xf32, #tpu.memory_space<hbm>>) target_semaphore(%run_scoped3A_46 : memref<!tpu.dma_semaphore, #tpu.memory_space<semaphore_mem>>)
      %dma_wait3A = arith.constant 0 : i32
      %dma_wait3A_51 = tpu.memref_slice %arg6[%add3A_45, %dma_wait3A] : memref<20224x128xf32, #tpu.memory_space<hbm>> -> memref<632x128xf32, #tpu.memory_space<hbm>>
      %dma_wait3A_52 = arith.constant 0 : i32
      %dma_wait3A_53 = tpu.memref_slice %arg10[%mul3A_40, %dma_wait3A_52] : memref<10112x128xf32, #tpu.memory_space<vmem_shared>> -> memref<632x128xf32, #tpu.memory_space<vmem_shared>>
      tpu.wait_dma2 semaphore(%run_scoped3A_46 : memref<!tpu.dma_semaphore, #tpu.memory_space<semaphore_mem>>) src(%dma_wait3A_53 : memref<632x128xf32, #tpu.memory_space<vmem_shared>>) dst(%dma_wait3A_51 : memref<632x128xf32, #tpu.memory_space<hbm>>)
      tpu.yield
    }) : () -> ()
    return
  }
}

module attributes {stable_mosaic.version = 14 : i64} {
  func.func @_b_body(%arg0: i32, %arg1: memref<2000x128xf32, #tpu.memory_space<vmem>>, %arg2: memref<128x256xf32, #tpu.memory_space<vmem>>, %arg3: memref<1x256xf32, #tpu.memory_space<vmem>>, %arg4: memref<1x2000x128xf32, #tpu.memory_space<vmem>>, %arg5: memref<1x2000x128xf32, #tpu.memory_space<vmem>>, %arg6: memref<2x2000x128xf32, #tpu.memory_space<vmem>>, %arg7: memref<2000x1xf32, #tpu.memory_space<vmem>>) attributes {dimension_semantics = [#tpu.dimension_semantics<arbitrary>], iteration_bounds = array<i64: 5>, scalar_prefetch = 0 : i64, scratch_operands = 0 : i64, tpu.core_type = #tpu.core_type<tc>, window_params = [{transform_indices = @transform_0, window_bounds = array<i64: 2000, 128>}, {pipeline_mode = #tpu.pipeline_mode<synchronous>, transform_indices = @transform_1, window_bounds = array<i64: 128, 256>}, {pipeline_mode = #tpu.pipeline_mode<synchronous>, transform_indices = @transform_2, window_bounds = array<i64: 1, 256>}, {transform_indices = @transform_3, window_bounds = array<i64: 1, 2000, 128>}, {transform_indices = @transform_4, window_bounds = array<i64: 1, 2000, 128>}, {transform_indices = @transform_5, window_bounds = array<i64: 2, 2000, 128>}, {transform_indices = @transform_6, window_bounds = array<i64: 2000, 1>}]} {
    %get3A = arith.constant 0 : index
    %get3A_0 = arith.constant 0 : index
    %get3A_1 = arith.constant 0 : index
    %get3A_2 = vector.load %arg4[%get3A, %get3A_0, %get3A_1] : memref<1x2000x128xf32, #tpu.memory_space<vmem>>, vector<1x2000x1xf32>
    %get3A_3 = vector.shape_cast %get3A_2 : vector<1x2000x1xf32> to vector<2000x1xf32>
    %add3A = arith.constant 1.000000e+00 : f32
    %add3A_4 = vector.broadcast %add3A : f32 to vector<2000x1xf32>
    %add3A_5 = arith.addf %add3A_4, %get3A_3 : vector<2000x1xf32>
    %get3A_6 = arith.constant 0 : index
    %get3A_7 = arith.constant 0 : index
    %get3A_8 = arith.constant 0 : index
    %get3A_9 = vector.load %arg5[%get3A_6, %get3A_7, %get3A_8] : memref<1x2000x128xf32, #tpu.memory_space<vmem>>, vector<1x2000x1xf32>
    %get3A_10 = vector.shape_cast %get3A_9 : vector<1x2000x1xf32> to vector<2000x1xf32>
    %add3A_11 = arith.addf %add3A_5, %get3A_10 : vector<2000x1xf32>
    %rsqrt3A = math.rsqrt %add3A_11 : vector<2000x1xf32>
    %get3A_12 = arith.constant 0 : index
    %get3A_13 = arith.constant 0 : index
    %get3A_14 = vector.load %arg1[%get3A_12, %get3A_13] : memref<2000x128xf32, #tpu.memory_space<vmem>>, vector<2000x128xf32>
    %get3A_15 = arith.constant 0 : index
    %get3A_16 = arith.constant 0 : index
    %get3A_17 = vector.load %arg2[%get3A_15, %get3A_16] : memref<128x256xf32, #tpu.memory_space<vmem>>, vector<128x256xf32>
    %dot_general3A = arith.constant dense<0.000000e+00> : vector<2000x256xf32>
    %dot_general3A_18 = tpu.matmul %get3A_14, %get3A_17, %dot_general3A {dimension_numbers = #tpu.dot_dimension_numbers<[1], [0], [0], [1], [0, 0, 1, 1], [], []>, transpose_lhs_hint = false} : vector<2000x128xf32>, vector<128x256xf32>, vector<2000x256xf32> -> vector<2000x256xf32>
    %get3A_19 = arith.constant 0 : index
    %get3A_20 = arith.constant 0 : index
    %get3A_21 = vector.load %arg3[%get3A_19, %get3A_20] : memref<1x256xf32, #tpu.memory_space<vmem>>, vector<1x256xf32>
    %add3A_22 = vector.broadcast %get3A_21 : vector<1x256xf32> to vector<2000x256xf32>
    %add3A_23 = arith.addf %dot_general3A_18, %add3A_22 : vector<2000x256xf32>
    %mul3A = vector.broadcast %rsqrt3A : vector<2000x1xf32> to vector<2000x256xf32>
    %mul3A_24 = arith.mulf %mul3A, %add3A_23 : vector<2000x256xf32>
    %slice3A = vector.extract_strided_slice %mul3A_24 {offsets = [0, 0], sizes = [2000, 128], strides = [1, 1]} : vector<2000x256xf32> to vector<2000x128xf32>
    %swap3A = arith.constant 0 : index
    %swap3A_25 = arith.constant 0 : index
    %swap3A_26 = arith.constant 0 : index
    %swap3A_27 = vector.load %arg6[%swap3A, %swap3A_25, %swap3A_26] : memref<2x2000x128xf32, #tpu.memory_space<vmem>>, vector<1x2000x128xf32>
    %swap3A_28 = vector.shape_cast %swap3A_27 : vector<1x2000x128xf32> to vector<2000x128xf32>
    %swap3A_29 = vector.shape_cast %slice3A : vector<2000x128xf32> to vector<1x2000x128xf32>
    tpu.vector_store %arg6[%swap3A, %swap3A_25, %swap3A_26], %swap3A_29 {strides = array<i32>} : memref<2x2000x128xf32, #tpu.memory_space<vmem>>, vector<1x2000x128xf32>,
    %slice3A_30 = vector.extract_strided_slice %mul3A_24 {offsets = [0, 128], sizes = [2000, 128], strides = [1, 1]} : vector<2000x256xf32> to vector<2000x128xf32>
    %swap3A_31 = arith.constant 1 : index
    %swap3A_32 = arith.constant 0 : index
    %swap3A_33 = arith.constant 0 : index
    %swap3A_34 = vector.load %arg6[%swap3A_31, %swap3A_32, %swap3A_33] : memref<2x2000x128xf32, #tpu.memory_space<vmem>>, vector<1x2000x128xf32>
    %swap3A_35 = vector.shape_cast %swap3A_34 : vector<1x2000x128xf32> to vector<2000x128xf32>
    %swap3A_36 = vector.shape_cast %slice3A_30 : vector<2000x128xf32> to vector<1x2000x128xf32>
    tpu.vector_store %arg6[%swap3A_31, %swap3A_32, %swap3A_33], %swap3A_36 {strides = array<i32>} : memref<2x2000x128xf32, #tpu.memory_space<vmem>>, vector<1x2000x128xf32>,
    %swap3A_37 = arith.constant 0 : index
    %swap3A_38 = arith.constant 0 : index
    %swap3A_39 = vector.load %arg7[%swap3A_37, %swap3A_38] : memref<2000x1xf32, #tpu.memory_space<vmem>>, vector<2000x1xf32>
    tpu.vector_store %arg7[%swap3A_37, %swap3A_38], %rsqrt3A {strides = array<i32>} : memref<2000x1xf32, #tpu.memory_space<vmem>>, vector<2000x1xf32>,
    return
  }
  func.func @transform_0(%arg0: i32) -> (i32, i32) {
    %c0_i32 = arith.constant 0 : i32
    %c0_i32_0 = arith.constant 0 : i32
    return %arg0, %c0_i32 : i32, i32
  }
  func.func @transform_1(%arg0: i32) -> (i32, i32) {
    %c0_i32 = arith.constant 0 : i32
    %c0_i32_0 = arith.constant 0 : i32
    %c0_i32_1 = arith.constant 0 : i32
    return %c0_i32, %c0_i32_0 : i32, i32
  }
  func.func @transform_2(%arg0: i32) -> (i32, i32) {
    %c0_i32 = arith.constant 0 : i32
    %c0_i32_0 = arith.constant 0 : i32
    %c0_i32_1 = arith.constant 0 : i32
    return %c0_i32, %c0_i32_0 : i32, i32
  }
  func.func @transform_3(%arg0: i32) -> (i32, i32, i32) {
    %c0_i32 = arith.constant 0 : i32
    %c0_i32_0 = arith.constant 0 : i32
    %c0_i32_1 = arith.constant 0 : i32
    return %c0_i32, %arg0, %c0_i32_0 : i32, i32, i32
  }
  func.func @transform_4(%arg0: i32) -> (i32, i32, i32) {
    %c1_i32 = arith.constant 1 : i32
    %c0_i32 = arith.constant 0 : i32
    %c0_i32_0 = arith.constant 0 : i32
    return %c1_i32, %arg0, %c0_i32 : i32, i32, i32
  }
  func.func @transform_5(%arg0: i32) -> (i32, i32, i32) {
    %c0_i32 = arith.constant 0 : i32
    %c0_i32_0 = arith.constant 0 : i32
    %c0_i32_1 = arith.constant 0 : i32
    return %c0_i32, %arg0, %c0_i32_0 : i32, i32, i32
  }
  func.func @transform_6(%arg0: i32) -> (i32, i32) {
    %c0_i32 = arith.constant 0 : i32
    %c0_i32_0 = arith.constant 0 : i32
    return %arg0, %c0_i32 : i32, i32
  }
}

module attributes {stable_mosaic.version = 14 : i64} {
  func.func @_d_body(%arg0: i32, %arg1: memref<2x2000x128xf32, #tpu.memory_space<vmem>>, %arg2: memref<2000x1xf32, #tpu.memory_space<vmem>>, %arg3: memref<128x128xf32, #tpu.memory_space<vmem>>, %arg4: memref<128x128xf32, #tpu.memory_space<vmem>>, %arg5: memref<1x128xf32, #tpu.memory_space<vmem>>, %arg6: memref<2000x128xf32, #tpu.memory_space<vmem>>, %arg7: memref<2000x128xf32, #tpu.memory_space<vmem>>) attributes {dimension_semantics = [#tpu.dimension_semantics<arbitrary>], iteration_bounds = array<i64: 5>, scalar_prefetch = 0 : i64, scratch_operands = 0 : i64, tpu.core_type = #tpu.core_type<tc>, window_params = [{transform_indices = @transform_0, window_bounds = array<i64: 2, 2000, 128>}, {transform_indices = @transform_1, window_bounds = array<i64: 2000, 1>}, {pipeline_mode = #tpu.pipeline_mode<synchronous>, transform_indices = @transform_2, window_bounds = array<i64: 128, 128>}, {pipeline_mode = #tpu.pipeline_mode<synchronous>, transform_indices = @transform_3, window_bounds = array<i64: 128, 128>}, {pipeline_mode = #tpu.pipeline_mode<synchronous>, transform_indices = @transform_4, window_bounds = array<i64: 1, 128>}, {transform_indices = @transform_5, window_bounds = array<i64: 2000, 128>}, {transform_indices = @transform_6, window_bounds = array<i64: 2000, 128>}]} {
    %get3A = arith.constant 0 : index
    %get3A_0 = arith.constant 0 : index
    %get3A_1 = vector.load %arg2[%get3A, %get3A_0] : memref<2000x1xf32, #tpu.memory_space<vmem>>, vector<2000x1xf32>
    %get3A_2 = arith.constant 0 : index
    %get3A_3 = arith.constant 0 : index
    %get3A_4 = arith.constant 0 : index
    %get3A_5 = vector.load %arg1[%get3A_2, %get3A_3, %get3A_4] : memref<2x2000x128xf32, #tpu.memory_space<vmem>>, vector<1x2000x128xf32>
    %get3A_6 = vector.shape_cast %get3A_5 : vector<1x2000x128xf32> to vector<2000x128xf32>
    %mul3A = vector.broadcast %get3A_1 : vector<2000x1xf32> to vector<2000x128xf32>
    %mul3A_7 = arith.mulf %mul3A, %get3A_6 : vector<2000x128xf32>
    %tanh3A = math.tanh %mul3A_7 : vector<2000x128xf32>
    %get3A_8 = arith.constant 1 : index
    %get3A_9 = arith.constant 0 : index
    %get3A_10 = arith.constant 0 : index
    %get3A_11 = vector.load %arg1[%get3A_8, %get3A_9, %get3A_10] : memref<2x2000x128xf32, #tpu.memory_space<vmem>>, vector<1x2000x128xf32>
    %get3A_12 = vector.shape_cast %get3A_11 : vector<1x2000x128xf32> to vector<2000x128xf32>
    %mul3A_13 = vector.broadcast %get3A_1 : vector<2000x1xf32> to vector<2000x128xf32>
    %mul3A_14 = arith.mulf %mul3A_13, %get3A_12 : vector<2000x128xf32>
    %tanh3A_15 = math.tanh %mul3A_14 : vector<2000x128xf32>
    %get3A_16 = arith.constant 0 : index
    %get3A_17 = arith.constant 0 : index
    %get3A_18 = vector.load %arg3[%get3A_16, %get3A_17] : memref<128x128xf32, #tpu.memory_space<vmem>>, vector<128x128xf32>
    %dot_general3A = arith.constant dense<0.000000e+00> : vector<2000x128xf32>
    %dot_general3A_19 = tpu.matmul %tanh3A, %get3A_18, %dot_general3A {dimension_numbers = #tpu.dot_dimension_numbers<[1], [0], [0], [1], [0, 0, 1, 1], [], []>, transpose_lhs_hint = false} : vector<2000x128xf32>, vector<128x128xf32>, vector<2000x128xf32> -> vector<2000x128xf32>
    %get3A_20 = arith.constant 0 : index
    %get3A_21 = arith.constant 0 : index
    %get3A_22 = vector.load %arg4[%get3A_20, %get3A_21] : memref<128x128xf32, #tpu.memory_space<vmem>>, vector<128x128xf32>
    %dot_general3A_23 = arith.constant dense<0.000000e+00> : vector<2000x128xf32>
    %dot_general3A_24 = tpu.matmul %tanh3A_15, %get3A_22, %dot_general3A_23 {dimension_numbers = #tpu.dot_dimension_numbers<[1], [0], [0], [1], [0, 0, 1, 1], [], []>, transpose_lhs_hint = false} : vector<2000x128xf32>, vector<128x128xf32>, vector<2000x128xf32> -> vector<2000x128xf32>
    %add3A = arith.addf %dot_general3A_19, %dot_general3A_24 : vector<2000x128xf32>
    %get3A_25 = arith.constant 0 : index
    %get3A_26 = arith.constant 0 : index
    %get3A_27 = vector.load %arg5[%get3A_25, %get3A_26] : memref<1x128xf32, #tpu.memory_space<vmem>>, vector<1x128xf32>
    %add3A_28 = vector.broadcast %get3A_27 : vector<1x128xf32> to vector<2000x128xf32>
    %add3A_29 = arith.addf %add3A, %add3A_28 : vector<2000x128xf32>
    %mul3A_30 = vector.broadcast %get3A_1 : vector<2000x1xf32> to vector<2000x128xf32>
    %mul3A_31 = arith.mulf %mul3A_30, %add3A_29 : vector<2000x128xf32>
    %swap3A = arith.constant 0 : index
    %swap3A_32 = arith.constant 0 : index
    %swap3A_33 = vector.load %arg6[%swap3A, %swap3A_32] : memref<2000x128xf32, #tpu.memory_space<vmem>>, vector<2000x128xf32>
    tpu.vector_store %arg6[%swap3A, %swap3A_32], %mul3A_31 {strides = array<i32>} : memref<2000x128xf32, #tpu.memory_space<vmem>>, vector<2000x128xf32>,
    %mul3A_34 = arith.constant 5.000000e-01 : f32
    %mul3A_35 = vector.broadcast %mul3A_34 : f32 to vector<2000x128xf32>
    %mul3A_36 = arith.mulf %mul3A_35, %mul3A_31 : vector<2000x128xf32>
    %swap3A_37 = arith.constant 0 : index
    %swap3A_38 = arith.constant 0 : index
    %swap3A_39 = vector.load %arg7[%swap3A_37, %swap3A_38] : memref<2000x128xf32, #tpu.memory_space<vmem>>, vector<2000x128xf32>
    tpu.vector_store %arg7[%swap3A_37, %swap3A_38], %mul3A_36 {strides = array<i32>} : memref<2000x128xf32, #tpu.memory_space<vmem>>, vector<2000x128xf32>,
    return
  }
  func.func @transform_0(%arg0: i32) -> (i32, i32, i32) {
    %c0_i32 = arith.constant 0 : i32
    %c0_i32_0 = arith.constant 0 : i32
    %c0_i32_1 = arith.constant 0 : i32
    return %c0_i32, %arg0, %c0_i32_0 : i32, i32, i32
  }
  func.func @transform_1(%arg0: i32) -> (i32, i32) {
    %c0_i32 = arith.constant 0 : i32
    %c0_i32_0 = arith.constant 0 : i32
    return %arg0, %c0_i32 : i32, i32
  }
  func.func @transform_2(%arg0: i32) -> (i32, i32) {
    %c0_i32 = arith.constant 0 : i32
    %c0_i32_0 = arith.constant 0 : i32
    %c0_i32_1 = arith.constant 0 : i32
    return %c0_i32, %c0_i32_0 : i32, i32
  }
  func.func @transform_3(%arg0: i32) -> (i32, i32) {
    %c0_i32 = arith.constant 0 : i32
    %c0_i32_0 = arith.constant 0 : i32
    %c0_i32_1 = arith.constant 0 : i32
    return %c0_i32, %c0_i32_0 : i32, i32
  }
  func.func @transform_4(%arg0: i32) -> (i32, i32) {
    %c0_i32 = arith.constant 0 : i32
    %c0_i32_0 = arith.constant 0 : i32
    %c0_i32_1 = arith.constant 0 : i32
    return %c0_i32, %c0_i32_0 : i32, i32
  }
  func.func @transform_5(%arg0: i32) -> (i32, i32) {
    %c0_i32 = arith.constant 0 : i32
    %c0_i32_0 = arith.constant 0 : i32
    return %arg0, %c0_i32 : i32, i32
  }
  func.func @transform_6(%arg0: i32) -> (i32, i32) {
    %c0_i32 = arith.constant 0 : i32
    %c0_i32_0 = arith.constant 0 : i32
    return %arg0, %c0_i32 : i32, i32
  }
}

module attributes {stable_mosaic.version = 14 : i64} {
  func.func @_f_body(%arg0: i32, %arg1: memref<2x10x100x128xf32, #tpu.memory_space<vmem>>, %arg2: memref<10x100x1xf32, #tpu.memory_space<vmem>>, %arg3: memref<10x100x100xf32, #tpu.memory_space<vmem>>) attributes {dimension_semantics = [#tpu.dimension_semantics<arbitrary>], iteration_bounds = array<i64: 10>, scalar_prefetch = 0 : i64, scratch_operands = 0 : i64, tpu.core_type = #tpu.core_type<tc>, window_params = [{transform_indices = @transform_0, window_bounds = array<i64: 2, 10, 100, 128>}, {transform_indices = @transform_1, window_bounds = array<i64: 10, 100, 1>}, {transform_indices = @transform_2, window_bounds = array<i64: 10, 100, 100>}]} {
    %iota3A = tpu.iota {dimensions = array<i32: 0>} : vector<100x100xi32>
    %iota3A_0 = tpu.iota {dimensions = array<i32: 1>} : vector<100x100xi32>
    %get3A = arith.constant 0 : index
    %get3A_1 = arith.constant 0 : index
    %get3A_2 = arith.constant 0 : index
    %get3A_3 = vector.load %arg2[%get3A, %get3A_1, %get3A_2] : memref<10x100x1xf32, #tpu.memory_space<vmem>>, vector<1x100x1xf32>
    %get3A_4 = vector.shape_cast %get3A_3 : vector<1x100x1xf32> to vector<100x1xf32>
    %get3A_5 = arith.constant 0 : index
    %get3A_6 = arith.constant 0 : index
    %get3A_7 = arith.constant 0 : index
    %get3A_8 = arith.constant 0 : index
    %get3A_9 = vector.load %arg1[%get3A_5, %get3A_6, %get3A_7, %get3A_8] : memref<2x10x100x128xf32, #tpu.memory_space<vmem>>, vector<1x1x100x128xf32>
    %get3A_10 = vector.shape_cast %get3A_9 : vector<1x1x100x128xf32> to vector<100x128xf32>
    %get3A_11 = arith.constant 1 : index
    %get3A_12 = arith.constant 0 : index
    %get3A_13 = arith.constant 0 : index
    %get3A_14 = arith.constant 0 : index
    %get3A_15 = vector.load %arg1[%get3A_11, %get3A_12, %get3A_13, %get3A_14] : memref<2x10x100x128xf32, #tpu.memory_space<vmem>>, vector<1x1x100x128xf32>
    %get3A_16 = vector.shape_cast %get3A_15 : vector<1x1x100x128xf32> to vector<100x128xf32>
    %add3A = arith.addf %get3A_10, %get3A_16 : vector<100x128xf32>
    %mul3A = vector.broadcast %get3A_4 : vector<100x1xf32> to vector<100x128xf32>
    %mul3A_17 = arith.mulf %mul3A, %add3A : vector<100x128xf32>
    %tanh3A = math.tanh %mul3A_17 : vector<100x128xf32>
    %dot_general3A = arith.constant dense<0.000000e+00> : vector<100x100xf32>
    %dot_general3A_18 = tpu.matmul %tanh3A, %tanh3A, %dot_general3A {dimension_numbers = #tpu.dot_dimension_numbers<[1], [1], [0], [0], [0, 0, 1, 0], [], []>, transpose_lhs_hint = false} : vector<100x128xf32>, vector<100x128xf32>, vector<100x100xf32> -> vector<100x100xf32>
    %eq3A = arith.cmpi eq, %iota3A, %iota3A_0 : vector<100x100xi32>
    %jit3A = arith.constant 0.000000e+00 : f32
    %broadcast_in_dim3A = vector.broadcast %jit3A : f32 to vector<100x100xf32>
    %select_n3A = arith.select %eq3A, %broadcast_in_dim3A, %dot_general3A_18 : vector<100x100xi1>, vector<100x100xf32>
    %swap3A = arith.constant 0 : index
    %swap3A_19 = arith.constant 0 : index
    %swap3A_20 = arith.constant 0 : index
    %swap3A_21 = vector.load %arg3[%swap3A, %swap3A_19, %swap3A_20] : memref<10x100x100xf32, #tpu.memory_space<vmem>>, vector<1x100x100xf32>
    %swap3A_22 = vector.shape_cast %swap3A_21 : vector<1x100x100xf32> to vector<100x100xf32>
    %swap3A_23 = vector.shape_cast %select_n3A : vector<100x100xf32> to vector<1x100x100xf32>
    tpu.vector_store %arg3[%swap3A, %swap3A_19, %swap3A_20], %swap3A_23 {strides = array<i32>} : memref<10x100x100xf32, #tpu.memory_space<vmem>>, vector<1x100x100xf32>,
    %get3A_24 = arith.constant 1 : index
    %get3A_25 = arith.constant 0 : index
    %get3A_26 = arith.constant 0 : index
    %get3A_27 = vector.load %arg2[%get3A_24, %get3A_25, %get3A_26] : memref<10x100x1xf32, #tpu.memory_space<vmem>>, vector<1x100x1xf32>
    %get3A_28 = vector.shape_cast %get3A_27 : vector<1x100x1xf32> to vector<100x1xf32>
    %get3A_29 = arith.constant 0 : index
    %get3A_30 = arith.constant 1 : index
    %get3A_31 = arith.constant 0 : index
    %get3A_32 = arith.constant 0 : index
    %get3A_33 = vector.load %arg1[%get3A_29, %get3A_30, %get3A_31, %get3A_32] : memref<2x10x100x128xf32, #tpu.memory_space<vmem>>, vector<1x1x100x128xf32>
    %get3A_34 = vector.shape_cast %get3A_33 : vector<1x1x100x128xf32> to vector<100x128xf32>
    %get3A_35 = arith.constant 1 : index
    %get3A_36 = arith.constant 1 : index
    %get3A_37 = arith.constant 0 : index
    %get3A_38 = arith.constant 0 : index
    %get3A_39 = vector.load %arg1[%get3A_35, %get3A_36, %get3A_37, %get3A_38] : memref<2x10x100x128xf32, #tpu.memory_space<vmem>>, vector<1x1x100x128xf32>
    %get3A_40 = vector.shape_cast %get3A_39 : vector<1x1x100x128xf32> to vector<100x128xf32>
    %add3A_41 = arith.addf %get3A_34, %get3A_40 : vector<100x128xf32>
    %mul3A_42 = vector.broadcast %get3A_28 : vector<100x1xf32> to vector<100x128xf32>
    %mul3A_43 = arith.mulf %mul3A_42, %add3A_41 : vector<100x128xf32>
    %tanh3A_44 = math.tanh %mul3A_43 : vector<100x128xf32>
    %dot_general3A_45 = arith.constant dense<0.000000e+00> : vector<100x100xf32>
    %dot_general3A_46 = tpu.matmul %tanh3A_44, %tanh3A_44, %dot_general3A_45 {dimension_numbers = #tpu.dot_dimension_numbers<[1], [1], [0], [0], [0, 0, 1, 0], [], []>, transpose_lhs_hint = false} : vector<100x128xf32>, vector<100x128xf32>, vector<100x100xf32> -> vector<100x100xf32>
    %eq3A_47 = arith.cmpi eq, %iota3A, %iota3A_0 : vector<100x100xi32>
    %jit3A_48 = arith.constant 0.000000e+00 : f32
    %broadcast_in_dim3A_49 = vector.broadcast %jit3A_48 : f32 to vector<100x100xf32>
    %select_n3A_50 = arith.select %eq3A_47, %broadcast_in_dim3A_49, %dot_general3A_46 : vector<100x100xi1>, vector<100x100xf32>
    %swap3A_51 = arith.constant 1 : index
    %swap3A_52 = arith.constant 0 : index
    %swap3A_53 = arith.constant 0 : index
    %swap3A_54 = vector.load %arg3[%swap3A_51, %swap3A_52, %swap3A_53] : memref<10x100x100xf32, #tpu.memory_space<vmem>>, vector<1x100x100xf32>
    %swap3A_55 = vector.shape_cast %swap3A_54 : vector<1x100x100xf32> to vector<100x100xf32>
    %swap3A_56 = vector.shape_cast %select_n3A_50 : vector<100x100xf32> to vector<1x100x100xf32>
    tpu.vector_store %arg3[%swap3A_51, %swap3A_52, %swap3A_53], %swap3A_56 {strides = array<i32>} : memref<10x100x100xf32, #tpu.memory_space<vmem>>, vector<1x100x100xf32>,
    %get3A_57 = arith.constant 2 : index
    %get3A_58 = arith.constant 0 : index
    %get3A_59 = arith.constant 0 : index
    %get3A_60 = vector.load %arg2[%get3A_57, %get3A_58, %get3A_59] : memref<10x100x1xf32, #tpu.memory_space<vmem>>, vector<1x100x1xf32>
    %get3A_61 = vector.shape_cast %get3A_60 : vector<1x100x1xf32> to vector<100x1xf32>
    %get3A_62 = arith.constant 0 : index
    %get3A_63 = arith.constant 2 : index
    %get3A_64 = arith.constant 0 : index
    %get3A_65 = arith.constant 0 : index
    %get3A_66 = vector.load %arg1[%get3A_62, %get3A_63, %get3A_64, %get3A_65] : memref<2x10x100x128xf32, #tpu.memory_space<vmem>>, vector<1x1x100x128xf32>
    %get3A_67 = vector.shape_cast %get3A_66 : vector<1x1x100x128xf32> to vector<100x128xf32>
    %get3A_68 = arith.constant 1 : index
    %get3A_69 = arith.constant 2 : index
    %get3A_70 = arith.constant 0 : index
    %get3A_71 = arith.constant 0 : index
    %get3A_72 = vector.load %arg1[%get3A_68, %get3A_69, %get3A_70, %get3A_71] : memref<2x10x100x128xf32, #tpu.memory_space<vmem>>, vector<1x1x100x128xf32>
    %get3A_73 = vector.shape_cast %get3A_72 : vector<1x1x100x128xf32> to vector<100x128xf32>
    %add3A_74 = arith.addf %get3A_67, %get3A_73 : vector<100x128xf32>
    %mul3A_75 = vector.broadcast %get3A_61 : vector<100x1xf32> to vector<100x128xf32>
    %mul3A_76 = arith.mulf %mul3A_75, %add3A_74 : vector<100x128xf32>
    %tanh3A_77 = math.tanh %mul3A_76 : vector<100x128xf32>
    %dot_general3A_78 = arith.constant dense<0.000000e+00> : vector<100x100xf32>
    %dot_general3A_79 = tpu.matmul %tanh3A_77, %tanh3A_77, %dot_general3A_78 {dimension_numbers = #tpu.dot_dimension_numbers<[1], [1], [0], [0], [0, 0, 1, 0], [], []>, transpose_lhs_hint = false} : vector<100x128xf32>, vector<100x128xf32>, vector<100x100xf32> -> vector<100x100xf32>
    %eq3A_80 = arith.cmpi eq, %iota3A, %iota3A_0 : vector<100x100xi32>
    %jit3A_81 = arith.constant 0.000000e+00 : f32
    %broadcast_in_dim3A_82 = vector.broadcast %jit3A_81 : f32 to vector<100x100xf32>
    %select_n3A_83 = arith.select %eq3A_80, %broadcast_in_dim3A_82, %dot_general3A_79 : vector<100x100xi1>, vector<100x100xf32>
    %swap3A_84 = arith.constant 2 : index
    %swap3A_85 = arith.constant 0 : index
    %swap3A_86 = arith.constant 0 : index
    %swap3A_87 = vector.load %arg3[%swap3A_84, %swap3A_85, %swap3A_86] : memref<10x100x100xf32, #tpu.memory_space<vmem>>, vector<1x100x100xf32>
    %swap3A_88 = vector.shape_cast %swap3A_87 : vector<1x100x100xf32> to vector<100x100xf32>
    %swap3A_89 = vector.shape_cast %select_n3A_83 : vector<100x100xf32> to vector<1x100x100xf32>
    tpu.vector_store %arg3[%swap3A_84, %swap3A_85, %swap3A_86], %swap3A_89 {strides = array<i32>} : memref<10x100x100xf32, #tpu.memory_space<vmem>>, vector<1x100x100xf32>,
    %get3A_90 = arith.constant 3 : index
    %get3A_91 = arith.constant 0 : index
    %get3A_92 = arith.constant 0 : index
    %get3A_93 = vector.load %arg2[%get3A_90, %get3A_91, %get3A_92] : memref<10x100x1xf32, #tpu.memory_space<vmem>>, vector<1x100x1xf32>
    %get3A_94 = vector.shape_cast %get3A_93 : vector<1x100x1xf32> to vector<100x1xf32>
    %get3A_95 = arith.constant 0 : index
    %get3A_96 = arith.constant 3 : index
    %get3A_97 = arith.constant 0 : index
    %get3A_98 = arith.constant 0 : index
    %get3A_99 = vector.load %arg1[%get3A_95, %get3A_96, %get3A_97, %get3A_98] : memref<2x10x100x128xf32, #tpu.memory_space<vmem>>, vector<1x1x100x128xf32>
    %get3A_100 = vector.shape_cast %get3A_99 : vector<1x1x100x128xf32> to vector<100x128xf32>
    %get3A_101 = arith.constant 1 : index
    %get3A_102 = arith.constant 3 : index
    %get3A_103 = arith.constant 0 : index
    %get3A_104 = arith.constant 0 : index
    %get3A_105 = vector.load %arg1[%get3A_101, %get3A_102, %get3A_103, %get3A_104] : memref<2x10x100x128xf32, #tpu.memory_space<vmem>>, vector<1x1x100x128xf32>
    %get3A_106 = vector.shape_cast %get3A_105 : vector<1x1x100x128xf32> to vector<100x128xf32>
    %add3A_107 = arith.addf %get3A_100, %get3A_106 : vector<100x128xf32>
    %mul3A_108 = vector.broadcast %get3A_94 : vector<100x1xf32> to vector<100x128xf32>
    %mul3A_109 = arith.mulf %mul3A_108, %add3A_107 : vector<100x128xf32>
    %tanh3A_110 = math.tanh %mul3A_109 : vector<100x128xf32>
    %dot_general3A_111 = arith.constant dense<0.000000e+00> : vector<100x100xf32>
    %dot_general3A_112 = tpu.matmul %tanh3A_110, %tanh3A_110, %dot_general3A_111 {dimension_numbers = #tpu.dot_dimension_numbers<[1], [1], [0], [0], [0, 0, 1, 0], [], []>, transpose_lhs_hint = false} : vector<100x128xf32>, vector<100x128xf32>, vector<100x100xf32> -> vector<100x100xf32>
    %eq3A_113 = arith.cmpi eq, %iota3A, %iota3A_0 : vector<100x100xi32>
    %jit3A_114 = arith.constant 0.000000e+00 : f32
    %broadcast_in_dim3A_115 = vector.broadcast %jit3A_114 : f32 to vector<100x100xf32>
    %select_n3A_116 = arith.select %eq3A_113, %broadcast_in_dim3A_115, %dot_general3A_112 : vector<100x100xi1>, vector<100x100xf32>
    %swap3A_117 = arith.constant 3 : index
    %swap3A_118 = arith.constant 0 : index
    %swap3A_119 = arith.constant 0 : index
    %swap3A_120 = vector.load %arg3[%swap3A_117, %swap3A_118, %swap3A_119] : memref<10x100x100xf32, #tpu.memory_space<vmem>>, vector<1x100x100xf32>
    %swap3A_121 = vector.shape_cast %swap3A_120 : vector<1x100x100xf32> to vector<100x100xf32>
    %swap3A_122 = vector.shape_cast %select_n3A_116 : vector<100x100xf32> to vector<1x100x100xf32>
    tpu.vector_store %arg3[%swap3A_117, %swap3A_118, %swap3A_119], %swap3A_122 {strides = array<i32>} : memref<10x100x100xf32, #tpu.memory_space<vmem>>, vector<1x100x100xf32>,
    %get3A_123 = arith.constant 4 : index
    %get3A_124 = arith.constant 0 : index
    %get3A_125 = arith.constant 0 : index
    %get3A_126 = vector.load %arg2[%get3A_123, %get3A_124, %get3A_125] : memref<10x100x1xf32, #tpu.memory_space<vmem>>, vector<1x100x1xf32>
    %get3A_127 = vector.shape_cast %get3A_126 : vector<1x100x1xf32> to vector<100x1xf32>
    %get3A_128 = arith.constant 0 : index
    %get3A_129 = arith.constant 4 : index
    %get3A_130 = arith.constant 0 : index
    %get3A_131 = arith.constant 0 : index
    %get3A_132 = vector.load %arg1[%get3A_128, %get3A_129, %get3A_130, %get3A_131] : memref<2x10x100x128xf32, #tpu.memory_space<vmem>>, vector<1x1x100x128xf32>
    %get3A_133 = vector.shape_cast %get3A_132 : vector<1x1x100x128xf32> to vector<100x128xf32>
    %get3A_134 = arith.constant 1 : index
    %get3A_135 = arith.constant 4 : index
    %get3A_136 = arith.constant 0 : index
    %get3A_137 = arith.constant 0 : index
    %get3A_138 = vector.load %arg1[%get3A_134, %get3A_135, %get3A_136, %get3A_137] : memref<2x10x100x128xf32, #tpu.memory_space<vmem>>, vector<1x1x100x128xf32>
    %get3A_139 = vector.shape_cast %get3A_138 : vector<1x1x100x128xf32> to vector<100x128xf32>
    %add3A_140 = arith.addf %get3A_133, %get3A_139 : vector<100x128xf32>
    %mul3A_141 = vector.broadcast %get3A_127 : vector<100x1xf32> to vector<100x128xf32>
    %mul3A_142 = arith.mulf %mul3A_141, %add3A_140 : vector<100x128xf32>
    %tanh3A_143 = math.tanh %mul3A_142 : vector<100x128xf32>
    %dot_general3A_144 = arith.constant dense<0.000000e+00> : vector<100x100xf32>
    %dot_general3A_145 = tpu.matmul %tanh3A_143, %tanh3A_143, %dot_general3A_144 {dimension_numbers = #tpu.dot_dimension_numbers<[1], [1], [0], [0], [0, 0, 1, 0], [], []>, transpose_lhs_hint = false} : vector<100x128xf32>, vector<100x128xf32>, vector<100x100xf32> -> vector<100x100xf32>
    %eq3A_146 = arith.cmpi eq, %iota3A, %iota3A_0 : vector<100x100xi32>
    %jit3A_147 = arith.constant 0.000000e+00 : f32
    %broadcast_in_dim3A_148 = vector.broadcast %jit3A_147 : f32 to vector<100x100xf32>
    %select_n3A_149 = arith.select %eq3A_146, %broadcast_in_dim3A_148, %dot_general3A_145 : vector<100x100xi1>, vector<100x100xf32>
    %swap3A_150 = arith.constant 4 : index
    %swap3A_151 = arith.constant 0 : index
    %swap3A_152 = arith.constant 0 : index
    %swap3A_153 = vector.load %arg3[%swap3A_150, %swap3A_151, %swap3A_152] : memref<10x100x100xf32, #tpu.memory_space<vmem>>, vector<1x100x100xf32>
    %swap3A_154 = vector.shape_cast %swap3A_153 : vector<1x100x100xf32> to vector<100x100xf32>
    %swap3A_155 = vector.shape_cast %select_n3A_149 : vector<100x100xf32> to vector<1x100x100xf32>
    tpu.vector_store %arg3[%swap3A_150, %swap3A_151, %swap3A_152], %swap3A_155 {strides = array<i32>} : memref<10x100x100xf32, #tpu.memory_space<vmem>>, vector<1x100x100xf32>,
    %get3A_156 = arith.constant 5 : index
    %get3A_157 = arith.constant 0 : index
    %get3A_158 = arith.constant 0 : index
    %get3A_159 = vector.load %arg2[%get3A_156, %get3A_157, %get3A_158] : memref<10x100x1xf32, #tpu.memory_space<vmem>>, vector<1x100x1xf32>
    %get3A_160 = vector.shape_cast %get3A_159 : vector<1x100x1xf32> to vector<100x1xf32>
    %get3A_161 = arith.constant 0 : index
    %get3A_162 = arith.constant 5 : index
    %get3A_163 = arith.constant 0 : index
    %get3A_164 = arith.constant 0 : index
    %get3A_165 = vector.load %arg1[%get3A_161, %get3A_162, %get3A_163, %get3A_164] : memref<2x10x100x128xf32, #tpu.memory_space<vmem>>, vector<1x1x100x128xf32>
    %get3A_166 = vector.shape_cast %get3A_165 : vector<1x1x100x128xf32> to vector<100x128xf32>
    %get3A_167 = arith.constant 1 : index
    %get3A_168 = arith.constant 5 : index
    %get3A_169 = arith.constant 0 : index
    %get3A_170 = arith.constant 0 : index
    %get3A_171 = vector.load %arg1[%get3A_167, %get3A_168, %get3A_169, %get3A_170] : memref<2x10x100x128xf32, #tpu.memory_space<vmem>>, vector<1x1x100x128xf32>
    %get3A_172 = vector.shape_cast %get3A_171 : vector<1x1x100x128xf32> to vector<100x128xf32>
    %add3A_173 = arith.addf %get3A_166, %get3A_172 : vector<100x128xf32>
    %mul3A_174 = vector.broadcast %get3A_160 : vector<100x1xf32> to vector<100x128xf32>
    %mul3A_175 = arith.mulf %mul3A_174, %add3A_173 : vector<100x128xf32>
    %tanh3A_176 = math.tanh %mul3A_175 : vector<100x128xf32>
    %dot_general3A_177 = arith.constant dense<0.000000e+00> : vector<100x100xf32>
    %dot_general3A_178 = tpu.matmul %tanh3A_176, %tanh3A_176, %dot_general3A_177 {dimension_numbers = #tpu.dot_dimension_numbers<[1], [1], [0], [0], [0, 0, 1, 0], [], []>, transpose_lhs_hint = false} : vector<100x128xf32>, vector<100x128xf32>, vector<100x100xf32> -> vector<100x100xf32>
    %eq3A_179 = arith.cmpi eq, %iota3A, %iota3A_0 : vector<100x100xi32>
    %jit3A_180 = arith.constant 0.000000e+00 : f32
    %broadcast_in_dim3A_181 = vector.broadcast %jit3A_180 : f32 to vector<100x100xf32>
    %select_n3A_182 = arith.select %eq3A_179, %broadcast_in_dim3A_181, %dot_general3A_178 : vector<100x100xi1>, vector<100x100xf32>
    %swap3A_183 = arith.constant 5 : index
    %swap3A_184 = arith.constant 0 : index
    %swap3A_185 = arith.constant 0 : index
    %swap3A_186 = vector.load %arg3[%swap3A_183, %swap3A_184, %swap3A_185] : memref<10x100x100xf32, #tpu.memory_space<vmem>>, vector<1x100x100xf32>
    %swap3A_187 = vector.shape_cast %swap3A_186 : vector<1x100x100xf32> to vector<100x100xf32>
    %swap3A_188 = vector.shape_cast %select_n3A_182 : vector<100x100xf32> to vector<1x100x100xf32>
    tpu.vector_store %arg3[%swap3A_183, %swap3A_184, %swap3A_185], %swap3A_188 {strides = array<i32>} : memref<10x100x100xf32, #tpu.memory_space<vmem>>, vector<1x100x100xf32>,
    %get3A_189 = arith.constant 6 : index
    %get3A_190 = arith.constant 0 : index
    %get3A_191 = arith.constant 0 : index
    %get3A_192 = vector.load %arg2[%get3A_189, %get3A_190, %get3A_191] : memref<10x100x1xf32, #tpu.memory_space<vmem>>, vector<1x100x1xf32>
    %get3A_193 = vector.shape_cast %get3A_192 : vector<1x100x1xf32> to vector<100x1xf32>
    %get3A_194 = arith.constant 0 : index
    %get3A_195 = arith.constant 6 : index
    %get3A_196 = arith.constant 0 : index
    %get3A_197 = arith.constant 0 : index
    %get3A_198 = vector.load %arg1[%get3A_194, %get3A_195, %get3A_196, %get3A_197] : memref<2x10x100x128xf32, #tpu.memory_space<vmem>>, vector<1x1x100x128xf32>
    %get3A_199 = vector.shape_cast %get3A_198 : vector<1x1x100x128xf32> to vector<100x128xf32>
    %get3A_200 = arith.constant 1 : index
    %get3A_201 = arith.constant 6 : index
    %get3A_202 = arith.constant 0 : index
    %get3A_203 = arith.constant 0 : index
    %get3A_204 = vector.load %arg1[%get3A_200, %get3A_201, %get3A_202, %get3A_203] : memref<2x10x100x128xf32, #tpu.memory_space<vmem>>, vector<1x1x100x128xf32>
    %get3A_205 = vector.shape_cast %get3A_204 : vector<1x1x100x128xf32> to vector<100x128xf32>
    %add3A_206 = arith.addf %get3A_199, %get3A_205 : vector<100x128xf32>
    %mul3A_207 = vector.broadcast %get3A_193 : vector<100x1xf32> to vector<100x128xf32>
    %mul3A_208 = arith.mulf %mul3A_207, %add3A_206 : vector<100x128xf32>
    %tanh3A_209 = math.tanh %mul3A_208 : vector<100x128xf32>
    %dot_general3A_210 = arith.constant dense<0.000000e+00> : vector<100x100xf32>
    %dot_general3A_211 = tpu.matmul %tanh3A_209, %tanh3A_209, %dot_general3A_210 {dimension_numbers = #tpu.dot_dimension_numbers<[1], [1], [0], [0], [0, 0, 1, 0], [], []>, transpose_lhs_hint = false} : vector<100x128xf32>, vector<100x128xf32>, vector<100x100xf32> -> vector<100x100xf32>
    %eq3A_212 = arith.cmpi eq, %iota3A, %iota3A_0 : vector<100x100xi32>
    %jit3A_213 = arith.constant 0.000000e+00 : f32
    %broadcast_in_dim3A_214 = vector.broadcast %jit3A_213 : f32 to vector<100x100xf32>
    %select_n3A_215 = arith.select %eq3A_212, %broadcast_in_dim3A_214, %dot_general3A_211 : vector<100x100xi1>, vector<100x100xf32>
    %swap3A_216 = arith.constant 6 : index
    %swap3A_217 = arith.constant 0 : index
    %swap3A_218 = arith.constant 0 : index
    %swap3A_219 = vector.load %arg3[%swap3A_216, %swap3A_217, %swap3A_218] : memref<10x100x100xf32, #tpu.memory_space<vmem>>, vector<1x100x100xf32>
    %swap3A_220 = vector.shape_cast %swap3A_219 : vector<1x100x100xf32> to vector<100x100xf32>
    %swap3A_221 = vector.shape_cast %select_n3A_215 : vector<100x100xf32> to vector<1x100x100xf32>
    tpu.vector_store %arg3[%swap3A_216, %swap3A_217, %swap3A_218], %swap3A_221 {strides = array<i32>} : memref<10x100x100xf32, #tpu.memory_space<vmem>>, vector<1x100x100xf32>,
    %get3A_222 = arith.constant 7 : index
    %get3A_223 = arith.constant 0 : index
    %get3A_224 = arith.constant 0 : index
    %get3A_225 = vector.load %arg2[%get3A_222, %get3A_223, %get3A_224] : memref<10x100x1xf32, #tpu.memory_space<vmem>>, vector<1x100x1xf32>
    %get3A_226 = vector.shape_cast %get3A_225 : vector<1x100x1xf32> to vector<100x1xf32>
    %get3A_227 = arith.constant 0 : index
    %get3A_228 = arith.constant 7 : index
    %get3A_229 = arith.constant 0 : index
    %get3A_230 = arith.constant 0 : index
    %get3A_231 = vector.load %arg1[%get3A_227, %get3A_228, %get3A_229, %get3A_230] : memref<2x10x100x128xf32, #tpu.memory_space<vmem>>, vector<1x1x100x128xf32>
    %get3A_232 = vector.shape_cast %get3A_231 : vector<1x1x100x128xf32> to vector<100x128xf32>
    %get3A_233 = arith.constant 1 : index
    %get3A_234 = arith.constant 7 : index
    %get3A_235 = arith.constant 0 : index
    %get3A_236 = arith.constant 0 : index
    %get3A_237 = vector.load %arg1[%get3A_233, %get3A_234, %get3A_235, %get3A_236] : memref<2x10x100x128xf32, #tpu.memory_space<vmem>>, vector<1x1x100x128xf32>
    %get3A_238 = vector.shape_cast %get3A_237 : vector<1x1x100x128xf32> to vector<100x128xf32>
    %add3A_239 = arith.addf %get3A_232, %get3A_238 : vector<100x128xf32>
    %mul3A_240 = vector.broadcast %get3A_226 : vector<100x1xf32> to vector<100x128xf32>
    %mul3A_241 = arith.mulf %mul3A_240, %add3A_239 : vector<100x128xf32>
    %tanh3A_242 = math.tanh %mul3A_241 : vector<100x128xf32>
    %dot_general3A_243 = arith.constant dense<0.000000e+00> : vector<100x100xf32>
    %dot_general3A_244 = tpu.matmul %tanh3A_242, %tanh3A_242, %dot_general3A_243 {dimension_numbers = #tpu.dot_dimension_numbers<[1], [1], [0], [0], [0, 0, 1, 0], [], []>, transpose_lhs_hint = false} : vector<100x128xf32>, vector<100x128xf32>, vector<100x100xf32> -> vector<100x100xf32>
    %eq3A_245 = arith.cmpi eq, %iota3A, %iota3A_0 : vector<100x100xi32>
    %jit3A_246 = arith.constant 0.000000e+00 : f32
    %broadcast_in_dim3A_247 = vector.broadcast %jit3A_246 : f32 to vector<100x100xf32>
    %select_n3A_248 = arith.select %eq3A_245, %broadcast_in_dim3A_247, %dot_general3A_244 : vector<100x100xi1>, vector<100x100xf32>
    %swap3A_249 = arith.constant 7 : index
    %swap3A_250 = arith.constant 0 : index
    %swap3A_251 = arith.constant 0 : index
    %swap3A_252 = vector.load %arg3[%swap3A_249, %swap3A_250, %swap3A_251] : memref<10x100x100xf32, #tpu.memory_space<vmem>>, vector<1x100x100xf32>
    %swap3A_253 = vector.shape_cast %swap3A_252 : vector<1x100x100xf32> to vector<100x100xf32>
    %swap3A_254 = vector.shape_cast %select_n3A_248 : vector<100x100xf32> to vector<1x100x100xf32>
    tpu.vector_store %arg3[%swap3A_249, %swap3A_250, %swap3A_251], %swap3A_254 {strides = array<i32>} : memref<10x100x100xf32, #tpu.memory_space<vmem>>, vector<1x100x100xf32>,
    %get3A_255 = arith.constant 8 : index
    %get3A_256 = arith.constant 0 : index
    %get3A_257 = arith.constant 0 : index
    %get3A_258 = vector.load %arg2[%get3A_255, %get3A_256, %get3A_257] : memref<10x100x1xf32, #tpu.memory_space<vmem>>, vector<1x100x1xf32>
    %get3A_259 = vector.shape_cast %get3A_258 : vector<1x100x1xf32> to vector<100x1xf32>
    %get3A_260 = arith.constant 0 : index
    %get3A_261 = arith.constant 8 : index
    %get3A_262 = arith.constant 0 : index
    %get3A_263 = arith.constant 0 : index
    %get3A_264 = vector.load %arg1[%get3A_260, %get3A_261, %get3A_262, %get3A_263] : memref<2x10x100x128xf32, #tpu.memory_space<vmem>>, vector<1x1x100x128xf32>
    %get3A_265 = vector.shape_cast %get3A_264 : vector<1x1x100x128xf32> to vector<100x128xf32>
    %get3A_266 = arith.constant 1 : index
    %get3A_267 = arith.constant 8 : index
    %get3A_268 = arith.constant 0 : index
    %get3A_269 = arith.constant 0 : index
    %get3A_270 = vector.load %arg1[%get3A_266, %get3A_267, %get3A_268, %get3A_269] : memref<2x10x100x128xf32, #tpu.memory_space<vmem>>, vector<1x1x100x128xf32>
    %get3A_271 = vector.shape_cast %get3A_270 : vector<1x1x100x128xf32> to vector<100x128xf32>
    %add3A_272 = arith.addf %get3A_265, %get3A_271 : vector<100x128xf32>
    %mul3A_273 = vector.broadcast %get3A_259 : vector<100x1xf32> to vector<100x128xf32>
    %mul3A_274 = arith.mulf %mul3A_273, %add3A_272 : vector<100x128xf32>
    %tanh3A_275 = math.tanh %mul3A_274 : vector<100x128xf32>
    %dot_general3A_276 = arith.constant dense<0.000000e+00> : vector<100x100xf32>
    %dot_general3A_277 = tpu.matmul %tanh3A_275, %tanh3A_275, %dot_general3A_276 {dimension_numbers = #tpu.dot_dimension_numbers<[1], [1], [0], [0], [0, 0, 1, 0], [], []>, transpose_lhs_hint = false} : vector<100x128xf32>, vector<100x128xf32>, vector<100x100xf32> -> vector<100x100xf32>
    %eq3A_278 = arith.cmpi eq, %iota3A, %iota3A_0 : vector<100x100xi32>
    %jit3A_279 = arith.constant 0.000000e+00 : f32
    %broadcast_in_dim3A_280 = vector.broadcast %jit3A_279 : f32 to vector<100x100xf32>
    %select_n3A_281 = arith.select %eq3A_278, %broadcast_in_dim3A_280, %dot_general3A_277 : vector<100x100xi1>, vector<100x100xf32>
    %swap3A_282 = arith.constant 8 : index
    %swap3A_283 = arith.constant 0 : index
    %swap3A_284 = arith.constant 0 : index
    %swap3A_285 = vector.load %arg3[%swap3A_282, %swap3A_283, %swap3A_284] : memref<10x100x100xf32, #tpu.memory_space<vmem>>, vector<1x100x100xf32>
    %swap3A_286 = vector.shape_cast %swap3A_285 : vector<1x100x100xf32> to vector<100x100xf32>
    %swap3A_287 = vector.shape_cast %select_n3A_281 : vector<100x100xf32> to vector<1x100x100xf32>
    tpu.vector_store %arg3[%swap3A_282, %swap3A_283, %swap3A_284], %swap3A_287 {strides = array<i32>} : memref<10x100x100xf32, #tpu.memory_space<vmem>>, vector<1x100x100xf32>,
    %get3A_288 = arith.constant 9 : index
    %get3A_289 = arith.constant 0 : index
    %get3A_290 = arith.constant 0 : index
    %get3A_291 = vector.load %arg2[%get3A_288, %get3A_289, %get3A_290] : memref<10x100x1xf32, #tpu.memory_space<vmem>>, vector<1x100x1xf32>
    %get3A_292 = vector.shape_cast %get3A_291 : vector<1x100x1xf32> to vector<100x1xf32>
    %get3A_293 = arith.constant 0 : index
    %get3A_294 = arith.constant 9 : index
    %get3A_295 = arith.constant 0 : index
    %get3A_296 = arith.constant 0 : index
    %get3A_297 = vector.load %arg1[%get3A_293, %get3A_294, %get3A_295, %get3A_296] : memref<2x10x100x128xf32, #tpu.memory_space<vmem>>, vector<1x1x100x128xf32>
    %get3A_298 = vector.shape_cast %get3A_297 : vector<1x1x100x128xf32> to vector<100x128xf32>
    %get3A_299 = arith.constant 1 : index
    %get3A_300 = arith.constant 9 : index
    %get3A_301 = arith.constant 0 : index
    %get3A_302 = arith.constant 0 : index
    %get3A_303 = vector.load %arg1[%get3A_299, %get3A_300, %get3A_301, %get3A_302] : memref<2x10x100x128xf32, #tpu.memory_space<vmem>>, vector<1x1x100x128xf32>
    %get3A_304 = vector.shape_cast %get3A_303 : vector<1x1x100x128xf32> to vector<100x128xf32>
    %add3A_305 = arith.addf %get3A_298, %get3A_304 : vector<100x128xf32>
    %mul3A_306 = vector.broadcast %get3A_292 : vector<100x1xf32> to vector<100x128xf32>
    %mul3A_307 = arith.mulf %mul3A_306, %add3A_305 : vector<100x128xf32>
    %tanh3A_308 = math.tanh %mul3A_307 : vector<100x128xf32>
    %dot_general3A_309 = arith.constant dense<0.000000e+00> : vector<100x100xf32>
    %dot_general3A_310 = tpu.matmul %tanh3A_308, %tanh3A_308, %dot_general3A_309 {dimension_numbers = #tpu.dot_dimension_numbers<[1], [1], [0], [0], [0, 0, 1, 0], [], []>, transpose_lhs_hint = false} : vector<100x128xf32>, vector<100x128xf32>, vector<100x100xf32> -> vector<100x100xf32>
    %eq3A_311 = arith.cmpi eq, %iota3A, %iota3A_0 : vector<100x100xi32>
    %jit3A_312 = arith.constant 0.000000e+00 : f32
    %broadcast_in_dim3A_313 = vector.broadcast %jit3A_312 : f32 to vector<100x100xf32>
    %select_n3A_314 = arith.select %eq3A_311, %broadcast_in_dim3A_313, %dot_general3A_310 : vector<100x100xi1>, vector<100x100xf32>
    %swap3A_315 = arith.constant 9 : index
    %swap3A_316 = arith.constant 0 : index
    %swap3A_317 = arith.constant 0 : index
    %swap3A_318 = vector.load %arg3[%swap3A_315, %swap3A_316, %swap3A_317] : memref<10x100x100xf32, #tpu.memory_space<vmem>>, vector<1x100x100xf32>
    %swap3A_319 = vector.shape_cast %swap3A_318 : vector<1x100x100xf32> to vector<100x100xf32>
    %swap3A_320 = vector.shape_cast %select_n3A_314 : vector<100x100xf32> to vector<1x100x100xf32>
    tpu.vector_store %arg3[%swap3A_315, %swap3A_316, %swap3A_317], %swap3A_320 {strides = array<i32>} : memref<10x100x100xf32, #tpu.memory_space<vmem>>, vector<1x100x100xf32>,
    return
  }
  func.func @transform_0(%arg0: i32) -> (i32, i32, i32, i32) {
    %c0_i32 = arith.constant 0 : i32
    %c0_i32_0 = arith.constant 0 : i32
    %c0_i32_1 = arith.constant 0 : i32
    %c0_i32_2 = arith.constant 0 : i32
    return %c0_i32, %arg0, %c0_i32_0, %c0_i32_1 : i32, i32, i32, i32
  }
  func.func @transform_1(%arg0: i32) -> (i32, i32, i32) {
    %c0_i32 = arith.constant 0 : i32
    %c0_i32_0 = arith.constant 0 : i32
    %c0_i32_1 = arith.constant 0 : i32
    return %arg0, %c0_i32, %c0_i32_0 : i32, i32, i32
  }
  func.func @transform_2(%arg0: i32) -> (i32, i32, i32) {
    %c0_i32 = arith.constant 0 : i32
    %c0_i32_0 = arith.constant 0 : i32
    %c0_i32_1 = arith.constant 0 : i32
    return %arg0, %c0_i32, %c0_i32_0 : i32, i32, i32
  }
}

</mosaic_0001>

<sc_bundles>
// kernel: kernel.11.cloned.1.call-start
scs
__scs_entry_jumppad:
0x0: {  	(pc) =	sbr.rel $0x88, $3  }
0x1: {  	(tag) =	ssettag $0x0;
	lr =	simm.s32 $0x1  }
0x2: {  	[smem:$0x3F9B] =	sst lr;
	_ =	strace $0xD0000000  }
0x3: {  	_ = 	snop  }
0x4: {  	_ = 	snop  }
0x5: {  	_ = 	snop  }
0x6: {  	_ = 	snop  }
0x7: {  	_ = 	snop  }
__scs_overlays_trampoline_lowered:
0x8: {  	[smem:$0x3FAA] =	sst s0  }
0x9: {  	[smem:$0x3FAB] =	sst s1  }
0xa: {  	[smem:$0x3FAC] =	sst s2  }
0xb: {  	[smem:$0x3FAD] =	sst s3  }
0xc: {  	[smem:$0x3FAE] =	sst s4  }
0xd: {  	[smem:$0x3FAF] =	sst s5  }
0xe: {  	[smem:$0x3FB0] =	sst s6  }
0xf: {  	[smem:$0x3FB1] =	sst s7  }
0x10: {  	[smem:$0x3FB2] =	sst s8  }
0x11: {  	[smem:$0x3FB3] =	sst s9;
	s0 =	simm.s32 @!p0 $0x0  }
0x12: {  	s1 =	sld [smem:$0x3F99];
	s0 =	simm.s32 @p0 $0x1  }
0x13: {  	[smem:$0x3FB4] =	sst s0;
	s0 =	simm.s32 @!p1 $0x0  }
0x14: {  	s2 =	sld [smem:$0x3F98];
	s0 =	simm.s32 @p1 $0x1  }
0x15: {  	[smem:$0x3FB5] =	sst s0;
	s0 =	simm.s32 @!p2 $0x0  }
0x16: {  	s3 =	sld [smem:$0x3FDB];
	s0 =	simm.s32 @p2 $0x1  }
0x17: {  	s4 =	simm.s32 $0x1BF5;
	[smem:$0x3FB7] =	sst s0  }
0x18: {  	s0 =	sld [smem:$0x3F9A];
	_ =	swait.ge [sflag:s4], $0x0  }
0x19: {  	s7 =	sld [smem:$0x3F9B]  }
0x1a: {  	s8 =	sadd.s32 $0xFFFFE003, lr  }
0x1b: {  	s9 =	sadd.s32 $0xFFFFFEF7, lr;
	s5 =	simm.s32 $0xFFFFFFFF;
	p2 =	slt.u32 s8, $0xFFFFF086  }
0x1c: {  	p1 =	slt.u32 s9, $0xF7A;
	s5 =	simm.s32 @!p2 $0x0  }
0x1d: {  	s5 =	simm.s32 @p1 $0x1;
	p0 =	seq.s32 s7, s2  }
0x1e: {  	s7 =	smul.u32 @!p0 $0xF7A, s2;
	p2 =	seq.s32 @!p0 s5, $0x0  }
0x1f: {  	s9 =	smul.u32 $0xF7A, s1;
	s8 =	simm.s32 @!p0 $0x1BF5;
	p2 =	por !p2, p0  }
0x20: {  	[sflag:s8] =	ssyncset.s32 @!p0 $0xFFFFF086;
	s6 =	sadd.s32 @!p0 s3, s7;
	s7 =	simm.s32 @!p0 $0x108  }
0x21: {  	s3 =	sadd.s32 s3, s9;
	s6 =	sadd.s32 @!p0 $0x88, s6;
	s7 =	simm.s32 @p2 $0x1082  }
0x22: {  	[simem:s7], [sflag:s8] =	dma.local @!p0 [hbm:s6], $0xF7A  }
0x23: {  	s9 =	sor.u32 $0xD0000000, s2;
	s6 =	simm.s32 $0x108;
	_ =	swait.ge @!p0 [sflag:s8], $0x0  }
0x24: {  	s3 =	sadd.s32 $0x88, s3;
	s6 =	simm.s32 @!p1 $0x1082;
	[sflag:s4] =	ssyncset.s32 $0xFFFFF086  }
0x25: {  	[simem:s6], [sflag:s4] =	dma.local [hbm:s3], $0xF7A  }
0x26: {  	[smem:$0x3F9B] =	sst s1;
	(tag) =	ssettag s2;
	_ =	strace s9  }
0x27: {  	s1 =	sld [smem:$0x3FAB]  }
0x28: {  	s2 =	sld [smem:$0x3FAC]  }
0x29: {  	s4 =	sld [smem:$0x3FAE]  }
0x2a: {  	p0 =	seq.s32 s5, $0x0;
	s5 =	sld [smem:$0x3FAF]  }
0x2b: {  	s6 =	sld [smem:$0x3FB0]  }
0x2c: {  	s7 =	sld [smem:$0x3FB1]  }
0x2d: {  	s3 =	simm.s32 $0x108;
	s8 =	sld [smem:$0x3FB2]  }
0x2e: {  	s3 =	simm.s32 @!p0 $0x1082;
	s9 =	sld [smem:$0x3FB3]  }
0x2f: {  	lr =	sadd.s32 s0, s3;
	s0 =	sld [smem:$0x3FAA]  }
0x30: {  	s3 =	sld [smem:$0x3FAD]  }
0x31: {  	[smem:$0x3FB6] =	sst s10  }
0x32: {  	s10 =	sld [smem:$0x3FB4];
	_ =	sdelay $0x3  }
0x33: {  	p0 =	seq.s32 s10, $0x1;
	s10 =	sld [smem:$0x3FB6];
	_ =	sdelay $0x3  }
0x34: {  	[smem:$0x3FB6] =	sst s10  }
0x35: {  	s10 =	sld [smem:$0x3FB5];
	_ =	sdelay $0x3  }
0x36: {  	p1 =	seq.s32 s10, $0x1;
	s10 =	sld [smem:$0x3FB6];
	_ =	sdelay $0x3  }
0x37: {  	[smem:$0x3FB6] =	sst s10  }
0x38: {  	s10 =	sld [smem:$0x3FB7]  }
0x39: {  	_ = 	snop;
	(pc) =	sbr.ind lr, $3  }
0x3a: {  	_ = 	snop  }
0x3b: {  	_ = 	snop  }
0x3c: {  	p2 =	seq.s32 s10, $0x1;
	s10 =	sld [smem:$0x3FB6]  }
0x3d: {  	_ =	shalt  }
0x3e: {  	_ =	shalt  }
0x3f: {  	_ =	shalt  }
0x40: {  	_ =	shalt  }
0x41: {  	_ =	shalt  }
0x42: {  	_ =	shalt  }
0x43: {  	_ =	shalt  }
0x44: {  	_ =	shalt  }
0x45: {  	_ =	shalt  }
0x46: {  	_ =	shalt  }
0x47: {  	_ =	shalt  }
0x48: {  	_ =	shalt  }
0x49: {  	_ =	shalt  }
0x4a: {  	_ =	shalt  }
0x4b: {  	_ =	shalt  }
0x4c: {  	_ =	shalt  }
0x4d: {  	_ =	shalt  }
0x4e: {  	_ =	shalt  }
0x4f: {  	_ =	shalt  }
0x50: {  	_ =	shalt  }
0x51: {  	_ =	shalt  }
0x52: {  	_ =	shalt  }
0x53: {  	_ =	shalt  }
0x54: {  	_ =	shalt  }
0x55: {  	_ =	shalt  }
0x56: {  	_ =	shalt  }
0x57: {  	_ =	shalt  }
0x58: {  	_ =	shalt  }
0x59: {  	_ =	shalt  }
0x5a: {  	_ =	shalt  }
0x5b: {  	_ =	shalt  }
0x5c: {  	_ =	shalt  }
0x5d: {  	_ =	shalt  }
0x5e: {  	_ =	shalt  }
0x5f: {  	_ =	shalt  }
0x60: {  	_ =	shalt  }
0x61: {  	_ =	shalt  }
0x62: {  	_ =	shalt  }
0x63: {  	_ =	shalt  }
0x64: {  	_ =	shalt  }
0x65: {  	_ =	shalt  }
0x66: {  	_ =	shalt  }
0x67: {  	_ =	shalt  }
0x68: {  	_ =	shalt  }
0x69: {  	_ =	shalt  }
0x6a: {  	_ =	shalt  }
0x6b: {  	_ =	shalt  }
0x6c: {  	_ =	shalt  }
0x6d: {  	_ =	shalt  }
0x6e: {  	_ =	shalt  }
0x6f: {  	_ =	shalt  }
0x70: {  	_ =	shalt  }
0x71: {  	_ =	shalt  }
0x72: {  	_ =	shalt  }
0x73: {  	_ =	shalt  }
0x74: {  	_ =	shalt  }
0x75: {  	_ =	shalt  }
0x76: {  	_ =	shalt  }
0x77: {  	_ =	shalt  }
0x78: {  	_ =	shalt  }
0x79: {  	_ =	shalt  }
0x7a: {  	_ =	shalt  }
0x7b: {  	_ =	shalt  }
0x7c: {  	_ =	shalt  }
0x7d: {  	_ =	shalt  }
0x7e: {  	_ =	shalt  }
0x7f: {  	_ =	shalt  }
0x80: {  	_ =	shalt  }
0x81: {  	_ =	shalt  }
0x82: {  	_ =	shalt  }
0x83: {  	_ =	shalt  }
0x84: {  	_ =	shalt  }
0x85: {  	_ =	shalt  }
0x86: {  	_ =	shalt  }
0x87: {  	_ =	shalt  }
.Lfunc_end0:
.L_simem_size_0:
called_computation.1_lowered:
.L_overlay_start_0:
0x88: {  	s2 =	sld [smem:$0x3FD9]  }
0x89: {  	s3 =	sld [smem:$0x3FFE];
	_ =	sdelay $0x1  }
0x8a: {  	s1 =	srdreg.scid  }
0x8b: {  	s0 =	sand.u32 $0x1, s1  }
0x8c: {  	s17 =	sshll.u32 s0, $0xA;
	s2 =	sadd.s32 s3, s2  }
0x8d: {  	s2 =	sadd.s32 s2, s17  }
0x8e: {  	[smem:$0x3FC2] =	sst s2  }
0x8f: {  	_ = 	snop  }
0x90: {  	s2 =	sld [smem:$0x3FD0];
	(tm) =	ssettm $0x1  }
0x91: {  	s18 =	sld [smem:$0x3FFB];
	_ =	sdelay $0x3  }
0x92: {  	_ =	strace s18  }
0x93: {  	s3 =	sld [smem:$0x3FFC];
	_ =	sdelay $0x3  }
0x94: {  	_ =	strace s3  }
0x95: {  	s3 =	sld [smem:$0x3FFD];
	_ =	sdelay $0x3  }
0x96: {  	_ =	strace s3  }
0x97: {  	_ =	strace $0x8FFFFFFF  }
0x98: {  	s19 =	sld [smem:$0x3FDB];
	_ =	sdelay $0x1  }
0x99: {  	s4 =	simm.s32 $_scs_section_size  }
0x9a: {  	s5 =	simm.s32 $_size__tile_overlayer_lowered;
	s6 =	simm.s32 $_tile_overlayer_lowered  }
0x9b: {  	s22 =	simm.s32 $0x1BFF;
	s21 =	sshll.u32 s6, $0x1;
	s3 =	sadd.s32 s4, s19  }
0x9c: {  	s7 =	simm.s32 $0x0;
	s20 =	sshll.u32 s5, $0x1;
	s5 =	sadd.s32 s21, s3  }
0x9d: {  	[timem:s7], [sflag:s22] =	dma.local [hbm:s5], s20  }
0x9e: {  	_ =	swait.ge [sflag:s22], s20  }
0x9f: {  	s4 =	ssub.s32 $0x0, s20;
	[sflag:s22] =	ssyncset.done $0x0  }
0xa0: {  	[sflag:s22] =	ssyncadd.s32 s4;
	_ =	sdelay $0x1  }
0xa1: {  	s23 =	simm.s32 $0x1B8B  }
0xa2: {  	_ =	swait.ge [sflag:s23], $0x1  }
0xa3: {  	[sflag:s23] =	ssyncset.done $0x0  }
0xa4: {  	s25 =	simm.s32 $0x1B8E;
	s24 =	sld [smem:$0x3FFE];
	[sflag:s23] =	ssyncadd.s32 $0xFFFFFFFF  }
0xa5: {  	s26 =	simm.s32 $execute0_lowered;
	[smem:$0x3FD2] =	sst s25  }
0xa6: {  	s5 =	sshll.u32 s26, $0x1;
	_ =	strace $0x80000049;
	[dreg:$0x1] =	wrdreg $0xFFFFFFFF  }
0xa7: {  	s28 =	simm.s32 $_size_execute0_lowered;
	s3 =	sadd.s32 s3, s5;
	[dreg:$0x0] =	wrdreg $0x0  }
0xa8: {  	s5 =	sshll.u32 s28, $0x1;
	[dreg:$0x2] =	wrdreg s3  }
0xa9: {  	[dreg:$0x3] =	wrdreg s5  }
0xaa: {  	[dreg:$0x4] =	wrdreg $0xC0  }
0xab: {  	_ =	task [dreg:s7], $0x5FFFF  }
0xac: {  	[dreg:$0x1] =	wrdreg $0xFFFFFFFF  }
0xad: {  	[dreg:$0x0] =	wrdreg $0x60  }
0xae: {  	[dreg:$0x2] =	wrdreg s24  }
0xaf: {  	[dreg:$0x3] =	wrdreg s2  }
0xb0: {  	[dreg:$0x4] =	wrdreg $0xC0000  }
0xb1: {  	[dreg:$0x5] =	wrdreg $0x9  }
0xb2: {  	_ =	task.clear_ibuf [dreg:s7], $0x6FFFF;
	_ =	strace $0x90000049  }
0xb3: {  	s29 =	simm.s32 $0x9;
	_ =	strace $0x8000004B  }
0xb4: {  	_ =	swait.ge [sflag:s29], $0x1  }
0xb5: {  	[sflag:s29] =	ssyncadd.s32 $0xFFFFFFFF  }
0xb6: {  	_ =	strace $0x9000004B  }
0xb7: {  	_ =	sfence  }
0xb8: {  	s30 =	sld [smem:$0x0];
	_ =	sdelay $0x2  }
0xb9: {  	s31 =	sshll.u32 s1, $0xD;
	s1 =	sshrl.u32 s1, $0x2  }
0xba: {  	s3 =	sand.u32 $0x4000, s31;
	s1 =	sadd.s32 s1, s30  }
0xbb: {  	s0 =	sor.u32 s3, s0;
	s1 =	sshll.u32 s1, $0x11  }
0xbc: {  	s0 =	sor.u32 s1, s0  }
0xbd: {  	s0 =	sadd.s32 $0x8F2B, s0  }
0xbe: {  	[sflag:s0] =	ssyncadd.remote.s32 $0x1  }
0xbf: {  	_ =	sfence.sel $0xFFFF  }
0xc0: {  	[dreg:$0x0] =	wrdreg $0xFFFFFFFF;
	(pc) =	sbr.abs _section_cstart, $3  }
0xc1: {  	[dreg:$0x1] =	wrdreg $0xFFFFFFFF  }
0xc2: {  	_ =	task.clear_ibuf [dreg:s7], $0x2FFFF;
	_ =	strace $0x9FFFFFFF  }
0xc3: {  	(tm) =	ssettm $0x7FFFFFFF  }
tec
execute0_lowered:
.L_overlay_start_1:
0x0: {  	(tag) =	ssettag $0x1  }
0x1: {  	s0 =	rddreg [dreg:$0x0]  }
0x2: {  	s1 =	rddreg [dreg:$0x1];
	s15 =	stileid.u32  }
0x3: {  	s3 =	srdreg.scid;
	s2 =	rddreg [dreg:$0x2];
	s16 =	simm.s32 $0x60  }
0x4: {  	s17 =	simm.s32 $0x3000;
	s19 =	simm.s32 $0x6000;
	s11 =	smul.u32 $0xD80, s15  }
0x5: {  	s20 =	simm.s32 $0x2;
	s21 =	simm.s32 $0x9000;
	s7 =	smul.u32 $0x278, s15  }
0x6: {  	s22 =	simm.s32 $0x3;
	s28 =	simm.s32 $0x1;
	s23 =	smul.u32 $0x4F000, s15  }
0x7: {  	s29 =	simm.s32 $0x0;
	s5 =	sand.u32 $0x1, s3;
	s13 =	smul.u32 $0xD8, s15  }
0x8: {  	s3 =	simm.s32 $0x0;
	s4 =	sadd.s32 $0x15E00, s0;
	s6 =	smul.u32 $0x2780, s5  }
0x9: {  	s24 =	sshll.u32 s15, $0x6;
	[smem:$0x7FF] =	sst s3;
	s9 =	smul.u32 $0xD80, s5  }
0xa: {  	s8 =	ssub.s32 $0x2, s5;
	s26 =	smul.u32 $0xD800, s5;
	_ =	strace $0x8000004A  }
0xb: {  	s12 =	sadd.s32 s11, s0;
	s10 =	sshrl.u32 s8, $0x1;
	s6 =	sadd.s32 s7, s6  }
0xc: {  	s7 =	sshrl.u32 s23, $0x2;
	s10 =	ssub.s32 s8, s10;
	s25 =	sadd.s32 s13, s9  }
0xd: {  	s8 =	sadd.s32 $0x67E00, s12;
	s23 =	simm.s32 $0x5;
	s6 =	sshll.u32 s6, $0x4  }
0xe: {  	s14 =	sadd.s32 s7, s2;
	s30 =	sshll.u32 s25, $0x4;
	s10 =	smax.u32 s10, $0x1  }
.Ltmp0:
0xf: {  	s25 =	simm.s32 $0x6;
	s0 =	sadd.s32 s6, s0;
	(pc) =	sbr.rel .LBB2_1-.Ltmp0, $4  }
0x10: {  	s5 =	sadd.s32 s4, s6;
	s6 =	sor.u32 $0x1C08, s24;
	s7 =	sadd.s32 s1, s30  }
0x11: {  	s1 =	sadd.s32 s26, s1;
	s13 =	sshrl.u32 s14, $0x3;
	s14 =	simm.s32 $0x8  }
0x12: {  	s24 =	simm.s32 $0x4;
	s26 =	simm.s32 $0x7;
	s31 =	sadd.s32 s11, s1  }
0x13: {  	s9 =	sadd.s32 $0x75600, s0;
	s11 =	sadd.s32 $0x67F80, s12;
	s12 =	sadd.s32 $0x180, s31  }
.LBB2_3:
0x14: {  	_ =	swait.ge [sflag:s24], $0x3000  }
0x15: {  	[sflag:s24] =	ssyncset.done $0x0  }
0x16: {  	s0 =	sadd.s32 $0x1800, s15;
	[sflag:s24] =	ssyncadd.s32 $0xFFFFD000  }
0x17: {  	[spmem:s2] =	stream.indirect.scatter.add.f32 [tilespmem:s21], [sflag:$0x7], $0x80, s0, s16, $0xb8;
	[tilespmem:$0x1FC00] =	vst v63  }
0x18: {  	_ =	swait.ge [sflag:s25], $0x3000  }
0x19: {  	[sflag:s25] =	ssyncset.done $0x0  }
0x1a: {  	[sflag:s25] =	ssyncadd.s32 $0xFFFFD000  }
.LBB2_5:
0x1b: {  	_ =	swait.ge [sflag:s26], $0x3000  }
0x1c: {  	s29 =	sadd.s32 $0x1, s29;
	[sflag:s26] =	ssyncset.done $0x0  }
0x1d: {  	p0 =	sne.s32 s29, s10;
	[sflag:s26] =	ssyncadd.s32 $0xFFFFD000  }
.Ltmp1:
0x1e: {  	[bflag:$0x0] =	sbarrier.arrive $0xFFFF;
	(pc) =	sbr.rel @!p0 .LBB2_6-.Ltmp1, $4  }
0x1f: {  	[hbm:s9], [sflag:s6] =	dma.local [spmem:s13], $0x2780  }
0x20: {  	_ =	swait.ge [sflag:s14], $0x2780  }
0x21: {  	[sflag:s14] =	ssyncset.done $0x0  }
0x22: {  	[sflag:s14] =	ssyncadd.s32 $0xFFFFD880  }
.LBB2_1:
0x23: {  	[spmem:s13], [sflag:s6] =	dma.local [hbm:s5], $0x2780  }
0x24: {  	_ =	swait.ge [sflag:s14], $0x2780  }
0x25: {  	[sflag:s14] =	ssyncset.done $0x0  }
0x26: {  	[sflag:s14] =	ssyncadd.s32 $0xFFFFD880  }
0x27: {  	[bflag:$0x0] =	sbarrier.arrive $0xFFFF  }
0x28: {  	[tilespmem:s3], [sflag:$0x8] =	stream.linear.gather [hbm4b:s7+s3], $0xC00, $0x38;
	[tilespmem:$0x1FC00] =	vst v63  }
0x29: {  	_ =	swait.ge [sflag:s14], $0xC00  }
0x2a: {  	[sflag:s14] =	ssyncset.done $0x0  }
0x2b: {  	s0 =	simm.s32 $0x1800;
	[sflag:s14] =	ssyncadd.s32 $0xFFFFF400  }
0x2c: {  	[tilespmem:s0], [sflag:$0x8] =	stream.linear.gather [hbm4b:s8+s3], $0xC00, $0x38;
	[tilespmem:$0x1FC00] =	vst v63  }
0x2d: {  	_ =	swait.ge [sflag:s14], $0xC00  }
0x2e: {  	[sflag:s14] =	ssyncset.done $0x0  }
0x2f: {  	[sflag:s14] =	ssyncadd.s32 $0xFFFFF400  }
0x30: {  	[tilespmem:s17], [sflag:$0x2] =	stream.indirect.gather [hbm4b:s4+s16], $0x80, s3, s16, $0xb8;
	[tilespmem:$0x1FC00] =	vst v63  }
0x31: {  	s18 =	simm.s32 $0x80;
	s30 =	simm.s32 $0x0;
	s31 =	simm.s32 $0x0  }
0x32: {  	[tilespmem:s19], [sflag:$0x3] =	stream.indirect.gather [hbm4b:s4+s16], $0x80, s18, s16, $0xb8;
	[tilespmem:$0x1FC00] =	vst v63  }
.LBB2_2:
0x33: {  	s1 =	sand.u32 $0x1, s31  }
0x34: {  	_ =	swait.ge [sflag:s20], $0x3000;
	s0 =	smul.u32 $0xC00, s1  }
0x35: {  	[sflag:s20] =	ssyncset.done $0x0  }
0x36: {  	p0 =	seq.s32 s30, $0x0;
	[sflag:s20] =	ssyncadd.s32 $0xFFFFD000;
	s15 =	sadd.s32 $0x1800, s0  }
0x37: {  	[spmem:s2] =	stream.indirect.scatter.add.f32 [tilespmem:s17], [sflag:$0x5], $0x80, s15, s16, $0xb8;
	[tilespmem:$0x1FC00] =	vst v63  }
0x38: {  	s15 =	simm.s32 @!p0 $0x7  }
0x39: {  	p1 =	seq.s32 @!p0 s30, $0xC00;
	_ =	swait.ge @!p0 [sflag:s15], $0x3000  }
0x3a: {  	p1 =	por p0, !p1;
	[sflag:s15] =	ssyncset.done @!p0 $0x0  }
0x3b: {  	[sflag:s15] =	ssyncadd.s32 @!p0 $0xFFFFD000;
	s15 =	sxor.u32 @p1 $0x1, s1  }
0x3c: {  	s15 =	smul.u32 @p1 $0xC00, s15  }
0x3d: {  	s18 =	sadd.s32 @p1 s30, s12  }
0x3e: {  	[tilespmem:s15], [sflag:$0x1] =	stream.linear.gather @p1 [hbm4b:s18+s3], $0xC00, $0x38;
	[tilespmem:$0x1FC00] =	vst v63  }
0x3f: {  	s15 =	sadd.s32 @p1 $0x1800, s15;
	s18 =	sadd.s32 @p1 s30, s11  }
0x40: {  	[tilespmem:s15], [sflag:$0x1] =	stream.linear.gather @p1 [hbm4b:s18+s3], $0xC00, $0x38;
	[tilespmem:$0x1FC00] =	vst v63  }
0x41: {  	s18 =	sor.u32 $0x100, s0  }
0x42: {  	[tilespmem:s21], [sflag:$0x4] =	stream.indirect.gather [hbm4b:s4+s16], $0x80, s18, s16, $0xb8;
	[tilespmem:$0x1FC00] =	vst v63  }
0x43: {  	_ =	swait.ge [sflag:s22], $0x3000  }
0x44: {  	[sflag:s22] =	ssyncset.done $0x0  }
0x45: {  	s18 =	sadd.s32 $0x1880, s0;
	[sflag:s22] =	ssyncadd.s32 $0xFFFFD000  }
0x46: {  	[spmem:s2] =	stream.indirect.scatter.add.f32 [tilespmem:s19], [sflag:$0x6], $0x80, s18, s16, $0xb8;
	[tilespmem:$0x1FC00] =	vst v63  }
0x47: {  	_ =	swait.ge [sflag:s23], $0x3000  }
0x48: {  	[sflag:s23] =	ssyncset.done $0x0  }
0x49: {  	s18 =	sor.u32 $0x180, s0;
	[sflag:s23] =	ssyncadd.s32 $0xFFFFD000  }
0x4a: {  	[tilespmem:s17], [sflag:$0x2] =	stream.indirect.gather [hbm4b:s4+s16], $0x80, s18, s16, $0xb8;
	[tilespmem:$0x1FC00] =	vst v63  }
0x4b: {  	_ =	swait.ge [sflag:s24], $0x3000  }
0x4c: {  	[sflag:s24] =	ssyncset.done $0x0  }
0x4d: {  	s18 =	sadd.s32 $0x1900, s0;
	[sflag:s24] =	ssyncadd.s32 $0xFFFFD000  }
0x4e: {  	[spmem:s2] =	stream.indirect.scatter.add.f32 [tilespmem:s21], [sflag:$0x7], $0x80, s18, s16, $0xb8;
	[tilespmem:$0x1FC00] =	vst v63  }
0x4f: {  	_ =	swait.ge [sflag:s25], $0x3000  }
0x50: {  	[sflag:s25] =	ssyncset.done $0x0  }
0x51: {  	s18 =	sor.u32 $0x200, s0;
	[sflag:s25] =	ssyncadd.s32 $0xFFFFD000  }
0x52: {  	[tilespmem:s19], [sflag:$0x3] =	stream.indirect.gather [hbm4b:s4+s16], $0x80, s18, s16, $0xb8;
	[tilespmem:$0x1FC00] =	vst v63  }
0x53: {  	_ =	swait.ge [sflag:s20], $0x3000  }
0x54: {  	[sflag:s20] =	ssyncset.done $0x0  }
0x55: {  	s18 =	sadd.s32 $0x1980, s0;
	[sflag:s20] =	ssyncadd.s32 $0xFFFFD000  }
0x56: {  	[spmem:s2] =	stream.indirect.scatter.add.f32 [tilespmem:s17], [sflag:$0x5], $0x80, s18, s16, $0xb8;
	[tilespmem:$0x1FC00] =	vst v63  }
0x57: {  	_ =	swait.ge [sflag:s26], $0x3000  }
0x58: {  	[sflag:s26] =	ssyncset.done $0x0  }
0x59: {  	s18 =	sor.u32 $0x280, s0;
	[sflag:s26] =	ssyncadd.s32 $0xFFFFD000  }
0x5a: {  	[tilespmem:s21], [sflag:$0x4] =	stream.indirect.gather [hbm4b:s4+s16], $0x80, s18, s16, $0xb8;
	[tilespmem:$0x1FC00] =	vst v63  }
0x5b: {  	_ =	swait.ge [sflag:s22], $0x3000  }
0x5c: {  	[sflag:s22] =	ssyncset.done $0x0  }
0x5d: {  	s18 =	sadd.s32 $0x1A00, s0;
	[sflag:s22] =	ssyncadd.s32 $0xFFFFD000  }
0x5e: {  	[spmem:s2] =	stream.indirect.scatter.add.f32 [tilespmem:s19], [sflag:$0x6], $0x80, s18, s16, $0xb8;
	[tilespmem:$0x1FC00] =	vst v63  }
0x5f: {  	_ =	swait.ge [sflag:s23], $0x3000  }
0x60: {  	[sflag:s23] =	ssyncset.done $0x0  }
0x61: {  	s18 =	sor.u32 $0x300, s0;
	[sflag:s23] =	ssyncadd.s32 $0xFFFFD000  }
0x62: {  	[tilespmem:s17], [sflag:$0x2] =	stream.indirect.gather [hbm4b:s4+s16], $0x80, s18, s16, $0xb8;
	[tilespmem:$0x1FC00] =	vst v63  }
0x63: {  	_ =	swait.ge [sflag:s24], $0x3000  }
0x64: {  	[sflag:s24] =	ssyncset.done $0x0  }
0x65: {  	s18 =	sadd.s32 $0x1A80, s0;
	[sflag:s24] =	ssyncadd.s32 $0xFFFFD000  }
0x66: {  	[spmem:s2] =	stream.indirect.scatter.add.f32 [tilespmem:s21], [sflag:$0x7], $0x80, s18, s16, $0xb8;
	[tilespmem:$0x1FC00] =	vst v63  }
0x67: {  	_ =	swait.ge [sflag:s25], $0x3000  }
0x68: {  	[sflag:s25] =	ssyncset.done $0x0  }
0x69: {  	s18 =	sor.u32 $0x380, s0;
	[sflag:s25] =	ssyncadd.s32 $0xFFFFD000  }
0x6a: {  	[tilespmem:s19], [sflag:$0x3] =	stream.indirect.gather [hbm4b:s4+s16], $0x80, s18, s16, $0xb8;
	[tilespmem:$0x1FC00] =	vst v63  }
0x6b: {  	_ =	swait.ge [sflag:s20], $0x3000  }
0x6c: {  	[sflag:s20] =	ssyncset.done $0x0  }
0x6d: {  	s18 =	sadd.s32 $0x1B00, s0;
	[sflag:s20] =	ssyncadd.s32 $0xFFFFD000  }
0x6e: {  	[spmem:s2] =	stream.indirect.scatter.add.f32 [tilespmem:s17], [sflag:$0x5], $0x80, s18, s16, $0xb8;
	[tilespmem:$0x1FC00] =	vst v63  }
0x6f: {  	_ =	swait.ge [sflag:s26], $0x3000  }
0x70: {  	[sflag:s26] =	ssyncset.done $0x0  }
0x71: {  	s18 =	sadd.s32 $0x400, s0;
	[sflag:s26] =	ssyncadd.s32 $0xFFFFD000  }
0x72: {  	[tilespmem:s21], [sflag:$0x4] =	stream.indirect.gather [hbm4b:s4+s16], $0x80, s18, s16, $0xb8;
	[tilespmem:$0x1FC00] =	vst v63  }
0x73: {  	_ =	swait.ge [sflag:s22], $0x3000  }
0x74: {  	[sflag:s22] =	ssyncset.done $0x0  }
0x75: {  	s18 =	sadd.s32 $0x1B80, s0;
	[sflag:s22] =	ssyncadd.s32 $0xFFFFD000  }
0x76: {  	[spmem:s2] =	stream.indirect.scatter.add.f32 [tilespmem:s19], [sflag:$0x6], $0x80, s18, s16, $0xb8;
	[tilespmem:$0x1FC00] =	vst v63  }
0x77: {  	_ =	swait.ge [sflag:s23], $0x3000  }
0x78: {  	[sflag:s23] =	ssyncset.done $0x0  }
0x79: {  	s18 =	sadd.s32 $0x480, s0;
	[sflag:s23] =	ssyncadd.s32 $0xFFFFD000  }
0x7a: {  	[tilespmem:s17], [sflag:$0x2] =	stream.indirect.gather [hbm4b:s4+s16], $0x80, s18, s16, $0xb8;
	[tilespmem:$0x1FC00] =	vst v63  }
0x7b: {  	_ =	swait.ge [sflag:s24], $0x3000  }
0x7c: {  	[sflag:s24] =	ssyncset.done $0x0  }
0x7d: {  	s18 =	sadd.s32 $0x1C00, s0;
	[sflag:s24] =	ssyncadd.s32 $0xFFFFD000  }
0x7e: {  	[spmem:s2] =	stream.indirect.scatter.add.f32 [tilespmem:s21], [sflag:$0x7], $0x80, s18, s16, $0xb8;
	[tilespmem:$0x1FC00] =	vst v63  }
0x7f: {  	_ =	swait.ge [sflag:s25], $0x3000  }
0x80: {  	[sflag:s25] =	ssyncset.done $0x0  }
0x81: {  	s18 =	sadd.s32 $0x500, s0;
	[sflag:s25] =	ssyncadd.s32 $0xFFFFD000  }
0x82: {  	[tilespmem:s19], [sflag:$0x3] =	stream.indirect.gather [hbm4b:s4+s16], $0x80, s18, s16, $0xb8;
	[tilespmem:$0x1FC00] =	vst v63  }
0x83: {  	_ =	swait.ge [sflag:s20], $0x3000  }
0x84: {  	[sflag:s20] =	ssyncset.done $0x0  }
0x85: {  	s18 =	sadd.s32 $0x1C80, s0;
	[sflag:s20] =	ssyncadd.s32 $0xFFFFD000  }
0x86: {  	[spmem:s2] =	stream.indirect.scatter.add.f32 [tilespmem:s17], [sflag:$0x5], $0x80, s18, s16, $0xb8;
	[tilespmem:$0x1FC00] =	vst v63  }
0x87: {  	_ =	swait.ge [sflag:s26], $0x3000  }
0x88: {  	[sflag:s26] =	ssyncset.done $0x0  }
0x89: {  	s18 =	sadd.s32 $0x580, s0;
	[sflag:s26] =	ssyncadd.s32 $0xFFFFD000  }
0x8a: {  	[tilespmem:s21], [sflag:$0x4] =	stream.indirect.gather [hbm4b:s4+s16], $0x80, s18, s16, $0xb8;
	[tilespmem:$0x1FC00] =	vst v63  }
0x8b: {  	_ =	swait.ge [sflag:s22], $0x3000  }
0x8c: {  	[sflag:s22] =	ssyncset.done $0x0  }
0x8d: {  	s18 =	sadd.s32 $0x1D00, s0;
	[sflag:s22] =	ssyncadd.s32 $0xFFFFD000  }
0x8e: {  	[spmem:s2] =	stream.indirect.scatter.add.f32 [tilespmem:s19], [sflag:$0x6], $0x80, s18, s16, $0xb8;
	[tilespmem:$0x1FC00] =	vst v63  }
0x8f: {  	_ =	swait.ge [sflag:s23], $0x3000  }
0x90: {  	[sflag:s23] =	ssyncset.done $0x0  }
0x91: {  	s18 =	sadd.s32 $0x600, s0;
	[sflag:s23] =	ssyncadd.s32 $0xFFFFD000  }
0x92: {  	[tilespmem:s17], [sflag:$0x2] =	stream.indirect.gather [hbm4b:s4+s16], $0x80, s18, s16, $0xb8;
	[tilespmem:$0x1FC00] =	vst v63  }
0x93: {  	_ =	swait.ge [sflag:s24], $0x3000  }
0x94: {  	[sflag:s24] =	ssyncset.done $0x0  }
0x95: {  	s18 =	sadd.s32 $0x1D80, s0;
	[sflag:s24] =	ssyncadd.s32 $0xFFFFD000  }
0x96: {  	[spmem:s2] =	stream.indirect.scatter.add.f32 [tilespmem:s21], [sflag:$0x7], $0x80, s18, s16, $0xb8;
	[tilespmem:$0x1FC00] =	vst v63  }
0x97: {  	_ =	swait.ge [sflag:s25], $0x3000  }
0x98: {  	[sflag:s25] =	ssyncset.done $0x0  }
0x99: {  	s18 =	sadd.s32 $0x680, s0;
	[sflag:s25] =	ssyncadd.s32 $0xFFFFD000  }
0x9a: {  	[tilespmem:s19], [sflag:$0x3] =	stream.indirect.gather [hbm4b:s4+s16], $0x80, s18, s16, $0xb8;
	[tilespmem:$0x1FC00] =	vst v63  }
0x9b: {  	_ =	swait.ge [sflag:s20], $0x3000  }
0x9c: {  	[sflag:s20] =	ssyncset.done $0x0  }
0x9d: {  	s18 =	sadd.s32 $0x1E00, s0;
	[sflag:s20] =	ssyncadd.s32 $0xFFFFD000  }
0x9e: {  	[spmem:s2] =	stream.indirect.scatter.add.f32 [tilespmem:s17], [sflag:$0x5], $0x80, s18, s16, $0xb8;
	[tilespmem:$0x1FC00] =	vst v63  }
0x9f: {  	_ =	swait.ge [sflag:s26], $0x3000  }
0xa0: {  	[sflag:s26] =	ssyncset.done $0x0  }
0xa1: {  	s18 =	sadd.s32 $0x700, s0;
	[sflag:s26] =	ssyncadd.s32 $0xFFFFD000  }
0xa2: {  	[tilespmem:s21], [sflag:$0x4] =	stream.indirect.gather [hbm4b:s4+s16], $0x80, s18, s16, $0xb8;
	[tilespmem:$0x1FC00] =	vst v63  }
0xa3: {  	_ =	swait.ge [sflag:s22], $0x3000  }
0xa4: {  	[sflag:s22] =	ssyncset.done $0x0  }
0xa5: {  	s18 =	sadd.s32 $0x1E80, s0;
	[sflag:s22] =	ssyncadd.s32 $0xFFFFD000  }
0xa6: {  	[spmem:s2] =	stream.indirect.scatter.add.f32 [tilespmem:s19], [sflag:$0x6], $0x80, s18, s16, $0xb8;
	[tilespmem:$0x1FC00] =	vst v63  }
0xa7: {  	_ =	swait.ge [sflag:s23], $0x3000  }
0xa8: {  	[sflag:s23] =	ssyncset.done $0x0  }
0xa9: {  	s18 =	sadd.s32 $0x780, s0;
	[sflag:s23] =	ssyncadd.s32 $0xFFFFD000  }
0xaa: {  	[tilespmem:s17], [sflag:$0x2] =	stream.indirect.gather [hbm4b:s4+s16], $0x80, s18, s16, $0xb8;
	[tilespmem:$0x1FC00] =	vst v63  }
0xab: {  	_ =	swait.ge [sflag:s24], $0x3000  }
0xac: {  	[sflag:s24] =	ssyncset.done $0x0  }
0xad: {  	s18 =	sadd.s32 $0x1F00, s0;
	[sflag:s24] =	ssyncadd.s32 $0xFFFFD000  }
0xae: {  	[spmem:s2] =	stream.indirect.scatter.add.f32 [tilespmem:s21], [sflag:$0x7], $0x80, s18, s16, $0xb8;
	[tilespmem:$0x1FC00] =	vst v63  }
0xaf: {  	_ =	swait.ge [sflag:s25], $0x3000  }
0xb0: {  	[sflag:s25] =	ssyncset.done $0x0  }
0xb1: {  	s18 =	sadd.s32 $0x800, s0;
	[sflag:s25] =	ssyncadd.s32 $0xFFFFD000  }
0xb2: {  	[tilespmem:s19], [sflag:$0x3] =	stream.indirect.gather [hbm4b:s4+s16], $0x80, s18, s16, $0xb8;
	[tilespmem:$0x1FC00] =	vst v63  }
0xb3: {  	_ =	swait.ge [sflag:s20], $0x3000  }
0xb4: {  	[sflag:s20] =	ssyncset.done $0x0  }
0xb5: {  	s18 =	sadd.s32 $0x1F80, s0;
	[sflag:s20] =	ssyncadd.s32 $0xFFFFD000  }
0xb6: {  	[spmem:s2] =	stream.indirect.scatter.add.f32 [tilespmem:s17], [sflag:$0x5], $0x80, s18, s16, $0xb8;
	[tilespmem:$0x1FC00] =	vst v63  }
0xb7: {  	_ =	swait.ge [sflag:s26], $0x3000  }
0xb8: {  	[sflag:s26] =	ssyncset.done $0x0  }
0xb9: {  	s18 =	sadd.s32 $0x880, s0;
	[sflag:s26] =	ssyncadd.s32 $0xFFFFD000  }
0xba: {  	[tilespmem:s21], [sflag:$0x4] =	stream.indirect.gather [hbm4b:s4+s16], $0x80, s18, s16, $0xb8;
	[tilespmem:$0x1FC00] =	vst v63  }
0xbb: {  	_ =	swait.ge [sflag:s22], $0x3000  }
0xbc: {  	[sflag:s22] =	ssyncset.done $0x0  }
0xbd: {  	s18 =	sor.u32 $0x2000, s0;
	[sflag:s22] =	ssyncadd.s32 $0xFFFFD000  }
0xbe: {  	[spmem:s2] =	stream.indirect.scatter.add.f32 [tilespmem:s19], [sflag:$0x6], $0x80, s18, s16, $0xb8;
	[tilespmem:$0x1FC00] =	vst v63  }
0xbf: {  	_ =	swait.ge [sflag:s23], $0x3000  }
0xc0: {  	[sflag:s23] =	ssyncset.done $0x0  }
0xc1: {  	s18 =	sadd.s32 $0x900, s0;
	[sflag:s23] =	ssyncadd.s32 $0xFFFFD000  }
0xc2: {  	[tilespmem:s17], [sflag:$0x2] =	stream.indirect.gather [hbm4b:s4+s16], $0x80, s18, s16, $0xb8;
	[tilespmem:$0x1FC00] =	vst v63  }
0xc3: {  	_ =	swait.ge [sflag:s24], $0x3000  }
0xc4: {  	[sflag:s24] =	ssyncset.done $0x0  }
0xc5: {  	s18 =	sadd.s32 $0x2080, s0;
	[sflag:s24] =	ssyncadd.s32 $0xFFFFD000  }
0xc6: {  	[spmem:s2] =	stream.indirect.scatter.add.f32 [tilespmem:s21], [sflag:$0x7], $0x80, s18, s16, $0xb8;
	[tilespmem:$0x1FC00] =	vst v63  }
0xc7: {  	_ =	swait.ge [sflag:s25], $0x3000  }
0xc8: {  	[sflag:s25] =	ssyncset.done $0x0  }
0xc9: {  	s18 =	sadd.s32 $0x980, s0;
	[sflag:s25] =	ssyncadd.s32 $0xFFFFD000  }
0xca: {  	[tilespmem:s19], [sflag:$0x3] =	stream.indirect.gather [hbm4b:s4+s16], $0x80, s18, s16, $0xb8;
	[tilespmem:$0x1FC00] =	vst v63  }
0xcb: {  	_ =	swait.ge [sflag:s20], $0x3000  }
0xcc: {  	[sflag:s20] =	ssyncset.done $0x0  }
0xcd: {  	s18 =	sadd.s32 $0x2100, s0;
	[sflag:s20] =	ssyncadd.s32 $0xFFFFD000  }
0xce: {  	[spmem:s2] =	stream.indirect.scatter.add.f32 [tilespmem:s17], [sflag:$0x5], $0x80, s18, s16, $0xb8;
	[tilespmem:$0x1FC00] =	vst v63  }
0xcf: {  	_ =	swait.ge [sflag:s26], $0x3000  }
0xd0: {  	[sflag:s26] =	ssyncset.done $0x0  }
0xd1: {  	s18 =	sadd.s32 $0xA00, s0;
	[sflag:s26] =	ssyncadd.s32 $0xFFFFD000  }
0xd2: {  	[tilespmem:s21], [sflag:$0x4] =	stream.indirect.gather [hbm4b:s4+s16], $0x80, s18, s16, $0xb8;
	[tilespmem:$0x1FC00] =	vst v63  }
0xd3: {  	_ =	swait.ge [sflag:s22], $0x3000  }
0xd4: {  	[sflag:s22] =	ssyncset.done $0x0  }
0xd5: {  	s18 =	sadd.s32 $0x2180, s0;
	[sflag:s22] =	ssyncadd.s32 $0xFFFFD000  }
0xd6: {  	[spmem:s2] =	stream.indirect.scatter.add.f32 [tilespmem:s19], [sflag:$0x6], $0x80, s18, s16, $0xb8;
	[tilespmem:$0x1FC00] =	vst v63  }
0xd7: {  	_ =	swait.ge [sflag:s23], $0x3000  }
0xd8: {  	[sflag:s23] =	ssyncset.done $0x0  }
0xd9: {  	s18 =	sadd.s32 $0xA80, s0;
	[sflag:s23] =	ssyncadd.s32 $0xFFFFD000  }
0xda: {  	[tilespmem:s17], [sflag:$0x2] =	stream.indirect.gather [hbm4b:s4+s16], $0x80, s18, s16, $0xb8;
	[tilespmem:$0x1FC00] =	vst v63  }
0xdb: {  	_ =	swait.ge [sflag:s24], $0x3000  }
0xdc: {  	[sflag:s24] =	ssyncset.done $0x0  }
0xdd: {  	s18 =	sadd.s32 $0x2200, s0;
	[sflag:s24] =	ssyncadd.s32 $0xFFFFD000  }
0xde: {  	[spmem:s2] =	stream.indirect.scatter.add.f32 [tilespmem:s21], [sflag:$0x7], $0x80, s18, s16, $0xb8;
	[tilespmem:$0x1FC00] =	vst v63  }
0xdf: {  	_ =	swait.ge [sflag:s25], $0x3000  }
0xe0: {  	[sflag:s25] =	ssyncset.done $0x0  }
0xe1: {  	s18 =	sadd.s32 $0xB00, s0;
	[sflag:s25] =	ssyncadd.s32 $0xFFFFD000  }
0xe2: {  	[tilespmem:s19], [sflag:$0x3] =	stream.indirect.gather [hbm4b:s4+s16], $0x80, s18, s16, $0xb8;
	[tilespmem:$0x1FC00] =	vst v63  }
0xe3: {  	_ =	swait.ge [sflag:s20], $0x3000  }
0xe4: {  	[sflag:s20] =	ssyncset.done $0x0  }
0xe5: {  	s18 =	sadd.s32 $0x2280, s0;
	[sflag:s20] =	ssyncadd.s32 $0xFFFFD000  }
0xe6: {  	[spmem:s2] =	stream.indirect.scatter.add.f32 [tilespmem:s17], [sflag:$0x5], $0x80, s18, s16, $0xb8;
	[tilespmem:$0x1FC00] =	vst v63  }
0xe7: {  	_ =	swait.ge [sflag:s26], $0x3000  }
0xe8: {  	[sflag:s26] =	ssyncset.done $0x0  }
0xe9: {  	s15 =	sadd.s32 $0xB80, s0;
	[sflag:s26] =	ssyncadd.s32 $0xFFFFD000  }
0xea: {  	[tilespmem:s21], [sflag:$0x4] =	stream.indirect.gather [hbm4b:s4+s16], $0x80, s15, s16, $0xb8;
	[tilespmem:$0x1FC00] =	vst v63  }
0xeb: {  	_ =	swait.ge [sflag:s22], $0x3000  }
0xec: {  	p0 =	sne.s32 s30, $0xC00;
	[sflag:s22] =	ssyncset.done $0x0  }
.Ltmp2:
0xed: {  	s0 =	sadd.s32 $0x2300, s0;
	[sflag:s22] =	ssyncadd.s32 $0xFFFFD000;
	(pc) =	sbr.rel @!p0 .LBB2_3-.Ltmp2, $4  }
0xee: {  	[spmem:s2] =	stream.indirect.scatter.add.f32 [tilespmem:s19], [sflag:$0x6], $0x80, s0, s16, $0xb8;
	[tilespmem:$0x1FC00] =	vst v63  }
0xef: {  	_ =	swait.ge [sflag:s23], $0x3000  }
0xf0: {  	[sflag:s23] =	ssyncset.done $0x0  }
0xf1: {  	[sflag:s23] =	ssyncadd.s32 $0xFFFFD000  }
0xf2: {  	_ =	swait.ge [sflag:s28], $0xC00  }
0xf3: {  	[sflag:s28] =	ssyncset.done $0x0  }
0xf4: {  	s0 =	sxor.u32 $0x1, s1;
	[sflag:s28] =	ssyncadd.s32 $0xFFFFF400  }
0xf5: {  	s0 =	smul.u32 $0x3000, s0;
	_ =	swait.ge [sflag:s28], $0xC00  }
0xf6: {  	[sflag:s28] =	ssyncset.done $0x0  }
0xf7: {  	s0 =	sshrl.u32 s0, $0x2;
	[sflag:s28] =	ssyncadd.s32 $0xFFFFF400  }
0xf8: {  	[tilespmem:s17], [sflag:$0x2] =	stream.indirect.gather [hbm4b:s4+s16], $0x80, s0, s16, $0xb8;
	[tilespmem:$0x1FC00] =	vst v63  }
0xf9: {  	_ =	swait.ge [sflag:s24], $0x3000  }
0xfa: {  	s30 =	sadd.s32 $0x180, s30;
	[sflag:s24] =	ssyncset.done $0x0  }
0xfb: {  	s18 =	sadd.s32 $0x1800, s15;
	p0 =	sne.s32 s30, $0xD80;
	[sflag:s24] =	ssyncadd.s32 $0xFFFFD000  }
0xfc: {  	[spmem:s2] =	stream.indirect.scatter.add.f32 [tilespmem:s21], [sflag:$0x7], $0x80, s18, s16, $0xb8;
	[tilespmem:$0x1FC00] =	vst v63  }
.Ltmp3:
0xfd: {  	_ = 	snop;
	(pc) =	sbr.rel @p0 .LBB2_2-.Ltmp3, $4  }
.Ltmp4:
0xfe: {  	_ =	swait.ge [sflag:s25], $0x3000;
	(pc) =	sbr.rel @!p0 .LBB2_5-.Ltmp4, $4  }
0xff: {  	[sflag:s25] =	ssyncset.done $0x0  }
0x100: {  	s31 =	sadd.s32 $0x1, s31;
	s0 =	sor.u32 $0x80, s0;
	[sflag:s25] =	ssyncadd.s32 $0xFFFFD000  }
0x101: {  	[tilespmem:s19], [sflag:$0x3] =	stream.indirect.gather [hbm4b:s4+s16], $0x80, s0, s16, $0xb8;
	[tilespmem:$0x1FC00] =	vst v63  }
0x102: {  	_ = 	snop  }
.LBB2_6:
0x103: {  	_ =	sfence.sel $0x180000  }
0x104: {  	[bflag:$0x0] =	sbarrier.arrive $0xFFFF  }
0x105: {  	_ =	strace $0x9000004A  }
0x106: {  	s0 =	stileid.u32;
	[bflag:$0x2] =	sbarrier.arrive $0xFFFF  }
0x107: {  	p0 =	sne.s32 s0, $0x0;
	s0 =	rddreg [dreg:$0x3]  }
0x108: {  	s0 =	sadd.s32 @!p0 $0x100000, s0  }
0x109: {  	[sflag:s0] =	ssyncadd.tile.s32 @!p0 $0x1;
	_ =	shalt  }
.Lfunc_end2:
_tile_overlayer_lowered:
.L_overlay_start_2:
0x10a: {  	(tag) =	ssettag $0x2  }
0x10b: {  	s0 =	rddreg [dreg:$0x0];
	s2 =	stileid.u32  }
0x10c: {  	s1 =	rddreg [dreg:$0x1];
	p0 =	sne.s32 s2, $0x0  }
0x10d: {  	s3 =	rddreg [dreg:$0x2];
	[bflag:$0x3] =	sbarrier.arrive $0xFFFF;
	s2 =	simm.s32 @!p0 $0x1C08  }
0x10e: {  	[timem:s3], [sflag:s2] =	dma.local @!p0 [hbm:s0], s1  }
0x10f: {  	s0 =	simm.s32 @!p0 $0x8  }
0x110: {  	_ =	swait.ge @!p0 [sflag:s0], s1  }
0x111: {  	s1 =	ssub.s32 @!p0 $0x0, s1;
	[sflag:s0] =	ssyncset.done @!p0 $0x0  }
0x112: {  	[sflag:s0] =	ssyncadd.s32 @!p0 s1  }
0x113: {  	[bflag:$0x3] =	sbarrier.arrive $0xFFFF  }
0x114: {  	_ =	shalt  }

// kernel: kernel.14.cloned.1.call-start
scs
__scs_entry_jumppad:
0x0: {  	(pc) =	sbr.rel $0x88, $3  }
0x1: {  	(tag) =	ssettag $0x0;
	lr =	simm.s32 $0x1  }
0x2: {  	[smem:$0x3F9B] =	sst lr;
	_ =	strace $0xD0000000  }
0x3: {  	_ = 	snop  }
0x4: {  	_ = 	snop  }
0x5: {  	_ = 	snop  }
0x6: {  	_ = 	snop  }
0x7: {  	_ = 	snop  }
__scs_overlays_trampoline_lowered:
0x8: {  	[smem:$0x3FAA] =	sst s0  }
0x9: {  	[smem:$0x3FAB] =	sst s1  }
0xa: {  	[smem:$0x3FAC] =	sst s2  }
0xb: {  	[smem:$0x3FAD] =	sst s3  }
0xc: {  	[smem:$0x3FAE] =	sst s4  }
0xd: {  	[smem:$0x3FAF] =	sst s5  }
0xe: {  	[smem:$0x3FB0] =	sst s6  }
0xf: {  	[smem:$0x3FB1] =	sst s7  }
0x10: {  	[smem:$0x3FB2] =	sst s8  }
0x11: {  	[smem:$0x3FB3] =	sst s9;
	s0 =	simm.s32 @!p0 $0x0  }
0x12: {  	s1 =	sld [smem:$0x3F99];
	s0 =	simm.s32 @p0 $0x1  }
0x13: {  	[smem:$0x3FB4] =	sst s0;
	s0 =	simm.s32 @!p1 $0x0  }
0x14: {  	s2 =	sld [smem:$0x3F98];
	s0 =	simm.s32 @p1 $0x1  }
0x15: {  	[smem:$0x3FB5] =	sst s0;
	s0 =	simm.s32 @!p2 $0x0  }
0x16: {  	s3 =	sld [smem:$0x3FDB];
	s0 =	simm.s32 @p2 $0x1  }
0x17: {  	s4 =	simm.s32 $0x1BF5;
	[smem:$0x3FB7] =	sst s0  }
0x18: {  	s0 =	sld [smem:$0x3F9A];
	_ =	swait.ge [sflag:s4], $0x0  }
0x19: {  	s7 =	sld [smem:$0x3F9B]  }
0x1a: {  	s8 =	sadd.s32 $0xFFFFE003, lr  }
0x1b: {  	s9 =	sadd.s32 $0xFFFFFEF7, lr;
	s5 =	simm.s32 $0xFFFFFFFF;
	p2 =	slt.u32 s8, $0xFFFFF086  }
0x1c: {  	p1 =	slt.u32 s9, $0xF7A;
	s5 =	simm.s32 @!p2 $0x0  }
0x1d: {  	s5 =	simm.s32 @p1 $0x1;
	p0 =	seq.s32 s7, s2  }
0x1e: {  	s7 =	smul.u32 @!p0 $0xF7A, s2;
	p2 =	seq.s32 @!p0 s5, $0x0  }
0x1f: {  	s9 =	smul.u32 $0xF7A, s1;
	s8 =	simm.s32 @!p0 $0x1BF5;
	p2 =	por !p2, p0  }
0x20: {  	[sflag:s8] =	ssyncset.s32 @!p0 $0xFFFFF086;
	s6 =	sadd.s32 @!p0 s3, s7;
	s7 =	simm.s32 @!p0 $0x108  }
0x21: {  	s3 =	sadd.s32 s3, s9;
	s6 =	sadd.s32 @!p0 $0x88, s6;
	s7 =	simm.s32 @p2 $0x1082  }
0x22: {  	[simem:s7], [sflag:s8] =	dma.local @!p0 [hbm:s6], $0xF7A  }
0x23: {  	s9 =	sor.u32 $0xD0000000, s2;
	s6 =	simm.s32 $0x108;
	_ =	swait.ge @!p0 [sflag:s8], $0x0  }
0x24: {  	s3 =	sadd.s32 $0x88, s3;
	s6 =	simm.s32 @!p1 $0x1082;
	[sflag:s4] =	ssyncset.s32 $0xFFFFF086  }
0x25: {  	[simem:s6], [sflag:s4] =	dma.local [hbm:s3], $0xF7A  }
0x26: {  	[smem:$0x3F9B] =	sst s1;
	(tag) =	ssettag s2;
	_ =	strace s9  }
0x27: {  	s1 =	sld [smem:$0x3FAB]  }
0x28: {  	s2 =	sld [smem:$0x3FAC]  }
0x29: {  	s4 =	sld [smem:$0x3FAE]  }
0x2a: {  	p0 =	seq.s32 s5, $0x0;
	s5 =	sld [smem:$0x3FAF]  }
0x2b: {  	s6 =	sld [smem:$0x3FB0]  }
0x2c: {  	s7 =	sld [smem:$0x3FB1]  }
0x2d: {  	s3 =	simm.s32 $0x108;
	s8 =	sld [smem:$0x3FB2]  }
0x2e: {  	s3 =	simm.s32 @!p0 $0x1082;
	s9 =	sld [smem:$0x3FB3]  }
0x2f: {  	lr =	sadd.s32 s0, s3;
	s0 =	sld [smem:$0x3FAA]  }
0x30: {  	s3 =	sld [smem:$0x3FAD]  }
0x31: {  	[smem:$0x3FB6] =	sst s10  }
0x32: {  	s10 =	sld [smem:$0x3FB4];
	_ =	sdelay $0x3  }
0x33: {  	p0 =	seq.s32 s10, $0x1;
	s10 =	sld [smem:$0x3FB6];
	_ =	sdelay $0x3  }
0x34: {  	[smem:$0x3FB6] =	sst s10  }
0x35: {  	s10 =	sld [smem:$0x3FB5];
	_ =	sdelay $0x3  }
0x36: {  	p1 =	seq.s32 s10, $0x1;
	s10 =	sld [smem:$0x3FB6];
	_ =	sdelay $0x3  }
0x37: {  	[smem:$0x3FB6] =	sst s10  }
0x38: {  	s10 =	sld [smem:$0x3FB7]  }
0x39: {  	_ = 	snop;
	(pc) =	sbr.ind lr, $3  }
0x3a: {  	_ = 	snop  }
0x3b: {  	_ = 	snop  }
0x3c: {  	p2 =	seq.s32 s10, $0x1;
	s10 =	sld [smem:$0x3FB6]  }
0x3d: {  	_ =	shalt  }
0x3e: {  	_ =	shalt  }
0x3f: {  	_ =	shalt  }
0x40: {  	_ =	shalt  }
0x41: {  	_ =	shalt  }
0x42: {  	_ =	shalt  }
0x43: {  	_ =	shalt  }
0x44: {  	_ =	shalt  }
0x45: {  	_ =	shalt  }
0x46: {  	_ =	shalt  }
0x47: {  	_ =	shalt  }
0x48: {  	_ =	shalt  }
0x49: {  	_ =	shalt  }
0x4a: {  	_ =	shalt  }
0x4b: {  	_ =	shalt  }
0x4c: {  	_ =	shalt  }
0x4d: {  	_ =	shalt  }
0x4e: {  	_ =	shalt  }
0x4f: {  	_ =	shalt  }
0x50: {  	_ =	shalt  }
0x51: {  	_ =	shalt  }
0x52: {  	_ =	shalt  }
0x53: {  	_ =	shalt  }
0x54: {  	_ =	shalt  }
0x55: {  	_ =	shalt  }
0x56: {  	_ =	shalt  }
0x57: {  	_ =	shalt  }
0x58: {  	_ =	shalt  }
0x59: {  	_ =	shalt  }
0x5a: {  	_ =	shalt  }
0x5b: {  	_ =	shalt  }
0x5c: {  	_ =	shalt  }
0x5d: {  	_ =	shalt  }
0x5e: {  	_ =	shalt  }
0x5f: {  	_ =	shalt  }
0x60: {  	_ =	shalt  }
0x61: {  	_ =	shalt  }
0x62: {  	_ =	shalt  }
0x63: {  	_ =	shalt  }
0x64: {  	_ =	shalt  }
0x65: {  	_ =	shalt  }
0x66: {  	_ =	shalt  }
0x67: {  	_ =	shalt  }
0x68: {  	_ =	shalt  }
0x69: {  	_ =	shalt  }
0x6a: {  	_ =	shalt  }
0x6b: {  	_ =	shalt  }
0x6c: {  	_ =	shalt  }
0x6d: {  	_ =	shalt  }
0x6e: {  	_ =	shalt  }
0x6f: {  	_ =	shalt  }
0x70: {  	_ =	shalt  }
0x71: {  	_ =	shalt  }
0x72: {  	_ =	shalt  }
0x73: {  	_ =	shalt  }
0x74: {  	_ =	shalt  }
0x75: {  	_ =	shalt  }
0x76: {  	_ =	shalt  }
0x77: {  	_ =	shalt  }
0x78: {  	_ =	shalt  }
0x79: {  	_ =	shalt  }
0x7a: {  	_ =	shalt  }
0x7b: {  	_ =	shalt  }
0x7c: {  	_ =	shalt  }
0x7d: {  	_ =	shalt  }
0x7e: {  	_ =	shalt  }
0x7f: {  	_ =	shalt  }
0x80: {  	_ =	shalt  }
0x81: {  	_ =	shalt  }
0x82: {  	_ =	shalt  }
0x83: {  	_ =	shalt  }
0x84: {  	_ =	shalt  }
0x85: {  	_ =	shalt  }
0x86: {  	_ =	shalt  }
0x87: {  	_ =	shalt  }
.Lfunc_end0:
.L_simem_size_0:
called_computation.2_lowered:
.L_overlay_start_0:
0x88: {  	s2 =	sld [smem:$0x3FD9]  }
0x89: {  	s3 =	sld [smem:$0x3FFE];
	_ =	sdelay $0x1  }
0x8a: {  	s1 =	srdreg.scid  }
0x8b: {  	s0 =	sand.u32 $0x1, s1  }
0x8c: {  	s16 =	sshll.u32 s0, $0xA;
	s2 =	sadd.s32 s3, s2  }
0x8d: {  	s2 =	sadd.s32 s2, s16  }
0x8e: {  	[smem:$0x3FC2] =	sst s2  }
0x8f: {  	_ = 	snop  }
0x90: {  	(tm) =	ssettm $0x1  }
0x91: {  	s17 =	sld [smem:$0x3FFB];
	_ =	sdelay $0x3  }
0x92: {  	_ =	strace s17  }
0x93: {  	s2 =	sld [smem:$0x3FFC];
	_ =	sdelay $0x3  }
0x94: {  	_ =	strace s2  }
0x95: {  	s2 =	sld [smem:$0x3FFD];
	_ =	sdelay $0x3  }
0x96: {  	_ =	strace s2  }
0x97: {  	_ =	strace $0x8FFFFFFF  }
0x98: {  	s18 =	sld [smem:$0x3FDB];
	_ =	sdelay $0x1  }
0x99: {  	s19 =	simm.s32 $_scs_section_size  }
0x9a: {  	s4 =	simm.s32 $_size__tile_overlayer_lowered;
	s5 =	simm.s32 $_tile_overlayer_lowered  }
0x9b: {  	s22 =	simm.s32 $0x1BFF;
	s21 =	sshll.u32 s5, $0x1;
	s2 =	sadd.s32 s19, s18  }
0x9c: {  	s6 =	simm.s32 $0x0;
	s20 =	sshll.u32 s4, $0x1;
	s4 =	sadd.s32 s21, s2  }
0x9d: {  	[timem:s6], [sflag:s22] =	dma.local [hbm:s4], s20  }
0x9e: {  	_ =	swait.ge [sflag:s22], s20  }
0x9f: {  	s3 =	ssub.s32 $0x0, s20;
	[sflag:s22] =	ssyncset.done $0x0  }
0xa0: {  	[sflag:s22] =	ssyncadd.s32 s3;
	_ =	sdelay $0x1  }
0xa1: {  	s23 =	simm.s32 $0x1B8B  }
0xa2: {  	_ =	swait.ge [sflag:s23], $0x1  }
0xa3: {  	[sflag:s23] =	ssyncset.done $0x0  }
0xa4: {  	s25 =	simm.s32 $0x1B8E;
	s24 =	sld [smem:$0x3FFE];
	[sflag:s23] =	ssyncadd.s32 $0xFFFFFFFF  }
0xa5: {  	s26 =	simm.s32 $execute0_lowered;
	[smem:$0x3FD2] =	sst s25  }
0xa6: {  	s4 =	sshll.u32 s26, $0x1;
	_ =	strace $0x8000004C;
	[dreg:$0x1] =	wrdreg $0xFFFFFFFF  }
0xa7: {  	s28 =	simm.s32 $_size_execute0_lowered;
	s2 =	sadd.s32 s2, s4;
	[dreg:$0x0] =	wrdreg $0x0  }
0xa8: {  	s4 =	sshll.u32 s28, $0x1;
	[dreg:$0x2] =	wrdreg s2  }
0xa9: {  	[dreg:$0x3] =	wrdreg s4  }
0xaa: {  	[dreg:$0x4] =	wrdreg $0xC0  }
0xab: {  	_ =	task [dreg:s6], $0x5FFFF  }
0xac: {  	[dreg:$0x1] =	wrdreg $0xFFFFFFFF  }
0xad: {  	[dreg:$0x0] =	wrdreg $0x60  }
0xae: {  	[dreg:$0x2] =	wrdreg s24  }
0xaf: {  	[dreg:$0x3] =	wrdreg $0x90000  }
0xb0: {  	[dreg:$0x4] =	wrdreg $0x9  }
0xb1: {  	_ =	task.clear_ibuf [dreg:s6], $0x5FFFF;
	_ =	strace $0x9000004C  }
0xb2: {  	s29 =	simm.s32 $0x9;
	_ =	strace $0x8000004E  }
0xb3: {  	_ =	swait.ge [sflag:s29], $0x1  }
0xb4: {  	[sflag:s29] =	ssyncadd.s32 $0xFFFFFFFF  }
0xb5: {  	_ =	strace $0x9000004E  }
0xb6: {  	_ =	sfence  }
0xb7: {  	s30 =	sld [smem:$0x0];
	_ =	sdelay $0x2  }
0xb8: {  	s31 =	sshll.u32 s1, $0xD;
	s1 =	sshrl.u32 s1, $0x2  }
0xb9: {  	s3 =	sand.u32 $0x4000, s31;
	s1 =	sadd.s32 s1, s30  }
0xba: {  	s0 =	sor.u32 s3, s0;
	s1 =	sshll.u32 s1, $0x11  }
0xbb: {  	s0 =	sor.u32 s1, s0  }
0xbc: {  	s0 =	sadd.s32 $0x8F2B, s0  }
0xbd: {  	[sflag:s0] =	ssyncadd.remote.s32 $0x1  }
0xbe: {  	_ =	sfence.sel $0xFFFF  }
0xbf: {  	[dreg:$0x0] =	wrdreg $0xFFFFFFFF;
	(pc) =	sbr.abs _section_cstart, $3  }
0xc0: {  	[dreg:$0x1] =	wrdreg $0xFFFFFFFF  }
0xc1: {  	_ =	task.clear_ibuf [dreg:s6], $0x2FFFF;
	_ =	strace $0x9FFFFFFF  }
0xc2: {  	(tm) =	ssettm $0x7FFFFFFF  }
0xc3: {  	_ =	shalt  }
tec
execute0_lowered:
.L_overlay_start_1:
0x0: {  	(tag) =	ssettag $0x1  }
0x1: {  	s5 =	rddreg [dreg:$0x0]  }
0x2: {  	s1 =	rddreg [dreg:$0x1]  }
0x3: {  	s2 =	srdreg.scid;
	s0 =	rddreg [dreg:$0x2]  }
0x4: {  	s3 =	simm.s32 $0x0;
	s14 =	simm.s32 $0x4;
	s15 =	simm.s32 $0x800  }
0x5: {  	s16 =	simm.s32 $0x80;
	s17 =	simm.s32 $0x1000;
	s6 =	sand.u32 $0x1, s2  }
0x6: {  	s18 =	simm.s32 $0x5000;
	s2 =	stileid.u32;
	s7 =	smul.u32 $0x500, s6  }
0x7: {  	s19 =	simm.s32 $0x2;
	s20 =	simm.s32 $0x3;
	s8 =	smul.u32 $0x50, s2  }
0x8: {  	s21 =	simm.s32 $0x1;
	s22 =	simm.s32 $0x0;
	s9 =	smul.u32 $0x2780, s2  }
0x9: {  	[smem:$0x7FF] =	sst s3;
	s4 =	sadd.s32 $0x15E00, s5;
	s25 =	smul.u32 $0x27800, s6  }
0xa: {  	_ =	strace $0x8000004D;
	s11 =	smul.u32 $0x4F000, s2;
	s6 =	ssub.s32 $0x2, s6  }
0xb: {  	s31 =	sshll.u32 s2, $0x6;
	s28 =	sshrl.u32 s6, $0x1;
	s7 =	sadd.s32 s8, s7  }
0xc: {  	s10 =	sadd.s32 s9, s5;
	s26 =	sadd.s32 s9, s25;
	s29 =	sshrl.u32 s11, $0x2  }
.Ltmp0:
0xd: {  	s30 =	ssub.s32 s6, s28;
	s6 =	sor.u32 $0x1C04, s31;
	(pc) =	sbr.rel .LBB2_1-.Ltmp0, $4  }
0xe: {  	s7 =	sshll.u32 s7, $0x4;
	s9 =	sadd.s32 s26, s5;
	s13 =	sadd.s32 s29, s1  }
0xf: {  	s12 =	sadd.s32 s7, s5;
	s5 =	sadd.s32 $0x3D600, s10;
	s9 =	sadd.s32 $0x64E00, s9  }
0x10: {  	s10 =	smax.u32 s30, $0x1;
	s13 =	sshrl.u32 s13, $0x3;
	s7 =	sadd.s32 $0xBE00, s12  }
0x11: {  	s8 =	sadd.s32 $0x1E00, s12;
	s11 =	sadd.s32 $0x1E80, s12;
	s12 =	sadd.s32 $0xBE80, s12  }
.LBB2_3:
0x12: {  	_ =	swait.ge [sflag:s20], $0x4000  }
0x13: {  	[sflag:s20] =	ssyncset.done $0x0  }
0x14: {  	s23 =	sor.u32 $0x800, s28;
	[sflag:s20] =	ssyncadd.s32 $0xFFFFC000  }
0x15: {  	[spmem:s1] =	stream.indirect.scatter.add.f32 [tilespmem:s18], [sflag:$0x4], $0x80, s23, s16, $0xb8;
	[tilespmem:$0x1CC00] =	vst v63  }
0x16: {  	_ =	swait.ge [sflag:s14], $0x4000  }
0x17: {  	[sflag:s14] =	ssyncset.done $0x0  }
0x18: {  	[sflag:s14] =	ssyncadd.s32 $0xFFFFC000  }
.LBB2_5:
0x19: {  	s22 =	sadd.s32 $0x1, s22  }
0x1a: {  	p0 =	sne.s32 s22, s10  }
.Ltmp1:
0x1b: {  	[bflag:$0x0] =	sbarrier.arrive $0xFFFF;
	(pc) =	sbr.rel @!p0 .LBB2_6-.Ltmp1, $4  }
0x1c: {  	[hbm:s9], [sflag:s6] =	dma.local [spmem:s13], $0x2780  }
0x1d: {  	_ =	swait.ge [sflag:s14], $0x2780  }
0x1e: {  	[sflag:s14] =	ssyncset.done $0x0  }
0x1f: {  	[sflag:s14] =	ssyncadd.s32 $0xFFFFD880  }
.LBB2_1:
0x20: {  	[spmem:s13], [sflag:s6] =	dma.local [hbm:s5], $0x2780  }
0x21: {  	_ =	swait.ge [sflag:s14], $0x2780  }
0x22: {  	[sflag:s14] =	ssyncset.done $0x0  }
0x23: {  	[sflag:s14] =	ssyncadd.s32 $0xFFFFD880  }
0x24: {  	[bflag:$0x0] =	sbarrier.arrive $0xFFFF  }
0x25: {  	[tilespmem:s3], [sflag:$0x4] =	stream.linear.gather [hbm4b:s7+s3], $0x400, $0x38;
	[tilespmem:$0x1CC00] =	vst v63  }
0x26: {  	_ =	swait.ge [sflag:s14], $0x400  }
0x27: {  	[sflag:s14] =	ssyncset.done $0x0  }
0x28: {  	[sflag:s14] =	ssyncadd.s32 $0xFFFFFC00  }
0x29: {  	[tilespmem:s15], [sflag:$0x4] =	stream.linear.gather [hbm4b:s8+s3], $0x400, $0x38;
	[tilespmem:$0x1CC00] =	vst v63  }
0x2a: {  	_ =	swait.ge [sflag:s14], $0x400  }
0x2b: {  	[sflag:s14] =	ssyncset.done $0x0  }
0x2c: {  	[sflag:s14] =	ssyncadd.s32 $0xFFFFFC00  }
0x2d: {  	[tilespmem:s17], [sflag:$0x2] =	stream.indirect.gather [hbm4b:s4+s16], $0x80, s3, s16, $0xb8;
	[tilespmem:$0x1CC00] =	vst v63  }
0x2e: {  	s23 =	smov.u32 s12;
	s24 =	smov.u32 s11;
	s25 =	simm.s32 $0x0  }
0x2f: {  	[tilespmem:s18], [sflag:$0x3] =	stream.indirect.gather [hbm4b:s4+s16], $0x80, s16, s16, $0xb8;
	[tilespmem:$0x1CC00] =	vst v63  }
.LBB2_2:
0x30: {  	p0 =	seq.s32 s25, $0x2400  }
0x31: {  	s26 =	sand.u32 @!p0 $0x400, s25  }
0x32: {  	s29 =	simm.s32 @!p0 $0x0;
	s28 =	sxor.u32 @!p0 $0x400, s26  }
0x33: {  	[tilespmem:s28], [sflag:$0x1] =	stream.linear.gather @!p0 [hbm4b:s23+s29], $0x400, $0x38;
	[tilespmem:$0x1CC00] =	vst v63  }
0x34: {  	s28 =	sor.u32 @!p0 $0x800, s28  }
0x35: {  	[tilespmem:s28], [sflag:$0x1] =	stream.linear.gather @!p0 [hbm4b:s24+s29], $0x400, $0x38;
	[tilespmem:$0x1CC00] =	vst v63  }
0x36: {  	_ =	swait.ge [sflag:s19], $0x4000  }
0x37: {  	s26 =	simm.s32 @p0 $0x400;
	[sflag:s19] =	ssyncset.done $0x0  }
0x38: {  	s28 =	sor.u32 $0x800, s26;
	[sflag:s19] =	ssyncadd.s32 $0xFFFFC000  }
0x39: {  	[spmem:s1] =	stream.indirect.scatter.add.f32 [tilespmem:s17], [sflag:$0x4], $0x80, s28, s16, $0xb8;
	[tilespmem:$0x1CC00] =	vst v63  }
0x3a: {  	_ =	swait.ge [sflag:s14], $0x4000  }
0x3b: {  	[sflag:s14] =	ssyncset.done $0x0  }
0x3c: {  	s28 =	sor.u32 $0x100, s26;
	[sflag:s14] =	ssyncadd.s32 $0xFFFFC000  }
0x3d: {  	[tilespmem:s17], [sflag:$0x2] =	stream.indirect.gather [hbm4b:s4+s16], $0x80, s28, s16, $0xb8;
	[tilespmem:$0x1CC00] =	vst v63  }
0x3e: {  	_ =	swait.ge [sflag:s20], $0x4000  }
0x3f: {  	[sflag:s20] =	ssyncset.done $0x0  }
0x40: {  	s28 =	sadd.s32 $0x880, s26;
	[sflag:s20] =	ssyncadd.s32 $0xFFFFC000  }
0x41: {  	[spmem:s1] =	stream.indirect.scatter.add.f32 [tilespmem:s18], [sflag:$0x4], $0x80, s28, s16, $0xb8;
	[tilespmem:$0x1CC00] =	vst v63  }
0x42: {  	_ =	swait.ge [sflag:s14], $0x4000  }
0x43: {  	[sflag:s14] =	ssyncset.done $0x0  }
0x44: {  	s28 =	sor.u32 $0x180, s26;
	[sflag:s14] =	ssyncadd.s32 $0xFFFFC000  }
0x45: {  	[tilespmem:s18], [sflag:$0x3] =	stream.indirect.gather [hbm4b:s4+s16], $0x80, s28, s16, $0xb8;
	[tilespmem:$0x1CC00] =	vst v63  }
0x46: {  	_ =	swait.ge [sflag:s19], $0x4000  }
0x47: {  	[sflag:s19] =	ssyncset.done $0x0  }
0x48: {  	s28 =	sor.u32 $0x900, s26;
	[sflag:s19] =	ssyncadd.s32 $0xFFFFC000  }
0x49: {  	[spmem:s1] =	stream.indirect.scatter.add.f32 [tilespmem:s17], [sflag:$0x4], $0x80, s28, s16, $0xb8;
	[tilespmem:$0x1CC00] =	vst v63  }
0x4a: {  	_ =	swait.ge [sflag:s14], $0x4000  }
0x4b: {  	[sflag:s14] =	ssyncset.done $0x0  }
0x4c: {  	s28 =	sor.u32 $0x200, s26;
	[sflag:s14] =	ssyncadd.s32 $0xFFFFC000  }
0x4d: {  	[tilespmem:s17], [sflag:$0x2] =	stream.indirect.gather [hbm4b:s4+s16], $0x80, s28, s16, $0xb8;
	[tilespmem:$0x1CC00] =	vst v63  }
0x4e: {  	_ =	swait.ge [sflag:s20], $0x4000  }
0x4f: {  	[sflag:s20] =	ssyncset.done $0x0  }
0x50: {  	s28 =	sor.u32 $0x980, s26;
	[sflag:s20] =	ssyncadd.s32 $0xFFFFC000  }
0x51: {  	[spmem:s1] =	stream.indirect.scatter.add.f32 [tilespmem:s18], [sflag:$0x4], $0x80, s28, s16, $0xb8;
	[tilespmem:$0x1CC00] =	vst v63  }
0x52: {  	_ =	swait.ge [sflag:s14], $0x4000  }
0x53: {  	[sflag:s14] =	ssyncset.done $0x0  }
0x54: {  	s28 =	sor.u32 $0x280, s26;
	[sflag:s14] =	ssyncadd.s32 $0xFFFFC000  }
0x55: {  	[tilespmem:s18], [sflag:$0x3] =	stream.indirect.gather [hbm4b:s4+s16], $0x80, s28, s16, $0xb8;
	[tilespmem:$0x1CC00] =	vst v63  }
0x56: {  	_ =	swait.ge [sflag:s19], $0x4000  }
0x57: {  	[sflag:s19] =	ssyncset.done $0x0  }
0x58: {  	s28 =	sor.u32 $0xA00, s26;
	[sflag:s19] =	ssyncadd.s32 $0xFFFFC000  }
0x59: {  	[spmem:s1] =	stream.indirect.scatter.add.f32 [tilespmem:s17], [sflag:$0x4], $0x80, s28, s16, $0xb8;
	[tilespmem:$0x1CC00] =	vst v63  }
0x5a: {  	_ =	swait.ge [sflag:s14], $0x4000  }
0x5b: {  	[sflag:s14] =	ssyncset.done $0x0  }
0x5c: {  	s28 =	sor.u32 $0x300, s26;
	[sflag:s14] =	ssyncadd.s32 $0xFFFFC000  }
0x5d: {  	[tilespmem:s17], [sflag:$0x2] =	stream.indirect.gather [hbm4b:s4+s16], $0x80, s28, s16, $0xb8;
	[tilespmem:$0x1CC00] =	vst v63  }
0x5e: {  	_ =	swait.ge [sflag:s20], $0x4000  }
0x5f: {  	[sflag:s20] =	ssyncset.done $0x0  }
0x60: {  	s28 =	sor.u32 $0xA80, s26;
	[sflag:s20] =	ssyncadd.s32 $0xFFFFC000  }
0x61: {  	[spmem:s1] =	stream.indirect.scatter.add.f32 [tilespmem:s18], [sflag:$0x4], $0x80, s28, s16, $0xb8;
	[tilespmem:$0x1CC00] =	vst v63  }
0x62: {  	_ =	swait.ge [sflag:s14], $0x4000  }
0x63: {  	[sflag:s14] =	ssyncset.done $0x0  }
0x64: {  	s28 =	sor.u32 $0x380, s26;
	[sflag:s14] =	ssyncadd.s32 $0xFFFFC000  }
0x65: {  	[tilespmem:s18], [sflag:$0x3] =	stream.indirect.gather [hbm4b:s4+s16], $0x80, s28, s16, $0xb8;
	[tilespmem:$0x1CC00] =	vst v63  }
0x66: {  	_ =	swait.ge [sflag:s19], $0x4000  }
0x67: {  	p0 =	sne.s32 s25, $0x2400;
	[sflag:s19] =	ssyncset.done $0x0  }
.Ltmp2:
0x68: {  	s31 =	sor.u32 $0xB00, s26;
	[sflag:s19] =	ssyncadd.s32 $0xFFFFC000;
	(pc) =	sbr.rel @!p0 .LBB2_3-.Ltmp2, $4  }
0x69: {  	[spmem:s1] =	stream.indirect.scatter.add.f32 [tilespmem:s17], [sflag:$0x4], $0x80, s31, s16, $0xb8;
	[tilespmem:$0x1CC00] =	vst v63  }
0x6a: {  	_ =	swait.ge [sflag:s14], $0x4000  }
0x6b: {  	[sflag:s14] =	ssyncset.done $0x0  }
0x6c: {  	[sflag:s14] =	ssyncadd.s32 $0xFFFFC000  }
0x6d: {  	_ =	swait.ge [sflag:s21], $0x400  }
0x6e: {  	[sflag:s21] =	ssyncset.done $0x0  }
0x6f: {  	[sflag:s21] =	ssyncadd.s32 $0xFFFFFC00  }
0x70: {  	_ =	swait.ge [sflag:s21], $0x400  }
0x71: {  	[sflag:s21] =	ssyncset.done $0x0  }
0x72: {  	s29 =	sxor.u32 $0x400, s26;
	[sflag:s21] =	ssyncadd.s32 $0xFFFFFC00  }
0x73: {  	[tilespmem:s17], [sflag:$0x2] =	stream.indirect.gather [hbm4b:s4+s16], $0x80, s29, s16, $0xb8;
	[tilespmem:$0x1CC00] =	vst v63  }
0x74: {  	_ =	swait.ge [sflag:s20], $0x4000  }
0x75: {  	s25 =	sadd.s32 $0x400, s25;
	[sflag:s20] =	ssyncset.done $0x0  }
0x76: {  	s28 =	sor.u32 $0x800, s28;
	p0 =	sne.s32 s25, $0x2800;
	[sflag:s20] =	ssyncadd.s32 $0xFFFFC000  }
0x77: {  	[spmem:s1] =	stream.indirect.scatter.add.f32 [tilespmem:s18], [sflag:$0x4], $0x80, s28, s16, $0xb8;
	[tilespmem:$0x1CC00] =	vst v63  }
.Ltmp3:
0x78: {  	_ = 	snop;
	(pc) =	sbr.rel @p0 .LBB2_2-.Ltmp3, $4  }
.Ltmp4:
0x79: {  	_ =	swait.ge [sflag:s14], $0x4000;
	(pc) =	sbr.rel @!p0 .LBB2_5-.Ltmp4, $4  }
0x7a: {  	s31 =	ssub.s32 $0x480, s26;
	[sflag:s14] =	ssyncset.done $0x0  }
0x7b: {  	s24 =	sadd.s32 $0x80, s24;
	s23 =	sadd.s32 $0x80, s23;
	[sflag:s14] =	ssyncadd.s32 $0xFFFFC000  }
0x7c: {  	[tilespmem:s18], [sflag:$0x3] =	stream.indirect.gather [hbm4b:s4+s16], $0x80, s31, s16, $0xb8;
	[tilespmem:$0x1CC00] =	vst v63  }
0x7d: {  	_ = 	snop  }
.LBB2_6:
0x7e: {  	_ =	sfence.sel $0x180000  }
0x7f: {  	[bflag:$0x0] =	sbarrier.arrive $0xFFFF  }
0x80: {  	p0 =	sne.s32 s2, $0x0;
	_ =	strace $0x9000004D  }
0x81: {  	s0 =	sadd.s32 @!p0 $0x100000, s0;
	[bflag:$0x2] =	sbarrier.arrive $0xFFFF  }
0x82: {  	[sflag:s0] =	ssyncadd.tile.s32 @!p0 $0x1;
	_ =	shalt  }
.Lfunc_end2:
_tile_overlayer_lowered:
.L_overlay_start_2:
0x83: {  	(tag) =	ssettag $0x2  }
0x84: {  	s0 =	rddreg [dreg:$0x0];
	s2 =	stileid.u32  }
0x85: {  	s1 =	rddreg [dreg:$0x1];
	p0 =	sne.s32 s2, $0x0  }
0x86: {  	s3 =	rddreg [dreg:$0x2];
	[bflag:$0x3] =	sbarrier.arrive $0xFFFF;
	s2 =	simm.s32 @!p0 $0x1C04  }
0x87: {  	[timem:s3], [sflag:s2] =	dma.local @!p0 [hbm:s0], s1  }
0x88: {  	s0 =	simm.s32 @!p0 $0x4  }
0x89: {  	_ =	swait.ge @!p0 [sflag:s0], s1  }
0x8a: {  	s1 =	ssub.s32 @!p0 $0x0, s1;
	[sflag:s0] =	ssyncset.done @!p0 $0x0  }
0x8b: {  	[sflag:s0] =	ssyncadd.s32 @!p0 s1  }
0x8c: {  	[bflag:$0x3] =	sbarrier.arrive $0xFFFF  }
0x8d: {  	_ =	shalt  }

// kernel: kernel.8.cloned.1.call-start
scs
__scs_entry_jumppad:
0x0: {  	(pc) =	sbr.rel $0x88, $3  }
0x1: {  	(tag) =	ssettag $0x0;
	lr =	simm.s32 $0x1  }
0x2: {  	[smem:$0x3F9B] =	sst lr;
	_ =	strace $0xD0000000  }
0x3: {  	_ = 	snop  }
0x4: {  	_ = 	snop  }
0x5: {  	_ = 	snop  }
0x6: {  	_ = 	snop  }
0x7: {  	_ = 	snop  }
__scs_overlays_trampoline_lowered:
0x8: {  	[smem:$0x3FAA] =	sst s0  }
0x9: {  	[smem:$0x3FAB] =	sst s1  }
0xa: {  	[smem:$0x3FAC] =	sst s2  }
0xb: {  	[smem:$0x3FAD] =	sst s3  }
0xc: {  	[smem:$0x3FAE] =	sst s4  }
0xd: {  	[smem:$0x3FAF] =	sst s5  }
0xe: {  	[smem:$0x3FB0] =	sst s6  }
0xf: {  	[smem:$0x3FB1] =	sst s7  }
0x10: {  	[smem:$0x3FB2] =	sst s8  }
0x11: {  	[smem:$0x3FB3] =	sst s9;
	s0 =	simm.s32 @!p0 $0x0  }
0x12: {  	s1 =	sld [smem:$0x3F99];
	s0 =	simm.s32 @p0 $0x1  }
0x13: {  	[smem:$0x3FB4] =	sst s0;
	s0 =	simm.s32 @!p1 $0x0  }
0x14: {  	s2 =	sld [smem:$0x3F98];
	s0 =	simm.s32 @p1 $0x1  }
0x15: {  	[smem:$0x3FB5] =	sst s0;
	s0 =	simm.s32 @!p2 $0x0  }
0x16: {  	s3 =	sld [smem:$0x3FDB];
	s0 =	simm.s32 @p2 $0x1  }
0x17: {  	s4 =	simm.s32 $0x1BF5;
	[smem:$0x3FB7] =	sst s0  }
0x18: {  	s0 =	sld [smem:$0x3F9A];
	_ =	swait.ge [sflag:s4], $0x0  }
0x19: {  	s7 =	sld [smem:$0x3F9B]  }
0x1a: {  	s8 =	sadd.s32 $0xFFFFE003, lr  }
0x1b: {  	s9 =	sadd.s32 $0xFFFFFEF7, lr;
	s5 =	simm.s32 $0xFFFFFFFF;
	p2 =	slt.u32 s8, $0xFFFFF086  }
0x1c: {  	p1 =	slt.u32 s9, $0xF7A;
	s5 =	simm.s32 @!p2 $0x0  }
0x1d: {  	s5 =	simm.s32 @p1 $0x1;
	p0 =	seq.s32 s7, s2  }
0x1e: {  	s7 =	smul.u32 @!p0 $0xF7A, s2;
	p2 =	seq.s32 @!p0 s5, $0x0  }
0x1f: {  	s9 =	smul.u32 $0xF7A, s1;
	s8 =	simm.s32 @!p0 $0x1BF5;
	p2 =	por !p2, p0  }
0x20: {  	[sflag:s8] =	ssyncset.s32 @!p0 $0xFFFFF086;
	s6 =	sadd.s32 @!p0 s3, s7;
	s7 =	simm.s32 @!p0 $0x108  }
0x21: {  	s3 =	sadd.s32 s3, s9;
	s6 =	sadd.s32 @!p0 $0x88, s6;
	s7 =	simm.s32 @p2 $0x1082  }
0x22: {  	[simem:s7], [sflag:s8] =	dma.local @!p0 [hbm:s6], $0xF7A  }
0x23: {  	s9 =	sor.u32 $0xD0000000, s2;
	s6 =	simm.s32 $0x108;
	_ =	swait.ge @!p0 [sflag:s8], $0x0  }
0x24: {  	s3 =	sadd.s32 $0x88, s3;
	s6 =	simm.s32 @!p1 $0x1082;
	[sflag:s4] =	ssyncset.s32 $0xFFFFF086  }
0x25: {  	[simem:s6], [sflag:s4] =	dma.local [hbm:s3], $0xF7A  }
0x26: {  	[smem:$0x3F9B] =	sst s1;
	(tag) =	ssettag s2;
	_ =	strace s9  }
0x27: {  	s1 =	sld [smem:$0x3FAB]  }
0x28: {  	s2 =	sld [smem:$0x3FAC]  }
0x29: {  	s4 =	sld [smem:$0x3FAE]  }
0x2a: {  	p0 =	seq.s32 s5, $0x0;
	s5 =	sld [smem:$0x3FAF]  }
0x2b: {  	s6 =	sld [smem:$0x3FB0]  }
0x2c: {  	s7 =	sld [smem:$0x3FB1]  }
0x2d: {  	s3 =	simm.s32 $0x108;
	s8 =	sld [smem:$0x3FB2]  }
0x2e: {  	s3 =	simm.s32 @!p0 $0x1082;
	s9 =	sld [smem:$0x3FB3]  }
0x2f: {  	lr =	sadd.s32 s0, s3;
	s0 =	sld [smem:$0x3FAA]  }
0x30: {  	s3 =	sld [smem:$0x3FAD]  }
0x31: {  	[smem:$0x3FB6] =	sst s10  }
0x32: {  	s10 =	sld [smem:$0x3FB4];
	_ =	sdelay $0x3  }
0x33: {  	p0 =	seq.s32 s10, $0x1;
	s10 =	sld [smem:$0x3FB6];
	_ =	sdelay $0x3  }
0x34: {  	[smem:$0x3FB6] =	sst s10  }
0x35: {  	s10 =	sld [smem:$0x3FB5];
	_ =	sdelay $0x3  }
0x36: {  	p1 =	seq.s32 s10, $0x1;
	s10 =	sld [smem:$0x3FB6];
	_ =	sdelay $0x3  }
0x37: {  	[smem:$0x3FB6] =	sst s10  }
0x38: {  	s10 =	sld [smem:$0x3FB7]  }
0x39: {  	_ = 	snop;
	(pc) =	sbr.ind lr, $3  }
0x3a: {  	_ = 	snop  }
0x3b: {  	_ = 	snop  }
0x3c: {  	p2 =	seq.s32 s10, $0x1;
	s10 =	sld [smem:$0x3FB6]  }
0x3d: {  	_ =	shalt  }
0x3e: {  	_ =	shalt  }
0x3f: {  	_ =	shalt  }
0x40: {  	_ =	shalt  }
0x41: {  	_ =	shalt  }
0x42: {  	_ =	shalt  }
0x43: {  	_ =	shalt  }
0x44: {  	_ =	shalt  }
0x45: {  	_ =	shalt  }
0x46: {  	_ =	shalt  }
0x47: {  	_ =	shalt  }
0x48: {  	_ =	shalt  }
0x49: {  	_ =	shalt  }
0x4a: {  	_ =	shalt  }
0x4b: {  	_ =	shalt  }
0x4c: {  	_ =	shalt  }
0x4d: {  	_ =	shalt  }
0x4e: {  	_ =	shalt  }
0x4f: {  	_ =	shalt  }
0x50: {  	_ =	shalt  }
0x51: {  	_ =	shalt  }
0x52: {  	_ =	shalt  }
0x53: {  	_ =	shalt  }
0x54: {  	_ =	shalt  }
0x55: {  	_ =	shalt  }
0x56: {  	_ =	shalt  }
0x57: {  	_ =	shalt  }
0x58: {  	_ =	shalt  }
0x59: {  	_ =	shalt  }
0x5a: {  	_ =	shalt  }
0x5b: {  	_ =	shalt  }
0x5c: {  	_ =	shalt  }
0x5d: {  	_ =	shalt  }
0x5e: {  	_ =	shalt  }
0x5f: {  	_ =	shalt  }
0x60: {  	_ =	shalt  }
0x61: {  	_ =	shalt  }
0x62: {  	_ =	shalt  }
0x63: {  	_ =	shalt  }
0x64: {  	_ =	shalt  }
0x65: {  	_ =	shalt  }
0x66: {  	_ =	shalt  }
0x67: {  	_ =	shalt  }
0x68: {  	_ =	shalt  }
0x69: {  	_ =	shalt  }
0x6a: {  	_ =	shalt  }
0x6b: {  	_ =	shalt  }
0x6c: {  	_ =	shalt  }
0x6d: {  	_ =	shalt  }
0x6e: {  	_ =	shalt  }
0x6f: {  	_ =	shalt  }
0x70: {  	_ =	shalt  }
0x71: {  	_ =	shalt  }
0x72: {  	_ =	shalt  }
0x73: {  	_ =	shalt  }
0x74: {  	_ =	shalt  }
0x75: {  	_ =	shalt  }
0x76: {  	_ =	shalt  }
0x77: {  	_ =	shalt  }
0x78: {  	_ =	shalt  }
0x79: {  	_ =	shalt  }
0x7a: {  	_ =	shalt  }
0x7b: {  	_ =	shalt  }
0x7c: {  	_ =	shalt  }
0x7d: {  	_ =	shalt  }
0x7e: {  	_ =	shalt  }
0x7f: {  	_ =	shalt  }
0x80: {  	_ =	shalt  }
0x81: {  	_ =	shalt  }
0x82: {  	_ =	shalt  }
0x83: {  	_ =	shalt  }
0x84: {  	_ =	shalt  }
0x85: {  	_ =	shalt  }
0x86: {  	_ =	shalt  }
0x87: {  	_ =	shalt  }
.Lfunc_end0:
.L_simem_size_0:
called_computation_lowered:
.L_overlay_start_0:
0x88: {  	s2 =	sld [smem:$0x3FD9]  }
0x89: {  	s3 =	sld [smem:$0x3FFE];
	_ =	sdelay $0x1  }
0x8a: {  	s1 =	srdreg.scid  }
0x8b: {  	s0 =	sand.u32 $0x1, s1  }
0x8c: {  	s16 =	sshll.u32 s0, $0xA;
	s2 =	sadd.s32 s3, s2  }
0x8d: {  	s2 =	sadd.s32 s2, s16  }
0x8e: {  	[smem:$0x3FC2] =	sst s2  }
0x8f: {  	_ = 	snop  }
0x90: {  	(tm) =	ssettm $0x1  }
0x91: {  	s17 =	sld [smem:$0x3FFB];
	_ =	sdelay $0x3  }
0x92: {  	_ =	strace s17  }
0x93: {  	s2 =	sld [smem:$0x3FFC];
	_ =	sdelay $0x3  }
0x94: {  	_ =	strace s2  }
0x95: {  	s2 =	sld [smem:$0x3FFD];
	_ =	sdelay $0x3  }
0x96: {  	_ =	strace s2  }
0x97: {  	_ =	strace $0x8FFFFFFF  }
0x98: {  	s18 =	sld [smem:$0x3FDB];
	_ =	sdelay $0x1  }
0x99: {  	s19 =	simm.s32 $_scs_section_size  }
0x9a: {  	s4 =	simm.s32 $_size__tile_overlayer_lowered;
	s5 =	simm.s32 $_tile_overlayer_lowered  }
0x9b: {  	s22 =	simm.s32 $0x1BFF;
	s21 =	sshll.u32 s5, $0x1;
	s2 =	sadd.s32 s19, s18  }
0x9c: {  	s6 =	simm.s32 $0x0;
	s20 =	sshll.u32 s4, $0x1;
	s4 =	sadd.s32 s21, s2  }
0x9d: {  	[timem:s6], [sflag:s22] =	dma.local [hbm:s4], s20  }
0x9e: {  	_ =	swait.ge [sflag:s22], s20  }
0x9f: {  	s3 =	ssub.s32 $0x0, s20;
	[sflag:s22] =	ssyncset.done $0x0  }
0xa0: {  	[sflag:s22] =	ssyncadd.s32 s3;
	_ =	sdelay $0x1  }
0xa1: {  	s23 =	simm.s32 $0x1B8B  }
0xa2: {  	_ =	swait.ge [sflag:s23], $0x1  }
0xa3: {  	[sflag:s23] =	ssyncset.done $0x0  }
0xa4: {  	s25 =	simm.s32 $0x1B8E;
	s24 =	sld [smem:$0x3FFE];
	[sflag:s23] =	ssyncadd.s32 $0xFFFFFFFF  }
0xa5: {  	s26 =	simm.s32 $execute0_lowered;
	[smem:$0x3FD2] =	sst s25  }
0xa6: {  	s4 =	sshll.u32 s26, $0x1;
	_ =	strace $0x80000046;
	[dreg:$0x1] =	wrdreg $0xFFFFFFFF  }
0xa7: {  	s28 =	simm.s32 $_size_execute0_lowered;
	s2 =	sadd.s32 s2, s4;
	[dreg:$0x0] =	wrdreg $0x0  }
0xa8: {  	s4 =	sshll.u32 s28, $0x1;
	[dreg:$0x2] =	wrdreg s2  }
0xa9: {  	[dreg:$0x3] =	wrdreg s4  }
0xaa: {  	[dreg:$0x4] =	wrdreg $0xC0  }
0xab: {  	_ =	task [dreg:s6], $0x5FFFF  }
0xac: {  	[dreg:$0x1] =	wrdreg $0xFFFFFFFF  }
0xad: {  	[dreg:$0x0] =	wrdreg $0x60  }
0xae: {  	[dreg:$0x2] =	wrdreg s24  }
0xaf: {  	[dreg:$0x3] =	wrdreg $0x68000  }
0xb0: {  	[dreg:$0x4] =	wrdreg $0x9  }
0xb1: {  	_ =	task.clear_ibuf [dreg:s6], $0x5FFFF;
	_ =	strace $0x90000046  }
0xb2: {  	s29 =	simm.s32 $0x9;
	_ =	strace $0x80000048  }
0xb3: {  	_ =	swait.ge [sflag:s29], $0x1  }
0xb4: {  	[sflag:s29] =	ssyncadd.s32 $0xFFFFFFFF  }
0xb5: {  	_ =	strace $0x90000048  }
0xb6: {  	_ =	sfence  }
0xb7: {  	s30 =	sld [smem:$0x0];
	_ =	sdelay $0x2  }
0xb8: {  	s31 =	sshll.u32 s1, $0xD;
	s1 =	sshrl.u32 s1, $0x2  }
0xb9: {  	s3 =	sand.u32 $0x4000, s31;
	s1 =	sadd.s32 s1, s30  }
0xba: {  	s0 =	sor.u32 s3, s0;
	s1 =	sshll.u32 s1, $0x11  }
0xbb: {  	s0 =	sor.u32 s1, s0  }
0xbc: {  	s0 =	sadd.s32 $0x8F2B, s0  }
0xbd: {  	[sflag:s0] =	ssyncadd.remote.s32 $0x1  }
0xbe: {  	_ =	sfence.sel $0xFFFF  }
0xbf: {  	[dreg:$0x0] =	wrdreg $0xFFFFFFFF;
	(pc) =	sbr.abs _section_cstart, $3  }
0xc0: {  	[dreg:$0x1] =	wrdreg $0xFFFFFFFF  }
0xc1: {  	_ =	task.clear_ibuf [dreg:s6], $0x2FFFF;
	_ =	strace $0x9FFFFFFF  }
0xc2: {  	(tm) =	ssettm $0x7FFFFFFF  }
0xc3: {  	_ =	shalt  }
tec
execute0_lowered:
.L_overlay_start_1:
0x0: {  	(tag) =	ssettag $0x1  }
0x1: {  	s1 =	srdreg.scid  }
0x2: {  	s0 =	stileid.u32;
	s6 =	rddreg [dreg:$0x0]  }
0x3: {  	s2 =	rddreg [dreg:$0x1];
	s3 =	simm.s32 $0x0;
	s12 =	simm.s32 $0x2800  }
0x4: {  	s13 =	simm.s32 $0x80;
	s14 =	simm.s32 $0x1;
	s15 =	simm.s32 $0x0  }
0x5: {  	s5 =	sand.u32 $0x1, s1;
	s1 =	rddreg [dreg:$0x2];
	s7 =	smul.u32 $0x2780, s0  }
0x6: {  	s28 =	sshll.u32 s0, $0x1;
	[smem:$0x7FF] =	sst s3;
	s11 =	smul.u32 $0x4F000, s0  }
0x7: {  	s31 =	sshll.u32 s0, $0x6;
	s4 =	sor.u32 s5, s28;
	_ =	strace $0x80000047  }
0x8: {  	s9 =	smul.u32 $0x27800, s5;
	s10 =	ssub.s32 $0x2, s5;
	s5 =	sadd.s32 $0x18600, s6  }
0x9: {  	s4 =	smul.u32 $0x500, s4;
	s29 =	sshrl.u32 s10, $0x1;
	s30 =	sshrl.u32 s11, $0x2  }
0xa: {  	s7 =	sadd.s32 s7, s9;
	s9 =	ssub.s32 s10, s29;
	s11 =	sadd.s32 s30, s2  }
0xb: {  	s10 =	sor.u32 $0x1C02, s31;
	s8 =	sadd.s32 s4, s6;
	s4 =	sadd.s32 $0x15E00, s6  }
0xc: {  	s7 =	sadd.s32 s7, s6;
	s11 =	sshrl.u32 s11, $0x3;
	s6 =	sadd.s32 $0x1E00, s8  }
0xd: {  	s7 =	sadd.s32 $0x18E00, s7;
	s8 =	smax.u32 s9, $0x1;
	s9 =	simm.s32 $0x2  }
.LBB2_1:
0xe: {  	[tilespmem:s3], [sflag:$0x2] =	stream.linear.gather [hbm4b:s6+s3], $0x2800, $0x38;
	[tilespmem:$0x1A400] =	vst v63  }
0xf: {  	_ =	swait.ge [sflag:s9], $0x2800  }
0x10: {  	[sflag:s9] =	ssyncset.done $0x0  }
0x11: {  	[sflag:s9] =	ssyncadd.s32 $0xFFFFD800  }
0x12: {  	[spmem:s11], [sflag:s10] =	dma.local [hbm:s4], $0x2780  }
0x13: {  	_ =	swait.ge [sflag:s9], $0x2780  }
0x14: {  	[sflag:s9] =	ssyncset.done $0x0  }
0x15: {  	[sflag:s9] =	ssyncadd.s32 $0xFFFFD880  }
0x16: {  	[tilespmem:s12], [sflag:$0x2] =	stream.linear.gather [hbm4b:s5+s3], $0x4000, $0x38;
	[tilespmem:$0x1A400] =	vst v63  }
0x17: {  	_ =	swait.ge [sflag:s9], $0x4000  }
0x18: {  	[sflag:s9] =	ssyncset.done $0x0  }
0x19: {  	[sflag:s9] =	ssyncadd.s32 $0xFFFFC000  }
0x1a: {  	s16 =	simm.s32 $0x0;
	[bflag:$0x0] =	sbarrier.arrive $0xFFFF  }
0x1b: {  	[spmem:s2] =	stream.indirect.scatter.add.f32 [tilespmem:s12], [sflag:$0x1], $0x80, s16, s13, $0xb8;
	[tilespmem:$0x1A400] =	vst v63  }
0x1c: {  	s24 =	simm.s32 $0x80  }
0x1d: {  	[spmem:s2] =	stream.indirect.scatter.add.f32 [tilespmem:s12], [sflag:$0x1], $0x80, s24, s13, $0xb8;
	[tilespmem:$0x1A400] =	vst v63  }
0x1e: {  	s25 =	simm.s32 $0x100  }
0x1f: {  	[spmem:s2] =	stream.indirect.scatter.add.f32 [tilespmem:s12], [sflag:$0x1], $0x80, s25, s13, $0xb8;
	[tilespmem:$0x1A400] =	vst v63  }
0x20: {  	s26 =	simm.s32 $0x180  }
0x21: {  	[spmem:s2] =	stream.indirect.scatter.add.f32 [tilespmem:s12], [sflag:$0x1], $0x80, s26, s13, $0xb8;
	[tilespmem:$0x1A400] =	vst v63  }
0x22: {  	s28 =	simm.s32 $0x200  }
0x23: {  	[spmem:s2] =	stream.indirect.scatter.add.f32 [tilespmem:s12], [sflag:$0x1], $0x80, s28, s13, $0xb8;
	[tilespmem:$0x1A400] =	vst v63  }
0x24: {  	s29 =	simm.s32 $0x280  }
0x25: {  	[spmem:s2] =	stream.indirect.scatter.add.f32 [tilespmem:s12], [sflag:$0x1], $0x80, s29, s13, $0xb8;
	[tilespmem:$0x1A400] =	vst v63  }
0x26: {  	s30 =	simm.s32 $0x300  }
0x27: {  	[spmem:s2] =	stream.indirect.scatter.add.f32 [tilespmem:s12], [sflag:$0x1], $0x80, s30, s13, $0xb8;
	[tilespmem:$0x1A400] =	vst v63  }
0x28: {  	s31 =	simm.s32 $0x380  }
0x29: {  	[spmem:s2] =	stream.indirect.scatter.add.f32 [tilespmem:s12], [sflag:$0x1], $0x80, s31, s13, $0xb8;
	[tilespmem:$0x1A400] =	vst v63  }
0x2a: {  	_ =	swait.ge [sflag:s14], $0x4000  }
0x2b: {  	[sflag:s14] =	ssyncset.done $0x0  }
0x2c: {  	[sflag:s14] =	ssyncadd.s32 $0xFFFFC000  }
0x2d: {  	_ =	swait.ge [sflag:s14], $0x4000  }
0x2e: {  	[sflag:s14] =	ssyncset.done $0x0  }
0x2f: {  	[sflag:s14] =	ssyncadd.s32 $0xFFFFC000  }
0x30: {  	_ =	swait.ge [sflag:s14], $0x4000  }
0x31: {  	[sflag:s14] =	ssyncset.done $0x0  }
0x32: {  	[sflag:s14] =	ssyncadd.s32 $0xFFFFC000  }
0x33: {  	_ =	swait.ge [sflag:s14], $0x4000  }
0x34: {  	[sflag:s14] =	ssyncset.done $0x0  }
0x35: {  	[sflag:s14] =	ssyncadd.s32 $0xFFFFC000  }
0x36: {  	_ =	swait.ge [sflag:s14], $0x4000  }
0x37: {  	[sflag:s14] =	ssyncset.done $0x0  }
0x38: {  	[sflag:s14] =	ssyncadd.s32 $0xFFFFC000  }
0x39: {  	_ =	swait.ge [sflag:s14], $0x4000  }
0x3a: {  	[sflag:s14] =	ssyncset.done $0x0  }
0x3b: {  	[sflag:s14] =	ssyncadd.s32 $0xFFFFC000  }
0x3c: {  	_ =	swait.ge [sflag:s14], $0x4000  }
0x3d: {  	[sflag:s14] =	ssyncset.done $0x0  }
0x3e: {  	[sflag:s14] =	ssyncadd.s32 $0xFFFFC000  }
0x3f: {  	_ =	swait.ge [sflag:s14], $0x4000  }
0x40: {  	s18 =	simm.s32 $0x2000;
	s16 =	simm.s32 $0x1000;
	[sflag:s14] =	ssyncset.done $0x0  }
.LBB2_2:
0x41: {  	s19 =	sshra.s32 s16, $0x2  }
0x42: {  	[sflag:s14] =	ssyncadd.s32 $0xFFFFC000;
	s16 =	smov.u32 s18;
	s17 =	sadd.s32 $0x1000, s18  }
0x43: {  	[spmem:s2] =	stream.indirect.scatter.add.f32 [tilespmem:s12], [sflag:$0x1], $0x80, s19, s13, $0xb8;
	[tilespmem:$0x1A400] =	vst v63  }
0x44: {  	p0 =	sne.s32 s18, $0x9000;
	s18 =	sadd.s32 $0x80, s19  }
0x45: {  	[spmem:s2] =	stream.indirect.scatter.add.f32 [tilespmem:s12], [sflag:$0x1], $0x80, s18, s13, $0xb8;
	[tilespmem:$0x1A400] =	vst v63  }
0x46: {  	s18 =	sadd.s32 $0x100, s19  }
0x47: {  	[spmem:s2] =	stream.indirect.scatter.add.f32 [tilespmem:s12], [sflag:$0x1], $0x80, s18, s13, $0xb8;
	[tilespmem:$0x1A400] =	vst v63  }
0x48: {  	s18 =	sadd.s32 $0x180, s19  }
0x49: {  	[spmem:s2] =	stream.indirect.scatter.add.f32 [tilespmem:s12], [sflag:$0x1], $0x80, s18, s13, $0xb8;
	[tilespmem:$0x1A400] =	vst v63  }
0x4a: {  	s18 =	sadd.s32 $0x200, s19  }
0x4b: {  	[spmem:s2] =	stream.indirect.scatter.add.f32 [tilespmem:s12], [sflag:$0x1], $0x80, s18, s13, $0xb8;
	[tilespmem:$0x1A400] =	vst v63  }
0x4c: {  	s18 =	sadd.s32 $0x280, s19  }
0x4d: {  	[spmem:s2] =	stream.indirect.scatter.add.f32 [tilespmem:s12], [sflag:$0x1], $0x80, s18, s13, $0xb8;
	[tilespmem:$0x1A400] =	vst v63  }
0x4e: {  	s18 =	sadd.s32 $0x300, s19  }
0x4f: {  	[spmem:s2] =	stream.indirect.scatter.add.f32 [tilespmem:s12], [sflag:$0x1], $0x80, s18, s13, $0xb8;
	[tilespmem:$0x1A400] =	vst v63  }
0x50: {  	s18 =	sadd.s32 $0x380, s19  }
0x51: {  	[spmem:s2] =	stream.indirect.scatter.add.f32 [tilespmem:s12], [sflag:$0x1], $0x80, s18, s13, $0xb8;
	[tilespmem:$0x1A400] =	vst v63  }
0x52: {  	_ =	swait.ge [sflag:s14], $0x4000  }
0x53: {  	[sflag:s14] =	ssyncset.done $0x0  }
0x54: {  	[sflag:s14] =	ssyncadd.s32 $0xFFFFC000  }
0x55: {  	_ =	swait.ge [sflag:s14], $0x4000  }
0x56: {  	[sflag:s14] =	ssyncset.done $0x0  }
0x57: {  	[sflag:s14] =	ssyncadd.s32 $0xFFFFC000  }
0x58: {  	_ =	swait.ge [sflag:s14], $0x4000  }
0x59: {  	[sflag:s14] =	ssyncset.done $0x0  }
0x5a: {  	[sflag:s14] =	ssyncadd.s32 $0xFFFFC000  }
0x5b: {  	_ =	swait.ge [sflag:s14], $0x4000  }
0x5c: {  	[sflag:s14] =	ssyncset.done $0x0  }
0x5d: {  	[sflag:s14] =	ssyncadd.s32 $0xFFFFC000  }
0x5e: {  	_ =	swait.ge [sflag:s14], $0x4000  }
0x5f: {  	[sflag:s14] =	ssyncset.done $0x0  }
0x60: {  	[sflag:s14] =	ssyncadd.s32 $0xFFFFC000  }
0x61: {  	_ =	swait.ge [sflag:s14], $0x4000  }
0x62: {  	[sflag:s14] =	ssyncset.done $0x0  }
0x63: {  	[sflag:s14] =	ssyncadd.s32 $0xFFFFC000  }
.Ltmp0:
0x64: {  	_ =	swait.ge [sflag:s14], $0x4000;
	(pc) =	sbr.rel @p0 .LBB2_2-.Ltmp0, $4  }
0x65: {  	[sflag:s14] =	ssyncset.done $0x0  }
0x66: {  	[sflag:s14] =	ssyncadd.s32 $0xFFFFC000  }
0x67: {  	_ =	swait.ge [sflag:s14], $0x4000  }
0x68: {  	s18 =	smov.u32 s17;
	[sflag:s14] =	ssyncset.done $0x0  }
0x69: {  	s16 =	sshra.s32 s16, $0x2;
	[sflag:s14] =	ssyncadd.s32 $0xFFFFC000  }
0x6a: {  	[spmem:s2] =	stream.indirect.scatter.add.f32 [tilespmem:s12], [sflag:$0x1], $0x80, s16, s13, $0xb8;
	[tilespmem:$0x1A400] =	vst v63  }
0x6b: {  	s17 =	sadd.s32 $0x80, s16  }
0x6c: {  	[spmem:s2] =	stream.indirect.scatter.add.f32 [tilespmem:s12], [sflag:$0x1], $0x80, s17, s13, $0xb8;
	[tilespmem:$0x1A400] =	vst v63  }
0x6d: {  	s26 =	sadd.s32 $0x100, s16  }
0x6e: {  	[spmem:s2] =	stream.indirect.scatter.add.f32 [tilespmem:s12], [sflag:$0x1], $0x80, s26, s13, $0xb8;
	[tilespmem:$0x1A400] =	vst v63  }
0x6f: {  	s28 =	sadd.s32 $0x180, s16  }
0x70: {  	[spmem:s2] =	stream.indirect.scatter.add.f32 [tilespmem:s12], [sflag:$0x1], $0x80, s28, s13, $0xb8;
	[tilespmem:$0x1A400] =	vst v63  }
0x71: {  	s29 =	sadd.s32 $0x200, s16  }
0x72: {  	[spmem:s2] =	stream.indirect.scatter.add.f32 [tilespmem:s12], [sflag:$0x1], $0x80, s29, s13, $0xb8;
	[tilespmem:$0x1A400] =	vst v63  }
0x73: {  	s30 =	sadd.s32 $0x280, s16  }
0x74: {  	[spmem:s2] =	stream.indirect.scatter.add.f32 [tilespmem:s12], [sflag:$0x1], $0x80, s30, s13, $0xb8;
	[tilespmem:$0x1A400] =	vst v63  }
0x75: {  	s31 =	sadd.s32 $0x300, s16  }
0x76: {  	[spmem:s2] =	stream.indirect.scatter.add.f32 [tilespmem:s12], [sflag:$0x1], $0x80, s31, s13, $0xb8;
	[tilespmem:$0x1A400] =	vst v63  }
0x77: {  	s16 =	sadd.s32 $0x380, s16  }
0x78: {  	[spmem:s2] =	stream.indirect.scatter.add.f32 [tilespmem:s12], [sflag:$0x1], $0x80, s16, s13, $0xb8;
	[tilespmem:$0x1A400] =	vst v63  }
0x79: {  	_ =	swait.ge [sflag:s14], $0x4000  }
0x7a: {  	[sflag:s14] =	ssyncset.done $0x0  }
0x7b: {  	[sflag:s14] =	ssyncadd.s32 $0xFFFFC000  }
0x7c: {  	_ =	swait.ge [sflag:s14], $0x4000  }
0x7d: {  	[sflag:s14] =	ssyncset.done $0x0  }
0x7e: {  	[sflag:s14] =	ssyncadd.s32 $0xFFFFC000  }
0x7f: {  	_ =	swait.ge [sflag:s14], $0x4000  }
0x80: {  	[sflag:s14] =	ssyncset.done $0x0  }
0x81: {  	[sflag:s14] =	ssyncadd.s32 $0xFFFFC000  }
0x82: {  	_ =	swait.ge [sflag:s14], $0x4000  }
0x83: {  	[sflag:s14] =	ssyncset.done $0x0  }
0x84: {  	[sflag:s14] =	ssyncadd.s32 $0xFFFFC000  }
0x85: {  	_ =	swait.ge [sflag:s14], $0x4000  }
0x86: {  	[sflag:s14] =	ssyncset.done $0x0  }
0x87: {  	[sflag:s14] =	ssyncadd.s32 $0xFFFFC000  }
0x88: {  	_ =	swait.ge [sflag:s14], $0x4000  }
0x89: {  	[sflag:s14] =	ssyncset.done $0x0  }
0x8a: {  	[sflag:s14] =	ssyncadd.s32 $0xFFFFC000  }
0x8b: {  	_ =	swait.ge [sflag:s14], $0x4000  }
0x8c: {  	[sflag:s14] =	ssyncset.done $0x0  }
0x8d: {  	[sflag:s14] =	ssyncadd.s32 $0xFFFFC000  }
0x8e: {  	_ =	swait.ge [sflag:s14], $0x4000  }
0x8f: {  	s15 =	sadd.s32 $0x1, s15;
	[sflag:s14] =	ssyncset.done $0x0  }
0x90: {  	p0 =	sne.s32 s15, s8;
	[sflag:s14] =	ssyncadd.s32 $0xFFFFC000  }
.Ltmp1:
0x91: {  	[bflag:$0x0] =	sbarrier.arrive $0xFFFF;
	(pc) =	sbr.rel @p0 .LBB2_1-.Ltmp1, $4  }
0x92: {  	[hbm:s7], [sflag:s10] =	dma.local [spmem:s11], $0x2780  }
0x93: {  	_ =	swait.ge [sflag:s9], $0x2780  }
0x94: {  	[sflag:s9] =	ssyncset.done $0x0  }
0x95: {  	[sflag:s9] =	ssyncadd.s32 $0xFFFFD880  }
0x96: {  	_ =	sfence.sel $0x180000  }
0x97: {  	[bflag:$0x0] =	sbarrier.arrive $0xFFFF  }
0x98: {  	p0 =	sne.s32 s0, $0x0;
	_ =	strace $0x90000047  }
0x99: {  	s0 =	sadd.s32 @!p0 $0x100000, s1;
	[bflag:$0x2] =	sbarrier.arrive $0xFFFF  }
0x9a: {  	[sflag:s0] =	ssyncadd.tile.s32 @!p0 $0x1;
	_ =	shalt  }
.Lfunc_end2:
_tile_overlayer_lowered:
.L_overlay_start_2:
0x9b: {  	(tag) =	ssettag $0x2  }
0x9c: {  	s0 =	rddreg [dreg:$0x0];
	s2 =	stileid.u32  }
0x9d: {  	s1 =	rddreg [dreg:$0x1];
	p0 =	sne.s32 s2, $0x0  }
0x9e: {  	s3 =	rddreg [dreg:$0x2];
	[bflag:$0x3] =	sbarrier.arrive $0xFFFF;
	s2 =	simm.s32 @!p0 $0x1C02  }
0x9f: {  	[timem:s3], [sflag:s2] =	dma.local @!p0 [hbm:s0], s1  }
0xa0: {  	s0 =	simm.s32 @!p0 $0x2  }
0xa1: {  	_ =	swait.ge @!p0 [sflag:s0], s1  }
0xa2: {  	s1 =	ssub.s32 @!p0 $0x0, s1;
	[sflag:s0] =	ssyncset.done @!p0 $0x0  }
0xa3: {  	[sflag:s0] =	ssyncadd.s32 @!p0 s1  }
0xa4: {  	[bflag:$0x3] =	sbarrier.arrive $0xFFFF  }
0xa5: {  	_ =	shalt  }

</sc_bundles>
